<compile_context>
chip_gen: v7x
topology: tpu7x:2x2x1
jax: 0.10.2.dev20260603
libtpu: 0.0.44.dev20260713+nightly
codegen_flags: <defaults>
</compile_context>

<pallas_src>
import jax
import jax.numpy as jnp
from jax import lax
from jax.experimental import pallas as pl
from jax.experimental.pallas import tpu as pltpu
from jax.experimental.pallas import tpu_sc as plsc

NC = 2
NS = 16
L = 16
NW = NC * NS

N_NODES = 10000
N_EDGES = 320000
D = 128

EPW = N_EDGES // NW
K = 125
NCHUNK = EPW // K
RPT = N_NODES // NS
RPA = 624
RPL = N_NODES - (NS - 1) * RPA
CPD = D // L

_mesh = plsc.VectorSubcoreMesh(core_axis_name="c", subcore_axis_name="s")


def _softmax_stats_body(w_hbm, dst_hbm, ex_hbm, s_hbm, w_v, dst_v, ex_v, s_v):
    wid = lax.axis_index("s") * NC + lax.axis_index("c")
    pltpu.sync_copy(w_hbm.at[wid], w_v)
    pltpu.sync_copy(dst_hbm.at[wid], dst_v)

    def zero_body(i, carry):
        s_v[pl.ds(i * L, L)] = jnp.zeros((L,), jnp.float32)
        return carry

    lax.fori_loop(0, N_NODES // L, zero_body, 0)

    def body(i, carry):
        e = jnp.exp(w_v[pl.ds(i * L, L)])
        ex_v[pl.ds(i * L, L)] = e
        plsc.addupdate_scatter(s_v, [dst_v[pl.ds(i * L, L)]], e)
        return carry

    lax.fori_loop(0, EPW // L, body, 0)
    pltpu.sync_copy(ex_v, ex_hbm.at[wid])
    pltpu.sync_copy(s_v, s_hbm.at[wid])


def _propagate_body(h_hbm, src_hbm, dst_hbm, ex_hbm, out_hbm,
                    src_v, rows_a, rows_b, dst_b2, ex_a, ex_b, acc,
                    sem_a, sem_b, sem_ma, sem_mb):
    cid = lax.axis_index("c")
    sid = lax.axis_index("s")
    wid = sid * NC + cid
    pltpu.sync_copy(src_hbm.at[wid], src_v)

    def zrow(r, carry):
        for c in range(CPD):
            rows_a[r, pl.ds(c * L, L)] = jnp.zeros((L,), jnp.float32)
        return carry

    lax.fori_loop(0, K, zrow, 0)
    for kk in range(RPT // K):
        pltpu.sync_copy(rows_a, acc.at[pl.ds(sid * RPT + kk * K, K)])
    plsc.subcore_barrier()

    def process(j, buf, exr, dstrow):
        @plsc.parallel_loop(0, K, unroll=4)
        def _(r):
            splat = plsc.load_gather(
                exr, [jnp.full((L,), r, dtype=jnp.int32)])
            for c in range(CPD):
                buf[r, pl.ds(c * L, L)] = buf[r, pl.ds(c * L, L)] * splat

        pltpu.sync_copy(buf, acc.at[dstrow], add=True)

    pltpu.async_copy(dst_hbm.at[wid, 0, :], dst_b2.at[0], sem_ma)
    pltpu.async_copy(ex_hbm.at[wid, 0, :], ex_a, sem_ma)
    pltpu.async_copy(h_hbm.at[src_v.at[0]], rows_a, sem_a)

    def pair_body(i, carry):
        j0 = 2 * i
        pltpu.make_async_copy(h_hbm.at[src_v.at[j0]], rows_a, sem_a).wait()
        pltpu.async_copy(dst_hbm.at[wid, j0 + 1, :], dst_b2.at[1], sem_mb)
        pltpu.async_copy(ex_hbm.at[wid, j0 + 1, :], ex_b, sem_mb)
        pltpu.async_copy(h_hbm.at[src_v.at[j0 + 1]], rows_b, sem_b)
        pltpu.make_async_copy(dst_hbm.at[wid, j0, :], dst_b2.at[0], sem_ma).wait()
        pltpu.make_async_copy(ex_hbm.at[wid, j0, :], ex_a, sem_ma).wait()
        process(j0, rows_a, ex_a, dst_b2.at[0])
        pltpu.make_async_copy(h_hbm.at[src_v.at[j0 + 1]], rows_b, sem_b).wait()

        @pl.when(i < NCHUNK // 2 - 1)
        def _():
            pltpu.async_copy(dst_hbm.at[wid, j0 + 2, :], dst_b2.at[0], sem_ma)
            pltpu.async_copy(ex_hbm.at[wid, j0 + 2, :], ex_a, sem_ma)
            pltpu.async_copy(h_hbm.at[src_v.at[j0 + 2]], rows_a, sem_a)

        pltpu.make_async_copy(dst_hbm.at[wid, j0 + 1, :], dst_b2.at[1], sem_mb).wait()
        pltpu.make_async_copy(ex_hbm.at[wid, j0 + 1, :], ex_b, sem_mb).wait()
        process(j0 + 1, rows_b, ex_b, dst_b2.at[1])
        return carry

    lax.fori_loop(0, NCHUNK // 2, pair_body, 0)
    plsc.subcore_barrier()

    @pl.when(sid < NS - 1)
    def _():
        pltpu.sync_copy(acc.at[pl.ds(sid * RPA, RPA)],
                        out_hbm.at[cid, pl.ds(sid * RPA, RPA)])

    @pl.when(sid == NS - 1)
    def _():
        pltpu.sync_copy(acc.at[pl.ds((NS - 1) * RPA, RPL)],
                        out_hbm.at[cid, pl.ds((NS - 1) * RPA, RPL)])


_softmax_stats = pl.kernel(
    _softmax_stats_body,
    out_type=(
        jax.ShapeDtypeStruct((NW, EPW), jnp.float32),
        jax.ShapeDtypeStruct((NW, N_NODES), jnp.float32),
    ),
    mesh=_mesh,
    scratch_types=[
        pltpu.VMEM((EPW,), jnp.float32),
        pltpu.VMEM((EPW,), jnp.int32),
        pltpu.VMEM((EPW,), jnp.float32),
        pltpu.VMEM((N_NODES,), jnp.float32),
    ],
    compiler_params=pltpu.CompilerParams(needs_layout_passes=False),
)

_propagate = pl.kernel(
    _propagate_body,
    out_type=jax.ShapeDtypeStruct((NC, N_NODES, D), jnp.float32),
    mesh=_mesh,
    scratch_types=[
        pltpu.VMEM((NCHUNK, K), jnp.int32),
        pltpu.VMEM((K, D), jnp.float32),
        pltpu.VMEM((K, D), jnp.float32),
        pltpu.VMEM((2, K), jnp.int32),
        pltpu.VMEM((K,), jnp.float32),
        pltpu.VMEM((K,), jnp.float32),
        pltpu.VMEM_SHARED((N_NODES, D), jnp.float32),
        pltpu.SemaphoreType.DMA,
        pltpu.SemaphoreType.DMA,
        pltpu.SemaphoreType.DMA,
        pltpu.SemaphoreType.DMA,
    ],
    compiler_params=pltpu.CompilerParams(needs_layout_passes=False),
)


def _combine(parts, s32t):
    nb = 5
    bn = N_NODES // nb

    def body(p_ref, s_ref, o_ref):
        s = jnp.sum(s_ref[...], axis=1)
        r = 1.0 / (s + 1e-16)
        p = p_ref[...]
        o_ref[...] = (p[0] + p[1]) * r[:, None]

    return pl.pallas_call(
        body,
        out_shape=jax.ShapeDtypeStruct((N_NODES, D), jnp.float32),
        grid=(nb,),
        in_specs=[
            pl.BlockSpec((2, bn, D), lambda i: (0, i, 0)),
            pl.BlockSpec((bn, NW), lambda i: (i, 0)),
        ],
        out_specs=pl.BlockSpec((bn, D), lambda i: (i, 0)),
    )(parts, s32t)


def kernel(x, edge_index, edge_weight):
    src3 = edge_index[0].reshape(NW, NCHUNK, K)
    dst3 = edge_index[1].reshape(NW, NCHUNK, K)
    dst2 = edge_index[1].reshape(NW, EPW)
    w2 = edge_weight.reshape(NW, EPW)

    ex2, s32 = _softmax_stats(w2, dst2)
    ex3 = ex2.reshape(NW, NCHUNK, K)
    s32t = s32.T
    h = x
    for _ in range(3):
        parts = _propagate(h, src3, dst3, ex3)
        h = _combine(parts, s32t)
    return h

# --- scband reference (transcript-rebuilt; emitter-appended) ---
"""Pipeline reference for scband-lgcn-60017872994473 (READ-ONLY COPY).

The authoritative reference and input builder live on the scoring server;
editing this copy changes nothing except your own understanding.
"""

import jax, jax.numpy as jnp
import numpy as np

N_NODES = 10000
N_EDGES = 320000
D_FEAT = 128
NUM_LAYERS = 3


def setup_inputs(seed: int = 0) -> dict:
    key = jax.random.key(seed)
    k1, k2, k3 = jax.random.split(key, 3)
    x = jax.random.normal(k1, (N_NODES, D_FEAT), dtype=jnp.float32)
    edge_index = jax.random.randint(k2, (2, N_EDGES), 0, N_NODES, dtype=jnp.int32)
    edge_weight = jax.random.uniform(k3, (N_EDGES,), dtype=jnp.float32)
    return {"x": x, "edge_index": edge_index, "edge_weight": edge_weight}


def _segment_softmax(w, dst, num_nodes):
    # PyG-style softmax over edges grouped by destination node
    m = jax.ops.segment_max(w, dst, num_segments=num_nodes)
    m = jax.lax.stop_gradient(m)
    ex = jnp.exp(w - m[dst])
    s = jax.ops.segment_sum(ex, dst, num_segments=num_nodes)
    return ex / (s[dst] + 1e-16)


def reference(x, edge_index, edge_weight):
    # LGCN with option='mean' -> stack of SAGEConv(linear=False)
    # Each layer: edge softmax by dst, message = w * x[src], scatter-add to dst.
    # Note: original forward returns x (last conv output), not final_x.
    src = edge_index[0]
    dst = edge_index[1]
    num_nodes = x.shape[0]
    h = x
    final_x = x
    for _ in range(NUM_LAYERS):
        w = _segment_softmax(edge_weight, dst, num_nodes)
        msg = w[:, None] * jnp.take(h, src, axis=0)
        h = jax.ops.segment_sum(msg, dst, num_segments=num_nodes)
        final_x = final_x + h
    final_x = final_x / (NUM_LAYERS + 1)
    return h

if __name__ == "__main__":
    import jax
    _d = setup_inputs()
    print(jax.jit(kernel)(*tuple(_d.values())))

</pallas_src>

<mosaic_0001>
#map = affine_map<(d0, d1) -> (0, 0)>
#map1 = affine_map<(d0, d1) -> (0, 0, 0)>
module attributes {stable_mosaic.version = 14 : i64} {
  func.func @_propagate_body(%arg0: i32, %arg1: i32, %arg2: memref<10000x128xf32, #tpu.memory_space<hbm>>, %arg3: memref<32x80x125xi32, #tpu.memory_space<hbm>>, %arg4: memref<32x80x125xi32, #tpu.memory_space<hbm>>, %arg5: memref<32x80x125xf32, #tpu.memory_space<hbm>>, %arg6: memref<2x10000x128xf32, #tpu.memory_space<hbm>>, %arg7: memref<80x125xi32, #tpu.memory_space<vmem>>, %arg8: memref<125x128xf32, #tpu.memory_space<vmem>>, %arg9: memref<125x128xf32, #tpu.memory_space<vmem>>, %arg10: memref<2x125xi32, #tpu.memory_space<vmem>>, %arg11: memref<125xf32, #tpu.memory_space<vmem>>, %arg12: memref<125xf32, #tpu.memory_space<vmem>>, %arg13: memref<10000x128xf32, #tpu.memory_space<vmem_shared>>, %arg14: memref<!tpu.dma_semaphore, #tpu.memory_space<semaphore_mem>>, %arg15: memref<!tpu.dma_semaphore, #tpu.memory_space<semaphore_mem>>, %arg16: memref<!tpu.dma_semaphore, #tpu.memory_space<semaphore_mem>>, %arg17: memref<!tpu.dma_semaphore, #tpu.memory_space<semaphore_mem>>) attributes {dimension_semantics = [#tpu.dimension_semantics<core_parallel>, #tpu.dimension_semantics<subcore_parallel>], iteration_bounds = array<i64: 2, 16>, scalar_prefetch = 0 : i64, scratch_operands = 11 : i64, tpu.core_type = #tpu.core_type<sc_vector_subcore>, window_params = [{transform_indices = #map}, {transform_indices = #map1}, {transform_indices = #map1}, {transform_indices = #map1}, {transform_indices = #map1}]} {
    %mul3A = arith.constant 2 : i32
    %mul3A_0 = arith.muli %arg1, %mul3A : i32
    %add3A = arith.addi %mul3A_0, %arg0 : i32
    "tpu.region"() ({
      %run_scoped3A = tpu.sem_alloc : memref<!tpu.dma_semaphore, #tpu.memory_space<semaphore_mem>>
      %dma_start3A_66 = arith.constant 0 : i32
      %dma_start3A_67 = arith.constant 0 : i32
      %dma_start3A_68 = tpu.memref_slice %arg3[%add3A, %dma_start3A_66, %dma_start3A_67] : memref<32x80x125xi32, #tpu.memory_space<hbm>> -> memref<1x80x125xi32, #tpu.memory_space<hbm>>
      %dma_start3A_69 = tpu.memref_squeeze %dma_start3A_68 : memref<1x80x125xi32, #tpu.memory_space<hbm>> -> memref<80x125xi32, #tpu.memory_space<hbm>>
      %dma_start3A_70 = arith.constant 0 : i32
      %dma_start3A_71 = arith.constant 0 : i32
      %dma_start3A_72 = tpu.memref_slice %arg3[%add3A, %dma_start3A_70, %dma_start3A_71] : memref<32x80x125xi32, #tpu.memory_space<hbm>> -> memref<1x80x125xi32, #tpu.memory_space<hbm>>
      %dma_start3A_73 = tpu.memref_squeeze %dma_start3A_72 : memref<1x80x125xi32, #tpu.memory_space<hbm>> -> memref<80x125xi32, #tpu.memory_space<hbm>>
      tpu.enqueue_dma source(%dma_start3A_73 : memref<80x125xi32, #tpu.memory_space<hbm>>) target(%arg7 : memref<80x125xi32, #tpu.memory_space<vmem>>) target_semaphore(%run_scoped3A : memref<!tpu.dma_semaphore, #tpu.memory_space<semaphore_mem>>)
      %dma_wait3A = arith.constant 0 : i32
      %dma_wait3A_74 = arith.constant 0 : i32
      %dma_wait3A_75 = tpu.memref_slice %arg3[%add3A, %dma_wait3A, %dma_wait3A_74] : memref<32x80x125xi32, #tpu.memory_space<hbm>> -> memref<1x80x125xi32, #tpu.memory_space<hbm>>
      %dma_wait3A_76 = tpu.memref_squeeze %dma_wait3A_75 : memref<1x80x125xi32, #tpu.memory_space<hbm>> -> memref<80x125xi32, #tpu.memory_space<hbm>>
      %dma_wait3A_77 = arith.constant 0 : i32
      %dma_wait3A_78 = arith.constant 0 : i32
      %dma_wait3A_79 = tpu.memref_slice %arg3[%add3A, %dma_wait3A_77, %dma_wait3A_78] : memref<32x80x125xi32, #tpu.memory_space<hbm>> -> memref<1x80x125xi32, #tpu.memory_space<hbm>>
      %dma_wait3A_80 = tpu.memref_squeeze %dma_wait3A_79 : memref<1x80x125xi32, #tpu.memory_space<hbm>> -> memref<80x125xi32, #tpu.memory_space<hbm>>
      tpu.wait_dma2 semaphore(%run_scoped3A : memref<!tpu.dma_semaphore, #tpu.memory_space<semaphore_mem>>) src(%dma_wait3A_80 : memref<80x125xi32, #tpu.memory_space<hbm>>) dst(%arg7 : memref<80x125xi32, #tpu.memory_space<vmem>>)
      tpu.yield
    }) : () -> ()
    %scan3A = arith.constant 0 : i32
    %scan3A_1 = arith.constant 0 : i32
    %scan3A_2 = arith.constant 125 : i32
    %scan3A_3 = arith.addi %scan3A_1, %scan3A_2 : i32
    %scan3A_4 = arith.constant 1 : i32
    scf.for %scan3A_66 = %scan3A_1 to %scan3A_3 step %scan3A_4  : i32 {
      %broadcast_in_dim3A = arith.constant 0.000000e+00 : f32
      %broadcast_in_dim3A_67 = vector.broadcast %broadcast_in_dim3A : f32 to vector<16xf32>
      %swap3A = arith.index_cast %scan3A_66 : i32 to index
      %swap3A_68 = arith.constant 0 : index
      %swap3A_69 = tpu.vector_load %arg8[%swap3A, %swap3A_68] {strides = array<i32>} : memref<125x128xf32, #tpu.memory_space<vmem>>, vector<16xf32>,
      tpu.vector_store %arg8[%swap3A, %swap3A_68], %broadcast_in_dim3A_67 {strides = array<i32>} : memref<125x128xf32, #tpu.memory_space<vmem>>, vector<16xf32>,
      %broadcast_in_dim3A_70 = arith.constant 0.000000e+00 : f32
      %broadcast_in_dim3A_71 = vector.broadcast %broadcast_in_dim3A_70 : f32 to vector<16xf32>
      %swap3A_72 = arith.index_cast %scan3A_66 : i32 to index
      %swap3A_73 = arith.constant 16 : index
      %swap3A_74 = tpu.vector_load %arg8[%swap3A_72, %swap3A_73] {strides = array<i32>} : memref<125x128xf32, #tpu.memory_space<vmem>>, vector<16xf32>,
      tpu.vector_store %arg8[%swap3A_72, %swap3A_73], %broadcast_in_dim3A_71 {strides = array<i32>} : memref<125x128xf32, #tpu.memory_space<vmem>>, vector<16xf32>,
      %broadcast_in_dim3A_75 = arith.constant 0.000000e+00 : f32
      %broadcast_in_dim3A_76 = vector.broadcast %broadcast_in_dim3A_75 : f32 to vector<16xf32>
      %swap3A_77 = arith.index_cast %scan3A_66 : i32 to index
      %swap3A_78 = arith.constant 32 : index
      %swap3A_79 = tpu.vector_load %arg8[%swap3A_77, %swap3A_78] {strides = array<i32>} : memref<125x128xf32, #tpu.memory_space<vmem>>, vector<16xf32>,
      tpu.vector_store %arg8[%swap3A_77, %swap3A_78], %broadcast_in_dim3A_76 {strides = array<i32>} : memref<125x128xf32, #tpu.memory_space<vmem>>, vector<16xf32>,
      %broadcast_in_dim3A_80 = arith.constant 0.000000e+00 : f32
      %broadcast_in_dim3A_81 = vector.broadcast %broadcast_in_dim3A_80 : f32 to vector<16xf32>
      %swap3A_82 = arith.index_cast %scan3A_66 : i32 to index
      %swap3A_83 = arith.constant 48 : index
      %swap3A_84 = tpu.vector_load %arg8[%swap3A_82, %swap3A_83] {strides = array<i32>} : memref<125x128xf32, #tpu.memory_space<vmem>>, vector<16xf32>,
      tpu.vector_store %arg8[%swap3A_82, %swap3A_83], %broadcast_in_dim3A_81 {strides = array<i32>} : memref<125x128xf32, #tpu.memory_space<vmem>>, vector<16xf32>,
      %broadcast_in_dim3A_85 = arith.constant 0.000000e+00 : f32
      %broadcast_in_dim3A_86 = vector.broadcast %broadcast_in_dim3A_85 : f32 to vector<16xf32>
      %swap3A_87 = arith.index_cast %scan3A_66 : i32 to index
      %swap3A_88 = arith.constant 64 : index
      %swap3A_89 = tpu.vector_load %arg8[%swap3A_87, %swap3A_88] {strides = array<i32>} : memref<125x128xf32, #tpu.memory_space<vmem>>, vector<16xf32>,
      tpu.vector_store %arg8[%swap3A_87, %swap3A_88], %broadcast_in_dim3A_86 {strides = array<i32>} : memref<125x128xf32, #tpu.memory_space<vmem>>, vector<16xf32>,
      %broadcast_in_dim3A_90 = arith.constant 0.000000e+00 : f32
      %broadcast_in_dim3A_91 = vector.broadcast %broadcast_in_dim3A_90 : f32 to vector<16xf32>
      %swap3A_92 = arith.index_cast %scan3A_66 : i32 to index
      %swap3A_93 = arith.constant 80 : index
      %swap3A_94 = tpu.vector_load %arg8[%swap3A_92, %swap3A_93] {strides = array<i32>} : memref<125x128xf32, #tpu.memory_space<vmem>>, vector<16xf32>,
      tpu.vector_store %arg8[%swap3A_92, %swap3A_93], %broadcast_in_dim3A_91 {strides = array<i32>} : memref<125x128xf32, #tpu.memory_space<vmem>>, vector<16xf32>,
      %broadcast_in_dim3A_95 = arith.constant 0.000000e+00 : f32
      %broadcast_in_dim3A_96 = vector.broadcast %broadcast_in_dim3A_95 : f32 to vector<16xf32>
      %swap3A_97 = arith.index_cast %scan3A_66 : i32 to index
      %swap3A_98 = arith.constant 96 : index
      %swap3A_99 = tpu.vector_load %arg8[%swap3A_97, %swap3A_98] {strides = array<i32>} : memref<125x128xf32, #tpu.memory_space<vmem>>, vector<16xf32>,
      tpu.vector_store %arg8[%swap3A_97, %swap3A_98], %broadcast_in_dim3A_96 {strides = array<i32>} : memref<125x128xf32, #tpu.memory_space<vmem>>, vector<16xf32>,
      %broadcast_in_dim3A_100 = arith.constant 0.000000e+00 : f32
      %broadcast_in_dim3A_101 = vector.broadcast %broadcast_in_dim3A_100 : f32 to vector<16xf32>
      %swap3A_102 = arith.index_cast %scan3A_66 : i32 to index
      %swap3A_103 = arith.constant 112 : index
      %swap3A_104 = tpu.vector_load %arg8[%swap3A_102, %swap3A_103] {strides = array<i32>} : memref<125x128xf32, #tpu.memory_space<vmem>>, vector<16xf32>,
      tpu.vector_store %arg8[%swap3A_102, %swap3A_103], %broadcast_in_dim3A_101 {strides = array<i32>} : memref<125x128xf32, #tpu.memory_space<vmem>>, vector<16xf32>,
    }
    %scan3A_5 = arith.constant 125 : i32
    %mul3A_6 = arith.constant 625 : i32
    %mul3A_7 = arith.muli %arg1, %mul3A_6 : i32
    %add3A_8 = arith.constant 0 : i32
    %add3A_9 = arith.addi %mul3A_7, %add3A_8 : i32
    "tpu.region"() ({
      %run_scoped3A = tpu.sem_alloc : memref<!tpu.dma_semaphore, #tpu.memory_space<semaphore_mem>>
      %dma_start3A_66 = arith.constant 0 : i32
      %dma_start3A_67 = tpu.memref_slice %arg13[%add3A_9, %dma_start3A_66] : memref<10000x128xf32, #tpu.memory_space<vmem_shared>> -> memref<125x128xf32, #tpu.memory_space<vmem_shared>>
      %dma_start3A_68 = arith.constant 0 : i32
      %dma_start3A_69 = tpu.memref_slice %arg13[%add3A_9, %dma_start3A_68] : memref<10000x128xf32, #tpu.memory_space<vmem_shared>> -> memref<125x128xf32, #tpu.memory_space<vmem_shared>>
      tpu.enqueue_dma source(%arg8 : memref<125x128xf32, #tpu.memory_space<vmem>>) target(%dma_start3A_69 : memref<125x128xf32, #tpu.memory_space<vmem_shared>>) target_semaphore(%run_scoped3A : memref<!tpu.dma_semaphore, #tpu.memory_space<semaphore_mem>>)
      %dma_wait3A = arith.constant 0 : i32
      %dma_wait3A_70 = tpu.memref_slice %arg13[%add3A_9, %dma_wait3A] : memref<10000x128xf32, #tpu.memory_space<vmem_shared>> -> memref<125x128xf32, #tpu.memory_space<vmem_shared>>
      %dma_wait3A_71 = arith.constant 0 : i32
      %dma_wait3A_72 = tpu.memref_slice %arg13[%add3A_9, %dma_wait3A_71] : memref<10000x128xf32, #tpu.memory_space<vmem_shared>> -> memref<125x128xf32, #tpu.memory_space<vmem_shared>>
      tpu.wait_dma2 semaphore(%run_scoped3A : memref<!tpu.dma_semaphore, #tpu.memory_space<semaphore_mem>>) src(%arg8 : memref<125x128xf32, #tpu.memory_space<vmem>>) dst(%dma_wait3A_72 : memref<125x128xf32, #tpu.memory_space<vmem_shared>>)
      tpu.yield
    }) : () -> ()
    %mul3A_10 = arith.constant 625 : i32
    %mul3A_11 = arith.muli %arg1, %mul3A_10 : i32
    %add3A_12 = arith.constant 125 : i32
    %add3A_13 = arith.addi %mul3A_11, %add3A_12 : i32
    "tpu.region"() ({
      %run_scoped3A = tpu.sem_alloc : memref<!tpu.dma_semaphore, #tpu.memory_space<semaphore_mem>>
      %dma_start3A_66 = arith.constant 0 : i32
      %dma_start3A_67 = tpu.memref_slice %arg13[%add3A_13, %dma_start3A_66] : memref<10000x128xf32, #tpu.memory_space<vmem_shared>> -> memref<125x128xf32, #tpu.memory_space<vmem_shared>>
      %dma_start3A_68 = arith.constant 0 : i32
      %dma_start3A_69 = tpu.memref_slice %arg13[%add3A_13, %dma_start3A_68] : memref<10000x128xf32, #tpu.memory_space<vmem_shared>> -> memref<125x128xf32, #tpu.memory_space<vmem_shared>>
      tpu.enqueue_dma source(%arg8 : memref<125x128xf32, #tpu.memory_space<vmem>>) target(%dma_start3A_69 : memref<125x128xf32, #tpu.memory_space<vmem_shared>>) target_semaphore(%run_scoped3A : memref<!tpu.dma_semaphore, #tpu.memory_space<semaphore_mem>>)
      %dma_wait3A = arith.constant 0 : i32
      %dma_wait3A_70 = tpu.memref_slice %arg13[%add3A_13, %dma_wait3A] : memref<10000x128xf32, #tpu.memory_space<vmem_shared>> -> memref<125x128xf32, #tpu.memory_space<vmem_shared>>
      %dma_wait3A_71 = arith.constant 0 : i32
      %dma_wait3A_72 = tpu.memref_slice %arg13[%add3A_13, %dma_wait3A_71] : memref<10000x128xf32, #tpu.memory_space<vmem_shared>> -> memref<125x128xf32, #tpu.memory_space<vmem_shared>>
      tpu.wait_dma2 semaphore(%run_scoped3A : memref<!tpu.dma_semaphore, #tpu.memory_space<semaphore_mem>>) src(%arg8 : memref<125x128xf32, #tpu.memory_space<vmem>>) dst(%dma_wait3A_72 : memref<125x128xf32, #tpu.memory_space<vmem_shared>>)
      tpu.yield
    }) : () -> ()
    %mul3A_14 = arith.constant 625 : i32
    %mul3A_15 = arith.muli %arg1, %mul3A_14 : i32
    %add3A_16 = arith.constant 250 : i32
    %add3A_17 = arith.addi %mul3A_15, %add3A_16 : i32
    "tpu.region"() ({
      %run_scoped3A = tpu.sem_alloc : memref<!tpu.dma_semaphore, #tpu.memory_space<semaphore_mem>>
      %dma_start3A_66 = arith.constant 0 : i32
      %dma_start3A_67 = tpu.memref_slice %arg13[%add3A_17, %dma_start3A_66] : memref<10000x128xf32, #tpu.memory_space<vmem_shared>> -> memref<125x128xf32, #tpu.memory_space<vmem_shared>>
      %dma_start3A_68 = arith.constant 0 : i32
      %dma_start3A_69 = tpu.memref_slice %arg13[%add3A_17, %dma_start3A_68] : memref<10000x128xf32, #tpu.memory_space<vmem_shared>> -> memref<125x128xf32, #tpu.memory_space<vmem_shared>>
      tpu.enqueue_dma source(%arg8 : memref<125x128xf32, #tpu.memory_space<vmem>>) target(%dma_start3A_69 : memref<125x128xf32, #tpu.memory_space<vmem_shared>>) target_semaphore(%run_scoped3A : memref<!tpu.dma_semaphore, #tpu.memory_space<semaphore_mem>>)
      %dma_wait3A = arith.constant 0 : i32
      %dma_wait3A_70 = tpu.memref_slice %arg13[%add3A_17, %dma_wait3A] : memref<10000x128xf32, #tpu.memory_space<vmem_shared>> -> memref<125x128xf32, #tpu.memory_space<vmem_shared>>
      %dma_wait3A_71 = arith.constant 0 : i32
      %dma_wait3A_72 = tpu.memref_slice %arg13[%add3A_17, %dma_wait3A_71] : memref<10000x128xf32, #tpu.memory_space<vmem_shared>> -> memref<125x128xf32, #tpu.memory_space<vmem_shared>>
      tpu.wait_dma2 semaphore(%run_scoped3A : memref<!tpu.dma_semaphore, #tpu.memory_space<semaphore_mem>>) src(%arg8 : memref<125x128xf32, #tpu.memory_space<vmem>>) dst(%dma_wait3A_72 : memref<125x128xf32, #tpu.memory_space<vmem_shared>>)
      tpu.yield
    }) : () -> ()
    %mul3A_18 = arith.constant 625 : i32
    %mul3A_19 = arith.muli %arg1, %mul3A_18 : i32
    %add3A_20 = arith.constant 375 : i32
    %add3A_21 = arith.addi %mul3A_19, %add3A_20 : i32
    "tpu.region"() ({
      %run_scoped3A = tpu.sem_alloc : memref<!tpu.dma_semaphore, #tpu.memory_space<semaphore_mem>>
      %dma_start3A_66 = arith.constant 0 : i32
      %dma_start3A_67 = tpu.memref_slice %arg13[%add3A_21, %dma_start3A_66] : memref<10000x128xf32, #tpu.memory_space<vmem_shared>> -> memref<125x128xf32, #tpu.memory_space<vmem_shared>>
      %dma_start3A_68 = arith.constant 0 : i32
      %dma_start3A_69 = tpu.memref_slice %arg13[%add3A_21, %dma_start3A_68] : memref<10000x128xf32, #tpu.memory_space<vmem_shared>> -> memref<125x128xf32, #tpu.memory_space<vmem_shared>>
      tpu.enqueue_dma source(%arg8 : memref<125x128xf32, #tpu.memory_space<vmem>>) target(%dma_start3A_69 : memref<125x128xf32, #tpu.memory_space<vmem_shared>>) target_semaphore(%run_scoped3A : memref<!tpu.dma_semaphore, #tpu.memory_space<semaphore_mem>>)
      %dma_wait3A = arith.constant 0 : i32
      %dma_wait3A_70 = tpu.memref_slice %arg13[%add3A_21, %dma_wait3A] : memref<10000x128xf32, #tpu.memory_space<vmem_shared>> -> memref<125x128xf32, #tpu.memory_space<vmem_shared>>
      %dma_wait3A_71 = arith.constant 0 : i32
      %dma_wait3A_72 = tpu.memref_slice %arg13[%add3A_21, %dma_wait3A_71] : memref<10000x128xf32, #tpu.memory_space<vmem_shared>> -> memref<125x128xf32, #tpu.memory_space<vmem_shared>>
      tpu.wait_dma2 semaphore(%run_scoped3A : memref<!tpu.dma_semaphore, #tpu.memory_space<semaphore_mem>>) src(%arg8 : memref<125x128xf32, #tpu.memory_space<vmem>>) dst(%dma_wait3A_72 : memref<125x128xf32, #tpu.memory_space<vmem_shared>>)
      tpu.yield
    }) : () -> ()
    %mul3A_22 = arith.constant 625 : i32
    %mul3A_23 = arith.muli %arg1, %mul3A_22 : i32
    %add3A_24 = arith.constant 500 : i32
    %add3A_25 = arith.addi %mul3A_23, %add3A_24 : i32
    "tpu.region"() ({
      %run_scoped3A = tpu.sem_alloc : memref<!tpu.dma_semaphore, #tpu.memory_space<semaphore_mem>>
      %dma_start3A_66 = arith.constant 0 : i32
      %dma_start3A_67 = tpu.memref_slice %arg13[%add3A_25, %dma_start3A_66] : memref<10000x128xf32, #tpu.memory_space<vmem_shared>> -> memref<125x128xf32, #tpu.memory_space<vmem_shared>>
      %dma_start3A_68 = arith.constant 0 : i32
      %dma_start3A_69 = tpu.memref_slice %arg13[%add3A_25, %dma_start3A_68] : memref<10000x128xf32, #tpu.memory_space<vmem_shared>> -> memref<125x128xf32, #tpu.memory_space<vmem_shared>>
      tpu.enqueue_dma source(%arg8 : memref<125x128xf32, #tpu.memory_space<vmem>>) target(%dma_start3A_69 : memref<125x128xf32, #tpu.memory_space<vmem_shared>>) target_semaphore(%run_scoped3A : memref<!tpu.dma_semaphore, #tpu.memory_space<semaphore_mem>>)
      %dma_wait3A = arith.constant 0 : i32
      %dma_wait3A_70 = tpu.memref_slice %arg13[%add3A_25, %dma_wait3A] : memref<10000x128xf32, #tpu.memory_space<vmem_shared>> -> memref<125x128xf32, #tpu.memory_space<vmem_shared>>
      %dma_wait3A_71 = arith.constant 0 : i32
      %dma_wait3A_72 = tpu.memref_slice %arg13[%add3A_25, %dma_wait3A_71] : memref<10000x128xf32, #tpu.memory_space<vmem_shared>> -> memref<125x128xf32, #tpu.memory_space<vmem_shared>>
      tpu.wait_dma2 semaphore(%run_scoped3A : memref<!tpu.dma_semaphore, #tpu.memory_space<semaphore_mem>>) src(%arg8 : memref<125x128xf32, #tpu.memory_space<vmem>>) dst(%dma_wait3A_72 : memref<125x128xf32, #tpu.memory_space<vmem_shared>>)
      tpu.yield
    }) : () -> ()
    %barrier3A = arith.constant 0 : index
    tpu.barrier barrier_id(%barrier3A)
    %dma_start3A = arith.constant 0 : i32
    %dma_start3A_26 = arith.constant 0 : i32
    %dma_start3A_27 = arith.constant 0 : i32
    %dma_start3A_28 = tpu.memref_slice %arg10[%dma_start3A_26, %dma_start3A_27] : memref<2x125xi32, #tpu.memory_space<vmem>> -> memref<1x125xi32, #tpu.memory_space<vmem>>
    %dma_start3A_29 = tpu.memref_squeeze %dma_start3A_28 : memref<1x125xi32, #tpu.memory_space<vmem>> -> memref<125xi32, #tpu.memory_space<vmem>>
    %dma_start3A_30 = arith.constant 0 : i32
    %dma_start3A_31 = tpu.memref_slice %arg4[%add3A, %dma_start3A, %dma_start3A_30] : memref<32x80x125xi32, #tpu.memory_space<hbm>> -> memref<1x1x125xi32, #tpu.memory_space<hbm>>
    %dma_start3A_32 = tpu.memref_squeeze %dma_start3A_31 : memref<1x1x125xi32, #tpu.memory_space<hbm>> -> memref<125xi32, #tpu.memory_space<hbm>>
    %dma_start3A_33 = arith.constant 0 : i32
    %dma_start3A_34 = tpu.memref_slice %arg10[%dma_start3A_26, %dma_start3A_33] : memref<2x125xi32, #tpu.memory_space<vmem>> -> memref<1x125xi32, #tpu.memory_space<vmem>>
    %dma_start3A_35 = tpu.memref_squeeze %dma_start3A_34 : memref<1x125xi32, #tpu.memory_space<vmem>> -> memref<125xi32, #tpu.memory_space<vmem>>
    %dma_start3A_36 = arith.constant 0 : i32
    %dma_start3A_37 = tpu.memref_slice %arg4[%add3A, %dma_start3A, %dma_start3A_36] : memref<32x80x125xi32, #tpu.memory_space<hbm>> -> memref<1x1x125xi32, #tpu.memory_space<hbm>>
    %dma_start3A_38 = tpu.memref_squeeze %dma_start3A_37 : memref<1x1x125xi32, #tpu.memory_space<hbm>> -> memref<125xi32, #tpu.memory_space<hbm>>
    tpu.enqueue_dma source(%dma_start3A_38 : memref<125xi32, #tpu.memory_space<hbm>>) target(%dma_start3A_35 : memref<125xi32, #tpu.memory_space<vmem>>) target_semaphore(%arg16 : memref<!tpu.dma_semaphore, #tpu.memory_space<semaphore_mem>>)
    %dma_start3A_39 = arith.constant 0 : i32
    %dma_start3A_40 = arith.constant 0 : i32
    %dma_start3A_41 = tpu.memref_slice %arg5[%add3A, %dma_start3A_39, %dma_start3A_40] : memref<32x80x125xf32, #tpu.memory_space<hbm>> -> memref<1x1x125xf32, #tpu.memory_space<hbm>>
    %dma_start3A_42 = tpu.memref_squeeze %dma_start3A_41 : memref<1x1x125xf32, #tpu.memory_space<hbm>> -> memref<125xf32, #tpu.memory_space<hbm>>
    %dma_start3A_43 = arith.constant 0 : i32
    %dma_start3A_44 = tpu.memref_slice %arg5[%add3A, %dma_start3A_39, %dma_start3A_43] : memref<32x80x125xf32, #tpu.memory_space<hbm>> -> memref<1x1x125xf32, #tpu.memory_space<hbm>>
    %dma_start3A_45 = tpu.memref_squeeze %dma_start3A_44 : memref<1x1x125xf32, #tpu.memory_space<hbm>> -> memref<125xf32, #tpu.memory_space<hbm>>
    tpu.enqueue_dma source(%dma_start3A_45 : memref<125xf32, #tpu.memory_space<hbm>>) target(%arg11 : memref<125xf32, #tpu.memory_space<vmem>>) target_semaphore(%arg16 : memref<!tpu.dma_semaphore, #tpu.memory_space<semaphore_mem>>)
    %dma_start3A_46 = arith.constant 0 : i32
    %dma_start3A_47 = arith.constant 0 : i32
    %dma_start3A_48 = tpu.memref_slice %arg7[%dma_start3A_46, %dma_start3A_47] : memref<80x125xi32, #tpu.memory_space<vmem>> -> memref<1x125xi32, #tpu.memory_space<vmem>>
    %dma_start3A_49 = tpu.memref_squeeze %dma_start3A_48 : memref<1x125xi32, #tpu.memory_space<vmem>> -> memref<125xi32, #tpu.memory_space<vmem>>
    %dma_start3A_50 = arith.constant 0 : i32
    %dma_start3A_51 = arith.constant 0 : i32
    %dma_start3A_52 = tpu.memref_slice %arg2[%dma_start3A_50, %dma_start3A_51] : memref<10000x128xf32, #tpu.memory_space<hbm>> -> memref<10000x128xf32, #tpu.memory_space<hbm>>
    tpu.enqueue_indirect_dma source(%dma_start3A_52 : memref<10000x128xf32, #tpu.memory_space<hbm>>) target(%arg8 : memref<125x128xf32, #tpu.memory_space<vmem>>) offsets(%dma_start3A_49 : memref<125xi32, #tpu.memory_space<vmem>>) semaphore(%arg14 : memref<!tpu.dma_semaphore, #tpu.memory_space<semaphore_mem>>)
    %scan3A_53 = arith.constant 0 : i32
    %scan3A_54 = arith.constant 0 : i32
    %scan3A_55 = arith.constant 40 : i32
    %scan3A_56 = arith.addi %scan3A_54, %scan3A_55 : i32
    %scan3A_57 = arith.constant 1 : i32
    scf.for %scan3A_66 = %scan3A_54 to %scan3A_56 step %scan3A_57  : i32 {
      %mul3A_67 = arith.constant 2 : i32
      %mul3A_68 = arith.muli %mul3A_67, %scan3A_66 : i32
      %dma_wait3A = arith.constant 0 : i32
      %dma_wait3A_69 = tpu.memref_slice %arg7[%mul3A_68, %dma_wait3A] : memref<80x125xi32, #tpu.memory_space<vmem>> -> memref<1x125xi32, #tpu.memory_space<vmem>>
      %dma_wait3A_70 = tpu.memref_squeeze %dma_wait3A_69 : memref<1x125xi32, #tpu.memory_space<vmem>> -> memref<125xi32, #tpu.memory_space<vmem>>
      %dma_wait3A_71 = arith.constant 0 : i32
      %dma_wait3A_72 = arith.constant 0 : i32
      %dma_wait3A_73 = tpu.memref_slice %arg2[%dma_wait3A_71, %dma_wait3A_72] : memref<10000x128xf32, #tpu.memory_space<hbm>> -> memref<10000x128xf32, #tpu.memory_space<hbm>>
      tpu.wait_indirect_dma semaphore(%arg14 : memref<!tpu.dma_semaphore, #tpu.memory_space<semaphore_mem>>) src(%dma_wait3A_73 : memref<10000x128xf32, #tpu.memory_space<hbm>>) dst(%arg8 : memref<125x128xf32, #tpu.memory_space<vmem>>)
      %add3A_74 = arith.constant 1 : i32
      %add3A_75 = arith.addi %mul3A_68, %add3A_74 : i32
      %dma_start3A_76 = arith.constant 1 : i32
      %dma_start3A_77 = arith.constant 0 : i32
      %dma_start3A_78 = tpu.memref_slice %arg10[%dma_start3A_76, %dma_start3A_77] : memref<2x125xi32, #tpu.memory_space<vmem>> -> memref<1x125xi32, #tpu.memory_space<vmem>>
      %dma_start3A_79 = tpu.memref_squeeze %dma_start3A_78 : memref<1x125xi32, #tpu.memory_space<vmem>> -> memref<125xi32, #tpu.memory_space<vmem>>
      %dma_start3A_80 = arith.constant 0 : i32
      %dma_start3A_81 = tpu.memref_slice %arg4[%add3A, %add3A_75, %dma_start3A_80] : memref<32x80x125xi32, #tpu.memory_space<hbm>> -> memref<1x1x125xi32, #tpu.memory_space<hbm>>
      %dma_start3A_82 = tpu.memref_squeeze %dma_start3A_81 : memref<1x1x125xi32, #tpu.memory_space<hbm>> -> memref<125xi32, #tpu.memory_space<hbm>>
      %dma_start3A_83 = arith.constant 0 : i32
      %dma_start3A_84 = tpu.memref_slice %arg10[%dma_start3A_76, %dma_start3A_83] : memref<2x125xi32, #tpu.memory_space<vmem>> -> memref<1x125xi32, #tpu.memory_space<vmem>>
      %dma_start3A_85 = tpu.memref_squeeze %dma_start3A_84 : memref<1x125xi32, #tpu.memory_space<vmem>> -> memref<125xi32, #tpu.memory_space<vmem>>
      %dma_start3A_86 = arith.constant 0 : i32
      %dma_start3A_87 = tpu.memref_slice %arg4[%add3A, %add3A_75, %dma_start3A_86] : memref<32x80x125xi32, #tpu.memory_space<hbm>> -> memref<1x1x125xi32, #tpu.memory_space<hbm>>
      %dma_start3A_88 = tpu.memref_squeeze %dma_start3A_87 : memref<1x1x125xi32, #tpu.memory_space<hbm>> -> memref<125xi32, #tpu.memory_space<hbm>>
      tpu.enqueue_dma source(%dma_start3A_88 : memref<125xi32, #tpu.memory_space<hbm>>) target(%dma_start3A_85 : memref<125xi32, #tpu.memory_space<vmem>>) target_semaphore(%arg17 : memref<!tpu.dma_semaphore, #tpu.memory_space<semaphore_mem>>)
      %add3A_89 = arith.constant 1 : i32
      %add3A_90 = arith.addi %mul3A_68, %add3A_89 : i32
      %dma_start3A_91 = arith.constant 0 : i32
      %dma_start3A_92 = tpu.memref_slice %arg5[%add3A, %add3A_90, %dma_start3A_91] : memref<32x80x125xf32, #tpu.memory_space<hbm>> -> memref<1x1x125xf32, #tpu.memory_space<hbm>>
      %dma_start3A_93 = tpu.memref_squeeze %dma_start3A_92 : memref<1x1x125xf32, #tpu.memory_space<hbm>> -> memref<125xf32, #tpu.memory_space<hbm>>
      %dma_start3A_94 = arith.constant 0 : i32
      %dma_start3A_95 = tpu.memref_slice %arg5[%add3A, %add3A_90, %dma_start3A_94] : memref<32x80x125xf32, #tpu.memory_space<hbm>> -> memref<1x1x125xf32, #tpu.memory_space<hbm>>
      %dma_start3A_96 = tpu.memref_squeeze %dma_start3A_95 : memref<1x1x125xf32, #tpu.memory_space<hbm>> -> memref<125xf32, #tpu.memory_space<hbm>>
      tpu.enqueue_dma source(%dma_start3A_96 : memref<125xf32, #tpu.memory_space<hbm>>) target(%arg12 : memref<125xf32, #tpu.memory_space<vmem>>) target_semaphore(%arg17 : memref<!tpu.dma_semaphore, #tpu.memory_space<semaphore_mem>>)
      %add3A_97 = arith.constant 1 : i32
      %add3A_98 = arith.addi %mul3A_68, %add3A_97 : i32
      %dma_start3A_99 = arith.constant 0 : i32
      %dma_start3A_100 = tpu.memref_slice %arg7[%add3A_98, %dma_start3A_99] : memref<80x125xi32, #tpu.memory_space<vmem>> -> memref<1x125xi32, #tpu.memory_space<vmem>>
      %dma_start3A_101 = tpu.memref_squeeze %dma_start3A_100 : memref<1x125xi32, #tpu.memory_space<vmem>> -> memref<125xi32, #tpu.memory_space<vmem>>
      %dma_start3A_102 = arith.constant 0 : i32
      %dma_start3A_103 = arith.constant 0 : i32
      %dma_start3A_104 = tpu.memref_slice %arg2[%dma_start3A_102, %dma_start3A_103] : memref<10000x128xf32, #tpu.memory_space<hbm>> -> memref<10000x128xf32, #tpu.memory_space<hbm>>
      tpu.enqueue_indirect_dma source(%dma_start3A_104 : memref<10000x128xf32, #tpu.memory_space<hbm>>) target(%arg9 : memref<125x128xf32, #tpu.memory_space<vmem>>) offsets(%dma_start3A_101 : memref<125xi32, #tpu.memory_space<vmem>>) semaphore(%arg15 : memref<!tpu.dma_semaphore, #tpu.memory_space<semaphore_mem>>)
      %dma_wait3A_105 = arith.constant 0 : i32
      %dma_wait3A_106 = arith.constant 0 : i32
      %dma_wait3A_107 = tpu.memref_slice %arg10[%dma_wait3A_105, %dma_wait3A_106] : memref<2x125xi32, #tpu.memory_space<vmem>> -> memref<1x125xi32, #tpu.memory_space<vmem>>
      %dma_wait3A_108 = tpu.memref_squeeze %dma_wait3A_107 : memref<1x125xi32, #tpu.memory_space<vmem>> -> memref<125xi32, #tpu.memory_space<vmem>>
      %dma_wait3A_109 = arith.constant 0 : i32
      %dma_wait3A_110 = tpu.memref_slice %arg4[%add3A, %mul3A_68, %dma_wait3A_109] : memref<32x80x125xi32, #tpu.memory_space<hbm>> -> memref<1x1x125xi32, #tpu.memory_space<hbm>>
      %dma_wait3A_111 = tpu.memref_squeeze %dma_wait3A_110 : memref<1x1x125xi32, #tpu.memory_space<hbm>> -> memref<125xi32, #tpu.memory_space<hbm>>
      %dma_wait3A_112 = arith.constant 0 : i32
      %dma_wait3A_113 = tpu.memref_slice %arg10[%dma_wait3A_105, %dma_wait3A_112] : memref<2x125xi32, #tpu.memory_space<vmem>> -> memref<1x125xi32, #tpu.memory_space<vmem>>
      %dma_wait3A_114 = tpu.memref_squeeze %dma_wait3A_113 : memref<1x125xi32, #tpu.memory_space<vmem>> -> memref<125xi32, #tpu.memory_space<vmem>>
      %dma_wait3A_115 = arith.constant 0 : i32
      %dma_wait3A_116 = tpu.memref_slice %arg4[%add3A, %mul3A_68, %dma_wait3A_115] : memref<32x80x125xi32, #tpu.memory_space<hbm>> -> memref<1x1x125xi32, #tpu.memory_space<hbm>>
      %dma_wait3A_117 = tpu.memref_squeeze %dma_wait3A_116 : memref<1x1x125xi32, #tpu.memory_space<hbm>> -> memref<125xi32, #tpu.memory_space<hbm>>
      tpu.wait_dma2 semaphore(%arg16 : memref<!tpu.dma_semaphore, #tpu.memory_space<semaphore_mem>>) src(%dma_wait3A_117 : memref<125xi32, #tpu.memory_space<hbm>>) dst(%dma_wait3A_114 : memref<125xi32, #tpu.memory_space<vmem>>)
      %dma_wait3A_118 = arith.constant 0 : i32
      %dma_wait3A_119 = tpu.memref_slice %arg5[%add3A, %mul3A_68, %dma_wait3A_118] : memref<32x80x125xf32, #tpu.memory_space<hbm>> -> memref<1x1x125xf32, #tpu.memory_space<hbm>>
      %dma_wait3A_120 = tpu.memref_squeeze %dma_wait3A_119 : memref<1x1x125xf32, #tpu.memory_space<hbm>> -> memref<125xf32, #tpu.memory_space<hbm>>
      %dma_wait3A_121 = arith.constant 0 : i32
      %dma_wait3A_122 = tpu.memref_slice %arg5[%add3A, %mul3A_68, %dma_wait3A_121] : memref<32x80x125xf32, #tpu.memory_space<hbm>> -> memref<1x1x125xf32, #tpu.memory_space<hbm>>
      %dma_wait3A_123 = tpu.memref_squeeze %dma_wait3A_122 : memref<1x1x125xf32, #tpu.memory_space<hbm>> -> memref<125xf32, #tpu.memory_space<hbm>>
      tpu.wait_dma2 semaphore(%arg16 : memref<!tpu.dma_semaphore, #tpu.memory_space<semaphore_mem>>) src(%dma_wait3A_123 : memref<125xf32, #tpu.memory_space<hbm>>) dst(%arg11 : memref<125xf32, #tpu.memory_space<vmem>>)
      %parallel_loop3A = arith.constant 0 : i32
      %parallel_loop3A_124 = arith.constant 125 : i32
      %parallel_loop3A_125 = arith.constant 1 : i32
      scf.for %parallel_loop3A_168 = %parallel_loop3A to %parallel_loop3A_124 step %parallel_loop3A_125  : i32 {
        %parallel_loop3A_169 = vector.broadcast %parallel_loop3A_168 : i32 to vector<16xi32>
        %parallel_loop3A_170 = tpu.vector_load_idx %arg11[%parallel_loop3A_169] : memref<125xf32, #tpu.memory_space<vmem>>[vector<16xi32>], vector<16xf32>,
        %parallel_loop3A_171 = arith.index_cast %parallel_loop3A_168 : i32 to index
        %parallel_loop3A_172 = arith.constant 0 : index
        %parallel_loop3A_173 = tpu.vector_load %arg8[%parallel_loop3A_171, %parallel_loop3A_172] {strides = array<i32>} : memref<125x128xf32, #tpu.memory_space<vmem>>, vector<16xf32>,
        %parallel_loop3A_174 = arith.mulf %parallel_loop3A_173, %parallel_loop3A_170 : vector<16xf32>
        %parallel_loop3A_175 = arith.index_cast %parallel_loop3A_168 : i32 to index
        %parallel_loop3A_176 = arith.constant 0 : index
        %parallel_loop3A_177 = tpu.vector_load %arg8[%parallel_loop3A_175, %parallel_loop3A_176] {strides = array<i32>} : memref<125x128xf32, #tpu.memory_space<vmem>>, vector<16xf32>,
        tpu.vector_store %arg8[%parallel_loop3A_175, %parallel_loop3A_176], %parallel_loop3A_174 {strides = array<i32>} : memref<125x128xf32, #tpu.memory_space<vmem>>, vector<16xf32>,
        %parallel_loop3A_178 = arith.index_cast %parallel_loop3A_168 : i32 to index
        %parallel_loop3A_179 = arith.constant 16 : index
        %parallel_loop3A_180 = tpu.vector_load %arg8[%parallel_loop3A_178, %parallel_loop3A_179] {strides = array<i32>} : memref<125x128xf32, #tpu.memory_space<vmem>>, vector<16xf32>,
        %parallel_loop3A_181 = arith.mulf %parallel_loop3A_180, %parallel_loop3A_170 : vector<16xf32>
        %parallel_loop3A_182 = arith.index_cast %parallel_loop3A_168 : i32 to index
        %parallel_loop3A_183 = arith.constant 16 : index
        %parallel_loop3A_184 = tpu.vector_load %arg8[%parallel_loop3A_182, %parallel_loop3A_183] {strides = array<i32>} : memref<125x128xf32, #tpu.memory_space<vmem>>, vector<16xf32>,
        tpu.vector_store %arg8[%parallel_loop3A_182, %parallel_loop3A_183], %parallel_loop3A_181 {strides = array<i32>} : memref<125x128xf32, #tpu.memory_space<vmem>>, vector<16xf32>,
        %parallel_loop3A_185 = arith.index_cast %parallel_loop3A_168 : i32 to index
        %parallel_loop3A_186 = arith.constant 32 : index
        %parallel_loop3A_187 = tpu.vector_load %arg8[%parallel_loop3A_185, %parallel_loop3A_186] {strides = array<i32>} : memref<125x128xf32, #tpu.memory_space<vmem>>, vector<16xf32>,
        %parallel_loop3A_188 = arith.mulf %parallel_loop3A_187, %parallel_loop3A_170 : vector<16xf32>
        %parallel_loop3A_189 = arith.index_cast %parallel_loop3A_168 : i32 to index
        %parallel_loop3A_190 = arith.constant 32 : index
        %parallel_loop3A_191 = tpu.vector_load %arg8[%parallel_loop3A_189, %parallel_loop3A_190] {strides = array<i32>} : memref<125x128xf32, #tpu.memory_space<vmem>>, vector<16xf32>,
        tpu.vector_store %arg8[%parallel_loop3A_189, %parallel_loop3A_190], %parallel_loop3A_188 {strides = array<i32>} : memref<125x128xf32, #tpu.memory_space<vmem>>, vector<16xf32>,
        %parallel_loop3A_192 = arith.index_cast %parallel_loop3A_168 : i32 to index
        %parallel_loop3A_193 = arith.constant 48 : index
        %parallel_loop3A_194 = tpu.vector_load %arg8[%parallel_loop3A_192, %parallel_loop3A_193] {strides = array<i32>} : memref<125x128xf32, #tpu.memory_space<vmem>>, vector<16xf32>,
        %parallel_loop3A_195 = arith.mulf %parallel_loop3A_194, %parallel_loop3A_170 : vector<16xf32>
        %parallel_loop3A_196 = arith.index_cast %parallel_loop3A_168 : i32 to index
        %parallel_loop3A_197 = arith.constant 48 : index
        %parallel_loop3A_198 = tpu.vector_load %arg8[%parallel_loop3A_196, %parallel_loop3A_197] {strides = array<i32>} : memref<125x128xf32, #tpu.memory_space<vmem>>, vector<16xf32>,
        tpu.vector_store %arg8[%parallel_loop3A_196, %parallel_loop3A_197], %parallel_loop3A_195 {strides = array<i32>} : memref<125x128xf32, #tpu.memory_space<vmem>>, vector<16xf32>,
        %parallel_loop3A_199 = arith.index_cast %parallel_loop3A_168 : i32 to index
        %parallel_loop3A_200 = arith.constant 64 : index
        %parallel_loop3A_201 = tpu.vector_load %arg8[%parallel_loop3A_199, %parallel_loop3A_200] {strides = array<i32>} : memref<125x128xf32, #tpu.memory_space<vmem>>, vector<16xf32>,
        %parallel_loop3A_202 = arith.mulf %parallel_loop3A_201, %parallel_loop3A_170 : vector<16xf32>
        %parallel_loop3A_203 = arith.index_cast %parallel_loop3A_168 : i32 to index
        %parallel_loop3A_204 = arith.constant 64 : index
        %parallel_loop3A_205 = tpu.vector_load %arg8[%parallel_loop3A_203, %parallel_loop3A_204] {strides = array<i32>} : memref<125x128xf32, #tpu.memory_space<vmem>>, vector<16xf32>,
        tpu.vector_store %arg8[%parallel_loop3A_203, %parallel_loop3A_204], %parallel_loop3A_202 {strides = array<i32>} : memref<125x128xf32, #tpu.memory_space<vmem>>, vector<16xf32>,
        %parallel_loop3A_206 = arith.index_cast %parallel_loop3A_168 : i32 to index
        %parallel_loop3A_207 = arith.constant 80 : index
        %parallel_loop3A_208 = tpu.vector_load %arg8[%parallel_loop3A_206, %parallel_loop3A_207] {strides = array<i32>} : memref<125x128xf32, #tpu.memory_space<vmem>>, vector<16xf32>,
        %parallel_loop3A_209 = arith.mulf %parallel_loop3A_208, %parallel_loop3A_170 : vector<16xf32>
        %parallel_loop3A_210 = arith.index_cast %parallel_loop3A_168 : i32 to index
        %parallel_loop3A_211 = arith.constant 80 : index
        %parallel_loop3A_212 = tpu.vector_load %arg8[%parallel_loop3A_210, %parallel_loop3A_211] {strides = array<i32>} : memref<125x128xf32, #tpu.memory_space<vmem>>, vector<16xf32>,
        tpu.vector_store %arg8[%parallel_loop3A_210, %parallel_loop3A_211], %parallel_loop3A_209 {strides = array<i32>} : memref<125x128xf32, #tpu.memory_space<vmem>>, vector<16xf32>,
        %parallel_loop3A_213 = arith.index_cast %parallel_loop3A_168 : i32 to index
        %parallel_loop3A_214 = arith.constant 96 : index
        %parallel_loop3A_215 = tpu.vector_load %arg8[%parallel_loop3A_213, %parallel_loop3A_214] {strides = array<i32>} : memref<125x128xf32, #tpu.memory_space<vmem>>, vector<16xf32>,
        %parallel_loop3A_216 = arith.mulf %parallel_loop3A_215, %parallel_loop3A_170 : vector<16xf32>
        %parallel_loop3A_217 = arith.index_cast %parallel_loop3A_168 : i32 to index
        %parallel_loop3A_218 = arith.constant 96 : index
        %parallel_loop3A_219 = tpu.vector_load %arg8[%parallel_loop3A_217, %parallel_loop3A_218] {strides = array<i32>} : memref<125x128xf32, #tpu.memory_space<vmem>>, vector<16xf32>,
        tpu.vector_store %arg8[%parallel_loop3A_217, %parallel_loop3A_218], %parallel_loop3A_216 {strides = array<i32>} : memref<125x128xf32, #tpu.memory_space<vmem>>, vector<16xf32>,
        %parallel_loop3A_220 = arith.index_cast %parallel_loop3A_168 : i32 to index
        %parallel_loop3A_221 = arith.constant 112 : index
        %parallel_loop3A_222 = tpu.vector_load %arg8[%parallel_loop3A_220, %parallel_loop3A_221] {strides = array<i32>} : memref<125x128xf32, #tpu.memory_space<vmem>>, vector<16xf32>,
        %parallel_loop3A_223 = arith.mulf %parallel_loop3A_222, %parallel_loop3A_170 : vector<16xf32>
        %parallel_loop3A_224 = arith.index_cast %parallel_loop3A_168 : i32 to index
        %parallel_loop3A_225 = arith.constant 112 : index
        %parallel_loop3A_226 = tpu.vector_load %arg8[%parallel_loop3A_224, %parallel_loop3A_225] {strides = array<i32>} : memref<125x128xf32, #tpu.memory_space<vmem>>, vector<16xf32>,
        tpu.vector_store %arg8[%parallel_loop3A_224, %parallel_loop3A_225], %parallel_loop3A_223 {strides = array<i32>} : memref<125x128xf32, #tpu.memory_space<vmem>>, vector<16xf32>,
      } {sc.loop_unroll_factor = 4 : i64, sc.parallel_access}
      %run_scoped3A = arith.constant 0 : i32
      "tpu.region"() ({
        %run_scoped3A_168 = tpu.sem_alloc : memref<!tpu.dma_semaphore, #tpu.memory_space<semaphore_mem>>
        %dma_start3A_169 = arith.constant 0 : i32
        %dma_start3A_170 = tpu.memref_slice %arg10[%run_scoped3A, %dma_start3A_169] : memref<2x125xi32, #tpu.memory_space<vmem>> -> memref<1x125xi32, #tpu.memory_space<vmem>>
        %dma_start3A_171 = tpu.memref_squeeze %dma_start3A_170 : memref<1x125xi32, #tpu.memory_space<vmem>> -> memref<125xi32, #tpu.memory_space<vmem>>
        %dma_start3A_172 = arith.constant 0 : i32
        %dma_start3A_173 = arith.constant 0 : i32
        %dma_start3A_174 = tpu.memref_slice %arg13[%dma_start3A_172, %dma_start3A_173] : memref<10000x128xf32, #tpu.memory_space<vmem_shared>> -> memref<10000x128xf32, #tpu.memory_space<vmem_shared>>
        tpu.enqueue_indirect_dma source(%arg8 : memref<125x128xf32, #tpu.memory_space<vmem>>) target(%dma_start3A_174 : memref<10000x128xf32, #tpu.memory_space<vmem_shared>>) offsets(%dma_start3A_171 : memref<125xi32, #tpu.memory_space<vmem>>) semaphore(%run_scoped3A_168 : memref<!tpu.dma_semaphore, #tpu.memory_space<semaphore_mem>>) {add = true}
        %dma_wait3A_175 = arith.constant 0 : i32
        %dma_wait3A_176 = tpu.memref_slice %arg10[%run_scoped3A, %dma_wait3A_175] : memref<2x125xi32, #tpu.memory_space<vmem>> -> memref<1x125xi32, #tpu.memory_space<vmem>>
        %dma_wait3A_177 = tpu.memref_squeeze %dma_wait3A_176 : memref<1x125xi32, #tpu.memory_space<vmem>> -> memref<125xi32, #tpu.memory_space<vmem>>
        %dma_wait3A_178 = arith.constant 0 : i32
        %dma_wait3A_179 = arith.constant 0 : i32
        %dma_wait3A_180 = tpu.memref_slice %arg13[%dma_wait3A_178, %dma_wait3A_179] : memref<10000x128xf32, #tpu.memory_space<vmem_shared>> -> memref<10000x128xf32, #tpu.memory_space<vmem_shared>>
        tpu.wait_indirect_dma semaphore(%run_scoped3A_168 : memref<!tpu.dma_semaphore, #tpu.memory_space<semaphore_mem>>) src(%arg8 : memref<125x128xf32, #tpu.memory_space<vmem>>) dst(%dma_wait3A_180 : memref<10000x128xf32, #tpu.memory_space<vmem_shared>>)
        tpu.yield
      }) : () -> ()
      %add3A_126 = arith.constant 1 : i32
      %add3A_127 = arith.addi %mul3A_68, %add3A_126 : i32
      %dma_wait3A_128 = arith.constant 0 : i32
      %dma_wait3A_129 = tpu.memref_slice %arg7[%add3A_127, %dma_wait3A_128] : memref<80x125xi32, #tpu.memory_space<vmem>> -> memref<1x125xi32, #tpu.memory_space<vmem>>
      %dma_wait3A_130 = tpu.memref_squeeze %dma_wait3A_129 : memref<1x125xi32, #tpu.memory_space<vmem>> -> memref<125xi32, #tpu.memory_space<vmem>>
      %dma_wait3A_131 = arith.constant 0 : i32
      %dma_wait3A_132 = arith.constant 0 : i32
      %dma_wait3A_133 = tpu.memref_slice %arg2[%dma_wait3A_131, %dma_wait3A_132] : memref<10000x128xf32, #tpu.memory_space<hbm>> -> memref<10000x128xf32, #tpu.memory_space<hbm>>
      tpu.wait_indirect_dma semaphore(%arg15 : memref<!tpu.dma_semaphore, #tpu.memory_space<semaphore_mem>>) src(%dma_wait3A_133 : memref<10000x128xf32, #tpu.memory_space<hbm>>) dst(%arg9 : memref<125x128xf32, #tpu.memory_space<vmem>>)
      %lt3A_134 = arith.constant 39 : i32
      %lt3A_135 = arith.cmpi slt, %scan3A_66, %lt3A_134 : i32
      %convert_element_type3A_136 = arith.extui %lt3A_135 : i1 to i32
      %cond3A_137 = arith.constant 0 : i32
      %cond3A_138 = arith.cmpi ne, %convert_element_type3A_136, %cond3A_137 : i32
      scf.if %cond3A_138 {
        %add3A_168 = arith.constant 2 : i32
        %add3A_169 = arith.addi %mul3A_68, %add3A_168 : i32
        %dma_start3A_170 = arith.constant 0 : i32
        %dma_start3A_171 = arith.constant 0 : i32
        %dma_start3A_172 = tpu.memref_slice %arg10[%dma_start3A_170, %dma_start3A_171] : memref<2x125xi32, #tpu.memory_space<vmem>> -> memref<1x125xi32, #tpu.memory_space<vmem>>
        %dma_start3A_173 = tpu.memref_squeeze %dma_start3A_172 : memref<1x125xi32, #tpu.memory_space<vmem>> -> memref<125xi32, #tpu.memory_space<vmem>>
        %dma_start3A_174 = arith.constant 0 : i32
        %dma_start3A_175 = tpu.memref_slice %arg4[%add3A, %add3A_169, %dma_start3A_174] : memref<32x80x125xi32, #tpu.memory_space<hbm>> -> memref<1x1x125xi32, #tpu.memory_space<hbm>>
        %dma_start3A_176 = tpu.memref_squeeze %dma_start3A_175 : memref<1x1x125xi32, #tpu.memory_space<hbm>> -> memref<125xi32, #tpu.memory_space<hbm>>
        %dma_start3A_177 = arith.constant 0 : i32
        %dma_start3A_178 = tpu.memref_slice %arg10[%dma_start3A_170, %dma_start3A_177] : memref<2x125xi32, #tpu.memory_space<vmem>> -> memref<1x125xi32, #tpu.memory_space<vmem>>
        %dma_start3A_179 = tpu.memref_squeeze %dma_start3A_178 : memref<1x125xi32, #tpu.memory_space<vmem>> -> memref<125xi32, #tpu.memory_space<vmem>>
        %dma_start3A_180 = arith.constant 0 : i32
        %dma_start3A_181 = tpu.memref_slice %arg4[%add3A, %add3A_169, %dma_start3A_180] : memref<32x80x125xi32, #tpu.memory_space<hbm>> -> memref<1x1x125xi32, #tpu.memory_space<hbm>>
        %dma_start3A_182 = tpu.memref_squeeze %dma_start3A_181 : memref<1x1x125xi32, #tpu.memory_space<hbm>> -> memref<125xi32, #tpu.memory_space<hbm>>
        tpu.enqueue_dma source(%dma_start3A_182 : memref<125xi32, #tpu.memory_space<hbm>>) target(%dma_start3A_179 : memref<125xi32, #tpu.memory_space<vmem>>) target_semaphore(%arg16 : memref<!tpu.dma_semaphore, #tpu.memory_space<semaphore_mem>>)
        %add3A_183 = arith.constant 2 : i32
        %add3A_184 = arith.addi %mul3A_68, %add3A_183 : i32
        %dma_start3A_185 = arith.constant 0 : i32
        %dma_start3A_186 = tpu.memref_slice %arg5[%add3A, %add3A_184, %dma_start3A_185] : memref<32x80x125xf32, #tpu.memory_space<hbm>> -> memref<1x1x125xf32, #tpu.memory_space<hbm>>
        %dma_start3A_187 = tpu.memref_squeeze %dma_start3A_186 : memref<1x1x125xf32, #tpu.memory_space<hbm>> -> memref<125xf32, #tpu.memory_space<hbm>>
        %dma_start3A_188 = arith.constant 0 : i32
        %dma_start3A_189 = tpu.memref_slice %arg5[%add3A, %add3A_184, %dma_start3A_188] : memref<32x80x125xf32, #tpu.memory_space<hbm>> -> memref<1x1x125xf32, #tpu.memory_space<hbm>>
        %dma_start3A_190 = tpu.memref_squeeze %dma_start3A_189 : memref<1x1x125xf32, #tpu.memory_space<hbm>> -> memref<125xf32, #tpu.memory_space<hbm>>
        tpu.enqueue_dma source(%dma_start3A_190 : memref<125xf32, #tpu.memory_space<hbm>>) target(%arg11 : memref<125xf32, #tpu.memory_space<vmem>>) target_semaphore(%arg16 : memref<!tpu.dma_semaphore, #tpu.memory_space<semaphore_mem>>)
        %add3A_191 = arith.constant 2 : i32
        %add3A_192 = arith.addi %mul3A_68, %add3A_191 : i32
        %dma_start3A_193 = arith.constant 0 : i32
        %dma_start3A_194 = tpu.memref_slice %arg7[%add3A_192, %dma_start3A_193] : memref<80x125xi32, #tpu.memory_space<vmem>> -> memref<1x125xi32, #tpu.memory_space<vmem>>
        %dma_start3A_195 = tpu.memref_squeeze %dma_start3A_194 : memref<1x125xi32, #tpu.memory_space<vmem>> -> memref<125xi32, #tpu.memory_space<vmem>>
        %dma_start3A_196 = arith.constant 0 : i32
        %dma_start3A_197 = arith.constant 0 : i32
        %dma_start3A_198 = tpu.memref_slice %arg2[%dma_start3A_196, %dma_start3A_197] : memref<10000x128xf32, #tpu.memory_space<hbm>> -> memref<10000x128xf32, #tpu.memory_space<hbm>>
        tpu.enqueue_indirect_dma source(%dma_start3A_198 : memref<10000x128xf32, #tpu.memory_space<hbm>>) target(%arg8 : memref<125x128xf32, #tpu.memory_space<vmem>>) offsets(%dma_start3A_195 : memref<125xi32, #tpu.memory_space<vmem>>) semaphore(%arg14 : memref<!tpu.dma_semaphore, #tpu.memory_space<semaphore_mem>>)
      } else {
      }
      %add3A_139 = arith.constant 1 : i32
      %add3A_140 = arith.addi %mul3A_68, %add3A_139 : i32
      %dma_wait3A_141 = arith.constant 1 : i32
      %dma_wait3A_142 = arith.constant 0 : i32
      %dma_wait3A_143 = tpu.memref_slice %arg10[%dma_wait3A_141, %dma_wait3A_142] : memref<2x125xi32, #tpu.memory_space<vmem>> -> memref<1x125xi32, #tpu.memory_space<vmem>>
      %dma_wait3A_144 = tpu.memref_squeeze %dma_wait3A_143 : memref<1x125xi32, #tpu.memory_space<vmem>> -> memref<125xi32, #tpu.memory_space<vmem>>
      %dma_wait3A_145 = arith.constant 0 : i32
      %dma_wait3A_146 = tpu.memref_slice %arg4[%add3A, %add3A_140, %dma_wait3A_145] : memref<32x80x125xi32, #tpu.memory_space<hbm>> -> memref<1x1x125xi32, #tpu.memory_space<hbm>>
      %dma_wait3A_147 = tpu.memref_squeeze %dma_wait3A_146 : memref<1x1x125xi32, #tpu.memory_space<hbm>> -> memref<125xi32, #tpu.memory_space<hbm>>
      %dma_wait3A_148 = arith.constant 0 : i32
      %dma_wait3A_149 = tpu.memref_slice %arg10[%dma_wait3A_141, %dma_wait3A_148] : memref<2x125xi32, #tpu.memory_space<vmem>> -> memref<1x125xi32, #tpu.memory_space<vmem>>
      %dma_wait3A_150 = tpu.memref_squeeze %dma_wait3A_149 : memref<1x125xi32, #tpu.memory_space<vmem>> -> memref<125xi32, #tpu.memory_space<vmem>>
      %dma_wait3A_151 = arith.constant 0 : i32
      %dma_wait3A_152 = tpu.memref_slice %arg4[%add3A, %add3A_140, %dma_wait3A_151] : memref<32x80x125xi32, #tpu.memory_space<hbm>> -> memref<1x1x125xi32, #tpu.memory_space<hbm>>
      %dma_wait3A_153 = tpu.memref_squeeze %dma_wait3A_152 : memref<1x1x125xi32, #tpu.memory_space<hbm>> -> memref<125xi32, #tpu.memory_space<hbm>>
      tpu.wait_dma2 semaphore(%arg17 : memref<!tpu.dma_semaphore, #tpu.memory_space<semaphore_mem>>) src(%dma_wait3A_153 : memref<125xi32, #tpu.memory_space<hbm>>) dst(%dma_wait3A_150 : memref<125xi32, #tpu.memory_space<vmem>>)
      %add3A_154 = arith.constant 1 : i32
      %add3A_155 = arith.addi %mul3A_68, %add3A_154 : i32
      %dma_wait3A_156 = arith.constant 0 : i32
      %dma_wait3A_157 = tpu.memref_slice %arg5[%add3A, %add3A_155, %dma_wait3A_156] : memref<32x80x125xf32, #tpu.memory_space<hbm>> -> memref<1x1x125xf32, #tpu.memory_space<hbm>>
      %dma_wait3A_158 = tpu.memref_squeeze %dma_wait3A_157 : memref<1x1x125xf32, #tpu.memory_space<hbm>> -> memref<125xf32, #tpu.memory_space<hbm>>
      %dma_wait3A_159 = arith.constant 0 : i32
      %dma_wait3A_160 = tpu.memref_slice %arg5[%add3A, %add3A_155, %dma_wait3A_159] : memref<32x80x125xf32, #tpu.memory_space<hbm>> -> memref<1x1x125xf32, #tpu.memory_space<hbm>>
      %dma_wait3A_161 = tpu.memref_squeeze %dma_wait3A_160 : memref<1x1x125xf32, #tpu.memory_space<hbm>> -> memref<125xf32, #tpu.memory_space<hbm>>
      tpu.wait_dma2 semaphore(%arg17 : memref<!tpu.dma_semaphore, #tpu.memory_space<semaphore_mem>>) src(%dma_wait3A_161 : memref<125xf32, #tpu.memory_space<hbm>>) dst(%arg12 : memref<125xf32, #tpu.memory_space<vmem>>)
      %add3A_162 = arith.constant 1 : i32
      %add3A_163 = arith.addi %mul3A_68, %add3A_162 : i32
      %parallel_loop3A_164 = arith.constant 0 : i32
      %parallel_loop3A_165 = arith.constant 125 : i32
      %parallel_loop3A_166 = arith.constant 1 : i32
      scf.for %parallel_loop3A_168 = %parallel_loop3A_164 to %parallel_loop3A_165 step %parallel_loop3A_166  : i32 {
        %parallel_loop3A_169 = vector.broadcast %parallel_loop3A_168 : i32 to vector<16xi32>
        %parallel_loop3A_170 = tpu.vector_load_idx %arg12[%parallel_loop3A_169] : memref<125xf32, #tpu.memory_space<vmem>>[vector<16xi32>], vector<16xf32>,
        %parallel_loop3A_171 = arith.index_cast %parallel_loop3A_168 : i32 to index
        %parallel_loop3A_172 = arith.constant 0 : index
        %parallel_loop3A_173 = tpu.vector_load %arg9[%parallel_loop3A_171, %parallel_loop3A_172] {strides = array<i32>} : memref<125x128xf32, #tpu.memory_space<vmem>>, vector<16xf32>,
        %parallel_loop3A_174 = arith.mulf %parallel_loop3A_173, %parallel_loop3A_170 : vector<16xf32>
        %parallel_loop3A_175 = arith.index_cast %parallel_loop3A_168 : i32 to index
        %parallel_loop3A_176 = arith.constant 0 : index
        %parallel_loop3A_177 = tpu.vector_load %arg9[%parallel_loop3A_175, %parallel_loop3A_176] {strides = array<i32>} : memref<125x128xf32, #tpu.memory_space<vmem>>, vector<16xf32>,
        tpu.vector_store %arg9[%parallel_loop3A_175, %parallel_loop3A_176], %parallel_loop3A_174 {strides = array<i32>} : memref<125x128xf32, #tpu.memory_space<vmem>>, vector<16xf32>,
        %parallel_loop3A_178 = arith.index_cast %parallel_loop3A_168 : i32 to index
        %parallel_loop3A_179 = arith.constant 16 : index
        %parallel_loop3A_180 = tpu.vector_load %arg9[%parallel_loop3A_178, %parallel_loop3A_179] {strides = array<i32>} : memref<125x128xf32, #tpu.memory_space<vmem>>, vector<16xf32>,
        %parallel_loop3A_181 = arith.mulf %parallel_loop3A_180, %parallel_loop3A_170 : vector<16xf32>
        %parallel_loop3A_182 = arith.index_cast %parallel_loop3A_168 : i32 to index
        %parallel_loop3A_183 = arith.constant 16 : index
        %parallel_loop3A_184 = tpu.vector_load %arg9[%parallel_loop3A_182, %parallel_loop3A_183] {strides = array<i32>} : memref<125x128xf32, #tpu.memory_space<vmem>>, vector<16xf32>,
        tpu.vector_store %arg9[%parallel_loop3A_182, %parallel_loop3A_183], %parallel_loop3A_181 {strides = array<i32>} : memref<125x128xf32, #tpu.memory_space<vmem>>, vector<16xf32>,
        %parallel_loop3A_185 = arith.index_cast %parallel_loop3A_168 : i32 to index
        %parallel_loop3A_186 = arith.constant 32 : index
        %parallel_loop3A_187 = tpu.vector_load %arg9[%parallel_loop3A_185, %parallel_loop3A_186] {strides = array<i32>} : memref<125x128xf32, #tpu.memory_space<vmem>>, vector<16xf32>,
        %parallel_loop3A_188 = arith.mulf %parallel_loop3A_187, %parallel_loop3A_170 : vector<16xf32>
        %parallel_loop3A_189 = arith.index_cast %parallel_loop3A_168 : i32 to index
        %parallel_loop3A_190 = arith.constant 32 : index
        %parallel_loop3A_191 = tpu.vector_load %arg9[%parallel_loop3A_189, %parallel_loop3A_190] {strides = array<i32>} : memref<125x128xf32, #tpu.memory_space<vmem>>, vector<16xf32>,
        tpu.vector_store %arg9[%parallel_loop3A_189, %parallel_loop3A_190], %parallel_loop3A_188 {strides = array<i32>} : memref<125x128xf32, #tpu.memory_space<vmem>>, vector<16xf32>,
        %parallel_loop3A_192 = arith.index_cast %parallel_loop3A_168 : i32 to index
        %parallel_loop3A_193 = arith.constant 48 : index
        %parallel_loop3A_194 = tpu.vector_load %arg9[%parallel_loop3A_192, %parallel_loop3A_193] {strides = array<i32>} : memref<125x128xf32, #tpu.memory_space<vmem>>, vector<16xf32>,
        %parallel_loop3A_195 = arith.mulf %parallel_loop3A_194, %parallel_loop3A_170 : vector<16xf32>
        %parallel_loop3A_196 = arith.index_cast %parallel_loop3A_168 : i32 to index
        %parallel_loop3A_197 = arith.constant 48 : index
        %parallel_loop3A_198 = tpu.vector_load %arg9[%parallel_loop3A_196, %parallel_loop3A_197] {strides = array<i32>} : memref<125x128xf32, #tpu.memory_space<vmem>>, vector<16xf32>,
        tpu.vector_store %arg9[%parallel_loop3A_196, %parallel_loop3A_197], %parallel_loop3A_195 {strides = array<i32>} : memref<125x128xf32, #tpu.memory_space<vmem>>, vector<16xf32>,
        %parallel_loop3A_199 = arith.index_cast %parallel_loop3A_168 : i32 to index
        %parallel_loop3A_200 = arith.constant 64 : index
        %parallel_loop3A_201 = tpu.vector_load %arg9[%parallel_loop3A_199, %parallel_loop3A_200] {strides = array<i32>} : memref<125x128xf32, #tpu.memory_space<vmem>>, vector<16xf32>,
        %parallel_loop3A_202 = arith.mulf %parallel_loop3A_201, %parallel_loop3A_170 : vector<16xf32>
        %parallel_loop3A_203 = arith.index_cast %parallel_loop3A_168 : i32 to index
        %parallel_loop3A_204 = arith.constant 64 : index
        %parallel_loop3A_205 = tpu.vector_load %arg9[%parallel_loop3A_203, %parallel_loop3A_204] {strides = array<i32>} : memref<125x128xf32, #tpu.memory_space<vmem>>, vector<16xf32>,
        tpu.vector_store %arg9[%parallel_loop3A_203, %parallel_loop3A_204], %parallel_loop3A_202 {strides = array<i32>} : memref<125x128xf32, #tpu.memory_space<vmem>>, vector<16xf32>,
        %parallel_loop3A_206 = arith.index_cast %parallel_loop3A_168 : i32 to index
        %parallel_loop3A_207 = arith.constant 80 : index
        %parallel_loop3A_208 = tpu.vector_load %arg9[%parallel_loop3A_206, %parallel_loop3A_207] {strides = array<i32>} : memref<125x128xf32, #tpu.memory_space<vmem>>, vector<16xf32>,
        %parallel_loop3A_209 = arith.mulf %parallel_loop3A_208, %parallel_loop3A_170 : vector<16xf32>
        %parallel_loop3A_210 = arith.index_cast %parallel_loop3A_168 : i32 to index
        %parallel_loop3A_211 = arith.constant 80 : index
        %parallel_loop3A_212 = tpu.vector_load %arg9[%parallel_loop3A_210, %parallel_loop3A_211] {strides = array<i32>} : memref<125x128xf32, #tpu.memory_space<vmem>>, vector<16xf32>,
        tpu.vector_store %arg9[%parallel_loop3A_210, %parallel_loop3A_211], %parallel_loop3A_209 {strides = array<i32>} : memref<125x128xf32, #tpu.memory_space<vmem>>, vector<16xf32>,
        %parallel_loop3A_213 = arith.index_cast %parallel_loop3A_168 : i32 to index
        %parallel_loop3A_214 = arith.constant 96 : index
        %parallel_loop3A_215 = tpu.vector_load %arg9[%parallel_loop3A_213, %parallel_loop3A_214] {strides = array<i32>} : memref<125x128xf32, #tpu.memory_space<vmem>>, vector<16xf32>,
        %parallel_loop3A_216 = arith.mulf %parallel_loop3A_215, %parallel_loop3A_170 : vector<16xf32>
        %parallel_loop3A_217 = arith.index_cast %parallel_loop3A_168 : i32 to index
        %parallel_loop3A_218 = arith.constant 96 : index
        %parallel_loop3A_219 = tpu.vector_load %arg9[%parallel_loop3A_217, %parallel_loop3A_218] {strides = array<i32>} : memref<125x128xf32, #tpu.memory_space<vmem>>, vector<16xf32>,
        tpu.vector_store %arg9[%parallel_loop3A_217, %parallel_loop3A_218], %parallel_loop3A_216 {strides = array<i32>} : memref<125x128xf32, #tpu.memory_space<vmem>>, vector<16xf32>,
        %parallel_loop3A_220 = arith.index_cast %parallel_loop3A_168 : i32 to index
        %parallel_loop3A_221 = arith.constant 112 : index
        %parallel_loop3A_222 = tpu.vector_load %arg9[%parallel_loop3A_220, %parallel_loop3A_221] {strides = array<i32>} : memref<125x128xf32, #tpu.memory_space<vmem>>, vector<16xf32>,
        %parallel_loop3A_223 = arith.mulf %parallel_loop3A_222, %parallel_loop3A_170 : vector<16xf32>
        %parallel_loop3A_224 = arith.index_cast %parallel_loop3A_168 : i32 to index
        %parallel_loop3A_225 = arith.constant 112 : index
        %parallel_loop3A_226 = tpu.vector_load %arg9[%parallel_loop3A_224, %parallel_loop3A_225] {strides = array<i32>} : memref<125x128xf32, #tpu.memory_space<vmem>>, vector<16xf32>,
        tpu.vector_store %arg9[%parallel_loop3A_224, %parallel_loop3A_225], %parallel_loop3A_223 {strides = array<i32>} : memref<125x128xf32, #tpu.memory_space<vmem>>, vector<16xf32>,
      } {sc.loop_unroll_factor = 4 : i64, sc.parallel_access}
      %run_scoped3A_167 = arith.constant 1 : i32
      "tpu.region"() ({
        %run_scoped3A_168 = tpu.sem_alloc : memref<!tpu.dma_semaphore, #tpu.memory_space<semaphore_mem>>
        %dma_start3A_169 = arith.constant 0 : i32
        %dma_start3A_170 = tpu.memref_slice %arg10[%run_scoped3A_167, %dma_start3A_169] : memref<2x125xi32, #tpu.memory_space<vmem>> -> memref<1x125xi32, #tpu.memory_space<vmem>>
        %dma_start3A_171 = tpu.memref_squeeze %dma_start3A_170 : memref<1x125xi32, #tpu.memory_space<vmem>> -> memref<125xi32, #tpu.memory_space<vmem>>
        %dma_start3A_172 = arith.constant 0 : i32
        %dma_start3A_173 = arith.constant 0 : i32
        %dma_start3A_174 = tpu.memref_slice %arg13[%dma_start3A_172, %dma_start3A_173] : memref<10000x128xf32, #tpu.memory_space<vmem_shared>> -> memref<10000x128xf32, #tpu.memory_space<vmem_shared>>
        tpu.enqueue_indirect_dma source(%arg9 : memref<125x128xf32, #tpu.memory_space<vmem>>) target(%dma_start3A_174 : memref<10000x128xf32, #tpu.memory_space<vmem_shared>>) offsets(%dma_start3A_171 : memref<125xi32, #tpu.memory_space<vmem>>) semaphore(%run_scoped3A_168 : memref<!tpu.dma_semaphore, #tpu.memory_space<semaphore_mem>>) {add = true}
        %dma_wait3A_175 = arith.constant 0 : i32
        %dma_wait3A_176 = tpu.memref_slice %arg10[%run_scoped3A_167, %dma_wait3A_175] : memref<2x125xi32, #tpu.memory_space<vmem>> -> memref<1x125xi32, #tpu.memory_space<vmem>>
        %dma_wait3A_177 = tpu.memref_squeeze %dma_wait3A_176 : memref<1x125xi32, #tpu.memory_space<vmem>> -> memref<125xi32, #tpu.memory_space<vmem>>
        %dma_wait3A_178 = arith.constant 0 : i32
        %dma_wait3A_179 = arith.constant 0 : i32
        %dma_wait3A_180 = tpu.memref_slice %arg13[%dma_wait3A_178, %dma_wait3A_179] : memref<10000x128xf32, #tpu.memory_space<vmem_shared>> -> memref<10000x128xf32, #tpu.memory_space<vmem_shared>>
        tpu.wait_indirect_dma semaphore(%run_scoped3A_168 : memref<!tpu.dma_semaphore, #tpu.memory_space<semaphore_mem>>) src(%arg9 : memref<125x128xf32, #tpu.memory_space<vmem>>) dst(%dma_wait3A_180 : memref<10000x128xf32, #tpu.memory_space<vmem_shared>>)
        tpu.yield
      }) : () -> ()
    }
    %scan3A_58 = arith.constant 40 : i32
    %barrier3A_59 = arith.constant 0 : index
    tpu.barrier barrier_id(%barrier3A_59)
    %lt3A = arith.constant 15 : i32
    %lt3A_60 = arith.cmpi slt, %arg1, %lt3A : i32
    %convert_element_type3A = arith.extui %lt3A_60 : i1 to i32
    %cond3A = arith.constant 0 : i32
    %cond3A_61 = arith.cmpi ne, %convert_element_type3A, %cond3A : i32
    scf.if %cond3A_61 {
      %mul3A_66 = arith.constant 624 : i32
      %mul3A_67 = arith.muli %arg1, %mul3A_66 : i32
      %mul3A_68 = arith.constant 624 : i32
      %mul3A_69 = arith.muli %arg1, %mul3A_68 : i32
      "tpu.region"() ({
        %run_scoped3A = tpu.sem_alloc : memref<!tpu.dma_semaphore, #tpu.memory_space<semaphore_mem>>
        %dma_start3A_70 = arith.constant 0 : i32
        %dma_start3A_71 = tpu.memref_slice %arg6[%arg0, %mul3A_69, %dma_start3A_70] : memref<2x10000x128xf32, #tpu.memory_space<hbm>> -> memref<1x624x128xf32, #tpu.memory_space<hbm>>
        %dma_start3A_72 = tpu.memref_squeeze %dma_start3A_71 : memref<1x624x128xf32, #tpu.memory_space<hbm>> -> memref<624x128xf32, #tpu.memory_space<hbm>>
        %dma_start3A_73 = arith.constant 0 : i32
        %dma_start3A_74 = tpu.memref_slice %arg13[%mul3A_67, %dma_start3A_73] : memref<10000x128xf32, #tpu.memory_space<vmem_shared>> -> memref<624x128xf32, #tpu.memory_space<vmem_shared>>
        tpu.enqueue_dma source(%dma_start3A_74 : memref<624x128xf32, #tpu.memory_space<vmem_shared>>) target(%dma_start3A_72 : memref<624x128xf32, #tpu.memory_space<hbm>>) target_semaphore(%run_scoped3A : memref<!tpu.dma_semaphore, #tpu.memory_space<semaphore_mem>>)
        %dma_wait3A = arith.constant 0 : i32
        %dma_wait3A_75 = tpu.memref_slice %arg6[%arg0, %mul3A_69, %dma_wait3A] : memref<2x10000x128xf32, #tpu.memory_space<hbm>> -> memref<1x624x128xf32, #tpu.memory_space<hbm>>
        %dma_wait3A_76 = tpu.memref_squeeze %dma_wait3A_75 : memref<1x624x128xf32, #tpu.memory_space<hbm>> -> memref<624x128xf32, #tpu.memory_space<hbm>>
        %dma_wait3A_77 = arith.constant 0 : i32
        %dma_wait3A_78 = tpu.memref_slice %arg13[%mul3A_67, %dma_wait3A_77] : memref<10000x128xf32, #tpu.memory_space<vmem_shared>> -> memref<624x128xf32, #tpu.memory_space<vmem_shared>>
        tpu.wait_dma2 semaphore(%run_scoped3A : memref<!tpu.dma_semaphore, #tpu.memory_space<semaphore_mem>>) src(%dma_wait3A_78 : memref<624x128xf32, #tpu.memory_space<vmem_shared>>) dst(%dma_wait3A_76 : memref<624x128xf32, #tpu.memory_space<hbm>>)
        tpu.yield
      }) : () -> ()
    } else {
    }
    %eq3A = arith.constant 15 : i32
    %eq3A_62 = arith.cmpi eq, %arg1, %eq3A : i32
    %convert_element_type3A_63 = arith.extui %eq3A_62 : i1 to i32
    %cond3A_64 = arith.constant 0 : i32
    %cond3A_65 = arith.cmpi ne, %convert_element_type3A_63, %cond3A_64 : i32
    scf.if %cond3A_65 {
      "tpu.region"() ({
        %run_scoped3A = tpu.sem_alloc : memref<!tpu.dma_semaphore, #tpu.memory_space<semaphore_mem>>
        %dma_start3A_66 = arith.constant 9360 : i32
        %dma_start3A_67 = arith.constant 0 : i32
        %dma_start3A_68 = tpu.memref_slice %arg6[%arg0, %dma_start3A_66, %dma_start3A_67] : memref<2x10000x128xf32, #tpu.memory_space<hbm>> -> memref<1x640x128xf32, #tpu.memory_space<hbm>>
        %dma_start3A_69 = tpu.memref_squeeze %dma_start3A_68 : memref<1x640x128xf32, #tpu.memory_space<hbm>> -> memref<640x128xf32, #tpu.memory_space<hbm>>
        %dma_start3A_70 = arith.constant 9360 : i32
        %dma_start3A_71 = arith.constant 0 : i32
        %dma_start3A_72 = tpu.memref_slice %arg13[%dma_start3A_70, %dma_start3A_71] : memref<10000x128xf32, #tpu.memory_space<vmem_shared>> -> memref<640x128xf32, #tpu.memory_space<vmem_shared>>
        tpu.enqueue_dma source(%dma_start3A_72 : memref<640x128xf32, #tpu.memory_space<vmem_shared>>) target(%dma_start3A_69 : memref<640x128xf32, #tpu.memory_space<hbm>>) target_semaphore(%run_scoped3A : memref<!tpu.dma_semaphore, #tpu.memory_space<semaphore_mem>>)
        %dma_wait3A = arith.constant 9360 : i32
        %dma_wait3A_73 = arith.constant 0 : i32
        %dma_wait3A_74 = tpu.memref_slice %arg6[%arg0, %dma_wait3A, %dma_wait3A_73] : memref<2x10000x128xf32, #tpu.memory_space<hbm>> -> memref<1x640x128xf32, #tpu.memory_space<hbm>>
        %dma_wait3A_75 = tpu.memref_squeeze %dma_wait3A_74 : memref<1x640x128xf32, #tpu.memory_space<hbm>> -> memref<640x128xf32, #tpu.memory_space<hbm>>
        %dma_wait3A_76 = arith.constant 9360 : i32
        %dma_wait3A_77 = arith.constant 0 : i32
        %dma_wait3A_78 = tpu.memref_slice %arg13[%dma_wait3A_76, %dma_wait3A_77] : memref<10000x128xf32, #tpu.memory_space<vmem_shared>> -> memref<640x128xf32, #tpu.memory_space<vmem_shared>>
        tpu.wait_dma2 semaphore(%run_scoped3A : memref<!tpu.dma_semaphore, #tpu.memory_space<semaphore_mem>>) src(%dma_wait3A_78 : memref<640x128xf32, #tpu.memory_space<vmem_shared>>) dst(%dma_wait3A_75 : memref<640x128xf32, #tpu.memory_space<hbm>>)
        tpu.yield
      }) : () -> ()
    } else {
    }
    return
  }
}

#map = affine_map<(d0, d1) -> (0, 0)>
module attributes {stable_mosaic.version = 14 : i64} {
  func.func @_softmax_stats_body(%arg0: i32, %arg1: i32, %arg2: memref<32x10000xf32, #tpu.memory_space<hbm>>, %arg3: memref<32x10000xi32, #tpu.memory_space<hbm>>, %arg4: memref<32x10000xf32, #tpu.memory_space<hbm>>, %arg5: memref<32x10000xf32, #tpu.memory_space<hbm>>, %arg6: memref<10000xf32, #tpu.memory_space<vmem>>, %arg7: memref<10000xi32, #tpu.memory_space<vmem>>, %arg8: memref<10000xf32, #tpu.memory_space<vmem>>, %arg9: memref<10000xf32, #tpu.memory_space<vmem>>) attributes {dimension_semantics = [#tpu.dimension_semantics<core_parallel>, #tpu.dimension_semantics<subcore_parallel>], iteration_bounds = array<i64: 2, 16>, scalar_prefetch = 0 : i64, scratch_operands = 4 : i64, tpu.core_type = #tpu.core_type<sc_vector_subcore>, window_params = [{transform_indices = #map}, {transform_indices = #map}, {transform_indices = #map}, {transform_indices = #map}]} {
    %mul3A = arith.constant 2 : i32
    %mul3A_0 = arith.muli %arg1, %mul3A : i32
    %add3A = arith.addi %mul3A_0, %arg0 : i32
    "tpu.region"() ({
      %run_scoped3A = tpu.sem_alloc : memref<!tpu.dma_semaphore, #tpu.memory_space<semaphore_mem>>
      %dma_start3A = arith.constant 0 : i32
      %dma_start3A_12 = tpu.memref_slice %arg2[%add3A, %dma_start3A] : memref<32x10000xf32, #tpu.memory_space<hbm>> -> memref<1x10000xf32, #tpu.memory_space<hbm>>
      %dma_start3A_13 = tpu.memref_squeeze %dma_start3A_12 : memref<1x10000xf32, #tpu.memory_space<hbm>> -> memref<10000xf32, #tpu.memory_space<hbm>>
      %dma_start3A_14 = arith.constant 0 : i32
      %dma_start3A_15 = tpu.memref_slice %arg2[%add3A, %dma_start3A_14] : memref<32x10000xf32, #tpu.memory_space<hbm>> -> memref<1x10000xf32, #tpu.memory_space<hbm>>
      %dma_start3A_16 = tpu.memref_squeeze %dma_start3A_15 : memref<1x10000xf32, #tpu.memory_space<hbm>> -> memref<10000xf32, #tpu.memory_space<hbm>>
      tpu.enqueue_dma source(%dma_start3A_16 : memref<10000xf32, #tpu.memory_space<hbm>>) target(%arg6 : memref<10000xf32, #tpu.memory_space<vmem>>) target_semaphore(%run_scoped3A : memref<!tpu.dma_semaphore, #tpu.memory_space<semaphore_mem>>)
      %dma_wait3A = arith.constant 0 : i32
      %dma_wait3A_17 = tpu.memref_slice %arg2[%add3A, %dma_wait3A] : memref<32x10000xf32, #tpu.memory_space<hbm>> -> memref<1x10000xf32, #tpu.memory_space<hbm>>
      %dma_wait3A_18 = tpu.memref_squeeze %dma_wait3A_17 : memref<1x10000xf32, #tpu.memory_space<hbm>> -> memref<10000xf32, #tpu.memory_space<hbm>>
      %dma_wait3A_19 = arith.constant 0 : i32
      %dma_wait3A_20 = tpu.memref_slice %arg2[%add3A, %dma_wait3A_19] : memref<32x10000xf32, #tpu.memory_space<hbm>> -> memref<1x10000xf32, #tpu.memory_space<hbm>>
      %dma_wait3A_21 = tpu.memref_squeeze %dma_wait3A_20 : memref<1x10000xf32, #tpu.memory_space<hbm>> -> memref<10000xf32, #tpu.memory_space<hbm>>
      tpu.wait_dma2 semaphore(%run_scoped3A : memref<!tpu.dma_semaphore, #tpu.memory_space<semaphore_mem>>) src(%dma_wait3A_21 : memref<10000xf32, #tpu.memory_space<hbm>>) dst(%arg6 : memref<10000xf32, #tpu.memory_space<vmem>>)
      tpu.yield
    }) : () -> ()
    "tpu.region"() ({
      %run_scoped3A = tpu.sem_alloc : memref<!tpu.dma_semaphore, #tpu.memory_space<semaphore_mem>>
      %dma_start3A = arith.constant 0 : i32
      %dma_start3A_12 = tpu.memref_slice %arg3[%add3A, %dma_start3A] : memref<32x10000xi32, #tpu.memory_space<hbm>> -> memref<1x10000xi32, #tpu.memory_space<hbm>>
      %dma_start3A_13 = tpu.memref_squeeze %dma_start3A_12 : memref<1x10000xi32, #tpu.memory_space<hbm>> -> memref<10000xi32, #tpu.memory_space<hbm>>
      %dma_start3A_14 = arith.constant 0 : i32
      %dma_start3A_15 = tpu.memref_slice %arg3[%add3A, %dma_start3A_14] : memref<32x10000xi32, #tpu.memory_space<hbm>> -> memref<1x10000xi32, #tpu.memory_space<hbm>>
      %dma_start3A_16 = tpu.memref_squeeze %dma_start3A_15 : memref<1x10000xi32, #tpu.memory_space<hbm>> -> memref<10000xi32, #tpu.memory_space<hbm>>
      tpu.enqueue_dma source(%dma_start3A_16 : memref<10000xi32, #tpu.memory_space<hbm>>) target(%arg7 : memref<10000xi32, #tpu.memory_space<vmem>>) target_semaphore(%run_scoped3A : memref<!tpu.dma_semaphore, #tpu.memory_space<semaphore_mem>>)
      %dma_wait3A = arith.constant 0 : i32
      %dma_wait3A_17 = tpu.memref_slice %arg3[%add3A, %dma_wait3A] : memref<32x10000xi32, #tpu.memory_space<hbm>> -> memref<1x10000xi32, #tpu.memory_space<hbm>>
      %dma_wait3A_18 = tpu.memref_squeeze %dma_wait3A_17 : memref<1x10000xi32, #tpu.memory_space<hbm>> -> memref<10000xi32, #tpu.memory_space<hbm>>
      %dma_wait3A_19 = arith.constant 0 : i32
      %dma_wait3A_20 = tpu.memref_slice %arg3[%add3A, %dma_wait3A_19] : memref<32x10000xi32, #tpu.memory_space<hbm>> -> memref<1x10000xi32, #tpu.memory_space<hbm>>
      %dma_wait3A_21 = tpu.memref_squeeze %dma_wait3A_20 : memref<1x10000xi32, #tpu.memory_space<hbm>> -> memref<10000xi32, #tpu.memory_space<hbm>>
      tpu.wait_dma2 semaphore(%run_scoped3A : memref<!tpu.dma_semaphore, #tpu.memory_space<semaphore_mem>>) src(%dma_wait3A_21 : memref<10000xi32, #tpu.memory_space<hbm>>) dst(%arg7 : memref<10000xi32, #tpu.memory_space<vmem>>)
      tpu.yield
    }) : () -> ()
    %scan3A = arith.constant 0 : i32
    %scan3A_1 = arith.constant 0 : i32
    %scan3A_2 = arith.constant 625 : i32
    %scan3A_3 = arith.addi %scan3A_1, %scan3A_2 : i32
    %scan3A_4 = arith.constant 1 : i32
    scf.for %scan3A_12 = %scan3A_1 to %scan3A_3 step %scan3A_4  : i32 {
      %broadcast_in_dim3A = arith.constant 0.000000e+00 : f32
      %broadcast_in_dim3A_13 = vector.broadcast %broadcast_in_dim3A : f32 to vector<16xf32>
      %mul3A_14 = arith.constant 16 : i32
      %mul3A_15 = arith.muli %scan3A_12, %mul3A_14 : i32
      %swap3A = arith.index_cast %mul3A_15 : i32 to index
      %swap3A_16 = tpu.vector_load %arg9[%swap3A] {strides = array<i32>} : memref<10000xf32, #tpu.memory_space<vmem>>, vector<16xf32>,
      tpu.vector_store %arg9[%swap3A], %broadcast_in_dim3A_13 {strides = array<i32>} : memref<10000xf32, #tpu.memory_space<vmem>>, vector<16xf32>,
    }
    %scan3A_5 = arith.constant 625 : i32
    %scan3A_6 = arith.constant 0 : i32
    %scan3A_7 = arith.constant 0 : i32
    %scan3A_8 = arith.constant 625 : i32
    %scan3A_9 = arith.addi %scan3A_7, %scan3A_8 : i32
    %scan3A_10 = arith.constant 1 : i32
    scf.for %scan3A_12 = %scan3A_7 to %scan3A_9 step %scan3A_10  : i32 {
      %mul3A_13 = arith.constant 16 : i32
      %mul3A_14 = arith.muli %scan3A_12, %mul3A_13 : i32
      %get3A = arith.index_cast %mul3A_14 : i32 to index
      %get3A_15 = tpu.vector_load %arg6[%get3A] {strides = array<i32>} : memref<10000xf32, #tpu.memory_space<vmem>>, vector<16xf32>,
      %exp3A = math.exp %get3A_15 : vector<16xf32>
      %mul3A_16 = arith.constant 16 : i32
      %mul3A_17 = arith.muli %scan3A_12, %mul3A_16 : i32
      %swap3A = arith.index_cast %mul3A_17 : i32 to index
      %swap3A_18 = tpu.vector_load %arg8[%swap3A] {strides = array<i32>} : memref<10000xf32, #tpu.memory_space<vmem>>, vector<16xf32>,
      tpu.vector_store %arg8[%swap3A], %exp3A {strides = array<i32>} : memref<10000xf32, #tpu.memory_space<vmem>>, vector<16xf32>,
      %mul3A_19 = arith.constant 16 : i32
      %mul3A_20 = arith.muli %scan3A_12, %mul3A_19 : i32
      %get3A_21 = arith.index_cast %mul3A_20 : i32 to index
      %get3A_22 = tpu.vector_load %arg7[%get3A_21] {strides = array<i32>} : memref<10000xi32, #tpu.memory_space<vmem>>, vector<16xi32>,
      tpu.vector_store_idx %arg9[%get3A_22], %exp3A {add = true} : memref<10000xf32, #tpu.memory_space<vmem>>[vector<16xi32>], vector<16xf32>,
    }
    %scan3A_11 = arith.constant 625 : i32
    "tpu.region"() ({
      %run_scoped3A = tpu.sem_alloc : memref<!tpu.dma_semaphore, #tpu.memory_space<semaphore_mem>>
      %dma_start3A = arith.constant 0 : i32
      %dma_start3A_12 = tpu.memref_slice %arg4[%add3A, %dma_start3A] : memref<32x10000xf32, #tpu.memory_space<hbm>> -> memref<1x10000xf32, #tpu.memory_space<hbm>>
      %dma_start3A_13 = tpu.memref_squeeze %dma_start3A_12 : memref<1x10000xf32, #tpu.memory_space<hbm>> -> memref<10000xf32, #tpu.memory_space<hbm>>
      %dma_start3A_14 = arith.constant 0 : i32
      %dma_start3A_15 = tpu.memref_slice %arg4[%add3A, %dma_start3A_14] : memref<32x10000xf32, #tpu.memory_space<hbm>> -> memref<1x10000xf32, #tpu.memory_space<hbm>>
      %dma_start3A_16 = tpu.memref_squeeze %dma_start3A_15 : memref<1x10000xf32, #tpu.memory_space<hbm>> -> memref<10000xf32, #tpu.memory_space<hbm>>
      tpu.enqueue_dma source(%arg8 : memref<10000xf32, #tpu.memory_space<vmem>>) target(%dma_start3A_16 : memref<10000xf32, #tpu.memory_space<hbm>>) target_semaphore(%run_scoped3A : memref<!tpu.dma_semaphore, #tpu.memory_space<semaphore_mem>>)
      %dma_wait3A = arith.constant 0 : i32
      %dma_wait3A_17 = tpu.memref_slice %arg4[%add3A, %dma_wait3A] : memref<32x10000xf32, #tpu.memory_space<hbm>> -> memref<1x10000xf32, #tpu.memory_space<hbm>>
      %dma_wait3A_18 = tpu.memref_squeeze %dma_wait3A_17 : memref<1x10000xf32, #tpu.memory_space<hbm>> -> memref<10000xf32, #tpu.memory_space<hbm>>
      %dma_wait3A_19 = arith.constant 0 : i32
      %dma_wait3A_20 = tpu.memref_slice %arg4[%add3A, %dma_wait3A_19] : memref<32x10000xf32, #tpu.memory_space<hbm>> -> memref<1x10000xf32, #tpu.memory_space<hbm>>
      %dma_wait3A_21 = tpu.memref_squeeze %dma_wait3A_20 : memref<1x10000xf32, #tpu.memory_space<hbm>> -> memref<10000xf32, #tpu.memory_space<hbm>>
      tpu.wait_dma2 semaphore(%run_scoped3A : memref<!tpu.dma_semaphore, #tpu.memory_space<semaphore_mem>>) src(%arg8 : memref<10000xf32, #tpu.memory_space<vmem>>) dst(%dma_wait3A_21 : memref<10000xf32, #tpu.memory_space<hbm>>)
      tpu.yield
    }) : () -> ()
    "tpu.region"() ({
      %run_scoped3A = tpu.sem_alloc : memref<!tpu.dma_semaphore, #tpu.memory_space<semaphore_mem>>
      %dma_start3A = arith.constant 0 : i32
      %dma_start3A_12 = tpu.memref_slice %arg5[%add3A, %dma_start3A] : memref<32x10000xf32, #tpu.memory_space<hbm>> -> memref<1x10000xf32, #tpu.memory_space<hbm>>
      %dma_start3A_13 = tpu.memref_squeeze %dma_start3A_12 : memref<1x10000xf32, #tpu.memory_space<hbm>> -> memref<10000xf32, #tpu.memory_space<hbm>>
      %dma_start3A_14 = arith.constant 0 : i32
      %dma_start3A_15 = tpu.memref_slice %arg5[%add3A, %dma_start3A_14] : memref<32x10000xf32, #tpu.memory_space<hbm>> -> memref<1x10000xf32, #tpu.memory_space<hbm>>
      %dma_start3A_16 = tpu.memref_squeeze %dma_start3A_15 : memref<1x10000xf32, #tpu.memory_space<hbm>> -> memref<10000xf32, #tpu.memory_space<hbm>>
      tpu.enqueue_dma source(%arg9 : memref<10000xf32, #tpu.memory_space<vmem>>) target(%dma_start3A_16 : memref<10000xf32, #tpu.memory_space<hbm>>) target_semaphore(%run_scoped3A : memref<!tpu.dma_semaphore, #tpu.memory_space<semaphore_mem>>)
      %dma_wait3A = arith.constant 0 : i32
      %dma_wait3A_17 = tpu.memref_slice %arg5[%add3A, %dma_wait3A] : memref<32x10000xf32, #tpu.memory_space<hbm>> -> memref<1x10000xf32, #tpu.memory_space<hbm>>
      %dma_wait3A_18 = tpu.memref_squeeze %dma_wait3A_17 : memref<1x10000xf32, #tpu.memory_space<hbm>> -> memref<10000xf32, #tpu.memory_space<hbm>>
      %dma_wait3A_19 = arith.constant 0 : i32
      %dma_wait3A_20 = tpu.memref_slice %arg5[%add3A, %dma_wait3A_19] : memref<32x10000xf32, #tpu.memory_space<hbm>> -> memref<1x10000xf32, #tpu.memory_space<hbm>>
      %dma_wait3A_21 = tpu.memref_squeeze %dma_wait3A_20 : memref<1x10000xf32, #tpu.memory_space<hbm>> -> memref<10000xf32, #tpu.memory_space<hbm>>
      tpu.wait_dma2 semaphore(%run_scoped3A : memref<!tpu.dma_semaphore, #tpu.memory_space<semaphore_mem>>) src(%arg9 : memref<10000xf32, #tpu.memory_space<vmem>>) dst(%dma_wait3A_21 : memref<10000xf32, #tpu.memory_space<hbm>>)
      tpu.yield
    }) : () -> ()
    return
  }
}

#map = affine_map<(d0, d1) -> (0, 0)>
#map1 = affine_map<(d0, d1) -> (0, 0, 0)>
module attributes {stable_mosaic.version = 14 : i64} {
  func.func @_propagate_body(%arg0: i32, %arg1: i32, %arg2: memref<10000x128xf32, #tpu.memory_space<hbm>>, %arg3: memref<32x80x125xi32, #tpu.memory_space<hbm>>, %arg4: memref<32x80x125xi32, #tpu.memory_space<hbm>>, %arg5: memref<32x80x125xf32, #tpu.memory_space<hbm>>, %arg6: memref<2x10000x128xf32, #tpu.memory_space<hbm>>, %arg7: memref<80x125xi32, #tpu.memory_space<vmem>>, %arg8: memref<125x128xf32, #tpu.memory_space<vmem>>, %arg9: memref<125x128xf32, #tpu.memory_space<vmem>>, %arg10: memref<2x125xi32, #tpu.memory_space<vmem>>, %arg11: memref<125xf32, #tpu.memory_space<vmem>>, %arg12: memref<125xf32, #tpu.memory_space<vmem>>, %arg13: memref<10000x128xf32, #tpu.memory_space<vmem_shared>>, %arg14: memref<!tpu.dma_semaphore, #tpu.memory_space<semaphore_mem>>, %arg15: memref<!tpu.dma_semaphore, #tpu.memory_space<semaphore_mem>>, %arg16: memref<!tpu.dma_semaphore, #tpu.memory_space<semaphore_mem>>, %arg17: memref<!tpu.dma_semaphore, #tpu.memory_space<semaphore_mem>>) attributes {dimension_semantics = [#tpu.dimension_semantics<core_parallel>, #tpu.dimension_semantics<subcore_parallel>], iteration_bounds = array<i64: 2, 16>, scalar_prefetch = 0 : i64, scratch_operands = 11 : i64, tpu.core_type = #tpu.core_type<sc_vector_subcore>, window_params = [{transform_indices = #map}, {transform_indices = #map1}, {transform_indices = #map1}, {transform_indices = #map1}, {transform_indices = #map1}]} {
    %mul3A = arith.constant 2 : i32
    %mul3A_0 = arith.muli %arg1, %mul3A : i32
    %add3A = arith.addi %mul3A_0, %arg0 : i32
    "tpu.region"() ({
      %run_scoped3A = tpu.sem_alloc : memref<!tpu.dma_semaphore, #tpu.memory_space<semaphore_mem>>
      %dma_start3A_66 = arith.constant 0 : i32
      %dma_start3A_67 = arith.constant 0 : i32
      %dma_start3A_68 = tpu.memref_slice %arg3[%add3A, %dma_start3A_66, %dma_start3A_67] : memref<32x80x125xi32, #tpu.memory_space<hbm>> -> memref<1x80x125xi32, #tpu.memory_space<hbm>>
      %dma_start3A_69 = tpu.memref_squeeze %dma_start3A_68 : memref<1x80x125xi32, #tpu.memory_space<hbm>> -> memref<80x125xi32, #tpu.memory_space<hbm>>
      %dma_start3A_70 = arith.constant 0 : i32
      %dma_start3A_71 = arith.constant 0 : i32
      %dma_start3A_72 = tpu.memref_slice %arg3[%add3A, %dma_start3A_70, %dma_start3A_71] : memref<32x80x125xi32, #tpu.memory_space<hbm>> -> memref<1x80x125xi32, #tpu.memory_space<hbm>>
      %dma_start3A_73 = tpu.memref_squeeze %dma_start3A_72 : memref<1x80x125xi32, #tpu.memory_space<hbm>> -> memref<80x125xi32, #tpu.memory_space<hbm>>
      tpu.enqueue_dma source(%dma_start3A_73 : memref<80x125xi32, #tpu.memory_space<hbm>>) target(%arg7 : memref<80x125xi32, #tpu.memory_space<vmem>>) target_semaphore(%run_scoped3A : memref<!tpu.dma_semaphore, #tpu.memory_space<semaphore_mem>>)
      %dma_wait3A = arith.constant 0 : i32
      %dma_wait3A_74 = arith.constant 0 : i32
      %dma_wait3A_75 = tpu.memref_slice %arg3[%add3A, %dma_wait3A, %dma_wait3A_74] : memref<32x80x125xi32, #tpu.memory_space<hbm>> -> memref<1x80x125xi32, #tpu.memory_space<hbm>>
      %dma_wait3A_76 = tpu.memref_squeeze %dma_wait3A_75 : memref<1x80x125xi32, #tpu.memory_space<hbm>> -> memref<80x125xi32, #tpu.memory_space<hbm>>
      %dma_wait3A_77 = arith.constant 0 : i32
      %dma_wait3A_78 = arith.constant 0 : i32
      %dma_wait3A_79 = tpu.memref_slice %arg3[%add3A, %dma_wait3A_77, %dma_wait3A_78] : memref<32x80x125xi32, #tpu.memory_space<hbm>> -> memref<1x80x125xi32, #tpu.memory_space<hbm>>
      %dma_wait3A_80 = tpu.memref_squeeze %dma_wait3A_79 : memref<1x80x125xi32, #tpu.memory_space<hbm>> -> memref<80x125xi32, #tpu.memory_space<hbm>>
      tpu.wait_dma2 semaphore(%run_scoped3A : memref<!tpu.dma_semaphore, #tpu.memory_space<semaphore_mem>>) src(%dma_wait3A_80 : memref<80x125xi32, #tpu.memory_space<hbm>>) dst(%arg7 : memref<80x125xi32, #tpu.memory_space<vmem>>)
      tpu.yield
    }) : () -> ()
    %scan3A = arith.constant 0 : i32
    %scan3A_1 = arith.constant 0 : i32
    %scan3A_2 = arith.constant 125 : i32
    %scan3A_3 = arith.addi %scan3A_1, %scan3A_2 : i32
    %scan3A_4 = arith.constant 1 : i32
    scf.for %scan3A_66 = %scan3A_1 to %scan3A_3 step %scan3A_4  : i32 {
      %broadcast_in_dim3A = arith.constant 0.000000e+00 : f32
      %broadcast_in_dim3A_67 = vector.broadcast %broadcast_in_dim3A : f32 to vector<16xf32>
      %swap3A = arith.index_cast %scan3A_66 : i32 to index
      %swap3A_68 = arith.constant 0 : index
      %swap3A_69 = tpu.vector_load %arg8[%swap3A, %swap3A_68] {strides = array<i32>} : memref<125x128xf32, #tpu.memory_space<vmem>>, vector<16xf32>,
      tpu.vector_store %arg8[%swap3A, %swap3A_68], %broadcast_in_dim3A_67 {strides = array<i32>} : memref<125x128xf32, #tpu.memory_space<vmem>>, vector<16xf32>,
      %broadcast_in_dim3A_70 = arith.constant 0.000000e+00 : f32
      %broadcast_in_dim3A_71 = vector.broadcast %broadcast_in_dim3A_70 : f32 to vector<16xf32>
      %swap3A_72 = arith.index_cast %scan3A_66 : i32 to index
      %swap3A_73 = arith.constant 16 : index
      %swap3A_74 = tpu.vector_load %arg8[%swap3A_72, %swap3A_73] {strides = array<i32>} : memref<125x128xf32, #tpu.memory_space<vmem>>, vector<16xf32>,
      tpu.vector_store %arg8[%swap3A_72, %swap3A_73], %broadcast_in_dim3A_71 {strides = array<i32>} : memref<125x128xf32, #tpu.memory_space<vmem>>, vector<16xf32>,
      %broadcast_in_dim3A_75 = arith.constant 0.000000e+00 : f32
      %broadcast_in_dim3A_76 = vector.broadcast %broadcast_in_dim3A_75 : f32 to vector<16xf32>
      %swap3A_77 = arith.index_cast %scan3A_66 : i32 to index
      %swap3A_78 = arith.constant 32 : index
      %swap3A_79 = tpu.vector_load %arg8[%swap3A_77, %swap3A_78] {strides = array<i32>} : memref<125x128xf32, #tpu.memory_space<vmem>>, vector<16xf32>,
      tpu.vector_store %arg8[%swap3A_77, %swap3A_78], %broadcast_in_dim3A_76 {strides = array<i32>} : memref<125x128xf32, #tpu.memory_space<vmem>>, vector<16xf32>,
      %broadcast_in_dim3A_80 = arith.constant 0.000000e+00 : f32
      %broadcast_in_dim3A_81 = vector.broadcast %broadcast_in_dim3A_80 : f32 to vector<16xf32>
      %swap3A_82 = arith.index_cast %scan3A_66 : i32 to index
      %swap3A_83 = arith.constant 48 : index
      %swap3A_84 = tpu.vector_load %arg8[%swap3A_82, %swap3A_83] {strides = array<i32>} : memref<125x128xf32, #tpu.memory_space<vmem>>, vector<16xf32>,
      tpu.vector_store %arg8[%swap3A_82, %swap3A_83], %broadcast_in_dim3A_81 {strides = array<i32>} : memref<125x128xf32, #tpu.memory_space<vmem>>, vector<16xf32>,
      %broadcast_in_dim3A_85 = arith.constant 0.000000e+00 : f32
      %broadcast_in_dim3A_86 = vector.broadcast %broadcast_in_dim3A_85 : f32 to vector<16xf32>
      %swap3A_87 = arith.index_cast %scan3A_66 : i32 to index
      %swap3A_88 = arith.constant 64 : index
      %swap3A_89 = tpu.vector_load %arg8[%swap3A_87, %swap3A_88] {strides = array<i32>} : memref<125x128xf32, #tpu.memory_space<vmem>>, vector<16xf32>,
      tpu.vector_store %arg8[%swap3A_87, %swap3A_88], %broadcast_in_dim3A_86 {strides = array<i32>} : memref<125x128xf32, #tpu.memory_space<vmem>>, vector<16xf32>,
      %broadcast_in_dim3A_90 = arith.constant 0.000000e+00 : f32
      %broadcast_in_dim3A_91 = vector.broadcast %broadcast_in_dim3A_90 : f32 to vector<16xf32>
      %swap3A_92 = arith.index_cast %scan3A_66 : i32 to index
      %swap3A_93 = arith.constant 80 : index
      %swap3A_94 = tpu.vector_load %arg8[%swap3A_92, %swap3A_93] {strides = array<i32>} : memref<125x128xf32, #tpu.memory_space<vmem>>, vector<16xf32>,
      tpu.vector_store %arg8[%swap3A_92, %swap3A_93], %broadcast_in_dim3A_91 {strides = array<i32>} : memref<125x128xf32, #tpu.memory_space<vmem>>, vector<16xf32>,
      %broadcast_in_dim3A_95 = arith.constant 0.000000e+00 : f32
      %broadcast_in_dim3A_96 = vector.broadcast %broadcast_in_dim3A_95 : f32 to vector<16xf32>
      %swap3A_97 = arith.index_cast %scan3A_66 : i32 to index
      %swap3A_98 = arith.constant 96 : index
      %swap3A_99 = tpu.vector_load %arg8[%swap3A_97, %swap3A_98] {strides = array<i32>} : memref<125x128xf32, #tpu.memory_space<vmem>>, vector<16xf32>,
      tpu.vector_store %arg8[%swap3A_97, %swap3A_98], %broadcast_in_dim3A_96 {strides = array<i32>} : memref<125x128xf32, #tpu.memory_space<vmem>>, vector<16xf32>,
      %broadcast_in_dim3A_100 = arith.constant 0.000000e+00 : f32
      %broadcast_in_dim3A_101 = vector.broadcast %broadcast_in_dim3A_100 : f32 to vector<16xf32>
      %swap3A_102 = arith.index_cast %scan3A_66 : i32 to index
      %swap3A_103 = arith.constant 112 : index
      %swap3A_104 = tpu.vector_load %arg8[%swap3A_102, %swap3A_103] {strides = array<i32>} : memref<125x128xf32, #tpu.memory_space<vmem>>, vector<16xf32>,
      tpu.vector_store %arg8[%swap3A_102, %swap3A_103], %broadcast_in_dim3A_101 {strides = array<i32>} : memref<125x128xf32, #tpu.memory_space<vmem>>, vector<16xf32>,
    }
    %scan3A_5 = arith.constant 125 : i32
    %mul3A_6 = arith.constant 625 : i32
    %mul3A_7 = arith.muli %arg1, %mul3A_6 : i32
    %add3A_8 = arith.constant 0 : i32
    %add3A_9 = arith.addi %mul3A_7, %add3A_8 : i32
    "tpu.region"() ({
      %run_scoped3A = tpu.sem_alloc : memref<!tpu.dma_semaphore, #tpu.memory_space<semaphore_mem>>
      %dma_start3A_66 = arith.constant 0 : i32
      %dma_start3A_67 = tpu.memref_slice %arg13[%add3A_9, %dma_start3A_66] : memref<10000x128xf32, #tpu.memory_space<vmem_shared>> -> memref<125x128xf32, #tpu.memory_space<vmem_shared>>
      %dma_start3A_68 = arith.constant 0 : i32
      %dma_start3A_69 = tpu.memref_slice %arg13[%add3A_9, %dma_start3A_68] : memref<10000x128xf32, #tpu.memory_space<vmem_shared>> -> memref<125x128xf32, #tpu.memory_space<vmem_shared>>
      tpu.enqueue_dma source(%arg8 : memref<125x128xf32, #tpu.memory_space<vmem>>) target(%dma_start3A_69 : memref<125x128xf32, #tpu.memory_space<vmem_shared>>) target_semaphore(%run_scoped3A : memref<!tpu.dma_semaphore, #tpu.memory_space<semaphore_mem>>)
      %dma_wait3A = arith.constant 0 : i32
      %dma_wait3A_70 = tpu.memref_slice %arg13[%add3A_9, %dma_wait3A] : memref<10000x128xf32, #tpu.memory_space<vmem_shared>> -> memref<125x128xf32, #tpu.memory_space<vmem_shared>>
      %dma_wait3A_71 = arith.constant 0 : i32
      %dma_wait3A_72 = tpu.memref_slice %arg13[%add3A_9, %dma_wait3A_71] : memref<10000x128xf32, #tpu.memory_space<vmem_shared>> -> memref<125x128xf32, #tpu.memory_space<vmem_shared>>
      tpu.wait_dma2 semaphore(%run_scoped3A : memref<!tpu.dma_semaphore, #tpu.memory_space<semaphore_mem>>) src(%arg8 : memref<125x128xf32, #tpu.memory_space<vmem>>) dst(%dma_wait3A_72 : memref<125x128xf32, #tpu.memory_space<vmem_shared>>)
      tpu.yield
    }) : () -> ()
    %mul3A_10 = arith.constant 625 : i32
    %mul3A_11 = arith.muli %arg1, %mul3A_10 : i32
    %add3A_12 = arith.constant 125 : i32
    %add3A_13 = arith.addi %mul3A_11, %add3A_12 : i32
    "tpu.region"() ({
      %run_scoped3A = tpu.sem_alloc : memref<!tpu.dma_semaphore, #tpu.memory_space<semaphore_mem>>
      %dma_start3A_66 = arith.constant 0 : i32
      %dma_start3A_67 = tpu.memref_slice %arg13[%add3A_13, %dma_start3A_66] : memref<10000x128xf32, #tpu.memory_space<vmem_shared>> -> memref<125x128xf32, #tpu.memory_space<vmem_shared>>
      %dma_start3A_68 = arith.constant 0 : i32
      %dma_start3A_69 = tpu.memref_slice %arg13[%add3A_13, %dma_start3A_68] : memref<10000x128xf32, #tpu.memory_space<vmem_shared>> -> memref<125x128xf32, #tpu.memory_space<vmem_shared>>
      tpu.enqueue_dma source(%arg8 : memref<125x128xf32, #tpu.memory_space<vmem>>) target(%dma_start3A_69 : memref<125x128xf32, #tpu.memory_space<vmem_shared>>) target_semaphore(%run_scoped3A : memref<!tpu.dma_semaphore, #tpu.memory_space<semaphore_mem>>)
      %dma_wait3A = arith.constant 0 : i32
      %dma_wait3A_70 = tpu.memref_slice %arg13[%add3A_13, %dma_wait3A] : memref<10000x128xf32, #tpu.memory_space<vmem_shared>> -> memref<125x128xf32, #tpu.memory_space<vmem_shared>>
      %dma_wait3A_71 = arith.constant 0 : i32
      %dma_wait3A_72 = tpu.memref_slice %arg13[%add3A_13, %dma_wait3A_71] : memref<10000x128xf32, #tpu.memory_space<vmem_shared>> -> memref<125x128xf32, #tpu.memory_space<vmem_shared>>
      tpu.wait_dma2 semaphore(%run_scoped3A : memref<!tpu.dma_semaphore, #tpu.memory_space<semaphore_mem>>) src(%arg8 : memref<125x128xf32, #tpu.memory_space<vmem>>) dst(%dma_wait3A_72 : memref<125x128xf32, #tpu.memory_space<vmem_shared>>)
      tpu.yield
    }) : () -> ()
    %mul3A_14 = arith.constant 625 : i32
    %mul3A_15 = arith.muli %arg1, %mul3A_14 : i32
    %add3A_16 = arith.constant 250 : i32
    %add3A_17 = arith.addi %mul3A_15, %add3A_16 : i32
    "tpu.region"() ({
      %run_scoped3A = tpu.sem_alloc : memref<!tpu.dma_semaphore, #tpu.memory_space<semaphore_mem>>
      %dma_start3A_66 = arith.constant 0 : i32
      %dma_start3A_67 = tpu.memref_slice %arg13[%add3A_17, %dma_start3A_66] : memref<10000x128xf32, #tpu.memory_space<vmem_shared>> -> memref<125x128xf32, #tpu.memory_space<vmem_shared>>
      %dma_start3A_68 = arith.constant 0 : i32
      %dma_start3A_69 = tpu.memref_slice %arg13[%add3A_17, %dma_start3A_68] : memref<10000x128xf32, #tpu.memory_space<vmem_shared>> -> memref<125x128xf32, #tpu.memory_space<vmem_shared>>
      tpu.enqueue_dma source(%arg8 : memref<125x128xf32, #tpu.memory_space<vmem>>) target(%dma_start3A_69 : memref<125x128xf32, #tpu.memory_space<vmem_shared>>) target_semaphore(%run_scoped3A : memref<!tpu.dma_semaphore, #tpu.memory_space<semaphore_mem>>)
      %dma_wait3A = arith.constant 0 : i32
      %dma_wait3A_70 = tpu.memref_slice %arg13[%add3A_17, %dma_wait3A] : memref<10000x128xf32, #tpu.memory_space<vmem_shared>> -> memref<125x128xf32, #tpu.memory_space<vmem_shared>>
      %dma_wait3A_71 = arith.constant 0 : i32
      %dma_wait3A_72 = tpu.memref_slice %arg13[%add3A_17, %dma_wait3A_71] : memref<10000x128xf32, #tpu.memory_space<vmem_shared>> -> memref<125x128xf32, #tpu.memory_space<vmem_shared>>
      tpu.wait_dma2 semaphore(%run_scoped3A : memref<!tpu.dma_semaphore, #tpu.memory_space<semaphore_mem>>) src(%arg8 : memref<125x128xf32, #tpu.memory_space<vmem>>) dst(%dma_wait3A_72 : memref<125x128xf32, #tpu.memory_space<vmem_shared>>)
      tpu.yield
    }) : () -> ()
    %mul3A_18 = arith.constant 625 : i32
    %mul3A_19 = arith.muli %arg1, %mul3A_18 : i32
    %add3A_20 = arith.constant 375 : i32
    %add3A_21 = arith.addi %mul3A_19, %add3A_20 : i32
    "tpu.region"() ({
      %run_scoped3A = tpu.sem_alloc : memref<!tpu.dma_semaphore, #tpu.memory_space<semaphore_mem>>
      %dma_start3A_66 = arith.constant 0 : i32
      %dma_start3A_67 = tpu.memref_slice %arg13[%add3A_21, %dma_start3A_66] : memref<10000x128xf32, #tpu.memory_space<vmem_shared>> -> memref<125x128xf32, #tpu.memory_space<vmem_shared>>
      %dma_start3A_68 = arith.constant 0 : i32
      %dma_start3A_69 = tpu.memref_slice %arg13[%add3A_21, %dma_start3A_68] : memref<10000x128xf32, #tpu.memory_space<vmem_shared>> -> memref<125x128xf32, #tpu.memory_space<vmem_shared>>
      tpu.enqueue_dma source(%arg8 : memref<125x128xf32, #tpu.memory_space<vmem>>) target(%dma_start3A_69 : memref<125x128xf32, #tpu.memory_space<vmem_shared>>) target_semaphore(%run_scoped3A : memref<!tpu.dma_semaphore, #tpu.memory_space<semaphore_mem>>)
      %dma_wait3A = arith.constant 0 : i32
      %dma_wait3A_70 = tpu.memref_slice %arg13[%add3A_21, %dma_wait3A] : memref<10000x128xf32, #tpu.memory_space<vmem_shared>> -> memref<125x128xf32, #tpu.memory_space<vmem_shared>>
      %dma_wait3A_71 = arith.constant 0 : i32
      %dma_wait3A_72 = tpu.memref_slice %arg13[%add3A_21, %dma_wait3A_71] : memref<10000x128xf32, #tpu.memory_space<vmem_shared>> -> memref<125x128xf32, #tpu.memory_space<vmem_shared>>
      tpu.wait_dma2 semaphore(%run_scoped3A : memref<!tpu.dma_semaphore, #tpu.memory_space<semaphore_mem>>) src(%arg8 : memref<125x128xf32, #tpu.memory_space<vmem>>) dst(%dma_wait3A_72 : memref<125x128xf32, #tpu.memory_space<vmem_shared>>)
      tpu.yield
    }) : () -> ()
    %mul3A_22 = arith.constant 625 : i32
    %mul3A_23 = arith.muli %arg1, %mul3A_22 : i32
    %add3A_24 = arith.constant 500 : i32
    %add3A_25 = arith.addi %mul3A_23, %add3A_24 : i32
    "tpu.region"() ({
      %run_scoped3A = tpu.sem_alloc : memref<!tpu.dma_semaphore, #tpu.memory_space<semaphore_mem>>
      %dma_start3A_66 = arith.constant 0 : i32
      %dma_start3A_67 = tpu.memref_slice %arg13[%add3A_25, %dma_start3A_66] : memref<10000x128xf32, #tpu.memory_space<vmem_shared>> -> memref<125x128xf32, #tpu.memory_space<vmem_shared>>
      %dma_start3A_68 = arith.constant 0 : i32
      %dma_start3A_69 = tpu.memref_slice %arg13[%add3A_25, %dma_start3A_68] : memref<10000x128xf32, #tpu.memory_space<vmem_shared>> -> memref<125x128xf32, #tpu.memory_space<vmem_shared>>
      tpu.enqueue_dma source(%arg8 : memref<125x128xf32, #tpu.memory_space<vmem>>) target(%dma_start3A_69 : memref<125x128xf32, #tpu.memory_space<vmem_shared>>) target_semaphore(%run_scoped3A : memref<!tpu.dma_semaphore, #tpu.memory_space<semaphore_mem>>)
      %dma_wait3A = arith.constant 0 : i32
      %dma_wait3A_70 = tpu.memref_slice %arg13[%add3A_25, %dma_wait3A] : memref<10000x128xf32, #tpu.memory_space<vmem_shared>> -> memref<125x128xf32, #tpu.memory_space<vmem_shared>>
      %dma_wait3A_71 = arith.constant 0 : i32
      %dma_wait3A_72 = tpu.memref_slice %arg13[%add3A_25, %dma_wait3A_71] : memref<10000x128xf32, #tpu.memory_space<vmem_shared>> -> memref<125x128xf32, #tpu.memory_space<vmem_shared>>
      tpu.wait_dma2 semaphore(%run_scoped3A : memref<!tpu.dma_semaphore, #tpu.memory_space<semaphore_mem>>) src(%arg8 : memref<125x128xf32, #tpu.memory_space<vmem>>) dst(%dma_wait3A_72 : memref<125x128xf32, #tpu.memory_space<vmem_shared>>)
      tpu.yield
    }) : () -> ()
    %barrier3A = arith.constant 0 : index
    tpu.barrier barrier_id(%barrier3A)
    %dma_start3A = arith.constant 0 : i32
    %dma_start3A_26 = arith.constant 0 : i32
    %dma_start3A_27 = arith.constant 0 : i32
    %dma_start3A_28 = tpu.memref_slice %arg10[%dma_start3A_26, %dma_start3A_27] : memref<2x125xi32, #tpu.memory_space<vmem>> -> memref<1x125xi32, #tpu.memory_space<vmem>>
    %dma_start3A_29 = tpu.memref_squeeze %dma_start3A_28 : memref<1x125xi32, #tpu.memory_space<vmem>> -> memref<125xi32, #tpu.memory_space<vmem>>
    %dma_start3A_30 = arith.constant 0 : i32
    %dma_start3A_31 = tpu.memref_slice %arg4[%add3A, %dma_start3A, %dma_start3A_30] : memref<32x80x125xi32, #tpu.memory_space<hbm>> -> memref<1x1x125xi32, #tpu.memory_space<hbm>>
    %dma_start3A_32 = tpu.memref_squeeze %dma_start3A_31 : memref<1x1x125xi32, #tpu.memory_space<hbm>> -> memref<125xi32, #tpu.memory_space<hbm>>
    %dma_start3A_33 = arith.constant 0 : i32
    %dma_start3A_34 = tpu.memref_slice %arg10[%dma_start3A_26, %dma_start3A_33] : memref<2x125xi32, #tpu.memory_space<vmem>> -> memref<1x125xi32, #tpu.memory_space<vmem>>
    %dma_start3A_35 = tpu.memref_squeeze %dma_start3A_34 : memref<1x125xi32, #tpu.memory_space<vmem>> -> memref<125xi32, #tpu.memory_space<vmem>>
    %dma_start3A_36 = arith.constant 0 : i32
    %dma_start3A_37 = tpu.memref_slice %arg4[%add3A, %dma_start3A, %dma_start3A_36] : memref<32x80x125xi32, #tpu.memory_space<hbm>> -> memref<1x1x125xi32, #tpu.memory_space<hbm>>
    %dma_start3A_38 = tpu.memref_squeeze %dma_start3A_37 : memref<1x1x125xi32, #tpu.memory_space<hbm>> -> memref<125xi32, #tpu.memory_space<hbm>>
    tpu.enqueue_dma source(%dma_start3A_38 : memref<125xi32, #tpu.memory_space<hbm>>) target(%dma_start3A_35 : memref<125xi32, #tpu.memory_space<vmem>>) target_semaphore(%arg16 : memref<!tpu.dma_semaphore, #tpu.memory_space<semaphore_mem>>)
    %dma_start3A_39 = arith.constant 0 : i32
    %dma_start3A_40 = arith.constant 0 : i32
    %dma_start3A_41 = tpu.memref_slice %arg5[%add3A, %dma_start3A_39, %dma_start3A_40] : memref<32x80x125xf32, #tpu.memory_space<hbm>> -> memref<1x1x125xf32, #tpu.memory_space<hbm>>
    %dma_start3A_42 = tpu.memref_squeeze %dma_start3A_41 : memref<1x1x125xf32, #tpu.memory_space<hbm>> -> memref<125xf32, #tpu.memory_space<hbm>>
    %dma_start3A_43 = arith.constant 0 : i32
    %dma_start3A_44 = tpu.memref_slice %arg5[%add3A, %dma_start3A_39, %dma_start3A_43] : memref<32x80x125xf32, #tpu.memory_space<hbm>> -> memref<1x1x125xf32, #tpu.memory_space<hbm>>
    %dma_start3A_45 = tpu.memref_squeeze %dma_start3A_44 : memref<1x1x125xf32, #tpu.memory_space<hbm>> -> memref<125xf32, #tpu.memory_space<hbm>>
    tpu.enqueue_dma source(%dma_start3A_45 : memref<125xf32, #tpu.memory_space<hbm>>) target(%arg11 : memref<125xf32, #tpu.memory_space<vmem>>) target_semaphore(%arg16 : memref<!tpu.dma_semaphore, #tpu.memory_space<semaphore_mem>>)
    %dma_start3A_46 = arith.constant 0 : i32
    %dma_start3A_47 = arith.constant 0 : i32
    %dma_start3A_48 = tpu.memref_slice %arg7[%dma_start3A_46, %dma_start3A_47] : memref<80x125xi32, #tpu.memory_space<vmem>> -> memref<1x125xi32, #tpu.memory_space<vmem>>
    %dma_start3A_49 = tpu.memref_squeeze %dma_start3A_48 : memref<1x125xi32, #tpu.memory_space<vmem>> -> memref<125xi32, #tpu.memory_space<vmem>>
    %dma_start3A_50 = arith.constant 0 : i32
    %dma_start3A_51 = arith.constant 0 : i32
    %dma_start3A_52 = tpu.memref_slice %arg2[%dma_start3A_50, %dma_start3A_51] : memref<10000x128xf32, #tpu.memory_space<hbm>> -> memref<10000x128xf32, #tpu.memory_space<hbm>>
    tpu.enqueue_indirect_dma source(%dma_start3A_52 : memref<10000x128xf32, #tpu.memory_space<hbm>>) target(%arg8 : memref<125x128xf32, #tpu.memory_space<vmem>>) offsets(%dma_start3A_49 : memref<125xi32, #tpu.memory_space<vmem>>) semaphore(%arg14 : memref<!tpu.dma_semaphore, #tpu.memory_space<semaphore_mem>>)
    %scan3A_53 = arith.constant 0 : i32
    %scan3A_54 = arith.constant 0 : i32
    %scan3A_55 = arith.constant 40 : i32
    %scan3A_56 = arith.addi %scan3A_54, %scan3A_55 : i32
    %scan3A_57 = arith.constant 1 : i32
    scf.for %scan3A_66 = %scan3A_54 to %scan3A_56 step %scan3A_57  : i32 {
      %mul3A_67 = arith.constant 2 : i32
      %mul3A_68 = arith.muli %mul3A_67, %scan3A_66 : i32
      %dma_wait3A = arith.constant 0 : i32
      %dma_wait3A_69 = tpu.memref_slice %arg7[%mul3A_68, %dma_wait3A] : memref<80x125xi32, #tpu.memory_space<vmem>> -> memref<1x125xi32, #tpu.memory_space<vmem>>
      %dma_wait3A_70 = tpu.memref_squeeze %dma_wait3A_69 : memref<1x125xi32, #tpu.memory_space<vmem>> -> memref<125xi32, #tpu.memory_space<vmem>>
      %dma_wait3A_71 = arith.constant 0 : i32
      %dma_wait3A_72 = arith.constant 0 : i32
      %dma_wait3A_73 = tpu.memref_slice %arg2[%dma_wait3A_71, %dma_wait3A_72] : memref<10000x128xf32, #tpu.memory_space<hbm>> -> memref<10000x128xf32, #tpu.memory_space<hbm>>
      tpu.wait_indirect_dma semaphore(%arg14 : memref<!tpu.dma_semaphore, #tpu.memory_space<semaphore_mem>>) src(%dma_wait3A_73 : memref<10000x128xf32, #tpu.memory_space<hbm>>) dst(%arg8 : memref<125x128xf32, #tpu.memory_space<vmem>>)
      %add3A_74 = arith.constant 1 : i32
      %add3A_75 = arith.addi %mul3A_68, %add3A_74 : i32
      %dma_start3A_76 = arith.constant 1 : i32
      %dma_start3A_77 = arith.constant 0 : i32
      %dma_start3A_78 = tpu.memref_slice %arg10[%dma_start3A_76, %dma_start3A_77] : memref<2x125xi32, #tpu.memory_space<vmem>> -> memref<1x125xi32, #tpu.memory_space<vmem>>
      %dma_start3A_79 = tpu.memref_squeeze %dma_start3A_78 : memref<1x125xi32, #tpu.memory_space<vmem>> -> memref<125xi32, #tpu.memory_space<vmem>>
      %dma_start3A_80 = arith.constant 0 : i32
      %dma_start3A_81 = tpu.memref_slice %arg4[%add3A, %add3A_75, %dma_start3A_80] : memref<32x80x125xi32, #tpu.memory_space<hbm>> -> memref<1x1x125xi32, #tpu.memory_space<hbm>>
      %dma_start3A_82 = tpu.memref_squeeze %dma_start3A_81 : memref<1x1x125xi32, #tpu.memory_space<hbm>> -> memref<125xi32, #tpu.memory_space<hbm>>
      %dma_start3A_83 = arith.constant 0 : i32
      %dma_start3A_84 = tpu.memref_slice %arg10[%dma_start3A_76, %dma_start3A_83] : memref<2x125xi32, #tpu.memory_space<vmem>> -> memref<1x125xi32, #tpu.memory_space<vmem>>
      %dma_start3A_85 = tpu.memref_squeeze %dma_start3A_84 : memref<1x125xi32, #tpu.memory_space<vmem>> -> memref<125xi32, #tpu.memory_space<vmem>>
      %dma_start3A_86 = arith.constant 0 : i32
      %dma_start3A_87 = tpu.memref_slice %arg4[%add3A, %add3A_75, %dma_start3A_86] : memref<32x80x125xi32, #tpu.memory_space<hbm>> -> memref<1x1x125xi32, #tpu.memory_space<hbm>>
      %dma_start3A_88 = tpu.memref_squeeze %dma_start3A_87 : memref<1x1x125xi32, #tpu.memory_space<hbm>> -> memref<125xi32, #tpu.memory_space<hbm>>
      tpu.enqueue_dma source(%dma_start3A_88 : memref<125xi32, #tpu.memory_space<hbm>>) target(%dma_start3A_85 : memref<125xi32, #tpu.memory_space<vmem>>) target_semaphore(%arg17 : memref<!tpu.dma_semaphore, #tpu.memory_space<semaphore_mem>>)
      %add3A_89 = arith.constant 1 : i32
      %add3A_90 = arith.addi %mul3A_68, %add3A_89 : i32
      %dma_start3A_91 = arith.constant 0 : i32
      %dma_start3A_92 = tpu.memref_slice %arg5[%add3A, %add3A_90, %dma_start3A_91] : memref<32x80x125xf32, #tpu.memory_space<hbm>> -> memref<1x1x125xf32, #tpu.memory_space<hbm>>
      %dma_start3A_93 = tpu.memref_squeeze %dma_start3A_92 : memref<1x1x125xf32, #tpu.memory_space<hbm>> -> memref<125xf32, #tpu.memory_space<hbm>>
      %dma_start3A_94 = arith.constant 0 : i32
      %dma_start3A_95 = tpu.memref_slice %arg5[%add3A, %add3A_90, %dma_start3A_94] : memref<32x80x125xf32, #tpu.memory_space<hbm>> -> memref<1x1x125xf32, #tpu.memory_space<hbm>>
      %dma_start3A_96 = tpu.memref_squeeze %dma_start3A_95 : memref<1x1x125xf32, #tpu.memory_space<hbm>> -> memref<125xf32, #tpu.memory_space<hbm>>
      tpu.enqueue_dma source(%dma_start3A_96 : memref<125xf32, #tpu.memory_space<hbm>>) target(%arg12 : memref<125xf32, #tpu.memory_space<vmem>>) target_semaphore(%arg17 : memref<!tpu.dma_semaphore, #tpu.memory_space<semaphore_mem>>)
      %add3A_97 = arith.constant 1 : i32
      %add3A_98 = arith.addi %mul3A_68, %add3A_97 : i32
      %dma_start3A_99 = arith.constant 0 : i32
      %dma_start3A_100 = tpu.memref_slice %arg7[%add3A_98, %dma_start3A_99] : memref<80x125xi32, #tpu.memory_space<vmem>> -> memref<1x125xi32, #tpu.memory_space<vmem>>
      %dma_start3A_101 = tpu.memref_squeeze %dma_start3A_100 : memref<1x125xi32, #tpu.memory_space<vmem>> -> memref<125xi32, #tpu.memory_space<vmem>>
      %dma_start3A_102 = arith.constant 0 : i32
      %dma_start3A_103 = arith.constant 0 : i32
      %dma_start3A_104 = tpu.memref_slice %arg2[%dma_start3A_102, %dma_start3A_103] : memref<10000x128xf32, #tpu.memory_space<hbm>> -> memref<10000x128xf32, #tpu.memory_space<hbm>>
      tpu.enqueue_indirect_dma source(%dma_start3A_104 : memref<10000x128xf32, #tpu.memory_space<hbm>>) target(%arg9 : memref<125x128xf32, #tpu.memory_space<vmem>>) offsets(%dma_start3A_101 : memref<125xi32, #tpu.memory_space<vmem>>) semaphore(%arg15 : memref<!tpu.dma_semaphore, #tpu.memory_space<semaphore_mem>>)
      %dma_wait3A_105 = arith.constant 0 : i32
      %dma_wait3A_106 = arith.constant 0 : i32
      %dma_wait3A_107 = tpu.memref_slice %arg10[%dma_wait3A_105, %dma_wait3A_106] : memref<2x125xi32, #tpu.memory_space<vmem>> -> memref<1x125xi32, #tpu.memory_space<vmem>>
      %dma_wait3A_108 = tpu.memref_squeeze %dma_wait3A_107 : memref<1x125xi32, #tpu.memory_space<vmem>> -> memref<125xi32, #tpu.memory_space<vmem>>
      %dma_wait3A_109 = arith.constant 0 : i32
      %dma_wait3A_110 = tpu.memref_slice %arg4[%add3A, %mul3A_68, %dma_wait3A_109] : memref<32x80x125xi32, #tpu.memory_space<hbm>> -> memref<1x1x125xi32, #tpu.memory_space<hbm>>
      %dma_wait3A_111 = tpu.memref_squeeze %dma_wait3A_110 : memref<1x1x125xi32, #tpu.memory_space<hbm>> -> memref<125xi32, #tpu.memory_space<hbm>>
      %dma_wait3A_112 = arith.constant 0 : i32
      %dma_wait3A_113 = tpu.memref_slice %arg10[%dma_wait3A_105, %dma_wait3A_112] : memref<2x125xi32, #tpu.memory_space<vmem>> -> memref<1x125xi32, #tpu.memory_space<vmem>>
      %dma_wait3A_114 = tpu.memref_squeeze %dma_wait3A_113 : memref<1x125xi32, #tpu.memory_space<vmem>> -> memref<125xi32, #tpu.memory_space<vmem>>
      %dma_wait3A_115 = arith.constant 0 : i32
      %dma_wait3A_116 = tpu.memref_slice %arg4[%add3A, %mul3A_68, %dma_wait3A_115] : memref<32x80x125xi32, #tpu.memory_space<hbm>> -> memref<1x1x125xi32, #tpu.memory_space<hbm>>
      %dma_wait3A_117 = tpu.memref_squeeze %dma_wait3A_116 : memref<1x1x125xi32, #tpu.memory_space<hbm>> -> memref<125xi32, #tpu.memory_space<hbm>>
      tpu.wait_dma2 semaphore(%arg16 : memref<!tpu.dma_semaphore, #tpu.memory_space<semaphore_mem>>) src(%dma_wait3A_117 : memref<125xi32, #tpu.memory_space<hbm>>) dst(%dma_wait3A_114 : memref<125xi32, #tpu.memory_space<vmem>>)
      %dma_wait3A_118 = arith.constant 0 : i32
      %dma_wait3A_119 = tpu.memref_slice %arg5[%add3A, %mul3A_68, %dma_wait3A_118] : memref<32x80x125xf32, #tpu.memory_space<hbm>> -> memref<1x1x125xf32, #tpu.memory_space<hbm>>
      %dma_wait3A_120 = tpu.memref_squeeze %dma_wait3A_119 : memref<1x1x125xf32, #tpu.memory_space<hbm>> -> memref<125xf32, #tpu.memory_space<hbm>>
      %dma_wait3A_121 = arith.constant 0 : i32
      %dma_wait3A_122 = tpu.memref_slice %arg5[%add3A, %mul3A_68, %dma_wait3A_121] : memref<32x80x125xf32, #tpu.memory_space<hbm>> -> memref<1x1x125xf32, #tpu.memory_space<hbm>>
      %dma_wait3A_123 = tpu.memref_squeeze %dma_wait3A_122 : memref<1x1x125xf32, #tpu.memory_space<hbm>> -> memref<125xf32, #tpu.memory_space<hbm>>
      tpu.wait_dma2 semaphore(%arg16 : memref<!tpu.dma_semaphore, #tpu.memory_space<semaphore_mem>>) src(%dma_wait3A_123 : memref<125xf32, #tpu.memory_space<hbm>>) dst(%arg11 : memref<125xf32, #tpu.memory_space<vmem>>)
      %parallel_loop3A = arith.constant 0 : i32
      %parallel_loop3A_124 = arith.constant 125 : i32
      %parallel_loop3A_125 = arith.constant 1 : i32
      scf.for %parallel_loop3A_168 = %parallel_loop3A to %parallel_loop3A_124 step %parallel_loop3A_125  : i32 {
        %parallel_loop3A_169 = vector.broadcast %parallel_loop3A_168 : i32 to vector<16xi32>
        %parallel_loop3A_170 = tpu.vector_load_idx %arg11[%parallel_loop3A_169] : memref<125xf32, #tpu.memory_space<vmem>>[vector<16xi32>], vector<16xf32>,
        %parallel_loop3A_171 = arith.index_cast %parallel_loop3A_168 : i32 to index
        %parallel_loop3A_172 = arith.constant 0 : index
        %parallel_loop3A_173 = tpu.vector_load %arg8[%parallel_loop3A_171, %parallel_loop3A_172] {strides = array<i32>} : memref<125x128xf32, #tpu.memory_space<vmem>>, vector<16xf32>,
        %parallel_loop3A_174 = arith.mulf %parallel_loop3A_173, %parallel_loop3A_170 : vector<16xf32>
        %parallel_loop3A_175 = arith.index_cast %parallel_loop3A_168 : i32 to index
        %parallel_loop3A_176 = arith.constant 0 : index
        %parallel_loop3A_177 = tpu.vector_load %arg8[%parallel_loop3A_175, %parallel_loop3A_176] {strides = array<i32>} : memref<125x128xf32, #tpu.memory_space<vmem>>, vector<16xf32>,
        tpu.vector_store %arg8[%parallel_loop3A_175, %parallel_loop3A_176], %parallel_loop3A_174 {strides = array<i32>} : memref<125x128xf32, #tpu.memory_space<vmem>>, vector<16xf32>,
        %parallel_loop3A_178 = arith.index_cast %parallel_loop3A_168 : i32 to index
        %parallel_loop3A_179 = arith.constant 16 : index
        %parallel_loop3A_180 = tpu.vector_load %arg8[%parallel_loop3A_178, %parallel_loop3A_179] {strides = array<i32>} : memref<125x128xf32, #tpu.memory_space<vmem>>, vector<16xf32>,
        %parallel_loop3A_181 = arith.mulf %parallel_loop3A_180, %parallel_loop3A_170 : vector<16xf32>
        %parallel_loop3A_182 = arith.index_cast %parallel_loop3A_168 : i32 to index
        %parallel_loop3A_183 = arith.constant 16 : index
        %parallel_loop3A_184 = tpu.vector_load %arg8[%parallel_loop3A_182, %parallel_loop3A_183] {strides = array<i32>} : memref<125x128xf32, #tpu.memory_space<vmem>>, vector<16xf32>,
        tpu.vector_store %arg8[%parallel_loop3A_182, %parallel_loop3A_183], %parallel_loop3A_181 {strides = array<i32>} : memref<125x128xf32, #tpu.memory_space<vmem>>, vector<16xf32>,
        %parallel_loop3A_185 = arith.index_cast %parallel_loop3A_168 : i32 to index
        %parallel_loop3A_186 = arith.constant 32 : index
        %parallel_loop3A_187 = tpu.vector_load %arg8[%parallel_loop3A_185, %parallel_loop3A_186] {strides = array<i32>} : memref<125x128xf32, #tpu.memory_space<vmem>>, vector<16xf32>,
        %parallel_loop3A_188 = arith.mulf %parallel_loop3A_187, %parallel_loop3A_170 : vector<16xf32>
        %parallel_loop3A_189 = arith.index_cast %parallel_loop3A_168 : i32 to index
        %parallel_loop3A_190 = arith.constant 32 : index
        %parallel_loop3A_191 = tpu.vector_load %arg8[%parallel_loop3A_189, %parallel_loop3A_190] {strides = array<i32>} : memref<125x128xf32, #tpu.memory_space<vmem>>, vector<16xf32>,
        tpu.vector_store %arg8[%parallel_loop3A_189, %parallel_loop3A_190], %parallel_loop3A_188 {strides = array<i32>} : memref<125x128xf32, #tpu.memory_space<vmem>>, vector<16xf32>,
        %parallel_loop3A_192 = arith.index_cast %parallel_loop3A_168 : i32 to index
        %parallel_loop3A_193 = arith.constant 48 : index
        %parallel_loop3A_194 = tpu.vector_load %arg8[%parallel_loop3A_192, %parallel_loop3A_193] {strides = array<i32>} : memref<125x128xf32, #tpu.memory_space<vmem>>, vector<16xf32>,
        %parallel_loop3A_195 = arith.mulf %parallel_loop3A_194, %parallel_loop3A_170 : vector<16xf32>
        %parallel_loop3A_196 = arith.index_cast %parallel_loop3A_168 : i32 to index
        %parallel_loop3A_197 = arith.constant 48 : index
        %parallel_loop3A_198 = tpu.vector_load %arg8[%parallel_loop3A_196, %parallel_loop3A_197] {strides = array<i32>} : memref<125x128xf32, #tpu.memory_space<vmem>>, vector<16xf32>,
        tpu.vector_store %arg8[%parallel_loop3A_196, %parallel_loop3A_197], %parallel_loop3A_195 {strides = array<i32>} : memref<125x128xf32, #tpu.memory_space<vmem>>, vector<16xf32>,
        %parallel_loop3A_199 = arith.index_cast %parallel_loop3A_168 : i32 to index
        %parallel_loop3A_200 = arith.constant 64 : index
        %parallel_loop3A_201 = tpu.vector_load %arg8[%parallel_loop3A_199, %parallel_loop3A_200] {strides = array<i32>} : memref<125x128xf32, #tpu.memory_space<vmem>>, vector<16xf32>,
        %parallel_loop3A_202 = arith.mulf %parallel_loop3A_201, %parallel_loop3A_170 : vector<16xf32>
        %parallel_loop3A_203 = arith.index_cast %parallel_loop3A_168 : i32 to index
        %parallel_loop3A_204 = arith.constant 64 : index
        %parallel_loop3A_205 = tpu.vector_load %arg8[%parallel_loop3A_203, %parallel_loop3A_204] {strides = array<i32>} : memref<125x128xf32, #tpu.memory_space<vmem>>, vector<16xf32>,
        tpu.vector_store %arg8[%parallel_loop3A_203, %parallel_loop3A_204], %parallel_loop3A_202 {strides = array<i32>} : memref<125x128xf32, #tpu.memory_space<vmem>>, vector<16xf32>,
        %parallel_loop3A_206 = arith.index_cast %parallel_loop3A_168 : i32 to index
        %parallel_loop3A_207 = arith.constant 80 : index
        %parallel_loop3A_208 = tpu.vector_load %arg8[%parallel_loop3A_206, %parallel_loop3A_207] {strides = array<i32>} : memref<125x128xf32, #tpu.memory_space<vmem>>, vector<16xf32>,
        %parallel_loop3A_209 = arith.mulf %parallel_loop3A_208, %parallel_loop3A_170 : vector<16xf32>
        %parallel_loop3A_210 = arith.index_cast %parallel_loop3A_168 : i32 to index
        %parallel_loop3A_211 = arith.constant 80 : index
        %parallel_loop3A_212 = tpu.vector_load %arg8[%parallel_loop3A_210, %parallel_loop3A_211] {strides = array<i32>} : memref<125x128xf32, #tpu.memory_space<vmem>>, vector<16xf32>,
        tpu.vector_store %arg8[%parallel_loop3A_210, %parallel_loop3A_211], %parallel_loop3A_209 {strides = array<i32>} : memref<125x128xf32, #tpu.memory_space<vmem>>, vector<16xf32>,
        %parallel_loop3A_213 = arith.index_cast %parallel_loop3A_168 : i32 to index
        %parallel_loop3A_214 = arith.constant 96 : index
        %parallel_loop3A_215 = tpu.vector_load %arg8[%parallel_loop3A_213, %parallel_loop3A_214] {strides = array<i32>} : memref<125x128xf32, #tpu.memory_space<vmem>>, vector<16xf32>,
        %parallel_loop3A_216 = arith.mulf %parallel_loop3A_215, %parallel_loop3A_170 : vector<16xf32>
        %parallel_loop3A_217 = arith.index_cast %parallel_loop3A_168 : i32 to index
        %parallel_loop3A_218 = arith.constant 96 : index
        %parallel_loop3A_219 = tpu.vector_load %arg8[%parallel_loop3A_217, %parallel_loop3A_218] {strides = array<i32>} : memref<125x128xf32, #tpu.memory_space<vmem>>, vector<16xf32>,
        tpu.vector_store %arg8[%parallel_loop3A_217, %parallel_loop3A_218], %parallel_loop3A_216 {strides = array<i32>} : memref<125x128xf32, #tpu.memory_space<vmem>>, vector<16xf32>,
        %parallel_loop3A_220 = arith.index_cast %parallel_loop3A_168 : i32 to index
        %parallel_loop3A_221 = arith.constant 112 : index
        %parallel_loop3A_222 = tpu.vector_load %arg8[%parallel_loop3A_220, %parallel_loop3A_221] {strides = array<i32>} : memref<125x128xf32, #tpu.memory_space<vmem>>, vector<16xf32>,
        %parallel_loop3A_223 = arith.mulf %parallel_loop3A_222, %parallel_loop3A_170 : vector<16xf32>
        %parallel_loop3A_224 = arith.index_cast %parallel_loop3A_168 : i32 to index
        %parallel_loop3A_225 = arith.constant 112 : index
        %parallel_loop3A_226 = tpu.vector_load %arg8[%parallel_loop3A_224, %parallel_loop3A_225] {strides = array<i32>} : memref<125x128xf32, #tpu.memory_space<vmem>>, vector<16xf32>,
        tpu.vector_store %arg8[%parallel_loop3A_224, %parallel_loop3A_225], %parallel_loop3A_223 {strides = array<i32>} : memref<125x128xf32, #tpu.memory_space<vmem>>, vector<16xf32>,
      } {sc.loop_unroll_factor = 4 : i64, sc.parallel_access}
      %run_scoped3A = arith.constant 0 : i32
      "tpu.region"() ({
        %run_scoped3A_168 = tpu.sem_alloc : memref<!tpu.dma_semaphore, #tpu.memory_space<semaphore_mem>>
        %dma_start3A_169 = arith.constant 0 : i32
        %dma_start3A_170 = tpu.memref_slice %arg10[%run_scoped3A, %dma_start3A_169] : memref<2x125xi32, #tpu.memory_space<vmem>> -> memref<1x125xi32, #tpu.memory_space<vmem>>
        %dma_start3A_171 = tpu.memref_squeeze %dma_start3A_170 : memref<1x125xi32, #tpu.memory_space<vmem>> -> memref<125xi32, #tpu.memory_space<vmem>>
        %dma_start3A_172 = arith.constant 0 : i32
        %dma_start3A_173 = arith.constant 0 : i32
        %dma_start3A_174 = tpu.memref_slice %arg13[%dma_start3A_172, %dma_start3A_173] : memref<10000x128xf32, #tpu.memory_space<vmem_shared>> -> memref<10000x128xf32, #tpu.memory_space<vmem_shared>>
        tpu.enqueue_indirect_dma source(%arg8 : memref<125x128xf32, #tpu.memory_space<vmem>>) target(%dma_start3A_174 : memref<10000x128xf32, #tpu.memory_space<vmem_shared>>) offsets(%dma_start3A_171 : memref<125xi32, #tpu.memory_space<vmem>>) semaphore(%run_scoped3A_168 : memref<!tpu.dma_semaphore, #tpu.memory_space<semaphore_mem>>) {add = true}
        %dma_wait3A_175 = arith.constant 0 : i32
        %dma_wait3A_176 = tpu.memref_slice %arg10[%run_scoped3A, %dma_wait3A_175] : memref<2x125xi32, #tpu.memory_space<vmem>> -> memref<1x125xi32, #tpu.memory_space<vmem>>
        %dma_wait3A_177 = tpu.memref_squeeze %dma_wait3A_176 : memref<1x125xi32, #tpu.memory_space<vmem>> -> memref<125xi32, #tpu.memory_space<vmem>>
        %dma_wait3A_178 = arith.constant 0 : i32
        %dma_wait3A_179 = arith.constant 0 : i32
        %dma_wait3A_180 = tpu.memref_slice %arg13[%dma_wait3A_178, %dma_wait3A_179] : memref<10000x128xf32, #tpu.memory_space<vmem_shared>> -> memref<10000x128xf32, #tpu.memory_space<vmem_shared>>
        tpu.wait_indirect_dma semaphore(%run_scoped3A_168 : memref<!tpu.dma_semaphore, #tpu.memory_space<semaphore_mem>>) src(%arg8 : memref<125x128xf32, #tpu.memory_space<vmem>>) dst(%dma_wait3A_180 : memref<10000x128xf32, #tpu.memory_space<vmem_shared>>)
        tpu.yield
      }) : () -> ()
      %add3A_126 = arith.constant 1 : i32
      %add3A_127 = arith.addi %mul3A_68, %add3A_126 : i32
      %dma_wait3A_128 = arith.constant 0 : i32
      %dma_wait3A_129 = tpu.memref_slice %arg7[%add3A_127, %dma_wait3A_128] : memref<80x125xi32, #tpu.memory_space<vmem>> -> memref<1x125xi32, #tpu.memory_space<vmem>>
      %dma_wait3A_130 = tpu.memref_squeeze %dma_wait3A_129 : memref<1x125xi32, #tpu.memory_space<vmem>> -> memref<125xi32, #tpu.memory_space<vmem>>
      %dma_wait3A_131 = arith.constant 0 : i32
      %dma_wait3A_132 = arith.constant 0 : i32
      %dma_wait3A_133 = tpu.memref_slice %arg2[%dma_wait3A_131, %dma_wait3A_132] : memref<10000x128xf32, #tpu.memory_space<hbm>> -> memref<10000x128xf32, #tpu.memory_space<hbm>>
      tpu.wait_indirect_dma semaphore(%arg15 : memref<!tpu.dma_semaphore, #tpu.memory_space<semaphore_mem>>) src(%dma_wait3A_133 : memref<10000x128xf32, #tpu.memory_space<hbm>>) dst(%arg9 : memref<125x128xf32, #tpu.memory_space<vmem>>)
      %lt3A_134 = arith.constant 39 : i32
      %lt3A_135 = arith.cmpi slt, %scan3A_66, %lt3A_134 : i32
      %convert_element_type3A_136 = arith.extui %lt3A_135 : i1 to i32
      %cond3A_137 = arith.constant 0 : i32
      %cond3A_138 = arith.cmpi ne, %convert_element_type3A_136, %cond3A_137 : i32
      scf.if %cond3A_138 {
        %add3A_168 = arith.constant 2 : i32
        %add3A_169 = arith.addi %mul3A_68, %add3A_168 : i32
        %dma_start3A_170 = arith.constant 0 : i32
        %dma_start3A_171 = arith.constant 0 : i32
        %dma_start3A_172 = tpu.memref_slice %arg10[%dma_start3A_170, %dma_start3A_171] : memref<2x125xi32, #tpu.memory_space<vmem>> -> memref<1x125xi32, #tpu.memory_space<vmem>>
        %dma_start3A_173 = tpu.memref_squeeze %dma_start3A_172 : memref<1x125xi32, #tpu.memory_space<vmem>> -> memref<125xi32, #tpu.memory_space<vmem>>
        %dma_start3A_174 = arith.constant 0 : i32
        %dma_start3A_175 = tpu.memref_slice %arg4[%add3A, %add3A_169, %dma_start3A_174] : memref<32x80x125xi32, #tpu.memory_space<hbm>> -> memref<1x1x125xi32, #tpu.memory_space<hbm>>
        %dma_start3A_176 = tpu.memref_squeeze %dma_start3A_175 : memref<1x1x125xi32, #tpu.memory_space<hbm>> -> memref<125xi32, #tpu.memory_space<hbm>>
        %dma_start3A_177 = arith.constant 0 : i32
        %dma_start3A_178 = tpu.memref_slice %arg10[%dma_start3A_170, %dma_start3A_177] : memref<2x125xi32, #tpu.memory_space<vmem>> -> memref<1x125xi32, #tpu.memory_space<vmem>>
        %dma_start3A_179 = tpu.memref_squeeze %dma_start3A_178 : memref<1x125xi32, #tpu.memory_space<vmem>> -> memref<125xi32, #tpu.memory_space<vmem>>
        %dma_start3A_180 = arith.constant 0 : i32
        %dma_start3A_181 = tpu.memref_slice %arg4[%add3A, %add3A_169, %dma_start3A_180] : memref<32x80x125xi32, #tpu.memory_space<hbm>> -> memref<1x1x125xi32, #tpu.memory_space<hbm>>
        %dma_start3A_182 = tpu.memref_squeeze %dma_start3A_181 : memref<1x1x125xi32, #tpu.memory_space<hbm>> -> memref<125xi32, #tpu.memory_space<hbm>>
        tpu.enqueue_dma source(%dma_start3A_182 : memref<125xi32, #tpu.memory_space<hbm>>) target(%dma_start3A_179 : memref<125xi32, #tpu.memory_space<vmem>>) target_semaphore(%arg16 : memref<!tpu.dma_semaphore, #tpu.memory_space<semaphore_mem>>)
        %add3A_183 = arith.constant 2 : i32
        %add3A_184 = arith.addi %mul3A_68, %add3A_183 : i32
        %dma_start3A_185 = arith.constant 0 : i32
        %dma_start3A_186 = tpu.memref_slice %arg5[%add3A, %add3A_184, %dma_start3A_185] : memref<32x80x125xf32, #tpu.memory_space<hbm>> -> memref<1x1x125xf32, #tpu.memory_space<hbm>>
        %dma_start3A_187 = tpu.memref_squeeze %dma_start3A_186 : memref<1x1x125xf32, #tpu.memory_space<hbm>> -> memref<125xf32, #tpu.memory_space<hbm>>
        %dma_start3A_188 = arith.constant 0 : i32
        %dma_start3A_189 = tpu.memref_slice %arg5[%add3A, %add3A_184, %dma_start3A_188] : memref<32x80x125xf32, #tpu.memory_space<hbm>> -> memref<1x1x125xf32, #tpu.memory_space<hbm>>
        %dma_start3A_190 = tpu.memref_squeeze %dma_start3A_189 : memref<1x1x125xf32, #tpu.memory_space<hbm>> -> memref<125xf32, #tpu.memory_space<hbm>>
        tpu.enqueue_dma source(%dma_start3A_190 : memref<125xf32, #tpu.memory_space<hbm>>) target(%arg11 : memref<125xf32, #tpu.memory_space<vmem>>) target_semaphore(%arg16 : memref<!tpu.dma_semaphore, #tpu.memory_space<semaphore_mem>>)
        %add3A_191 = arith.constant 2 : i32
        %add3A_192 = arith.addi %mul3A_68, %add3A_191 : i32
        %dma_start3A_193 = arith.constant 0 : i32
        %dma_start3A_194 = tpu.memref_slice %arg7[%add3A_192, %dma_start3A_193] : memref<80x125xi32, #tpu.memory_space<vmem>> -> memref<1x125xi32, #tpu.memory_space<vmem>>
        %dma_start3A_195 = tpu.memref_squeeze %dma_start3A_194 : memref<1x125xi32, #tpu.memory_space<vmem>> -> memref<125xi32, #tpu.memory_space<vmem>>
        %dma_start3A_196 = arith.constant 0 : i32
        %dma_start3A_197 = arith.constant 0 : i32
        %dma_start3A_198 = tpu.memref_slice %arg2[%dma_start3A_196, %dma_start3A_197] : memref<10000x128xf32, #tpu.memory_space<hbm>> -> memref<10000x128xf32, #tpu.memory_space<hbm>>
        tpu.enqueue_indirect_dma source(%dma_start3A_198 : memref<10000x128xf32, #tpu.memory_space<hbm>>) target(%arg8 : memref<125x128xf32, #tpu.memory_space<vmem>>) offsets(%dma_start3A_195 : memref<125xi32, #tpu.memory_space<vmem>>) semaphore(%arg14 : memref<!tpu.dma_semaphore, #tpu.memory_space<semaphore_mem>>)
      } else {
      }
      %add3A_139 = arith.constant 1 : i32
      %add3A_140 = arith.addi %mul3A_68, %add3A_139 : i32
      %dma_wait3A_141 = arith.constant 1 : i32
      %dma_wait3A_142 = arith.constant 0 : i32
      %dma_wait3A_143 = tpu.memref_slice %arg10[%dma_wait3A_141, %dma_wait3A_142] : memref<2x125xi32, #tpu.memory_space<vmem>> -> memref<1x125xi32, #tpu.memory_space<vmem>>
      %dma_wait3A_144 = tpu.memref_squeeze %dma_wait3A_143 : memref<1x125xi32, #tpu.memory_space<vmem>> -> memref<125xi32, #tpu.memory_space<vmem>>
      %dma_wait3A_145 = arith.constant 0 : i32
      %dma_wait3A_146 = tpu.memref_slice %arg4[%add3A, %add3A_140, %dma_wait3A_145] : memref<32x80x125xi32, #tpu.memory_space<hbm>> -> memref<1x1x125xi32, #tpu.memory_space<hbm>>
      %dma_wait3A_147 = tpu.memref_squeeze %dma_wait3A_146 : memref<1x1x125xi32, #tpu.memory_space<hbm>> -> memref<125xi32, #tpu.memory_space<hbm>>
      %dma_wait3A_148 = arith.constant 0 : i32
      %dma_wait3A_149 = tpu.memref_slice %arg10[%dma_wait3A_141, %dma_wait3A_148] : memref<2x125xi32, #tpu.memory_space<vmem>> -> memref<1x125xi32, #tpu.memory_space<vmem>>
      %dma_wait3A_150 = tpu.memref_squeeze %dma_wait3A_149 : memref<1x125xi32, #tpu.memory_space<vmem>> -> memref<125xi32, #tpu.memory_space<vmem>>
      %dma_wait3A_151 = arith.constant 0 : i32
      %dma_wait3A_152 = tpu.memref_slice %arg4[%add3A, %add3A_140, %dma_wait3A_151] : memref<32x80x125xi32, #tpu.memory_space<hbm>> -> memref<1x1x125xi32, #tpu.memory_space<hbm>>
      %dma_wait3A_153 = tpu.memref_squeeze %dma_wait3A_152 : memref<1x1x125xi32, #tpu.memory_space<hbm>> -> memref<125xi32, #tpu.memory_space<hbm>>
      tpu.wait_dma2 semaphore(%arg17 : memref<!tpu.dma_semaphore, #tpu.memory_space<semaphore_mem>>) src(%dma_wait3A_153 : memref<125xi32, #tpu.memory_space<hbm>>) dst(%dma_wait3A_150 : memref<125xi32, #tpu.memory_space<vmem>>)
      %add3A_154 = arith.constant 1 : i32
      %add3A_155 = arith.addi %mul3A_68, %add3A_154 : i32
      %dma_wait3A_156 = arith.constant 0 : i32
      %dma_wait3A_157 = tpu.memref_slice %arg5[%add3A, %add3A_155, %dma_wait3A_156] : memref<32x80x125xf32, #tpu.memory_space<hbm>> -> memref<1x1x125xf32, #tpu.memory_space<hbm>>
      %dma_wait3A_158 = tpu.memref_squeeze %dma_wait3A_157 : memref<1x1x125xf32, #tpu.memory_space<hbm>> -> memref<125xf32, #tpu.memory_space<hbm>>
      %dma_wait3A_159 = arith.constant 0 : i32
      %dma_wait3A_160 = tpu.memref_slice %arg5[%add3A, %add3A_155, %dma_wait3A_159] : memref<32x80x125xf32, #tpu.memory_space<hbm>> -> memref<1x1x125xf32, #tpu.memory_space<hbm>>
      %dma_wait3A_161 = tpu.memref_squeeze %dma_wait3A_160 : memref<1x1x125xf32, #tpu.memory_space<hbm>> -> memref<125xf32, #tpu.memory_space<hbm>>
      tpu.wait_dma2 semaphore(%arg17 : memref<!tpu.dma_semaphore, #tpu.memory_space<semaphore_mem>>) src(%dma_wait3A_161 : memref<125xf32, #tpu.memory_space<hbm>>) dst(%arg12 : memref<125xf32, #tpu.memory_space<vmem>>)
      %add3A_162 = arith.constant 1 : i32
      %add3A_163 = arith.addi %mul3A_68, %add3A_162 : i32
      %parallel_loop3A_164 = arith.constant 0 : i32
      %parallel_loop3A_165 = arith.constant 125 : i32
      %parallel_loop3A_166 = arith.constant 1 : i32
      scf.for %parallel_loop3A_168 = %parallel_loop3A_164 to %parallel_loop3A_165 step %parallel_loop3A_166  : i32 {
        %parallel_loop3A_169 = vector.broadcast %parallel_loop3A_168 : i32 to vector<16xi32>
        %parallel_loop3A_170 = tpu.vector_load_idx %arg12[%parallel_loop3A_169] : memref<125xf32, #tpu.memory_space<vmem>>[vector<16xi32>], vector<16xf32>,
        %parallel_loop3A_171 = arith.index_cast %parallel_loop3A_168 : i32 to index
        %parallel_loop3A_172 = arith.constant 0 : index
        %parallel_loop3A_173 = tpu.vector_load %arg9[%parallel_loop3A_171, %parallel_loop3A_172] {strides = array<i32>} : memref<125x128xf32, #tpu.memory_space<vmem>>, vector<16xf32>,
        %parallel_loop3A_174 = arith.mulf %parallel_loop3A_173, %parallel_loop3A_170 : vector<16xf32>
        %parallel_loop3A_175 = arith.index_cast %parallel_loop3A_168 : i32 to index
        %parallel_loop3A_176 = arith.constant 0 : index
        %parallel_loop3A_177 = tpu.vector_load %arg9[%parallel_loop3A_175, %parallel_loop3A_176] {strides = array<i32>} : memref<125x128xf32, #tpu.memory_space<vmem>>, vector<16xf32>,
        tpu.vector_store %arg9[%parallel_loop3A_175, %parallel_loop3A_176], %parallel_loop3A_174 {strides = array<i32>} : memref<125x128xf32, #tpu.memory_space<vmem>>, vector<16xf32>,
        %parallel_loop3A_178 = arith.index_cast %parallel_loop3A_168 : i32 to index
        %parallel_loop3A_179 = arith.constant 16 : index
        %parallel_loop3A_180 = tpu.vector_load %arg9[%parallel_loop3A_178, %parallel_loop3A_179] {strides = array<i32>} : memref<125x128xf32, #tpu.memory_space<vmem>>, vector<16xf32>,
        %parallel_loop3A_181 = arith.mulf %parallel_loop3A_180, %parallel_loop3A_170 : vector<16xf32>
        %parallel_loop3A_182 = arith.index_cast %parallel_loop3A_168 : i32 to index
        %parallel_loop3A_183 = arith.constant 16 : index
        %parallel_loop3A_184 = tpu.vector_load %arg9[%parallel_loop3A_182, %parallel_loop3A_183] {strides = array<i32>} : memref<125x128xf32, #tpu.memory_space<vmem>>, vector<16xf32>,
        tpu.vector_store %arg9[%parallel_loop3A_182, %parallel_loop3A_183], %parallel_loop3A_181 {strides = array<i32>} : memref<125x128xf32, #tpu.memory_space<vmem>>, vector<16xf32>,
        %parallel_loop3A_185 = arith.index_cast %parallel_loop3A_168 : i32 to index
        %parallel_loop3A_186 = arith.constant 32 : index
        %parallel_loop3A_187 = tpu.vector_load %arg9[%parallel_loop3A_185, %parallel_loop3A_186] {strides = array<i32>} : memref<125x128xf32, #tpu.memory_space<vmem>>, vector<16xf32>,
        %parallel_loop3A_188 = arith.mulf %parallel_loop3A_187, %parallel_loop3A_170 : vector<16xf32>
        %parallel_loop3A_189 = arith.index_cast %parallel_loop3A_168 : i32 to index
        %parallel_loop3A_190 = arith.constant 32 : index
        %parallel_loop3A_191 = tpu.vector_load %arg9[%parallel_loop3A_189, %parallel_loop3A_190] {strides = array<i32>} : memref<125x128xf32, #tpu.memory_space<vmem>>, vector<16xf32>,
        tpu.vector_store %arg9[%parallel_loop3A_189, %parallel_loop3A_190], %parallel_loop3A_188 {strides = array<i32>} : memref<125x128xf32, #tpu.memory_space<vmem>>, vector<16xf32>,
        %parallel_loop3A_192 = arith.index_cast %parallel_loop3A_168 : i32 to index
        %parallel_loop3A_193 = arith.constant 48 : index
        %parallel_loop3A_194 = tpu.vector_load %arg9[%parallel_loop3A_192, %parallel_loop3A_193] {strides = array<i32>} : memref<125x128xf32, #tpu.memory_space<vmem>>, vector<16xf32>,
        %parallel_loop3A_195 = arith.mulf %parallel_loop3A_194, %parallel_loop3A_170 : vector<16xf32>
        %parallel_loop3A_196 = arith.index_cast %parallel_loop3A_168 : i32 to index
        %parallel_loop3A_197 = arith.constant 48 : index
        %parallel_loop3A_198 = tpu.vector_load %arg9[%parallel_loop3A_196, %parallel_loop3A_197] {strides = array<i32>} : memref<125x128xf32, #tpu.memory_space<vmem>>, vector<16xf32>,
        tpu.vector_store %arg9[%parallel_loop3A_196, %parallel_loop3A_197], %parallel_loop3A_195 {strides = array<i32>} : memref<125x128xf32, #tpu.memory_space<vmem>>, vector<16xf32>,
        %parallel_loop3A_199 = arith.index_cast %parallel_loop3A_168 : i32 to index
        %parallel_loop3A_200 = arith.constant 64 : index
        %parallel_loop3A_201 = tpu.vector_load %arg9[%parallel_loop3A_199, %parallel_loop3A_200] {strides = array<i32>} : memref<125x128xf32, #tpu.memory_space<vmem>>, vector<16xf32>,
        %parallel_loop3A_202 = arith.mulf %parallel_loop3A_201, %parallel_loop3A_170 : vector<16xf32>
        %parallel_loop3A_203 = arith.index_cast %parallel_loop3A_168 : i32 to index
        %parallel_loop3A_204 = arith.constant 64 : index
        %parallel_loop3A_205 = tpu.vector_load %arg9[%parallel_loop3A_203, %parallel_loop3A_204] {strides = array<i32>} : memref<125x128xf32, #tpu.memory_space<vmem>>, vector<16xf32>,
        tpu.vector_store %arg9[%parallel_loop3A_203, %parallel_loop3A_204], %parallel_loop3A_202 {strides = array<i32>} : memref<125x128xf32, #tpu.memory_space<vmem>>, vector<16xf32>,
        %parallel_loop3A_206 = arith.index_cast %parallel_loop3A_168 : i32 to index
        %parallel_loop3A_207 = arith.constant 80 : index
        %parallel_loop3A_208 = tpu.vector_load %arg9[%parallel_loop3A_206, %parallel_loop3A_207] {strides = array<i32>} : memref<125x128xf32, #tpu.memory_space<vmem>>, vector<16xf32>,
        %parallel_loop3A_209 = arith.mulf %parallel_loop3A_208, %parallel_loop3A_170 : vector<16xf32>
        %parallel_loop3A_210 = arith.index_cast %parallel_loop3A_168 : i32 to index
        %parallel_loop3A_211 = arith.constant 80 : index
        %parallel_loop3A_212 = tpu.vector_load %arg9[%parallel_loop3A_210, %parallel_loop3A_211] {strides = array<i32>} : memref<125x128xf32, #tpu.memory_space<vmem>>, vector<16xf32>,
        tpu.vector_store %arg9[%parallel_loop3A_210, %parallel_loop3A_211], %parallel_loop3A_209 {strides = array<i32>} : memref<125x128xf32, #tpu.memory_space<vmem>>, vector<16xf32>,
        %parallel_loop3A_213 = arith.index_cast %parallel_loop3A_168 : i32 to index
        %parallel_loop3A_214 = arith.constant 96 : index
        %parallel_loop3A_215 = tpu.vector_load %arg9[%parallel_loop3A_213, %parallel_loop3A_214] {strides = array<i32>} : memref<125x128xf32, #tpu.memory_space<vmem>>, vector<16xf32>,
        %parallel_loop3A_216 = arith.mulf %parallel_loop3A_215, %parallel_loop3A_170 : vector<16xf32>
        %parallel_loop3A_217 = arith.index_cast %parallel_loop3A_168 : i32 to index
        %parallel_loop3A_218 = arith.constant 96 : index
        %parallel_loop3A_219 = tpu.vector_load %arg9[%parallel_loop3A_217, %parallel_loop3A_218] {strides = array<i32>} : memref<125x128xf32, #tpu.memory_space<vmem>>, vector<16xf32>,
        tpu.vector_store %arg9[%parallel_loop3A_217, %parallel_loop3A_218], %parallel_loop3A_216 {strides = array<i32>} : memref<125x128xf32, #tpu.memory_space<vmem>>, vector<16xf32>,
        %parallel_loop3A_220 = arith.index_cast %parallel_loop3A_168 : i32 to index
        %parallel_loop3A_221 = arith.constant 112 : index
        %parallel_loop3A_222 = tpu.vector_load %arg9[%parallel_loop3A_220, %parallel_loop3A_221] {strides = array<i32>} : memref<125x128xf32, #tpu.memory_space<vmem>>, vector<16xf32>,
        %parallel_loop3A_223 = arith.mulf %parallel_loop3A_222, %parallel_loop3A_170 : vector<16xf32>
        %parallel_loop3A_224 = arith.index_cast %parallel_loop3A_168 : i32 to index
        %parallel_loop3A_225 = arith.constant 112 : index
        %parallel_loop3A_226 = tpu.vector_load %arg9[%parallel_loop3A_224, %parallel_loop3A_225] {strides = array<i32>} : memref<125x128xf32, #tpu.memory_space<vmem>>, vector<16xf32>,
        tpu.vector_store %arg9[%parallel_loop3A_224, %parallel_loop3A_225], %parallel_loop3A_223 {strides = array<i32>} : memref<125x128xf32, #tpu.memory_space<vmem>>, vector<16xf32>,
      } {sc.loop_unroll_factor = 4 : i64, sc.parallel_access}
      %run_scoped3A_167 = arith.constant 1 : i32
      "tpu.region"() ({
        %run_scoped3A_168 = tpu.sem_alloc : memref<!tpu.dma_semaphore, #tpu.memory_space<semaphore_mem>>
        %dma_start3A_169 = arith.constant 0 : i32
        %dma_start3A_170 = tpu.memref_slice %arg10[%run_scoped3A_167, %dma_start3A_169] : memref<2x125xi32, #tpu.memory_space<vmem>> -> memref<1x125xi32, #tpu.memory_space<vmem>>
        %dma_start3A_171 = tpu.memref_squeeze %dma_start3A_170 : memref<1x125xi32, #tpu.memory_space<vmem>> -> memref<125xi32, #tpu.memory_space<vmem>>
        %dma_start3A_172 = arith.constant 0 : i32
        %dma_start3A_173 = arith.constant 0 : i32
        %dma_start3A_174 = tpu.memref_slice %arg13[%dma_start3A_172, %dma_start3A_173] : memref<10000x128xf32, #tpu.memory_space<vmem_shared>> -> memref<10000x128xf32, #tpu.memory_space<vmem_shared>>
        tpu.enqueue_indirect_dma source(%arg9 : memref<125x128xf32, #tpu.memory_space<vmem>>) target(%dma_start3A_174 : memref<10000x128xf32, #tpu.memory_space<vmem_shared>>) offsets(%dma_start3A_171 : memref<125xi32, #tpu.memory_space<vmem>>) semaphore(%run_scoped3A_168 : memref<!tpu.dma_semaphore, #tpu.memory_space<semaphore_mem>>) {add = true}
        %dma_wait3A_175 = arith.constant 0 : i32
        %dma_wait3A_176 = tpu.memref_slice %arg10[%run_scoped3A_167, %dma_wait3A_175] : memref<2x125xi32, #tpu.memory_space<vmem>> -> memref<1x125xi32, #tpu.memory_space<vmem>>
        %dma_wait3A_177 = tpu.memref_squeeze %dma_wait3A_176 : memref<1x125xi32, #tpu.memory_space<vmem>> -> memref<125xi32, #tpu.memory_space<vmem>>
        %dma_wait3A_178 = arith.constant 0 : i32
        %dma_wait3A_179 = arith.constant 0 : i32
        %dma_wait3A_180 = tpu.memref_slice %arg13[%dma_wait3A_178, %dma_wait3A_179] : memref<10000x128xf32, #tpu.memory_space<vmem_shared>> -> memref<10000x128xf32, #tpu.memory_space<vmem_shared>>
        tpu.wait_indirect_dma semaphore(%run_scoped3A_168 : memref<!tpu.dma_semaphore, #tpu.memory_space<semaphore_mem>>) src(%arg9 : memref<125x128xf32, #tpu.memory_space<vmem>>) dst(%dma_wait3A_180 : memref<10000x128xf32, #tpu.memory_space<vmem_shared>>)
        tpu.yield
      }) : () -> ()
    }
    %scan3A_58 = arith.constant 40 : i32
    %barrier3A_59 = arith.constant 0 : index
    tpu.barrier barrier_id(%barrier3A_59)
    %lt3A = arith.constant 15 : i32
    %lt3A_60 = arith.cmpi slt, %arg1, %lt3A : i32
    %convert_element_type3A = arith.extui %lt3A_60 : i1 to i32
    %cond3A = arith.constant 0 : i32
    %cond3A_61 = arith.cmpi ne, %convert_element_type3A, %cond3A : i32
    scf.if %cond3A_61 {
      %mul3A_66 = arith.constant 624 : i32
      %mul3A_67 = arith.muli %arg1, %mul3A_66 : i32
      %mul3A_68 = arith.constant 624 : i32
      %mul3A_69 = arith.muli %arg1, %mul3A_68 : i32
      "tpu.region"() ({
        %run_scoped3A = tpu.sem_alloc : memref<!tpu.dma_semaphore, #tpu.memory_space<semaphore_mem>>
        %dma_start3A_70 = arith.constant 0 : i32
        %dma_start3A_71 = tpu.memref_slice %arg6[%arg0, %mul3A_69, %dma_start3A_70] : memref<2x10000x128xf32, #tpu.memory_space<hbm>> -> memref<1x624x128xf32, #tpu.memory_space<hbm>>
        %dma_start3A_72 = tpu.memref_squeeze %dma_start3A_71 : memref<1x624x128xf32, #tpu.memory_space<hbm>> -> memref<624x128xf32, #tpu.memory_space<hbm>>
        %dma_start3A_73 = arith.constant 0 : i32
        %dma_start3A_74 = tpu.memref_slice %arg13[%mul3A_67, %dma_start3A_73] : memref<10000x128xf32, #tpu.memory_space<vmem_shared>> -> memref<624x128xf32, #tpu.memory_space<vmem_shared>>
        tpu.enqueue_dma source(%dma_start3A_74 : memref<624x128xf32, #tpu.memory_space<vmem_shared>>) target(%dma_start3A_72 : memref<624x128xf32, #tpu.memory_space<hbm>>) target_semaphore(%run_scoped3A : memref<!tpu.dma_semaphore, #tpu.memory_space<semaphore_mem>>)
        %dma_wait3A = arith.constant 0 : i32
        %dma_wait3A_75 = tpu.memref_slice %arg6[%arg0, %mul3A_69, %dma_wait3A] : memref<2x10000x128xf32, #tpu.memory_space<hbm>> -> memref<1x624x128xf32, #tpu.memory_space<hbm>>
        %dma_wait3A_76 = tpu.memref_squeeze %dma_wait3A_75 : memref<1x624x128xf32, #tpu.memory_space<hbm>> -> memref<624x128xf32, #tpu.memory_space<hbm>>
        %dma_wait3A_77 = arith.constant 0 : i32
        %dma_wait3A_78 = tpu.memref_slice %arg13[%mul3A_67, %dma_wait3A_77] : memref<10000x128xf32, #tpu.memory_space<vmem_shared>> -> memref<624x128xf32, #tpu.memory_space<vmem_shared>>
        tpu.wait_dma2 semaphore(%run_scoped3A : memref<!tpu.dma_semaphore, #tpu.memory_space<semaphore_mem>>) src(%dma_wait3A_78 : memref<624x128xf32, #tpu.memory_space<vmem_shared>>) dst(%dma_wait3A_76 : memref<624x128xf32, #tpu.memory_space<hbm>>)
        tpu.yield
      }) : () -> ()
    } else {
    }
    %eq3A = arith.constant 15 : i32
    %eq3A_62 = arith.cmpi eq, %arg1, %eq3A : i32
    %convert_element_type3A_63 = arith.extui %eq3A_62 : i1 to i32
    %cond3A_64 = arith.constant 0 : i32
    %cond3A_65 = arith.cmpi ne, %convert_element_type3A_63, %cond3A_64 : i32
    scf.if %cond3A_65 {
      "tpu.region"() ({
        %run_scoped3A = tpu.sem_alloc : memref<!tpu.dma_semaphore, #tpu.memory_space<semaphore_mem>>
        %dma_start3A_66 = arith.constant 9360 : i32
        %dma_start3A_67 = arith.constant 0 : i32
        %dma_start3A_68 = tpu.memref_slice %arg6[%arg0, %dma_start3A_66, %dma_start3A_67] : memref<2x10000x128xf32, #tpu.memory_space<hbm>> -> memref<1x640x128xf32, #tpu.memory_space<hbm>>
        %dma_start3A_69 = tpu.memref_squeeze %dma_start3A_68 : memref<1x640x128xf32, #tpu.memory_space<hbm>> -> memref<640x128xf32, #tpu.memory_space<hbm>>
        %dma_start3A_70 = arith.constant 9360 : i32
        %dma_start3A_71 = arith.constant 0 : i32
        %dma_start3A_72 = tpu.memref_slice %arg13[%dma_start3A_70, %dma_start3A_71] : memref<10000x128xf32, #tpu.memory_space<vmem_shared>> -> memref<640x128xf32, #tpu.memory_space<vmem_shared>>
        tpu.enqueue_dma source(%dma_start3A_72 : memref<640x128xf32, #tpu.memory_space<vmem_shared>>) target(%dma_start3A_69 : memref<640x128xf32, #tpu.memory_space<hbm>>) target_semaphore(%run_scoped3A : memref<!tpu.dma_semaphore, #tpu.memory_space<semaphore_mem>>)
        %dma_wait3A = arith.constant 9360 : i32
        %dma_wait3A_73 = arith.constant 0 : i32
        %dma_wait3A_74 = tpu.memref_slice %arg6[%arg0, %dma_wait3A, %dma_wait3A_73] : memref<2x10000x128xf32, #tpu.memory_space<hbm>> -> memref<1x640x128xf32, #tpu.memory_space<hbm>>
        %dma_wait3A_75 = tpu.memref_squeeze %dma_wait3A_74 : memref<1x640x128xf32, #tpu.memory_space<hbm>> -> memref<640x128xf32, #tpu.memory_space<hbm>>
        %dma_wait3A_76 = arith.constant 9360 : i32
        %dma_wait3A_77 = arith.constant 0 : i32
        %dma_wait3A_78 = tpu.memref_slice %arg13[%dma_wait3A_76, %dma_wait3A_77] : memref<10000x128xf32, #tpu.memory_space<vmem_shared>> -> memref<640x128xf32, #tpu.memory_space<vmem_shared>>
        tpu.wait_dma2 semaphore(%run_scoped3A : memref<!tpu.dma_semaphore, #tpu.memory_space<semaphore_mem>>) src(%dma_wait3A_78 : memref<640x128xf32, #tpu.memory_space<vmem_shared>>) dst(%dma_wait3A_75 : memref<640x128xf32, #tpu.memory_space<hbm>>)
        tpu.yield
      }) : () -> ()
    } else {
    }
    return
  }
}

#map = affine_map<(d0, d1) -> (0, 0)>
#map1 = affine_map<(d0, d1) -> (0, 0, 0)>
module attributes {stable_mosaic.version = 14 : i64} {
  func.func @_propagate_body(%arg0: i32, %arg1: i32, %arg2: memref<10000x128xf32, #tpu.memory_space<hbm>>, %arg3: memref<32x80x125xi32, #tpu.memory_space<hbm>>, %arg4: memref<32x80x125xi32, #tpu.memory_space<hbm>>, %arg5: memref<32x80x125xf32, #tpu.memory_space<hbm>>, %arg6: memref<2x10000x128xf32, #tpu.memory_space<hbm>>, %arg7: memref<80x125xi32, #tpu.memory_space<vmem>>, %arg8: memref<125x128xf32, #tpu.memory_space<vmem>>, %arg9: memref<125x128xf32, #tpu.memory_space<vmem>>, %arg10: memref<2x125xi32, #tpu.memory_space<vmem>>, %arg11: memref<125xf32, #tpu.memory_space<vmem>>, %arg12: memref<125xf32, #tpu.memory_space<vmem>>, %arg13: memref<10000x128xf32, #tpu.memory_space<vmem_shared>>, %arg14: memref<!tpu.dma_semaphore, #tpu.memory_space<semaphore_mem>>, %arg15: memref<!tpu.dma_semaphore, #tpu.memory_space<semaphore_mem>>, %arg16: memref<!tpu.dma_semaphore, #tpu.memory_space<semaphore_mem>>, %arg17: memref<!tpu.dma_semaphore, #tpu.memory_space<semaphore_mem>>) attributes {dimension_semantics = [#tpu.dimension_semantics<core_parallel>, #tpu.dimension_semantics<subcore_parallel>], iteration_bounds = array<i64: 2, 16>, scalar_prefetch = 0 : i64, scratch_operands = 11 : i64, tpu.core_type = #tpu.core_type<sc_vector_subcore>, window_params = [{transform_indices = #map}, {transform_indices = #map1}, {transform_indices = #map1}, {transform_indices = #map1}, {transform_indices = #map1}]} {
    %mul3A = arith.constant 2 : i32
    %mul3A_0 = arith.muli %arg1, %mul3A : i32
    %add3A = arith.addi %mul3A_0, %arg0 : i32
    "tpu.region"() ({
      %run_scoped3A = tpu.sem_alloc : memref<!tpu.dma_semaphore, #tpu.memory_space<semaphore_mem>>
      %dma_start3A_66 = arith.constant 0 : i32
      %dma_start3A_67 = arith.constant 0 : i32
      %dma_start3A_68 = tpu.memref_slice %arg3[%add3A, %dma_start3A_66, %dma_start3A_67] : memref<32x80x125xi32, #tpu.memory_space<hbm>> -> memref<1x80x125xi32, #tpu.memory_space<hbm>>
      %dma_start3A_69 = tpu.memref_squeeze %dma_start3A_68 : memref<1x80x125xi32, #tpu.memory_space<hbm>> -> memref<80x125xi32, #tpu.memory_space<hbm>>
      %dma_start3A_70 = arith.constant 0 : i32
      %dma_start3A_71 = arith.constant 0 : i32
      %dma_start3A_72 = tpu.memref_slice %arg3[%add3A, %dma_start3A_70, %dma_start3A_71] : memref<32x80x125xi32, #tpu.memory_space<hbm>> -> memref<1x80x125xi32, #tpu.memory_space<hbm>>
      %dma_start3A_73 = tpu.memref_squeeze %dma_start3A_72 : memref<1x80x125xi32, #tpu.memory_space<hbm>> -> memref<80x125xi32, #tpu.memory_space<hbm>>
      tpu.enqueue_dma source(%dma_start3A_73 : memref<80x125xi32, #tpu.memory_space<hbm>>) target(%arg7 : memref<80x125xi32, #tpu.memory_space<vmem>>) target_semaphore(%run_scoped3A : memref<!tpu.dma_semaphore, #tpu.memory_space<semaphore_mem>>)
      %dma_wait3A = arith.constant 0 : i32
      %dma_wait3A_74 = arith.constant 0 : i32
      %dma_wait3A_75 = tpu.memref_slice %arg3[%add3A, %dma_wait3A, %dma_wait3A_74] : memref<32x80x125xi32, #tpu.memory_space<hbm>> -> memref<1x80x125xi32, #tpu.memory_space<hbm>>
      %dma_wait3A_76 = tpu.memref_squeeze %dma_wait3A_75 : memref<1x80x125xi32, #tpu.memory_space<hbm>> -> memref<80x125xi32, #tpu.memory_space<hbm>>
      %dma_wait3A_77 = arith.constant 0 : i32
      %dma_wait3A_78 = arith.constant 0 : i32
      %dma_wait3A_79 = tpu.memref_slice %arg3[%add3A, %dma_wait3A_77, %dma_wait3A_78] : memref<32x80x125xi32, #tpu.memory_space<hbm>> -> memref<1x80x125xi32, #tpu.memory_space<hbm>>
      %dma_wait3A_80 = tpu.memref_squeeze %dma_wait3A_79 : memref<1x80x125xi32, #tpu.memory_space<hbm>> -> memref<80x125xi32, #tpu.memory_space<hbm>>
      tpu.wait_dma2 semaphore(%run_scoped3A : memref<!tpu.dma_semaphore, #tpu.memory_space<semaphore_mem>>) src(%dma_wait3A_80 : memref<80x125xi32, #tpu.memory_space<hbm>>) dst(%arg7 : memref<80x125xi32, #tpu.memory_space<vmem>>)
      tpu.yield
    }) : () -> ()
    %scan3A = arith.constant 0 : i32
    %scan3A_1 = arith.constant 0 : i32
    %scan3A_2 = arith.constant 125 : i32
    %scan3A_3 = arith.addi %scan3A_1, %scan3A_2 : i32
    %scan3A_4 = arith.constant 1 : i32
    scf.for %scan3A_66 = %scan3A_1 to %scan3A_3 step %scan3A_4  : i32 {
      %broadcast_in_dim3A = arith.constant 0.000000e+00 : f32
      %broadcast_in_dim3A_67 = vector.broadcast %broadcast_in_dim3A : f32 to vector<16xf32>
      %swap3A = arith.index_cast %scan3A_66 : i32 to index
      %swap3A_68 = arith.constant 0 : index
      %swap3A_69 = tpu.vector_load %arg8[%swap3A, %swap3A_68] {strides = array<i32>} : memref<125x128xf32, #tpu.memory_space<vmem>>, vector<16xf32>,
      tpu.vector_store %arg8[%swap3A, %swap3A_68], %broadcast_in_dim3A_67 {strides = array<i32>} : memref<125x128xf32, #tpu.memory_space<vmem>>, vector<16xf32>,
      %broadcast_in_dim3A_70 = arith.constant 0.000000e+00 : f32
      %broadcast_in_dim3A_71 = vector.broadcast %broadcast_in_dim3A_70 : f32 to vector<16xf32>
      %swap3A_72 = arith.index_cast %scan3A_66 : i32 to index
      %swap3A_73 = arith.constant 16 : index
      %swap3A_74 = tpu.vector_load %arg8[%swap3A_72, %swap3A_73] {strides = array<i32>} : memref<125x128xf32, #tpu.memory_space<vmem>>, vector<16xf32>,
      tpu.vector_store %arg8[%swap3A_72, %swap3A_73], %broadcast_in_dim3A_71 {strides = array<i32>} : memref<125x128xf32, #tpu.memory_space<vmem>>, vector<16xf32>,
      %broadcast_in_dim3A_75 = arith.constant 0.000000e+00 : f32
      %broadcast_in_dim3A_76 = vector.broadcast %broadcast_in_dim3A_75 : f32 to vector<16xf32>
      %swap3A_77 = arith.index_cast %scan3A_66 : i32 to index
      %swap3A_78 = arith.constant 32 : index
      %swap3A_79 = tpu.vector_load %arg8[%swap3A_77, %swap3A_78] {strides = array<i32>} : memref<125x128xf32, #tpu.memory_space<vmem>>, vector<16xf32>,
      tpu.vector_store %arg8[%swap3A_77, %swap3A_78], %broadcast_in_dim3A_76 {strides = array<i32>} : memref<125x128xf32, #tpu.memory_space<vmem>>, vector<16xf32>,
      %broadcast_in_dim3A_80 = arith.constant 0.000000e+00 : f32
      %broadcast_in_dim3A_81 = vector.broadcast %broadcast_in_dim3A_80 : f32 to vector<16xf32>
      %swap3A_82 = arith.index_cast %scan3A_66 : i32 to index
      %swap3A_83 = arith.constant 48 : index
      %swap3A_84 = tpu.vector_load %arg8[%swap3A_82, %swap3A_83] {strides = array<i32>} : memref<125x128xf32, #tpu.memory_space<vmem>>, vector<16xf32>,
      tpu.vector_store %arg8[%swap3A_82, %swap3A_83], %broadcast_in_dim3A_81 {strides = array<i32>} : memref<125x128xf32, #tpu.memory_space<vmem>>, vector<16xf32>,
      %broadcast_in_dim3A_85 = arith.constant 0.000000e+00 : f32
      %broadcast_in_dim3A_86 = vector.broadcast %broadcast_in_dim3A_85 : f32 to vector<16xf32>
      %swap3A_87 = arith.index_cast %scan3A_66 : i32 to index
      %swap3A_88 = arith.constant 64 : index
      %swap3A_89 = tpu.vector_load %arg8[%swap3A_87, %swap3A_88] {strides = array<i32>} : memref<125x128xf32, #tpu.memory_space<vmem>>, vector<16xf32>,
      tpu.vector_store %arg8[%swap3A_87, %swap3A_88], %broadcast_in_dim3A_86 {strides = array<i32>} : memref<125x128xf32, #tpu.memory_space<vmem>>, vector<16xf32>,
      %broadcast_in_dim3A_90 = arith.constant 0.000000e+00 : f32
      %broadcast_in_dim3A_91 = vector.broadcast %broadcast_in_dim3A_90 : f32 to vector<16xf32>
      %swap3A_92 = arith.index_cast %scan3A_66 : i32 to index
      %swap3A_93 = arith.constant 80 : index
      %swap3A_94 = tpu.vector_load %arg8[%swap3A_92, %swap3A_93] {strides = array<i32>} : memref<125x128xf32, #tpu.memory_space<vmem>>, vector<16xf32>,
      tpu.vector_store %arg8[%swap3A_92, %swap3A_93], %broadcast_in_dim3A_91 {strides = array<i32>} : memref<125x128xf32, #tpu.memory_space<vmem>>, vector<16xf32>,
      %broadcast_in_dim3A_95 = arith.constant 0.000000e+00 : f32
      %broadcast_in_dim3A_96 = vector.broadcast %broadcast_in_dim3A_95 : f32 to vector<16xf32>
      %swap3A_97 = arith.index_cast %scan3A_66 : i32 to index
      %swap3A_98 = arith.constant 96 : index
      %swap3A_99 = tpu.vector_load %arg8[%swap3A_97, %swap3A_98] {strides = array<i32>} : memref<125x128xf32, #tpu.memory_space<vmem>>, vector<16xf32>,
      tpu.vector_store %arg8[%swap3A_97, %swap3A_98], %broadcast_in_dim3A_96 {strides = array<i32>} : memref<125x128xf32, #tpu.memory_space<vmem>>, vector<16xf32>,
      %broadcast_in_dim3A_100 = arith.constant 0.000000e+00 : f32
      %broadcast_in_dim3A_101 = vector.broadcast %broadcast_in_dim3A_100 : f32 to vector<16xf32>
      %swap3A_102 = arith.index_cast %scan3A_66 : i32 to index
      %swap3A_103 = arith.constant 112 : index
      %swap3A_104 = tpu.vector_load %arg8[%swap3A_102, %swap3A_103] {strides = array<i32>} : memref<125x128xf32, #tpu.memory_space<vmem>>, vector<16xf32>,
      tpu.vector_store %arg8[%swap3A_102, %swap3A_103], %broadcast_in_dim3A_101 {strides = array<i32>} : memref<125x128xf32, #tpu.memory_space<vmem>>, vector<16xf32>,
    }
    %scan3A_5 = arith.constant 125 : i32
    %mul3A_6 = arith.constant 625 : i32
    %mul3A_7 = arith.muli %arg1, %mul3A_6 : i32
    %add3A_8 = arith.constant 0 : i32
    %add3A_9 = arith.addi %mul3A_7, %add3A_8 : i32
    "tpu.region"() ({
      %run_scoped3A = tpu.sem_alloc : memref<!tpu.dma_semaphore, #tpu.memory_space<semaphore_mem>>
      %dma_start3A_66 = arith.constant 0 : i32
      %dma_start3A_67 = tpu.memref_slice %arg13[%add3A_9, %dma_start3A_66] : memref<10000x128xf32, #tpu.memory_space<vmem_shared>> -> memref<125x128xf32, #tpu.memory_space<vmem_shared>>
      %dma_start3A_68 = arith.constant 0 : i32
      %dma_start3A_69 = tpu.memref_slice %arg13[%add3A_9, %dma_start3A_68] : memref<10000x128xf32, #tpu.memory_space<vmem_shared>> -> memref<125x128xf32, #tpu.memory_space<vmem_shared>>
      tpu.enqueue_dma source(%arg8 : memref<125x128xf32, #tpu.memory_space<vmem>>) target(%dma_start3A_69 : memref<125x128xf32, #tpu.memory_space<vmem_shared>>) target_semaphore(%run_scoped3A : memref<!tpu.dma_semaphore, #tpu.memory_space<semaphore_mem>>)
      %dma_wait3A = arith.constant 0 : i32
      %dma_wait3A_70 = tpu.memref_slice %arg13[%add3A_9, %dma_wait3A] : memref<10000x128xf32, #tpu.memory_space<vmem_shared>> -> memref<125x128xf32, #tpu.memory_space<vmem_shared>>
      %dma_wait3A_71 = arith.constant 0 : i32
      %dma_wait3A_72 = tpu.memref_slice %arg13[%add3A_9, %dma_wait3A_71] : memref<10000x128xf32, #tpu.memory_space<vmem_shared>> -> memref<125x128xf32, #tpu.memory_space<vmem_shared>>
      tpu.wait_dma2 semaphore(%run_scoped3A : memref<!tpu.dma_semaphore, #tpu.memory_space<semaphore_mem>>) src(%arg8 : memref<125x128xf32, #tpu.memory_space<vmem>>) dst(%dma_wait3A_72 : memref<125x128xf32, #tpu.memory_space<vmem_shared>>)
      tpu.yield
    }) : () -> ()
    %mul3A_10 = arith.constant 625 : i32
    %mul3A_11 = arith.muli %arg1, %mul3A_10 : i32
    %add3A_12 = arith.constant 125 : i32
    %add3A_13 = arith.addi %mul3A_11, %add3A_12 : i32
    "tpu.region"() ({
      %run_scoped3A = tpu.sem_alloc : memref<!tpu.dma_semaphore, #tpu.memory_space<semaphore_mem>>
      %dma_start3A_66 = arith.constant 0 : i32
      %dma_start3A_67 = tpu.memref_slice %arg13[%add3A_13, %dma_start3A_66] : memref<10000x128xf32, #tpu.memory_space<vmem_shared>> -> memref<125x128xf32, #tpu.memory_space<vmem_shared>>
      %dma_start3A_68 = arith.constant 0 : i32
      %dma_start3A_69 = tpu.memref_slice %arg13[%add3A_13, %dma_start3A_68] : memref<10000x128xf32, #tpu.memory_space<vmem_shared>> -> memref<125x128xf32, #tpu.memory_space<vmem_shared>>
      tpu.enqueue_dma source(%arg8 : memref<125x128xf32, #tpu.memory_space<vmem>>) target(%dma_start3A_69 : memref<125x128xf32, #tpu.memory_space<vmem_shared>>) target_semaphore(%run_scoped3A : memref<!tpu.dma_semaphore, #tpu.memory_space<semaphore_mem>>)
      %dma_wait3A = arith.constant 0 : i32
      %dma_wait3A_70 = tpu.memref_slice %arg13[%add3A_13, %dma_wait3A] : memref<10000x128xf32, #tpu.memory_space<vmem_shared>> -> memref<125x128xf32, #tpu.memory_space<vmem_shared>>
      %dma_wait3A_71 = arith.constant 0 : i32
      %dma_wait3A_72 = tpu.memref_slice %arg13[%add3A_13, %dma_wait3A_71] : memref<10000x128xf32, #tpu.memory_space<vmem_shared>> -> memref<125x128xf32, #tpu.memory_space<vmem_shared>>
      tpu.wait_dma2 semaphore(%run_scoped3A : memref<!tpu.dma_semaphore, #tpu.memory_space<semaphore_mem>>) src(%arg8 : memref<125x128xf32, #tpu.memory_space<vmem>>) dst(%dma_wait3A_72 : memref<125x128xf32, #tpu.memory_space<vmem_shared>>)
      tpu.yield
    }) : () -> ()
    %mul3A_14 = arith.constant 625 : i32
    %mul3A_15 = arith.muli %arg1, %mul3A_14 : i32
    %add3A_16 = arith.constant 250 : i32
    %add3A_17 = arith.addi %mul3A_15, %add3A_16 : i32
    "tpu.region"() ({
      %run_scoped3A = tpu.sem_alloc : memref<!tpu.dma_semaphore, #tpu.memory_space<semaphore_mem>>
      %dma_start3A_66 = arith.constant 0 : i32
      %dma_start3A_67 = tpu.memref_slice %arg13[%add3A_17, %dma_start3A_66] : memref<10000x128xf32, #tpu.memory_space<vmem_shared>> -> memref<125x128xf32, #tpu.memory_space<vmem_shared>>
      %dma_start3A_68 = arith.constant 0 : i32
      %dma_start3A_69 = tpu.memref_slice %arg13[%add3A_17, %dma_start3A_68] : memref<10000x128xf32, #tpu.memory_space<vmem_shared>> -> memref<125x128xf32, #tpu.memory_space<vmem_shared>>
      tpu.enqueue_dma source(%arg8 : memref<125x128xf32, #tpu.memory_space<vmem>>) target(%dma_start3A_69 : memref<125x128xf32, #tpu.memory_space<vmem_shared>>) target_semaphore(%run_scoped3A : memref<!tpu.dma_semaphore, #tpu.memory_space<semaphore_mem>>)
      %dma_wait3A = arith.constant 0 : i32
      %dma_wait3A_70 = tpu.memref_slice %arg13[%add3A_17, %dma_wait3A] : memref<10000x128xf32, #tpu.memory_space<vmem_shared>> -> memref<125x128xf32, #tpu.memory_space<vmem_shared>>
      %dma_wait3A_71 = arith.constant 0 : i32
      %dma_wait3A_72 = tpu.memref_slice %arg13[%add3A_17, %dma_wait3A_71] : memref<10000x128xf32, #tpu.memory_space<vmem_shared>> -> memref<125x128xf32, #tpu.memory_space<vmem_shared>>
      tpu.wait_dma2 semaphore(%run_scoped3A : memref<!tpu.dma_semaphore, #tpu.memory_space<semaphore_mem>>) src(%arg8 : memref<125x128xf32, #tpu.memory_space<vmem>>) dst(%dma_wait3A_72 : memref<125x128xf32, #tpu.memory_space<vmem_shared>>)
      tpu.yield
    }) : () -> ()
    %mul3A_18 = arith.constant 625 : i32
    %mul3A_19 = arith.muli %arg1, %mul3A_18 : i32
    %add3A_20 = arith.constant 375 : i32
    %add3A_21 = arith.addi %mul3A_19, %add3A_20 : i32
    "tpu.region"() ({
      %run_scoped3A = tpu.sem_alloc : memref<!tpu.dma_semaphore, #tpu.memory_space<semaphore_mem>>
      %dma_start3A_66 = arith.constant 0 : i32
      %dma_start3A_67 = tpu.memref_slice %arg13[%add3A_21, %dma_start3A_66] : memref<10000x128xf32, #tpu.memory_space<vmem_shared>> -> memref<125x128xf32, #tpu.memory_space<vmem_shared>>
      %dma_start3A_68 = arith.constant 0 : i32
      %dma_start3A_69 = tpu.memref_slice %arg13[%add3A_21, %dma_start3A_68] : memref<10000x128xf32, #tpu.memory_space<vmem_shared>> -> memref<125x128xf32, #tpu.memory_space<vmem_shared>>
      tpu.enqueue_dma source(%arg8 : memref<125x128xf32, #tpu.memory_space<vmem>>) target(%dma_start3A_69 : memref<125x128xf32, #tpu.memory_space<vmem_shared>>) target_semaphore(%run_scoped3A : memref<!tpu.dma_semaphore, #tpu.memory_space<semaphore_mem>>)
      %dma_wait3A = arith.constant 0 : i32
      %dma_wait3A_70 = tpu.memref_slice %arg13[%add3A_21, %dma_wait3A] : memref<10000x128xf32, #tpu.memory_space<vmem_shared>> -> memref<125x128xf32, #tpu.memory_space<vmem_shared>>
      %dma_wait3A_71 = arith.constant 0 : i32
      %dma_wait3A_72 = tpu.memref_slice %arg13[%add3A_21, %dma_wait3A_71] : memref<10000x128xf32, #tpu.memory_space<vmem_shared>> -> memref<125x128xf32, #tpu.memory_space<vmem_shared>>
      tpu.wait_dma2 semaphore(%run_scoped3A : memref<!tpu.dma_semaphore, #tpu.memory_space<semaphore_mem>>) src(%arg8 : memref<125x128xf32, #tpu.memory_space<vmem>>) dst(%dma_wait3A_72 : memref<125x128xf32, #tpu.memory_space<vmem_shared>>)
      tpu.yield
    }) : () -> ()
    %mul3A_22 = arith.constant 625 : i32
    %mul3A_23 = arith.muli %arg1, %mul3A_22 : i32
    %add3A_24 = arith.constant 500 : i32
    %add3A_25 = arith.addi %mul3A_23, %add3A_24 : i32
    "tpu.region"() ({
      %run_scoped3A = tpu.sem_alloc : memref<!tpu.dma_semaphore, #tpu.memory_space<semaphore_mem>>
      %dma_start3A_66 = arith.constant 0 : i32
      %dma_start3A_67 = tpu.memref_slice %arg13[%add3A_25, %dma_start3A_66] : memref<10000x128xf32, #tpu.memory_space<vmem_shared>> -> memref<125x128xf32, #tpu.memory_space<vmem_shared>>
      %dma_start3A_68 = arith.constant 0 : i32
      %dma_start3A_69 = tpu.memref_slice %arg13[%add3A_25, %dma_start3A_68] : memref<10000x128xf32, #tpu.memory_space<vmem_shared>> -> memref<125x128xf32, #tpu.memory_space<vmem_shared>>
      tpu.enqueue_dma source(%arg8 : memref<125x128xf32, #tpu.memory_space<vmem>>) target(%dma_start3A_69 : memref<125x128xf32, #tpu.memory_space<vmem_shared>>) target_semaphore(%run_scoped3A : memref<!tpu.dma_semaphore, #tpu.memory_space<semaphore_mem>>)
      %dma_wait3A = arith.constant 0 : i32
      %dma_wait3A_70 = tpu.memref_slice %arg13[%add3A_25, %dma_wait3A] : memref<10000x128xf32, #tpu.memory_space<vmem_shared>> -> memref<125x128xf32, #tpu.memory_space<vmem_shared>>
      %dma_wait3A_71 = arith.constant 0 : i32
      %dma_wait3A_72 = tpu.memref_slice %arg13[%add3A_25, %dma_wait3A_71] : memref<10000x128xf32, #tpu.memory_space<vmem_shared>> -> memref<125x128xf32, #tpu.memory_space<vmem_shared>>
      tpu.wait_dma2 semaphore(%run_scoped3A : memref<!tpu.dma_semaphore, #tpu.memory_space<semaphore_mem>>) src(%arg8 : memref<125x128xf32, #tpu.memory_space<vmem>>) dst(%dma_wait3A_72 : memref<125x128xf32, #tpu.memory_space<vmem_shared>>)
      tpu.yield
    }) : () -> ()
    %barrier3A = arith.constant 0 : index
    tpu.barrier barrier_id(%barrier3A)
    %dma_start3A = arith.constant 0 : i32
    %dma_start3A_26 = arith.constant 0 : i32
    %dma_start3A_27 = arith.constant 0 : i32
    %dma_start3A_28 = tpu.memref_slice %arg10[%dma_start3A_26, %dma_start3A_27] : memref<2x125xi32, #tpu.memory_space<vmem>> -> memref<1x125xi32, #tpu.memory_space<vmem>>
    %dma_start3A_29 = tpu.memref_squeeze %dma_start3A_28 : memref<1x125xi32, #tpu.memory_space<vmem>> -> memref<125xi32, #tpu.memory_space<vmem>>
    %dma_start3A_30 = arith.constant 0 : i32
    %dma_start3A_31 = tpu.memref_slice %arg4[%add3A, %dma_start3A, %dma_start3A_30] : memref<32x80x125xi32, #tpu.memory_space<hbm>> -> memref<1x1x125xi32, #tpu.memory_space<hbm>>
    %dma_start3A_32 = tpu.memref_squeeze %dma_start3A_31 : memref<1x1x125xi32, #tpu.memory_space<hbm>> -> memref<125xi32, #tpu.memory_space<hbm>>
    %dma_start3A_33 = arith.constant 0 : i32
    %dma_start3A_34 = tpu.memref_slice %arg10[%dma_start3A_26, %dma_start3A_33] : memref<2x125xi32, #tpu.memory_space<vmem>> -> memref<1x125xi32, #tpu.memory_space<vmem>>
    %dma_start3A_35 = tpu.memref_squeeze %dma_start3A_34 : memref<1x125xi32, #tpu.memory_space<vmem>> -> memref<125xi32, #tpu.memory_space<vmem>>
    %dma_start3A_36 = arith.constant 0 : i32
    %dma_start3A_37 = tpu.memref_slice %arg4[%add3A, %dma_start3A, %dma_start3A_36] : memref<32x80x125xi32, #tpu.memory_space<hbm>> -> memref<1x1x125xi32, #tpu.memory_space<hbm>>
    %dma_start3A_38 = tpu.memref_squeeze %dma_start3A_37 : memref<1x1x125xi32, #tpu.memory_space<hbm>> -> memref<125xi32, #tpu.memory_space<hbm>>
    tpu.enqueue_dma source(%dma_start3A_38 : memref<125xi32, #tpu.memory_space<hbm>>) target(%dma_start3A_35 : memref<125xi32, #tpu.memory_space<vmem>>) target_semaphore(%arg16 : memref<!tpu.dma_semaphore, #tpu.memory_space<semaphore_mem>>)
    %dma_start3A_39 = arith.constant 0 : i32
    %dma_start3A_40 = arith.constant 0 : i32
    %dma_start3A_41 = tpu.memref_slice %arg5[%add3A, %dma_start3A_39, %dma_start3A_40] : memref<32x80x125xf32, #tpu.memory_space<hbm>> -> memref<1x1x125xf32, #tpu.memory_space<hbm>>
    %dma_start3A_42 = tpu.memref_squeeze %dma_start3A_41 : memref<1x1x125xf32, #tpu.memory_space<hbm>> -> memref<125xf32, #tpu.memory_space<hbm>>
    %dma_start3A_43 = arith.constant 0 : i32
    %dma_start3A_44 = tpu.memref_slice %arg5[%add3A, %dma_start3A_39, %dma_start3A_43] : memref<32x80x125xf32, #tpu.memory_space<hbm>> -> memref<1x1x125xf32, #tpu.memory_space<hbm>>
    %dma_start3A_45 = tpu.memref_squeeze %dma_start3A_44 : memref<1x1x125xf32, #tpu.memory_space<hbm>> -> memref<125xf32, #tpu.memory_space<hbm>>
    tpu.enqueue_dma source(%dma_start3A_45 : memref<125xf32, #tpu.memory_space<hbm>>) target(%arg11 : memref<125xf32, #tpu.memory_space<vmem>>) target_semaphore(%arg16 : memref<!tpu.dma_semaphore, #tpu.memory_space<semaphore_mem>>)
    %dma_start3A_46 = arith.constant 0 : i32
    %dma_start3A_47 = arith.constant 0 : i32
    %dma_start3A_48 = tpu.memref_slice %arg7[%dma_start3A_46, %dma_start3A_47] : memref<80x125xi32, #tpu.memory_space<vmem>> -> memref<1x125xi32, #tpu.memory_space<vmem>>
    %dma_start3A_49 = tpu.memref_squeeze %dma_start3A_48 : memref<1x125xi32, #tpu.memory_space<vmem>> -> memref<125xi32, #tpu.memory_space<vmem>>
    %dma_start3A_50 = arith.constant 0 : i32
    %dma_start3A_51 = arith.constant 0 : i32
    %dma_start3A_52 = tpu.memref_slice %arg2[%dma_start3A_50, %dma_start3A_51] : memref<10000x128xf32, #tpu.memory_space<hbm>> -> memref<10000x128xf32, #tpu.memory_space<hbm>>
    tpu.enqueue_indirect_dma source(%dma_start3A_52 : memref<10000x128xf32, #tpu.memory_space<hbm>>) target(%arg8 : memref<125x128xf32, #tpu.memory_space<vmem>>) offsets(%dma_start3A_49 : memref<125xi32, #tpu.memory_space<vmem>>) semaphore(%arg14 : memref<!tpu.dma_semaphore, #tpu.memory_space<semaphore_mem>>)
    %scan3A_53 = arith.constant 0 : i32
    %scan3A_54 = arith.constant 0 : i32
    %scan3A_55 = arith.constant 40 : i32
    %scan3A_56 = arith.addi %scan3A_54, %scan3A_55 : i32
    %scan3A_57 = arith.constant 1 : i32
    scf.for %scan3A_66 = %scan3A_54 to %scan3A_56 step %scan3A_57  : i32 {
      %mul3A_67 = arith.constant 2 : i32
      %mul3A_68 = arith.muli %mul3A_67, %scan3A_66 : i32
      %dma_wait3A = arith.constant 0 : i32
      %dma_wait3A_69 = tpu.memref_slice %arg7[%mul3A_68, %dma_wait3A] : memref<80x125xi32, #tpu.memory_space<vmem>> -> memref<1x125xi32, #tpu.memory_space<vmem>>
      %dma_wait3A_70 = tpu.memref_squeeze %dma_wait3A_69 : memref<1x125xi32, #tpu.memory_space<vmem>> -> memref<125xi32, #tpu.memory_space<vmem>>
      %dma_wait3A_71 = arith.constant 0 : i32
      %dma_wait3A_72 = arith.constant 0 : i32
      %dma_wait3A_73 = tpu.memref_slice %arg2[%dma_wait3A_71, %dma_wait3A_72] : memref<10000x128xf32, #tpu.memory_space<hbm>> -> memref<10000x128xf32, #tpu.memory_space<hbm>>
      tpu.wait_indirect_dma semaphore(%arg14 : memref<!tpu.dma_semaphore, #tpu.memory_space<semaphore_mem>>) src(%dma_wait3A_73 : memref<10000x128xf32, #tpu.memory_space<hbm>>) dst(%arg8 : memref<125x128xf32, #tpu.memory_space<vmem>>)
      %add3A_74 = arith.constant 1 : i32
      %add3A_75 = arith.addi %mul3A_68, %add3A_74 : i32
      %dma_start3A_76 = arith.constant 1 : i32
      %dma_start3A_77 = arith.constant 0 : i32
      %dma_start3A_78 = tpu.memref_slice %arg10[%dma_start3A_76, %dma_start3A_77] : memref<2x125xi32, #tpu.memory_space<vmem>> -> memref<1x125xi32, #tpu.memory_space<vmem>>
      %dma_start3A_79 = tpu.memref_squeeze %dma_start3A_78 : memref<1x125xi32, #tpu.memory_space<vmem>> -> memref<125xi32, #tpu.memory_space<vmem>>
      %dma_start3A_80 = arith.constant 0 : i32
      %dma_start3A_81 = tpu.memref_slice %arg4[%add3A, %add3A_75, %dma_start3A_80] : memref<32x80x125xi32, #tpu.memory_space<hbm>> -> memref<1x1x125xi32, #tpu.memory_space<hbm>>
      %dma_start3A_82 = tpu.memref_squeeze %dma_start3A_81 : memref<1x1x125xi32, #tpu.memory_space<hbm>> -> memref<125xi32, #tpu.memory_space<hbm>>
      %dma_start3A_83 = arith.constant 0 : i32
      %dma_start3A_84 = tpu.memref_slice %arg10[%dma_start3A_76, %dma_start3A_83] : memref<2x125xi32, #tpu.memory_space<vmem>> -> memref<1x125xi32, #tpu.memory_space<vmem>>
      %dma_start3A_85 = tpu.memref_squeeze %dma_start3A_84 : memref<1x125xi32, #tpu.memory_space<vmem>> -> memref<125xi32, #tpu.memory_space<vmem>>
      %dma_start3A_86 = arith.constant 0 : i32
      %dma_start3A_87 = tpu.memref_slice %arg4[%add3A, %add3A_75, %dma_start3A_86] : memref<32x80x125xi32, #tpu.memory_space<hbm>> -> memref<1x1x125xi32, #tpu.memory_space<hbm>>
      %dma_start3A_88 = tpu.memref_squeeze %dma_start3A_87 : memref<1x1x125xi32, #tpu.memory_space<hbm>> -> memref<125xi32, #tpu.memory_space<hbm>>
      tpu.enqueue_dma source(%dma_start3A_88 : memref<125xi32, #tpu.memory_space<hbm>>) target(%dma_start3A_85 : memref<125xi32, #tpu.memory_space<vmem>>) target_semaphore(%arg17 : memref<!tpu.dma_semaphore, #tpu.memory_space<semaphore_mem>>)
      %add3A_89 = arith.constant 1 : i32
      %add3A_90 = arith.addi %mul3A_68, %add3A_89 : i32
      %dma_start3A_91 = arith.constant 0 : i32
      %dma_start3A_92 = tpu.memref_slice %arg5[%add3A, %add3A_90, %dma_start3A_91] : memref<32x80x125xf32, #tpu.memory_space<hbm>> -> memref<1x1x125xf32, #tpu.memory_space<hbm>>
      %dma_start3A_93 = tpu.memref_squeeze %dma_start3A_92 : memref<1x1x125xf32, #tpu.memory_space<hbm>> -> memref<125xf32, #tpu.memory_space<hbm>>
      %dma_start3A_94 = arith.constant 0 : i32
      %dma_start3A_95 = tpu.memref_slice %arg5[%add3A, %add3A_90, %dma_start3A_94] : memref<32x80x125xf32, #tpu.memory_space<hbm>> -> memref<1x1x125xf32, #tpu.memory_space<hbm>>
      %dma_start3A_96 = tpu.memref_squeeze %dma_start3A_95 : memref<1x1x125xf32, #tpu.memory_space<hbm>> -> memref<125xf32, #tpu.memory_space<hbm>>
      tpu.enqueue_dma source(%dma_start3A_96 : memref<125xf32, #tpu.memory_space<hbm>>) target(%arg12 : memref<125xf32, #tpu.memory_space<vmem>>) target_semaphore(%arg17 : memref<!tpu.dma_semaphore, #tpu.memory_space<semaphore_mem>>)
      %add3A_97 = arith.constant 1 : i32
      %add3A_98 = arith.addi %mul3A_68, %add3A_97 : i32
      %dma_start3A_99 = arith.constant 0 : i32
      %dma_start3A_100 = tpu.memref_slice %arg7[%add3A_98, %dma_start3A_99] : memref<80x125xi32, #tpu.memory_space<vmem>> -> memref<1x125xi32, #tpu.memory_space<vmem>>
      %dma_start3A_101 = tpu.memref_squeeze %dma_start3A_100 : memref<1x125xi32, #tpu.memory_space<vmem>> -> memref<125xi32, #tpu.memory_space<vmem>>
      %dma_start3A_102 = arith.constant 0 : i32
      %dma_start3A_103 = arith.constant 0 : i32
      %dma_start3A_104 = tpu.memref_slice %arg2[%dma_start3A_102, %dma_start3A_103] : memref<10000x128xf32, #tpu.memory_space<hbm>> -> memref<10000x128xf32, #tpu.memory_space<hbm>>
      tpu.enqueue_indirect_dma source(%dma_start3A_104 : memref<10000x128xf32, #tpu.memory_space<hbm>>) target(%arg9 : memref<125x128xf32, #tpu.memory_space<vmem>>) offsets(%dma_start3A_101 : memref<125xi32, #tpu.memory_space<vmem>>) semaphore(%arg15 : memref<!tpu.dma_semaphore, #tpu.memory_space<semaphore_mem>>)
      %dma_wait3A_105 = arith.constant 0 : i32
      %dma_wait3A_106 = arith.constant 0 : i32
      %dma_wait3A_107 = tpu.memref_slice %arg10[%dma_wait3A_105, %dma_wait3A_106] : memref<2x125xi32, #tpu.memory_space<vmem>> -> memref<1x125xi32, #tpu.memory_space<vmem>>
      %dma_wait3A_108 = tpu.memref_squeeze %dma_wait3A_107 : memref<1x125xi32, #tpu.memory_space<vmem>> -> memref<125xi32, #tpu.memory_space<vmem>>
      %dma_wait3A_109 = arith.constant 0 : i32
      %dma_wait3A_110 = tpu.memref_slice %arg4[%add3A, %mul3A_68, %dma_wait3A_109] : memref<32x80x125xi32, #tpu.memory_space<hbm>> -> memref<1x1x125xi32, #tpu.memory_space<hbm>>
      %dma_wait3A_111 = tpu.memref_squeeze %dma_wait3A_110 : memref<1x1x125xi32, #tpu.memory_space<hbm>> -> memref<125xi32, #tpu.memory_space<hbm>>
      %dma_wait3A_112 = arith.constant 0 : i32
      %dma_wait3A_113 = tpu.memref_slice %arg10[%dma_wait3A_105, %dma_wait3A_112] : memref<2x125xi32, #tpu.memory_space<vmem>> -> memref<1x125xi32, #tpu.memory_space<vmem>>
      %dma_wait3A_114 = tpu.memref_squeeze %dma_wait3A_113 : memref<1x125xi32, #tpu.memory_space<vmem>> -> memref<125xi32, #tpu.memory_space<vmem>>
      %dma_wait3A_115 = arith.constant 0 : i32
      %dma_wait3A_116 = tpu.memref_slice %arg4[%add3A, %mul3A_68, %dma_wait3A_115] : memref<32x80x125xi32, #tpu.memory_space<hbm>> -> memref<1x1x125xi32, #tpu.memory_space<hbm>>
      %dma_wait3A_117 = tpu.memref_squeeze %dma_wait3A_116 : memref<1x1x125xi32, #tpu.memory_space<hbm>> -> memref<125xi32, #tpu.memory_space<hbm>>
      tpu.wait_dma2 semaphore(%arg16 : memref<!tpu.dma_semaphore, #tpu.memory_space<semaphore_mem>>) src(%dma_wait3A_117 : memref<125xi32, #tpu.memory_space<hbm>>) dst(%dma_wait3A_114 : memref<125xi32, #tpu.memory_space<vmem>>)
      %dma_wait3A_118 = arith.constant 0 : i32
      %dma_wait3A_119 = tpu.memref_slice %arg5[%add3A, %mul3A_68, %dma_wait3A_118] : memref<32x80x125xf32, #tpu.memory_space<hbm>> -> memref<1x1x125xf32, #tpu.memory_space<hbm>>
      %dma_wait3A_120 = tpu.memref_squeeze %dma_wait3A_119 : memref<1x1x125xf32, #tpu.memory_space<hbm>> -> memref<125xf32, #tpu.memory_space<hbm>>
      %dma_wait3A_121 = arith.constant 0 : i32
      %dma_wait3A_122 = tpu.memref_slice %arg5[%add3A, %mul3A_68, %dma_wait3A_121] : memref<32x80x125xf32, #tpu.memory_space<hbm>> -> memref<1x1x125xf32, #tpu.memory_space<hbm>>
      %dma_wait3A_123 = tpu.memref_squeeze %dma_wait3A_122 : memref<1x1x125xf32, #tpu.memory_space<hbm>> -> memref<125xf32, #tpu.memory_space<hbm>>
      tpu.wait_dma2 semaphore(%arg16 : memref<!tpu.dma_semaphore, #tpu.memory_space<semaphore_mem>>) src(%dma_wait3A_123 : memref<125xf32, #tpu.memory_space<hbm>>) dst(%arg11 : memref<125xf32, #tpu.memory_space<vmem>>)
      %parallel_loop3A = arith.constant 0 : i32
      %parallel_loop3A_124 = arith.constant 125 : i32
      %parallel_loop3A_125 = arith.constant 1 : i32
      scf.for %parallel_loop3A_168 = %parallel_loop3A to %parallel_loop3A_124 step %parallel_loop3A_125  : i32 {
        %parallel_loop3A_169 = vector.broadcast %parallel_loop3A_168 : i32 to vector<16xi32>
        %parallel_loop3A_170 = tpu.vector_load_idx %arg11[%parallel_loop3A_169] : memref<125xf32, #tpu.memory_space<vmem>>[vector<16xi32>], vector<16xf32>,
        %parallel_loop3A_171 = arith.index_cast %parallel_loop3A_168 : i32 to index
        %parallel_loop3A_172 = arith.constant 0 : index
        %parallel_loop3A_173 = tpu.vector_load %arg8[%parallel_loop3A_171, %parallel_loop3A_172] {strides = array<i32>} : memref<125x128xf32, #tpu.memory_space<vmem>>, vector<16xf32>,
        %parallel_loop3A_174 = arith.mulf %parallel_loop3A_173, %parallel_loop3A_170 : vector<16xf32>
        %parallel_loop3A_175 = arith.index_cast %parallel_loop3A_168 : i32 to index
        %parallel_loop3A_176 = arith.constant 0 : index
        %parallel_loop3A_177 = tpu.vector_load %arg8[%parallel_loop3A_175, %parallel_loop3A_176] {strides = array<i32>} : memref<125x128xf32, #tpu.memory_space<vmem>>, vector<16xf32>,
        tpu.vector_store %arg8[%parallel_loop3A_175, %parallel_loop3A_176], %parallel_loop3A_174 {strides = array<i32>} : memref<125x128xf32, #tpu.memory_space<vmem>>, vector<16xf32>,
        %parallel_loop3A_178 = arith.index_cast %parallel_loop3A_168 : i32 to index
        %parallel_loop3A_179 = arith.constant 16 : index
        %parallel_loop3A_180 = tpu.vector_load %arg8[%parallel_loop3A_178, %parallel_loop3A_179] {strides = array<i32>} : memref<125x128xf32, #tpu.memory_space<vmem>>, vector<16xf32>,
        %parallel_loop3A_181 = arith.mulf %parallel_loop3A_180, %parallel_loop3A_170 : vector<16xf32>
        %parallel_loop3A_182 = arith.index_cast %parallel_loop3A_168 : i32 to index
        %parallel_loop3A_183 = arith.constant 16 : index
        %parallel_loop3A_184 = tpu.vector_load %arg8[%parallel_loop3A_182, %parallel_loop3A_183] {strides = array<i32>} : memref<125x128xf32, #tpu.memory_space<vmem>>, vector<16xf32>,
        tpu.vector_store %arg8[%parallel_loop3A_182, %parallel_loop3A_183], %parallel_loop3A_181 {strides = array<i32>} : memref<125x128xf32, #tpu.memory_space<vmem>>, vector<16xf32>,
        %parallel_loop3A_185 = arith.index_cast %parallel_loop3A_168 : i32 to index
        %parallel_loop3A_186 = arith.constant 32 : index
        %parallel_loop3A_187 = tpu.vector_load %arg8[%parallel_loop3A_185, %parallel_loop3A_186] {strides = array<i32>} : memref<125x128xf32, #tpu.memory_space<vmem>>, vector<16xf32>,
        %parallel_loop3A_188 = arith.mulf %parallel_loop3A_187, %parallel_loop3A_170 : vector<16xf32>
        %parallel_loop3A_189 = arith.index_cast %parallel_loop3A_168 : i32 to index
        %parallel_loop3A_190 = arith.constant 32 : index
        %parallel_loop3A_191 = tpu.vector_load %arg8[%parallel_loop3A_189, %parallel_loop3A_190] {strides = array<i32>} : memref<125x128xf32, #tpu.memory_space<vmem>>, vector<16xf32>,
        tpu.vector_store %arg8[%parallel_loop3A_189, %parallel_loop3A_190], %parallel_loop3A_188 {strides = array<i32>} : memref<125x128xf32, #tpu.memory_space<vmem>>, vector<16xf32>,
        %parallel_loop3A_192 = arith.index_cast %parallel_loop3A_168 : i32 to index
        %parallel_loop3A_193 = arith.constant 48 : index
        %parallel_loop3A_194 = tpu.vector_load %arg8[%parallel_loop3A_192, %parallel_loop3A_193] {strides = array<i32>} : memref<125x128xf32, #tpu.memory_space<vmem>>, vector<16xf32>,
        %parallel_loop3A_195 = arith.mulf %parallel_loop3A_194, %parallel_loop3A_170 : vector<16xf32>
        %parallel_loop3A_196 = arith.index_cast %parallel_loop3A_168 : i32 to index
        %parallel_loop3A_197 = arith.constant 48 : index
        %parallel_loop3A_198 = tpu.vector_load %arg8[%parallel_loop3A_196, %parallel_loop3A_197] {strides = array<i32>} : memref<125x128xf32, #tpu.memory_space<vmem>>, vector<16xf32>,
        tpu.vector_store %arg8[%parallel_loop3A_196, %parallel_loop3A_197], %parallel_loop3A_195 {strides = array<i32>} : memref<125x128xf32, #tpu.memory_space<vmem>>, vector<16xf32>,
        %parallel_loop3A_199 = arith.index_cast %parallel_loop3A_168 : i32 to index
        %parallel_loop3A_200 = arith.constant 64 : index
        %parallel_loop3A_201 = tpu.vector_load %arg8[%parallel_loop3A_199, %parallel_loop3A_200] {strides = array<i32>} : memref<125x128xf32, #tpu.memory_space<vmem>>, vector<16xf32>,
        %parallel_loop3A_202 = arith.mulf %parallel_loop3A_201, %parallel_loop3A_170 : vector<16xf32>
        %parallel_loop3A_203 = arith.index_cast %parallel_loop3A_168 : i32 to index
        %parallel_loop3A_204 = arith.constant 64 : index
        %parallel_loop3A_205 = tpu.vector_load %arg8[%parallel_loop3A_203, %parallel_loop3A_204] {strides = array<i32>} : memref<125x128xf32, #tpu.memory_space<vmem>>, vector<16xf32>,
        tpu.vector_store %arg8[%parallel_loop3A_203, %parallel_loop3A_204], %parallel_loop3A_202 {strides = array<i32>} : memref<125x128xf32, #tpu.memory_space<vmem>>, vector<16xf32>,
        %parallel_loop3A_206 = arith.index_cast %parallel_loop3A_168 : i32 to index
        %parallel_loop3A_207 = arith.constant 80 : index
        %parallel_loop3A_208 = tpu.vector_load %arg8[%parallel_loop3A_206, %parallel_loop3A_207] {strides = array<i32>} : memref<125x128xf32, #tpu.memory_space<vmem>>, vector<16xf32>,
        %parallel_loop3A_209 = arith.mulf %parallel_loop3A_208, %parallel_loop3A_170 : vector<16xf32>
        %parallel_loop3A_210 = arith.index_cast %parallel_loop3A_168 : i32 to index
        %parallel_loop3A_211 = arith.constant 80 : index
        %parallel_loop3A_212 = tpu.vector_load %arg8[%parallel_loop3A_210, %parallel_loop3A_211] {strides = array<i32>} : memref<125x128xf32, #tpu.memory_space<vmem>>, vector<16xf32>,
        tpu.vector_store %arg8[%parallel_loop3A_210, %parallel_loop3A_211], %parallel_loop3A_209 {strides = array<i32>} : memref<125x128xf32, #tpu.memory_space<vmem>>, vector<16xf32>,
        %parallel_loop3A_213 = arith.index_cast %parallel_loop3A_168 : i32 to index
        %parallel_loop3A_214 = arith.constant 96 : index
        %parallel_loop3A_215 = tpu.vector_load %arg8[%parallel_loop3A_213, %parallel_loop3A_214] {strides = array<i32>} : memref<125x128xf32, #tpu.memory_space<vmem>>, vector<16xf32>,
        %parallel_loop3A_216 = arith.mulf %parallel_loop3A_215, %parallel_loop3A_170 : vector<16xf32>
        %parallel_loop3A_217 = arith.index_cast %parallel_loop3A_168 : i32 to index
        %parallel_loop3A_218 = arith.constant 96 : index
        %parallel_loop3A_219 = tpu.vector_load %arg8[%parallel_loop3A_217, %parallel_loop3A_218] {strides = array<i32>} : memref<125x128xf32, #tpu.memory_space<vmem>>, vector<16xf32>,
        tpu.vector_store %arg8[%parallel_loop3A_217, %parallel_loop3A_218], %parallel_loop3A_216 {strides = array<i32>} : memref<125x128xf32, #tpu.memory_space<vmem>>, vector<16xf32>,
        %parallel_loop3A_220 = arith.index_cast %parallel_loop3A_168 : i32 to index
        %parallel_loop3A_221 = arith.constant 112 : index
        %parallel_loop3A_222 = tpu.vector_load %arg8[%parallel_loop3A_220, %parallel_loop3A_221] {strides = array<i32>} : memref<125x128xf32, #tpu.memory_space<vmem>>, vector<16xf32>,
        %parallel_loop3A_223 = arith.mulf %parallel_loop3A_222, %parallel_loop3A_170 : vector<16xf32>
        %parallel_loop3A_224 = arith.index_cast %parallel_loop3A_168 : i32 to index
        %parallel_loop3A_225 = arith.constant 112 : index
        %parallel_loop3A_226 = tpu.vector_load %arg8[%parallel_loop3A_224, %parallel_loop3A_225] {strides = array<i32>} : memref<125x128xf32, #tpu.memory_space<vmem>>, vector<16xf32>,
        tpu.vector_store %arg8[%parallel_loop3A_224, %parallel_loop3A_225], %parallel_loop3A_223 {strides = array<i32>} : memref<125x128xf32, #tpu.memory_space<vmem>>, vector<16xf32>,
      } {sc.loop_unroll_factor = 4 : i64, sc.parallel_access}
      %run_scoped3A = arith.constant 0 : i32
      "tpu.region"() ({
        %run_scoped3A_168 = tpu.sem_alloc : memref<!tpu.dma_semaphore, #tpu.memory_space<semaphore_mem>>
        %dma_start3A_169 = arith.constant 0 : i32
        %dma_start3A_170 = tpu.memref_slice %arg10[%run_scoped3A, %dma_start3A_169] : memref<2x125xi32, #tpu.memory_space<vmem>> -> memref<1x125xi32, #tpu.memory_space<vmem>>
        %dma_start3A_171 = tpu.memref_squeeze %dma_start3A_170 : memref<1x125xi32, #tpu.memory_space<vmem>> -> memref<125xi32, #tpu.memory_space<vmem>>
        %dma_start3A_172 = arith.constant 0 : i32
        %dma_start3A_173 = arith.constant 0 : i32
        %dma_start3A_174 = tpu.memref_slice %arg13[%dma_start3A_172, %dma_start3A_173] : memref<10000x128xf32, #tpu.memory_space<vmem_shared>> -> memref<10000x128xf32, #tpu.memory_space<vmem_shared>>
        tpu.enqueue_indirect_dma source(%arg8 : memref<125x128xf32, #tpu.memory_space<vmem>>) target(%dma_start3A_174 : memref<10000x128xf32, #tpu.memory_space<vmem_shared>>) offsets(%dma_start3A_171 : memref<125xi32, #tpu.memory_space<vmem>>) semaphore(%run_scoped3A_168 : memref<!tpu.dma_semaphore, #tpu.memory_space<semaphore_mem>>) {add = true}
        %dma_wait3A_175 = arith.constant 0 : i32
        %dma_wait3A_176 = tpu.memref_slice %arg10[%run_scoped3A, %dma_wait3A_175] : memref<2x125xi32, #tpu.memory_space<vmem>> -> memref<1x125xi32, #tpu.memory_space<vmem>>
        %dma_wait3A_177 = tpu.memref_squeeze %dma_wait3A_176 : memref<1x125xi32, #tpu.memory_space<vmem>> -> memref<125xi32, #tpu.memory_space<vmem>>
        %dma_wait3A_178 = arith.constant 0 : i32
        %dma_wait3A_179 = arith.constant 0 : i32
        %dma_wait3A_180 = tpu.memref_slice %arg13[%dma_wait3A_178, %dma_wait3A_179] : memref<10000x128xf32, #tpu.memory_space<vmem_shared>> -> memref<10000x128xf32, #tpu.memory_space<vmem_shared>>
        tpu.wait_indirect_dma semaphore(%run_scoped3A_168 : memref<!tpu.dma_semaphore, #tpu.memory_space<semaphore_mem>>) src(%arg8 : memref<125x128xf32, #tpu.memory_space<vmem>>) dst(%dma_wait3A_180 : memref<10000x128xf32, #tpu.memory_space<vmem_shared>>)
        tpu.yield
      }) : () -> ()
      %add3A_126 = arith.constant 1 : i32
      %add3A_127 = arith.addi %mul3A_68, %add3A_126 : i32
      %dma_wait3A_128 = arith.constant 0 : i32
      %dma_wait3A_129 = tpu.memref_slice %arg7[%add3A_127, %dma_wait3A_128] : memref<80x125xi32, #tpu.memory_space<vmem>> -> memref<1x125xi32, #tpu.memory_space<vmem>>
      %dma_wait3A_130 = tpu.memref_squeeze %dma_wait3A_129 : memref<1x125xi32, #tpu.memory_space<vmem>> -> memref<125xi32, #tpu.memory_space<vmem>>
      %dma_wait3A_131 = arith.constant 0 : i32
      %dma_wait3A_132 = arith.constant 0 : i32
      %dma_wait3A_133 = tpu.memref_slice %arg2[%dma_wait3A_131, %dma_wait3A_132] : memref<10000x128xf32, #tpu.memory_space<hbm>> -> memref<10000x128xf32, #tpu.memory_space<hbm>>
      tpu.wait_indirect_dma semaphore(%arg15 : memref<!tpu.dma_semaphore, #tpu.memory_space<semaphore_mem>>) src(%dma_wait3A_133 : memref<10000x128xf32, #tpu.memory_space<hbm>>) dst(%arg9 : memref<125x128xf32, #tpu.memory_space<vmem>>)
      %lt3A_134 = arith.constant 39 : i32
      %lt3A_135 = arith.cmpi slt, %scan3A_66, %lt3A_134 : i32
      %convert_element_type3A_136 = arith.extui %lt3A_135 : i1 to i32
      %cond3A_137 = arith.constant 0 : i32
      %cond3A_138 = arith.cmpi ne, %convert_element_type3A_136, %cond3A_137 : i32
      scf.if %cond3A_138 {
        %add3A_168 = arith.constant 2 : i32
        %add3A_169 = arith.addi %mul3A_68, %add3A_168 : i32
        %dma_start3A_170 = arith.constant 0 : i32
        %dma_start3A_171 = arith.constant 0 : i32
        %dma_start3A_172 = tpu.memref_slice %arg10[%dma_start3A_170, %dma_start3A_171] : memref<2x125xi32, #tpu.memory_space<vmem>> -> memref<1x125xi32, #tpu.memory_space<vmem>>
        %dma_start3A_173 = tpu.memref_squeeze %dma_start3A_172 : memref<1x125xi32, #tpu.memory_space<vmem>> -> memref<125xi32, #tpu.memory_space<vmem>>
        %dma_start3A_174 = arith.constant 0 : i32
        %dma_start3A_175 = tpu.memref_slice %arg4[%add3A, %add3A_169, %dma_start3A_174] : memref<32x80x125xi32, #tpu.memory_space<hbm>> -> memref<1x1x125xi32, #tpu.memory_space<hbm>>
        %dma_start3A_176 = tpu.memref_squeeze %dma_start3A_175 : memref<1x1x125xi32, #tpu.memory_space<hbm>> -> memref<125xi32, #tpu.memory_space<hbm>>
        %dma_start3A_177 = arith.constant 0 : i32
        %dma_start3A_178 = tpu.memref_slice %arg10[%dma_start3A_170, %dma_start3A_177] : memref<2x125xi32, #tpu.memory_space<vmem>> -> memref<1x125xi32, #tpu.memory_space<vmem>>
        %dma_start3A_179 = tpu.memref_squeeze %dma_start3A_178 : memref<1x125xi32, #tpu.memory_space<vmem>> -> memref<125xi32, #tpu.memory_space<vmem>>
        %dma_start3A_180 = arith.constant 0 : i32
        %dma_start3A_181 = tpu.memref_slice %arg4[%add3A, %add3A_169, %dma_start3A_180] : memref<32x80x125xi32, #tpu.memory_space<hbm>> -> memref<1x1x125xi32, #tpu.memory_space<hbm>>
        %dma_start3A_182 = tpu.memref_squeeze %dma_start3A_181 : memref<1x1x125xi32, #tpu.memory_space<hbm>> -> memref<125xi32, #tpu.memory_space<hbm>>
        tpu.enqueue_dma source(%dma_start3A_182 : memref<125xi32, #tpu.memory_space<hbm>>) target(%dma_start3A_179 : memref<125xi32, #tpu.memory_space<vmem>>) target_semaphore(%arg16 : memref<!tpu.dma_semaphore, #tpu.memory_space<semaphore_mem>>)
        %add3A_183 = arith.constant 2 : i32
        %add3A_184 = arith.addi %mul3A_68, %add3A_183 : i32
        %dma_start3A_185 = arith.constant 0 : i32
        %dma_start3A_186 = tpu.memref_slice %arg5[%add3A, %add3A_184, %dma_start3A_185] : memref<32x80x125xf32, #tpu.memory_space<hbm>> -> memref<1x1x125xf32, #tpu.memory_space<hbm>>
        %dma_start3A_187 = tpu.memref_squeeze %dma_start3A_186 : memref<1x1x125xf32, #tpu.memory_space<hbm>> -> memref<125xf32, #tpu.memory_space<hbm>>
        %dma_start3A_188 = arith.constant 0 : i32
        %dma_start3A_189 = tpu.memref_slice %arg5[%add3A, %add3A_184, %dma_start3A_188] : memref<32x80x125xf32, #tpu.memory_space<hbm>> -> memref<1x1x125xf32, #tpu.memory_space<hbm>>
        %dma_start3A_190 = tpu.memref_squeeze %dma_start3A_189 : memref<1x1x125xf32, #tpu.memory_space<hbm>> -> memref<125xf32, #tpu.memory_space<hbm>>
        tpu.enqueue_dma source(%dma_start3A_190 : memref<125xf32, #tpu.memory_space<hbm>>) target(%arg11 : memref<125xf32, #tpu.memory_space<vmem>>) target_semaphore(%arg16 : memref<!tpu.dma_semaphore, #tpu.memory_space<semaphore_mem>>)
        %add3A_191 = arith.constant 2 : i32
        %add3A_192 = arith.addi %mul3A_68, %add3A_191 : i32
        %dma_start3A_193 = arith.constant 0 : i32
        %dma_start3A_194 = tpu.memref_slice %arg7[%add3A_192, %dma_start3A_193] : memref<80x125xi32, #tpu.memory_space<vmem>> -> memref<1x125xi32, #tpu.memory_space<vmem>>
        %dma_start3A_195 = tpu.memref_squeeze %dma_start3A_194 : memref<1x125xi32, #tpu.memory_space<vmem>> -> memref<125xi32, #tpu.memory_space<vmem>>
        %dma_start3A_196 = arith.constant 0 : i32
        %dma_start3A_197 = arith.constant 0 : i32
        %dma_start3A_198 = tpu.memref_slice %arg2[%dma_start3A_196, %dma_start3A_197] : memref<10000x128xf32, #tpu.memory_space<hbm>> -> memref<10000x128xf32, #tpu.memory_space<hbm>>
        tpu.enqueue_indirect_dma source(%dma_start3A_198 : memref<10000x128xf32, #tpu.memory_space<hbm>>) target(%arg8 : memref<125x128xf32, #tpu.memory_space<vmem>>) offsets(%dma_start3A_195 : memref<125xi32, #tpu.memory_space<vmem>>) semaphore(%arg14 : memref<!tpu.dma_semaphore, #tpu.memory_space<semaphore_mem>>)
      } else {
      }
      %add3A_139 = arith.constant 1 : i32
      %add3A_140 = arith.addi %mul3A_68, %add3A_139 : i32
      %dma_wait3A_141 = arith.constant 1 : i32
      %dma_wait3A_142 = arith.constant 0 : i32
      %dma_wait3A_143 = tpu.memref_slice %arg10[%dma_wait3A_141, %dma_wait3A_142] : memref<2x125xi32, #tpu.memory_space<vmem>> -> memref<1x125xi32, #tpu.memory_space<vmem>>
      %dma_wait3A_144 = tpu.memref_squeeze %dma_wait3A_143 : memref<1x125xi32, #tpu.memory_space<vmem>> -> memref<125xi32, #tpu.memory_space<vmem>>
      %dma_wait3A_145 = arith.constant 0 : i32
      %dma_wait3A_146 = tpu.memref_slice %arg4[%add3A, %add3A_140, %dma_wait3A_145] : memref<32x80x125xi32, #tpu.memory_space<hbm>> -> memref<1x1x125xi32, #tpu.memory_space<hbm>>
      %dma_wait3A_147 = tpu.memref_squeeze %dma_wait3A_146 : memref<1x1x125xi32, #tpu.memory_space<hbm>> -> memref<125xi32, #tpu.memory_space<hbm>>
      %dma_wait3A_148 = arith.constant 0 : i32
      %dma_wait3A_149 = tpu.memref_slice %arg10[%dma_wait3A_141, %dma_wait3A_148] : memref<2x125xi32, #tpu.memory_space<vmem>> -> memref<1x125xi32, #tpu.memory_space<vmem>>
      %dma_wait3A_150 = tpu.memref_squeeze %dma_wait3A_149 : memref<1x125xi32, #tpu.memory_space<vmem>> -> memref<125xi32, #tpu.memory_space<vmem>>
      %dma_wait3A_151 = arith.constant 0 : i32
      %dma_wait3A_152 = tpu.memref_slice %arg4[%add3A, %add3A_140, %dma_wait3A_151] : memref<32x80x125xi32, #tpu.memory_space<hbm>> -> memref<1x1x125xi32, #tpu.memory_space<hbm>>
      %dma_wait3A_153 = tpu.memref_squeeze %dma_wait3A_152 : memref<1x1x125xi32, #tpu.memory_space<hbm>> -> memref<125xi32, #tpu.memory_space<hbm>>
      tpu.wait_dma2 semaphore(%arg17 : memref<!tpu.dma_semaphore, #tpu.memory_space<semaphore_mem>>) src(%dma_wait3A_153 : memref<125xi32, #tpu.memory_space<hbm>>) dst(%dma_wait3A_150 : memref<125xi32, #tpu.memory_space<vmem>>)
      %add3A_154 = arith.constant 1 : i32
      %add3A_155 = arith.addi %mul3A_68, %add3A_154 : i32
      %dma_wait3A_156 = arith.constant 0 : i32
      %dma_wait3A_157 = tpu.memref_slice %arg5[%add3A, %add3A_155, %dma_wait3A_156] : memref<32x80x125xf32, #tpu.memory_space<hbm>> -> memref<1x1x125xf32, #tpu.memory_space<hbm>>
      %dma_wait3A_158 = tpu.memref_squeeze %dma_wait3A_157 : memref<1x1x125xf32, #tpu.memory_space<hbm>> -> memref<125xf32, #tpu.memory_space<hbm>>
      %dma_wait3A_159 = arith.constant 0 : i32
      %dma_wait3A_160 = tpu.memref_slice %arg5[%add3A, %add3A_155, %dma_wait3A_159] : memref<32x80x125xf32, #tpu.memory_space<hbm>> -> memref<1x1x125xf32, #tpu.memory_space<hbm>>
      %dma_wait3A_161 = tpu.memref_squeeze %dma_wait3A_160 : memref<1x1x125xf32, #tpu.memory_space<hbm>> -> memref<125xf32, #tpu.memory_space<hbm>>
      tpu.wait_dma2 semaphore(%arg17 : memref<!tpu.dma_semaphore, #tpu.memory_space<semaphore_mem>>) src(%dma_wait3A_161 : memref<125xf32, #tpu.memory_space<hbm>>) dst(%arg12 : memref<125xf32, #tpu.memory_space<vmem>>)
      %add3A_162 = arith.constant 1 : i32
      %add3A_163 = arith.addi %mul3A_68, %add3A_162 : i32
      %parallel_loop3A_164 = arith.constant 0 : i32
      %parallel_loop3A_165 = arith.constant 125 : i32
      %parallel_loop3A_166 = arith.constant 1 : i32
      scf.for %parallel_loop3A_168 = %parallel_loop3A_164 to %parallel_loop3A_165 step %parallel_loop3A_166  : i32 {
        %parallel_loop3A_169 = vector.broadcast %parallel_loop3A_168 : i32 to vector<16xi32>
        %parallel_loop3A_170 = tpu.vector_load_idx %arg12[%parallel_loop3A_169] : memref<125xf32, #tpu.memory_space<vmem>>[vector<16xi32>], vector<16xf32>,
        %parallel_loop3A_171 = arith.index_cast %parallel_loop3A_168 : i32 to index
        %parallel_loop3A_172 = arith.constant 0 : index
        %parallel_loop3A_173 = tpu.vector_load %arg9[%parallel_loop3A_171, %parallel_loop3A_172] {strides = array<i32>} : memref<125x128xf32, #tpu.memory_space<vmem>>, vector<16xf32>,
        %parallel_loop3A_174 = arith.mulf %parallel_loop3A_173, %parallel_loop3A_170 : vector<16xf32>
        %parallel_loop3A_175 = arith.index_cast %parallel_loop3A_168 : i32 to index
        %parallel_loop3A_176 = arith.constant 0 : index
        %parallel_loop3A_177 = tpu.vector_load %arg9[%parallel_loop3A_175, %parallel_loop3A_176] {strides = array<i32>} : memref<125x128xf32, #tpu.memory_space<vmem>>, vector<16xf32>,
        tpu.vector_store %arg9[%parallel_loop3A_175, %parallel_loop3A_176], %parallel_loop3A_174 {strides = array<i32>} : memref<125x128xf32, #tpu.memory_space<vmem>>, vector<16xf32>,
        %parallel_loop3A_178 = arith.index_cast %parallel_loop3A_168 : i32 to index
        %parallel_loop3A_179 = arith.constant 16 : index
        %parallel_loop3A_180 = tpu.vector_load %arg9[%parallel_loop3A_178, %parallel_loop3A_179] {strides = array<i32>} : memref<125x128xf32, #tpu.memory_space<vmem>>, vector<16xf32>,
        %parallel_loop3A_181 = arith.mulf %parallel_loop3A_180, %parallel_loop3A_170 : vector<16xf32>
        %parallel_loop3A_182 = arith.index_cast %parallel_loop3A_168 : i32 to index
        %parallel_loop3A_183 = arith.constant 16 : index
        %parallel_loop3A_184 = tpu.vector_load %arg9[%parallel_loop3A_182, %parallel_loop3A_183] {strides = array<i32>} : memref<125x128xf32, #tpu.memory_space<vmem>>, vector<16xf32>,
        tpu.vector_store %arg9[%parallel_loop3A_182, %parallel_loop3A_183], %parallel_loop3A_181 {strides = array<i32>} : memref<125x128xf32, #tpu.memory_space<vmem>>, vector<16xf32>,
        %parallel_loop3A_185 = arith.index_cast %parallel_loop3A_168 : i32 to index
        %parallel_loop3A_186 = arith.constant 32 : index
        %parallel_loop3A_187 = tpu.vector_load %arg9[%parallel_loop3A_185, %parallel_loop3A_186] {strides = array<i32>} : memref<125x128xf32, #tpu.memory_space<vmem>>, vector<16xf32>,
        %parallel_loop3A_188 = arith.mulf %parallel_loop3A_187, %parallel_loop3A_170 : vector<16xf32>
        %parallel_loop3A_189 = arith.index_cast %parallel_loop3A_168 : i32 to index
        %parallel_loop3A_190 = arith.constant 32 : index
        %parallel_loop3A_191 = tpu.vector_load %arg9[%parallel_loop3A_189, %parallel_loop3A_190] {strides = array<i32>} : memref<125x128xf32, #tpu.memory_space<vmem>>, vector<16xf32>,
        tpu.vector_store %arg9[%parallel_loop3A_189, %parallel_loop3A_190], %parallel_loop3A_188 {strides = array<i32>} : memref<125x128xf32, #tpu.memory_space<vmem>>, vector<16xf32>,
        %parallel_loop3A_192 = arith.index_cast %parallel_loop3A_168 : i32 to index
        %parallel_loop3A_193 = arith.constant 48 : index
        %parallel_loop3A_194 = tpu.vector_load %arg9[%parallel_loop3A_192, %parallel_loop3A_193] {strides = array<i32>} : memref<125x128xf32, #tpu.memory_space<vmem>>, vector<16xf32>,
        %parallel_loop3A_195 = arith.mulf %parallel_loop3A_194, %parallel_loop3A_170 : vector<16xf32>
        %parallel_loop3A_196 = arith.index_cast %parallel_loop3A_168 : i32 to index
        %parallel_loop3A_197 = arith.constant 48 : index
        %parallel_loop3A_198 = tpu.vector_load %arg9[%parallel_loop3A_196, %parallel_loop3A_197] {strides = array<i32>} : memref<125x128xf32, #tpu.memory_space<vmem>>, vector<16xf32>,
        tpu.vector_store %arg9[%parallel_loop3A_196, %parallel_loop3A_197], %parallel_loop3A_195 {strides = array<i32>} : memref<125x128xf32, #tpu.memory_space<vmem>>, vector<16xf32>,
        %parallel_loop3A_199 = arith.index_cast %parallel_loop3A_168 : i32 to index
        %parallel_loop3A_200 = arith.constant 64 : index
        %parallel_loop3A_201 = tpu.vector_load %arg9[%parallel_loop3A_199, %parallel_loop3A_200] {strides = array<i32>} : memref<125x128xf32, #tpu.memory_space<vmem>>, vector<16xf32>,
        %parallel_loop3A_202 = arith.mulf %parallel_loop3A_201, %parallel_loop3A_170 : vector<16xf32>
        %parallel_loop3A_203 = arith.index_cast %parallel_loop3A_168 : i32 to index
        %parallel_loop3A_204 = arith.constant 64 : index
        %parallel_loop3A_205 = tpu.vector_load %arg9[%parallel_loop3A_203, %parallel_loop3A_204] {strides = array<i32>} : memref<125x128xf32, #tpu.memory_space<vmem>>, vector<16xf32>,
        tpu.vector_store %arg9[%parallel_loop3A_203, %parallel_loop3A_204], %parallel_loop3A_202 {strides = array<i32>} : memref<125x128xf32, #tpu.memory_space<vmem>>, vector<16xf32>,
        %parallel_loop3A_206 = arith.index_cast %parallel_loop3A_168 : i32 to index
        %parallel_loop3A_207 = arith.constant 80 : index
        %parallel_loop3A_208 = tpu.vector_load %arg9[%parallel_loop3A_206, %parallel_loop3A_207] {strides = array<i32>} : memref<125x128xf32, #tpu.memory_space<vmem>>, vector<16xf32>,
        %parallel_loop3A_209 = arith.mulf %parallel_loop3A_208, %parallel_loop3A_170 : vector<16xf32>
        %parallel_loop3A_210 = arith.index_cast %parallel_loop3A_168 : i32 to index
        %parallel_loop3A_211 = arith.constant 80 : index
        %parallel_loop3A_212 = tpu.vector_load %arg9[%parallel_loop3A_210, %parallel_loop3A_211] {strides = array<i32>} : memref<125x128xf32, #tpu.memory_space<vmem>>, vector<16xf32>,
        tpu.vector_store %arg9[%parallel_loop3A_210, %parallel_loop3A_211], %parallel_loop3A_209 {strides = array<i32>} : memref<125x128xf32, #tpu.memory_space<vmem>>, vector<16xf32>,
        %parallel_loop3A_213 = arith.index_cast %parallel_loop3A_168 : i32 to index
        %parallel_loop3A_214 = arith.constant 96 : index
        %parallel_loop3A_215 = tpu.vector_load %arg9[%parallel_loop3A_213, %parallel_loop3A_214] {strides = array<i32>} : memref<125x128xf32, #tpu.memory_space<vmem>>, vector<16xf32>,
        %parallel_loop3A_216 = arith.mulf %parallel_loop3A_215, %parallel_loop3A_170 : vector<16xf32>
        %parallel_loop3A_217 = arith.index_cast %parallel_loop3A_168 : i32 to index
        %parallel_loop3A_218 = arith.constant 96 : index
        %parallel_loop3A_219 = tpu.vector_load %arg9[%parallel_loop3A_217, %parallel_loop3A_218] {strides = array<i32>} : memref<125x128xf32, #tpu.memory_space<vmem>>, vector<16xf32>,
        tpu.vector_store %arg9[%parallel_loop3A_217, %parallel_loop3A_218], %parallel_loop3A_216 {strides = array<i32>} : memref<125x128xf32, #tpu.memory_space<vmem>>, vector<16xf32>,
        %parallel_loop3A_220 = arith.index_cast %parallel_loop3A_168 : i32 to index
        %parallel_loop3A_221 = arith.constant 112 : index
        %parallel_loop3A_222 = tpu.vector_load %arg9[%parallel_loop3A_220, %parallel_loop3A_221] {strides = array<i32>} : memref<125x128xf32, #tpu.memory_space<vmem>>, vector<16xf32>,
        %parallel_loop3A_223 = arith.mulf %parallel_loop3A_222, %parallel_loop3A_170 : vector<16xf32>
        %parallel_loop3A_224 = arith.index_cast %parallel_loop3A_168 : i32 to index
        %parallel_loop3A_225 = arith.constant 112 : index
        %parallel_loop3A_226 = tpu.vector_load %arg9[%parallel_loop3A_224, %parallel_loop3A_225] {strides = array<i32>} : memref<125x128xf32, #tpu.memory_space<vmem>>, vector<16xf32>,
        tpu.vector_store %arg9[%parallel_loop3A_224, %parallel_loop3A_225], %parallel_loop3A_223 {strides = array<i32>} : memref<125x128xf32, #tpu.memory_space<vmem>>, vector<16xf32>,
      } {sc.loop_unroll_factor = 4 : i64, sc.parallel_access}
      %run_scoped3A_167 = arith.constant 1 : i32
      "tpu.region"() ({
        %run_scoped3A_168 = tpu.sem_alloc : memref<!tpu.dma_semaphore, #tpu.memory_space<semaphore_mem>>
        %dma_start3A_169 = arith.constant 0 : i32
        %dma_start3A_170 = tpu.memref_slice %arg10[%run_scoped3A_167, %dma_start3A_169] : memref<2x125xi32, #tpu.memory_space<vmem>> -> memref<1x125xi32, #tpu.memory_space<vmem>>
        %dma_start3A_171 = tpu.memref_squeeze %dma_start3A_170 : memref<1x125xi32, #tpu.memory_space<vmem>> -> memref<125xi32, #tpu.memory_space<vmem>>
        %dma_start3A_172 = arith.constant 0 : i32
        %dma_start3A_173 = arith.constant 0 : i32
        %dma_start3A_174 = tpu.memref_slice %arg13[%dma_start3A_172, %dma_start3A_173] : memref<10000x128xf32, #tpu.memory_space<vmem_shared>> -> memref<10000x128xf32, #tpu.memory_space<vmem_shared>>
        tpu.enqueue_indirect_dma source(%arg9 : memref<125x128xf32, #tpu.memory_space<vmem>>) target(%dma_start3A_174 : memref<10000x128xf32, #tpu.memory_space<vmem_shared>>) offsets(%dma_start3A_171 : memref<125xi32, #tpu.memory_space<vmem>>) semaphore(%run_scoped3A_168 : memref<!tpu.dma_semaphore, #tpu.memory_space<semaphore_mem>>) {add = true}
        %dma_wait3A_175 = arith.constant 0 : i32
        %dma_wait3A_176 = tpu.memref_slice %arg10[%run_scoped3A_167, %dma_wait3A_175] : memref<2x125xi32, #tpu.memory_space<vmem>> -> memref<1x125xi32, #tpu.memory_space<vmem>>
        %dma_wait3A_177 = tpu.memref_squeeze %dma_wait3A_176 : memref<1x125xi32, #tpu.memory_space<vmem>> -> memref<125xi32, #tpu.memory_space<vmem>>
        %dma_wait3A_178 = arith.constant 0 : i32
        %dma_wait3A_179 = arith.constant 0 : i32
        %dma_wait3A_180 = tpu.memref_slice %arg13[%dma_wait3A_178, %dma_wait3A_179] : memref<10000x128xf32, #tpu.memory_space<vmem_shared>> -> memref<10000x128xf32, #tpu.memory_space<vmem_shared>>
        tpu.wait_indirect_dma semaphore(%run_scoped3A_168 : memref<!tpu.dma_semaphore, #tpu.memory_space<semaphore_mem>>) src(%arg9 : memref<125x128xf32, #tpu.memory_space<vmem>>) dst(%dma_wait3A_180 : memref<10000x128xf32, #tpu.memory_space<vmem_shared>>)
        tpu.yield
      }) : () -> ()
    }
    %scan3A_58 = arith.constant 40 : i32
    %barrier3A_59 = arith.constant 0 : index
    tpu.barrier barrier_id(%barrier3A_59)
    %lt3A = arith.constant 15 : i32
    %lt3A_60 = arith.cmpi slt, %arg1, %lt3A : i32
    %convert_element_type3A = arith.extui %lt3A_60 : i1 to i32
    %cond3A = arith.constant 0 : i32
    %cond3A_61 = arith.cmpi ne, %convert_element_type3A, %cond3A : i32
    scf.if %cond3A_61 {
      %mul3A_66 = arith.constant 624 : i32
      %mul3A_67 = arith.muli %arg1, %mul3A_66 : i32
      %mul3A_68 = arith.constant 624 : i32
      %mul3A_69 = arith.muli %arg1, %mul3A_68 : i32
      "tpu.region"() ({
        %run_scoped3A = tpu.sem_alloc : memref<!tpu.dma_semaphore, #tpu.memory_space<semaphore_mem>>
        %dma_start3A_70 = arith.constant 0 : i32
        %dma_start3A_71 = tpu.memref_slice %arg6[%arg0, %mul3A_69, %dma_start3A_70] : memref<2x10000x128xf32, #tpu.memory_space<hbm>> -> memref<1x624x128xf32, #tpu.memory_space<hbm>>
        %dma_start3A_72 = tpu.memref_squeeze %dma_start3A_71 : memref<1x624x128xf32, #tpu.memory_space<hbm>> -> memref<624x128xf32, #tpu.memory_space<hbm>>
        %dma_start3A_73 = arith.constant 0 : i32
        %dma_start3A_74 = tpu.memref_slice %arg13[%mul3A_67, %dma_start3A_73] : memref<10000x128xf32, #tpu.memory_space<vmem_shared>> -> memref<624x128xf32, #tpu.memory_space<vmem_shared>>
        tpu.enqueue_dma source(%dma_start3A_74 : memref<624x128xf32, #tpu.memory_space<vmem_shared>>) target(%dma_start3A_72 : memref<624x128xf32, #tpu.memory_space<hbm>>) target_semaphore(%run_scoped3A : memref<!tpu.dma_semaphore, #tpu.memory_space<semaphore_mem>>)
        %dma_wait3A = arith.constant 0 : i32
        %dma_wait3A_75 = tpu.memref_slice %arg6[%arg0, %mul3A_69, %dma_wait3A] : memref<2x10000x128xf32, #tpu.memory_space<hbm>> -> memref<1x624x128xf32, #tpu.memory_space<hbm>>
        %dma_wait3A_76 = tpu.memref_squeeze %dma_wait3A_75 : memref<1x624x128xf32, #tpu.memory_space<hbm>> -> memref<624x128xf32, #tpu.memory_space<hbm>>
        %dma_wait3A_77 = arith.constant 0 : i32
        %dma_wait3A_78 = tpu.memref_slice %arg13[%mul3A_67, %dma_wait3A_77] : memref<10000x128xf32, #tpu.memory_space<vmem_shared>> -> memref<624x128xf32, #tpu.memory_space<vmem_shared>>
        tpu.wait_dma2 semaphore(%run_scoped3A : memref<!tpu.dma_semaphore, #tpu.memory_space<semaphore_mem>>) src(%dma_wait3A_78 : memref<624x128xf32, #tpu.memory_space<vmem_shared>>) dst(%dma_wait3A_76 : memref<624x128xf32, #tpu.memory_space<hbm>>)
        tpu.yield
      }) : () -> ()
    } else {
    }
    %eq3A = arith.constant 15 : i32
    %eq3A_62 = arith.cmpi eq, %arg1, %eq3A : i32
    %convert_element_type3A_63 = arith.extui %eq3A_62 : i1 to i32
    %cond3A_64 = arith.constant 0 : i32
    %cond3A_65 = arith.cmpi ne, %convert_element_type3A_63, %cond3A_64 : i32
    scf.if %cond3A_65 {
      "tpu.region"() ({
        %run_scoped3A = tpu.sem_alloc : memref<!tpu.dma_semaphore, #tpu.memory_space<semaphore_mem>>
        %dma_start3A_66 = arith.constant 9360 : i32
        %dma_start3A_67 = arith.constant 0 : i32
        %dma_start3A_68 = tpu.memref_slice %arg6[%arg0, %dma_start3A_66, %dma_start3A_67] : memref<2x10000x128xf32, #tpu.memory_space<hbm>> -> memref<1x640x128xf32, #tpu.memory_space<hbm>>
        %dma_start3A_69 = tpu.memref_squeeze %dma_start3A_68 : memref<1x640x128xf32, #tpu.memory_space<hbm>> -> memref<640x128xf32, #tpu.memory_space<hbm>>
        %dma_start3A_70 = arith.constant 9360 : i32
        %dma_start3A_71 = arith.constant 0 : i32
        %dma_start3A_72 = tpu.memref_slice %arg13[%dma_start3A_70, %dma_start3A_71] : memref<10000x128xf32, #tpu.memory_space<vmem_shared>> -> memref<640x128xf32, #tpu.memory_space<vmem_shared>>
        tpu.enqueue_dma source(%dma_start3A_72 : memref<640x128xf32, #tpu.memory_space<vmem_shared>>) target(%dma_start3A_69 : memref<640x128xf32, #tpu.memory_space<hbm>>) target_semaphore(%run_scoped3A : memref<!tpu.dma_semaphore, #tpu.memory_space<semaphore_mem>>)
        %dma_wait3A = arith.constant 9360 : i32
        %dma_wait3A_73 = arith.constant 0 : i32
        %dma_wait3A_74 = tpu.memref_slice %arg6[%arg0, %dma_wait3A, %dma_wait3A_73] : memref<2x10000x128xf32, #tpu.memory_space<hbm>> -> memref<1x640x128xf32, #tpu.memory_space<hbm>>
        %dma_wait3A_75 = tpu.memref_squeeze %dma_wait3A_74 : memref<1x640x128xf32, #tpu.memory_space<hbm>> -> memref<640x128xf32, #tpu.memory_space<hbm>>
        %dma_wait3A_76 = arith.constant 9360 : i32
        %dma_wait3A_77 = arith.constant 0 : i32
        %dma_wait3A_78 = tpu.memref_slice %arg13[%dma_wait3A_76, %dma_wait3A_77] : memref<10000x128xf32, #tpu.memory_space<vmem_shared>> -> memref<640x128xf32, #tpu.memory_space<vmem_shared>>
        tpu.wait_dma2 semaphore(%run_scoped3A : memref<!tpu.dma_semaphore, #tpu.memory_space<semaphore_mem>>) src(%dma_wait3A_78 : memref<640x128xf32, #tpu.memory_space<vmem_shared>>) dst(%dma_wait3A_75 : memref<640x128xf32, #tpu.memory_space<hbm>>)
        tpu.yield
      }) : () -> ()
    } else {
    }
    return
  }
}

module attributes {stable_mosaic.version = 14 : i64} {
  func.func @body(%arg0: i32, %arg1: memref<2x2000x128xf32, #tpu.memory_space<vmem>>, %arg2: memref<2000x32xf32, #tpu.memory_space<vmem>>, %arg3: memref<2000x128xf32, #tpu.memory_space<vmem>>) attributes {dimension_semantics = [#tpu.dimension_semantics<arbitrary>], iteration_bounds = array<i64: 5>, scalar_prefetch = 0 : i64, scratch_operands = 0 : i64, tpu.core_type = #tpu.core_type<tc>, window_params = [{transform_indices = @transform_0, window_bounds = array<i64: 2, 2000, 128>}, {transform_indices = @transform_1, window_bounds = array<i64: 2000, 32>}, {transform_indices = @transform_2, window_bounds = array<i64: 2000, 128>}]} {
    %get3A = arith.constant 0 : index
    %get3A_0 = arith.constant 0 : index
    %get3A_1 = vector.load %arg2[%get3A, %get3A_0] : memref<2000x32xf32, #tpu.memory_space<vmem>>, vector<2000x32xf32>
    %reduce_sum3A = arith.constant dense<0.000000e+00> : vector<2000xf32>
    %reduce_sum3A_2 = vector.multi_reduction <add>, %get3A_1, %reduce_sum3A [1] : vector<2000x32xf32> to vector<2000xf32>
    %add3A = arith.constant 1.000000e-16 : f32
    %add3A_3 = vector.broadcast %add3A : f32 to vector<2000xf32>
    %add3A_4 = arith.addf %reduce_sum3A_2, %add3A_3 : vector<2000xf32>
    %div3A = arith.constant 1.000000e+00 : f32
    %div3A_5 = vector.broadcast %div3A : f32 to vector<2000xf32>
    %div3A_6 = arith.divf %div3A_5, %add3A_4 : vector<2000xf32>
    %get3A_7 = arith.constant 0 : index
    %get3A_8 = arith.constant 0 : index
    %get3A_9 = arith.constant 0 : index
    %get3A_10 = vector.load %arg1[%get3A_7, %get3A_8, %get3A_9] : memref<2x2000x128xf32, #tpu.memory_space<vmem>>, vector<2x2000x128xf32>
    %slice3A = vector.extract_strided_slice %get3A_10 {offsets = [0, 0, 0], sizes = [1, 2000, 128], strides = [1, 1, 1]} : vector<2x2000x128xf32> to vector<1x2000x128xf32>
    %squeeze3A = vector.shape_cast %slice3A : vector<1x2000x128xf32> to vector<2000x128xf32>
    %slice3A_11 = vector.extract_strided_slice %get3A_10 {offsets = [1, 0, 0], sizes = [1, 2000, 128], strides = [1, 1, 1]} : vector<2x2000x128xf32> to vector<1x2000x128xf32>
    %squeeze3A_12 = vector.shape_cast %slice3A_11 : vector<1x2000x128xf32> to vector<2000x128xf32>
    %add3A_13 = arith.addf %squeeze3A, %squeeze3A_12 : vector<2000x128xf32>
    %broadcast_in_dim3A = vector.shape_cast %div3A_6 : vector<2000xf32> to vector<2000x1xf32>
    %mul3A = vector.broadcast %broadcast_in_dim3A : vector<2000x1xf32> to vector<2000x128xf32>
    %mul3A_14 = arith.mulf %add3A_13, %mul3A : vector<2000x128xf32>
    %swap3A = arith.constant 0 : index
    %swap3A_15 = arith.constant 0 : index
    %swap3A_16 = vector.load %arg3[%swap3A, %swap3A_15] : memref<2000x128xf32, #tpu.memory_space<vmem>>, vector<2000x128xf32>
    tpu.vector_store %arg3[%swap3A, %swap3A_15], %mul3A_14 {strides = array<i32>} : memref<2000x128xf32, #tpu.memory_space<vmem>>, vector<2000x128xf32>,
    return
  }
  func.func @transform_0(%arg0: i32) -> (i32, i32, i32) {
    %c0_i32 = arith.constant 0 : i32
    %c0_i32_0 = arith.constant 0 : i32
    %c0_i32_1 = arith.constant 0 : i32
    return %c0_i32, %arg0, %c0_i32_0 : i32, i32, i32
  }
  func.func @transform_1(%arg0: i32) -> (i32, i32) {
    %c0_i32 = arith.constant 0 : i32
    %c0_i32_0 = arith.constant 0 : i32
    return %arg0, %c0_i32 : i32, i32
  }
  func.func @transform_2(%arg0: i32) -> (i32, i32) {
    %c0_i32 = arith.constant 0 : i32
    %c0_i32_0 = arith.constant 0 : i32
    return %arg0, %c0_i32 : i32, i32
  }
}

module attributes {stable_mosaic.version = 14 : i64} {
  func.func @body(%arg0: i32, %arg1: memref<2x2000x128xf32, #tpu.memory_space<vmem>>, %arg2: memref<2000x32xf32, #tpu.memory_space<vmem>>, %arg3: memref<2000x128xf32, #tpu.memory_space<vmem>>) attributes {dimension_semantics = [#tpu.dimension_semantics<arbitrary>], iteration_bounds = array<i64: 5>, scalar_prefetch = 0 : i64, scratch_operands = 0 : i64, tpu.core_type = #tpu.core_type<tc>, window_params = [{transform_indices = @transform_0, window_bounds = array<i64: 2, 2000, 128>}, {transform_indices = @transform_1, window_bounds = array<i64: 2000, 32>}, {transform_indices = @transform_2, window_bounds = array<i64: 2000, 128>}]} {
    %get3A = arith.constant 0 : index
    %get3A_0 = arith.constant 0 : index
    %get3A_1 = vector.load %arg2[%get3A, %get3A_0] : memref<2000x32xf32, #tpu.memory_space<vmem>>, vector<2000x32xf32>
    %reduce_sum3A = arith.constant dense<0.000000e+00> : vector<2000xf32>
    %reduce_sum3A_2 = vector.multi_reduction <add>, %get3A_1, %reduce_sum3A [1] : vector<2000x32xf32> to vector<2000xf32>
    %add3A = arith.constant 1.000000e-16 : f32
    %add3A_3 = vector.broadcast %add3A : f32 to vector<2000xf32>
    %add3A_4 = arith.addf %reduce_sum3A_2, %add3A_3 : vector<2000xf32>
    %div3A = arith.constant 1.000000e+00 : f32
    %div3A_5 = vector.broadcast %div3A : f32 to vector<2000xf32>
    %div3A_6 = arith.divf %div3A_5, %add3A_4 : vector<2000xf32>
    %get3A_7 = arith.constant 0 : index
    %get3A_8 = arith.constant 0 : index
    %get3A_9 = arith.constant 0 : index
    %get3A_10 = vector.load %arg1[%get3A_7, %get3A_8, %get3A_9] : memref<2x2000x128xf32, #tpu.memory_space<vmem>>, vector<2x2000x128xf32>
    %slice3A = vector.extract_strided_slice %get3A_10 {offsets = [0, 0, 0], sizes = [1, 2000, 128], strides = [1, 1, 1]} : vector<2x2000x128xf32> to vector<1x2000x128xf32>
    %squeeze3A = vector.shape_cast %slice3A : vector<1x2000x128xf32> to vector<2000x128xf32>
    %slice3A_11 = vector.extract_strided_slice %get3A_10 {offsets = [1, 0, 0], sizes = [1, 2000, 128], strides = [1, 1, 1]} : vector<2x2000x128xf32> to vector<1x2000x128xf32>
    %squeeze3A_12 = vector.shape_cast %slice3A_11 : vector<1x2000x128xf32> to vector<2000x128xf32>
    %add3A_13 = arith.addf %squeeze3A, %squeeze3A_12 : vector<2000x128xf32>
    %broadcast_in_dim3A = vector.shape_cast %div3A_6 : vector<2000xf32> to vector<2000x1xf32>
    %mul3A = vector.broadcast %broadcast_in_dim3A : vector<2000x1xf32> to vector<2000x128xf32>
    %mul3A_14 = arith.mulf %add3A_13, %mul3A : vector<2000x128xf32>
    %swap3A = arith.constant 0 : index
    %swap3A_15 = arith.constant 0 : index
    %swap3A_16 = vector.load %arg3[%swap3A, %swap3A_15] : memref<2000x128xf32, #tpu.memory_space<vmem>>, vector<2000x128xf32>
    tpu.vector_store %arg3[%swap3A, %swap3A_15], %mul3A_14 {strides = array<i32>} : memref<2000x128xf32, #tpu.memory_space<vmem>>, vector<2000x128xf32>,
    return
  }
  func.func @transform_0(%arg0: i32) -> (i32, i32, i32) {
    %c0_i32 = arith.constant 0 : i32
    %c0_i32_0 = arith.constant 0 : i32
    %c0_i32_1 = arith.constant 0 : i32
    return %c0_i32, %arg0, %c0_i32_0 : i32, i32, i32
  }
  func.func @transform_1(%arg0: i32) -> (i32, i32) {
    %c0_i32 = arith.constant 0 : i32
    %c0_i32_0 = arith.constant 0 : i32
    return %arg0, %c0_i32 : i32, i32
  }
  func.func @transform_2(%arg0: i32) -> (i32, i32) {
    %c0_i32 = arith.constant 0 : i32
    %c0_i32_0 = arith.constant 0 : i32
    return %arg0, %c0_i32 : i32, i32
  }
}

</mosaic_0001>

<sc_bundles>
// kernel: kernel.12.cloned.1.call-start
scs
__scs_entry_jumppad:
0x0: {  	(pc) =	sbr.rel $0x88, $3  }
0x1: {  	(tag) =	ssettag $0x0;
	lr =	simm.s32 $0x1  }
0x2: {  	[smem:$0x3F9E] =	sst lr;
	_ =	strace $0xD0000000  }
0x3: {  	_ = 	snop  }
0x4: {  	_ = 	snop  }
0x5: {  	_ = 	snop  }
0x6: {  	_ = 	snop  }
0x7: {  	_ = 	snop  }
__scs_overlays_trampoline_lowered:
0x8: {  	[smem:$0x3FAD] =	sst s0  }
0x9: {  	[smem:$0x3FAE] =	sst s1  }
0xa: {  	[smem:$0x3FAF] =	sst s2  }
0xb: {  	[smem:$0x3FB0] =	sst s3  }
0xc: {  	[smem:$0x3FB1] =	sst s4  }
0xd: {  	[smem:$0x3FB2] =	sst s5  }
0xe: {  	[smem:$0x3FB3] =	sst s6  }
0xf: {  	[smem:$0x3FB4] =	sst s7  }
0x10: {  	[smem:$0x3FB5] =	sst s8  }
0x11: {  	[smem:$0x3FB6] =	sst s9;
	s0 =	simm.s32 @!p0 $0x0  }
0x12: {  	s1 =	sld [smem:$0x3F9C];
	s0 =	simm.s32 @p0 $0x1  }
0x13: {  	[smem:$0x3FB7] =	sst s0;
	s0 =	simm.s32 @!p1 $0x0  }
0x14: {  	s2 =	sld [smem:$0x3F9B];
	s0 =	simm.s32 @p1 $0x1  }
0x15: {  	[smem:$0x3FB8] =	sst s0;
	s0 =	simm.s32 @!p2 $0x0  }
0x16: {  	s3 =	sld [smem:$0x3FDB];
	s0 =	simm.s32 @p2 $0x1  }
0x17: {  	s4 =	simm.s32 $0x1BF5;
	[smem:$0x3FBA] =	sst s0  }
0x18: {  	s0 =	sld [smem:$0x3F9D];
	_ =	swait.ge [sflag:s4], $0x0  }
0x19: {  	s7 =	sld [smem:$0x3F9E]  }
0x1a: {  	s8 =	sadd.s32 $0xFFFFE003, lr  }
0x1b: {  	s9 =	sadd.s32 $0xFFFFFEF7, lr;
	s5 =	simm.s32 $0xFFFFFFFF;
	p2 =	slt.u32 s8, $0xFFFFF086  }
0x1c: {  	p1 =	slt.u32 s9, $0xF7A;
	s5 =	simm.s32 @!p2 $0x0  }
0x1d: {  	s5 =	simm.s32 @p1 $0x1;
	p0 =	seq.s32 s7, s2  }
0x1e: {  	s7 =	smul.u32 @!p0 $0xF7A, s2;
	p2 =	seq.s32 @!p0 s5, $0x0  }
0x1f: {  	s9 =	smul.u32 $0xF7A, s1;
	s8 =	simm.s32 @!p0 $0x1BF5;
	p2 =	por !p2, p0  }
0x20: {  	[sflag:s8] =	ssyncset.s32 @!p0 $0xFFFFF086;
	s6 =	sadd.s32 @!p0 s3, s7;
	s7 =	simm.s32 @!p0 $0x108  }
0x21: {  	s3 =	sadd.s32 s3, s9;
	s6 =	sadd.s32 @!p0 $0x88, s6;
	s7 =	simm.s32 @p2 $0x1082  }
0x22: {  	[simem:s7], [sflag:s8] =	dma.local @!p0 [hbm:s6], $0xF7A  }
0x23: {  	s9 =	sor.u32 $0xD0000000, s2;
	s6 =	simm.s32 $0x108;
	_ =	swait.ge @!p0 [sflag:s8], $0x0  }
0x24: {  	s3 =	sadd.s32 $0x88, s3;
	s6 =	simm.s32 @!p1 $0x1082;
	[sflag:s4] =	ssyncset.s32 $0xFFFFF086  }
0x25: {  	[simem:s6], [sflag:s4] =	dma.local [hbm:s3], $0xF7A  }
0x26: {  	[smem:$0x3F9E] =	sst s1;
	(tag) =	ssettag s2;
	_ =	strace s9  }
0x27: {  	s1 =	sld [smem:$0x3FAE]  }
0x28: {  	s2 =	sld [smem:$0x3FAF]  }
0x29: {  	s4 =	sld [smem:$0x3FB1]  }
0x2a: {  	p0 =	seq.s32 s5, $0x0;
	s5 =	sld [smem:$0x3FB2]  }
0x2b: {  	s6 =	sld [smem:$0x3FB3]  }
0x2c: {  	s7 =	sld [smem:$0x3FB4]  }
0x2d: {  	s3 =	simm.s32 $0x108;
	s8 =	sld [smem:$0x3FB5]  }
0x2e: {  	s3 =	simm.s32 @!p0 $0x1082;
	s9 =	sld [smem:$0x3FB6]  }
0x2f: {  	lr =	sadd.s32 s0, s3;
	s0 =	sld [smem:$0x3FAD]  }
0x30: {  	s3 =	sld [smem:$0x3FB0]  }
0x31: {  	[smem:$0x3FB9] =	sst s10  }
0x32: {  	s10 =	sld [smem:$0x3FB7];
	_ =	sdelay $0x3  }
0x33: {  	p0 =	seq.s32 s10, $0x1;
	s10 =	sld [smem:$0x3FB9];
	_ =	sdelay $0x3  }
0x34: {  	[smem:$0x3FB9] =	sst s10  }
0x35: {  	s10 =	sld [smem:$0x3FB8];
	_ =	sdelay $0x3  }
0x36: {  	p1 =	seq.s32 s10, $0x1;
	s10 =	sld [smem:$0x3FB9];
	_ =	sdelay $0x3  }
0x37: {  	[smem:$0x3FB9] =	sst s10  }
0x38: {  	s10 =	sld [smem:$0x3FBA]  }
0x39: {  	_ = 	snop;
	(pc) =	sbr.ind lr, $3  }
0x3a: {  	_ = 	snop  }
0x3b: {  	_ = 	snop  }
0x3c: {  	p2 =	seq.s32 s10, $0x1;
	s10 =	sld [smem:$0x3FB9]  }
0x3d: {  	_ =	shalt  }
0x3e: {  	_ =	shalt  }
0x3f: {  	_ =	shalt  }
0x40: {  	_ =	shalt  }
0x41: {  	_ =	shalt  }
0x42: {  	_ =	shalt  }
0x43: {  	_ =	shalt  }
0x44: {  	_ =	shalt  }
0x45: {  	_ =	shalt  }
0x46: {  	_ =	shalt  }
0x47: {  	_ =	shalt  }
0x48: {  	_ =	shalt  }
0x49: {  	_ =	shalt  }
0x4a: {  	_ =	shalt  }
0x4b: {  	_ =	shalt  }
0x4c: {  	_ =	shalt  }
0x4d: {  	_ =	shalt  }
0x4e: {  	_ =	shalt  }
0x4f: {  	_ =	shalt  }
0x50: {  	_ =	shalt  }
0x51: {  	_ =	shalt  }
0x52: {  	_ =	shalt  }
0x53: {  	_ =	shalt  }
0x54: {  	_ =	shalt  }
0x55: {  	_ =	shalt  }
0x56: {  	_ =	shalt  }
0x57: {  	_ =	shalt  }
0x58: {  	_ =	shalt  }
0x59: {  	_ =	shalt  }
0x5a: {  	_ =	shalt  }
0x5b: {  	_ =	shalt  }
0x5c: {  	_ =	shalt  }
0x5d: {  	_ =	shalt  }
0x5e: {  	_ =	shalt  }
0x5f: {  	_ =	shalt  }
0x60: {  	_ =	shalt  }
0x61: {  	_ =	shalt  }
0x62: {  	_ =	shalt  }
0x63: {  	_ =	shalt  }
0x64: {  	_ =	shalt  }
0x65: {  	_ =	shalt  }
0x66: {  	_ =	shalt  }
0x67: {  	_ =	shalt  }
0x68: {  	_ =	shalt  }
0x69: {  	_ =	shalt  }
0x6a: {  	_ =	shalt  }
0x6b: {  	_ =	shalt  }
0x6c: {  	_ =	shalt  }
0x6d: {  	_ =	shalt  }
0x6e: {  	_ =	shalt  }
0x6f: {  	_ =	shalt  }
0x70: {  	_ =	shalt  }
0x71: {  	_ =	shalt  }
0x72: {  	_ =	shalt  }
0x73: {  	_ =	shalt  }
0x74: {  	_ =	shalt  }
0x75: {  	_ =	shalt  }
0x76: {  	_ =	shalt  }
0x77: {  	_ =	shalt  }
0x78: {  	_ =	shalt  }
0x79: {  	_ =	shalt  }
0x7a: {  	_ =	shalt  }
0x7b: {  	_ =	shalt  }
0x7c: {  	_ =	shalt  }
0x7d: {  	_ =	shalt  }
0x7e: {  	_ =	shalt  }
0x7f: {  	_ =	shalt  }
0x80: {  	_ =	shalt  }
0x81: {  	_ =	shalt  }
0x82: {  	_ =	shalt  }
0x83: {  	_ =	shalt  }
0x84: {  	_ =	shalt  }
0x85: {  	_ =	shalt  }
0x86: {  	_ =	shalt  }
0x87: {  	_ =	shalt  }
.Lfunc_end0:
.L_simem_size_0:
called_computation.1_lowered:
.L_overlay_start_0:
0x88: {  	s2 =	sld [smem:$0x3FD9]  }
0x89: {  	s3 =	sld [smem:$0x3FFE];
	_ =	sdelay $0x1  }
0x8a: {  	s1 =	srdreg.scid  }
0x8b: {  	s0 =	sand.u32 $0x1, s1  }
0x8c: {  	s17 =	sshll.u32 s0, $0xA;
	s2 =	sadd.s32 s3, s2  }
0x8d: {  	s2 =	sadd.s32 s2, s17  }
0x8e: {  	[smem:$0x3FC5] =	sst s2  }
0x8f: {  	_ = 	snop  }
0x90: {  	s2 =	sld [smem:$0x3FC9];
	(tm) =	ssettm $0x1  }
0x91: {  	s18 =	sld [smem:$0x3FFB];
	_ =	sdelay $0x3  }
0x92: {  	_ =	strace s18  }
0x93: {  	s3 =	sld [smem:$0x3FFC];
	_ =	sdelay $0x3  }
0x94: {  	_ =	strace s3  }
0x95: {  	s3 =	sld [smem:$0x3FFD];
	_ =	sdelay $0x3  }
0x96: {  	_ =	strace s3  }
0x97: {  	_ =	strace $0x8FFFFFFF  }
0x98: {  	s19 =	sld [smem:$0x3FDB];
	_ =	sdelay $0x1  }
0x99: {  	s4 =	simm.s32 $_scs_section_size  }
0x9a: {  	s5 =	simm.s32 $_size__tile_overlayer_lowered;
	s6 =	simm.s32 $_tile_overlayer_lowered  }
0x9b: {  	s22 =	simm.s32 $0x1BFF;
	s21 =	sshll.u32 s6, $0x1;
	s3 =	sadd.s32 s4, s19  }
0x9c: {  	s7 =	simm.s32 $0x0;
	s20 =	sshll.u32 s5, $0x1;
	s5 =	sadd.s32 s21, s3  }
0x9d: {  	[timem:s7], [sflag:s22] =	dma.local [hbm:s5], s20  }
0x9e: {  	_ =	swait.ge [sflag:s22], s20  }
0x9f: {  	s4 =	ssub.s32 $0x0, s20;
	[sflag:s22] =	ssyncset.done $0x0  }
0xa0: {  	[sflag:s22] =	ssyncadd.s32 s4;
	_ =	sdelay $0x1  }
0xa1: {  	s23 =	simm.s32 $0x1B8B  }
0xa2: {  	_ =	swait.ge [sflag:s23], $0x1  }
0xa3: {  	[sflag:s23] =	ssyncset.done $0x0  }
0xa4: {  	s25 =	simm.s32 $0x1B8E;
	s24 =	sld [smem:$0x3FFE];
	[sflag:s23] =	ssyncadd.s32 $0xFFFFFFFF  }
0xa5: {  	s26 =	simm.s32 $execute0_lowered;
	[smem:$0x3FD2] =	sst s25  }
0xa6: {  	s5 =	sshll.u32 s26, $0x1;
	_ =	strace $0x80000049;
	[dreg:$0x1] =	wrdreg $0xFFFFFFFF  }
0xa7: {  	s28 =	simm.s32 $_size_execute0_lowered;
	s3 =	sadd.s32 s3, s5;
	[dreg:$0x0] =	wrdreg $0x0  }
0xa8: {  	s5 =	sshll.u32 s28, $0x1;
	[dreg:$0x2] =	wrdreg s3  }
0xa9: {  	[dreg:$0x3] =	wrdreg s5  }
0xaa: {  	[dreg:$0x4] =	wrdreg $0xC0  }
0xab: {  	_ =	task [dreg:s7], $0x5FFFF  }
0xac: {  	[dreg:$0x1] =	wrdreg $0xFFFFFFFF  }
0xad: {  	[dreg:$0x0] =	wrdreg $0x60  }
0xae: {  	[dreg:$0x2] =	wrdreg s2  }
0xaf: {  	[dreg:$0x3] =	wrdreg s24  }
0xb0: {  	[dreg:$0x4] =	wrdreg $0xAA000  }
0xb1: {  	[dreg:$0x5] =	wrdreg $0x9  }
0xb2: {  	_ =	task.clear_ibuf [dreg:s7], $0x6FFFF;
	_ =	strace $0x90000049  }
0xb3: {  	s29 =	simm.s32 $0x9;
	_ =	strace $0x8000004B  }
0xb4: {  	_ =	swait.ge [sflag:s29], $0x1  }
0xb5: {  	[sflag:s29] =	ssyncadd.s32 $0xFFFFFFFF  }
0xb6: {  	_ =	strace $0x9000004B  }
0xb7: {  	_ =	sfence  }
0xb8: {  	s30 =	sld [smem:$0x0];
	_ =	sdelay $0x2  }
0xb9: {  	s31 =	sshll.u32 s1, $0xD;
	s1 =	sshrl.u32 s1, $0x2  }
0xba: {  	s3 =	sand.u32 $0x4000, s31;
	s1 =	sadd.s32 s1, s30  }
0xbb: {  	s0 =	sor.u32 s3, s0;
	s1 =	sshll.u32 s1, $0x11  }
0xbc: {  	s0 =	sor.u32 s1, s0  }
0xbd: {  	s0 =	sadd.s32 $0x8F2B, s0  }
0xbe: {  	[sflag:s0] =	ssyncadd.remote.s32 $0x1  }
0xbf: {  	_ =	sfence.sel $0xFFFF  }
0xc0: {  	[dreg:$0x0] =	wrdreg $0xFFFFFFFF;
	(pc) =	sbr.abs _section_cstart, $3  }
0xc1: {  	[dreg:$0x1] =	wrdreg $0xFFFFFFFF  }
0xc2: {  	_ =	task.clear_ibuf [dreg:s7], $0x2FFFF;
	_ =	strace $0x9FFFFFFF  }
0xc3: {  	(tm) =	ssettm $0x7FFFFFFF  }
tec
execute0_lowered:
.L_overlay_start_1:
0x0: {  	(tag) =	ssettag $0x1  }
0x1: {  	s1 =	rddreg [dreg:$0x0];
	s0 =	srdreg.scid  }
0x2: {  	s12 =	stileid.u32;
	s2 =	rddreg [dreg:$0x1]  }
0x3: {  	s3 =	rddreg [dreg:$0x2];
	s6 =	simm.s32 $0x0;
	s28 =	simm.s32 $0xA880  }
0x4: {  	s29 =	simm.s32 $0xA980;
	s30 =	simm.s32 $0x6800;
	s31 =	simm.s32 $0x3  }
0x5: {  	s0 =	sand.u32 $0x1, s0;
	s4 =	sshll.u32 s12, $0x1;
	s8 =	smul.u32 $0x4E200, s12  }
0x6: {  	[smem:$0x7FF] =	sst s6;
	s6 =	sadd.s32 $0x1F400, s2;
	s21 =	smul.u32 $0x13800, s12  }
0x7: {  	s7 =	sadd.s32 $0x33400, s2;
	s24 =	smul.u32 $0x4E000, s12;
	p0 =	seq.s32 s12, $0xF  }
0x8: {  	s4 =	sor.u32 s0, s4;
	s10 =	ssub.s32 $0x2, s0;
	s0 =	smul.u32 $0x138800, s0  }
0x9: {  	_ =	strace $0x8000004A;
	s5 =	smul.u32 $0x2800, s4;
	s8 =	sshrl.u32 s8, $0x2  }
0xa: {  	s11 =	sshrl.u32 s10, $0x1;
	s26 =	sshrl.u32 s24, $0x2;
	s8 =	sadd.s32 s8, s3  }
0xb: {  	s10 =	ssub.s32 s10, s11;
	s25 =	sadd.s32 s21, s0;
	s18 =	sadd.s32 $0x3E80, s8  }
0xc: {  	s0 =	sshrl.u32 s0, $0x3;
	s19 =	sadd.s32 $0x7D00, s8;
	[dreg:$0x5] =	wrdreg s18  }
0xd: {  	s21 =	simm.s32 $0xA800;
	s20 =	sadd.s32 $0xBB80, s8;
	[dreg:$0x6] =	wrdreg s19  }
0xe: {  	s4 =	sshrl.u32 s5, $0x3;
	s22 =	sadd.s32 $0xFA00, s8;
	[dreg:$0x7] =	wrdreg s20  }
0xf: {  	s9 =	sadd.s32 s4, s2;
	s2 =	sadd.s32 $0x3D400, s2;
	[dreg:$0x8] =	wrdreg s22  }
0x10: {  	s23 =	sadd.s32 s6, s4;
	s4 =	sadd.s32 s7, s4;
	s18 =	smax.u32 s10, $0x1  }
0x11: {  	s19 =	simm.s32 $0x5;
	s20 =	simm.s32 $0x2800;
	[dreg:$0x9] =	wrdreg s23  }
0x12: {  	s22 =	simm.s32 $0xA900;
	s9 =	sadd.s32 $0x29400, s9;
	[dreg:$0xa] =	wrdreg s4  }
0x13: {  	s4 =	sshrl.u32 s25, $0x3;
	s0 =	sadd.s32 s2, s0;
	s23 =	simm.s32 $0x7D  }
0x14: {  	[dreg:$0x4] =	wrdreg s9;
	s2 =	sadd.s32 s2, s4;
	s17 =	sadd.s32 $0x24900, s0  }
0x15: {  	s0 =	sadd.s32 $0x124800, s3;
	s4 =	simm.s32 $0x4;
	[dreg:$0xb] =	wrdreg s2  }
0x16: {  	s2 =	sadd.s32 s26, s3;
	s24 =	sshrl.u32 @p0 s0, $0x3;
	s26 =	simm.s32 $0x1  }
0x17: {  	v0 =	vimm.f32 $0.0e+00;
	v1 =	vimm.s32 $0x7C;
	s0 =	simm.s32 $0x0;
	s25 =	sshrl.u32 @!p0 s2, $0x3;
	s2 =	simm.s32 $0x2  }
.LBB2_1:
0x18: {  	s9 =	simm.s32 $0x0;
	s10 =	rddreg [dreg:$0x4]  }
0x19: {  	[tilespmem:s9], [sflag:$0x5] =	stream.linear.gather [hbm4b:s10+s9], $0x2800, $0x38;
	[tilespmem:$0x1E280] =	vst v63  }
0x1a: {  	_ =	swait.ge [sflag:s19], $0x2800  }
0x1b: {  	[sflag:s19] =	ssyncset.done $0x0  }
0x1c: {  	s9 =	simm.s32 $0x0;
	s10 =	simm.s32 $0x200;
	[sflag:s19] =	ssyncadd.s32 $0xFFFFD800  }
.LBB2_2:
0x1d: {  	p1 =	sne.s32 s10, $0xF800;
	[tilespmem:s9+$0x2870] =	vst v0  }
0x1e: {  	[tilespmem:s9+$0x2800] =	vst v0  }
0x1f: {  	[tilespmem:s9+$0x2810] =	vst v0  }
.Ltmp0:
0x20: {  	[tilespmem:s9+$0x2820] =	vst v0;
	(pc) =	sbr.rel @p1 .LBB2_2-.Ltmp0, $4  }
0x21: {  	[tilespmem:s9+$0x2830] =	vst v0  }
0x22: {  	[tilespmem:s9+$0x2840] =	vst v0  }
0x23: {  	[tilespmem:s9+$0x2850] =	vst v0  }
0x24: {  	[tilespmem:s9+$0x2860] =	vst v0;
	s9 =	sshra.s32 s10, $0x2;
	s10 =	sadd.s32 $0x200, s10  }
0x25: {  	[tilespmem:s9+$0x2870] =	vst v0  }
0x26: {  	[tilespmem:s9+$0x2800] =	vst v0  }
0x27: {  	[tilespmem:s9+$0x2810] =	vst v0  }
0x28: {  	[tilespmem:s9+$0x2820] =	vst v0  }
0x29: {  	[tilespmem:s9+$0x2830] =	vst v0  }
0x2a: {  	[tilespmem:s9+$0x2840] =	vst v0  }
0x2b: {  	[tilespmem:s9+$0x2850] =	vst v0  }
0x2c: {  	[tilespmem:s9+$0x2860] =	vst v0  }
0x2d: {  	[spmem:s8] =	stream.linear.scatter [tilespmem:s20], [sflag:$0x5], $0x3E80, $0x38;
	[tilespmem:$0x1E280] =	vst v63  }
0x2e: {  	_ =	swait.ge [sflag:s19], $0x3E80  }
0x2f: {  	[sflag:s19] =	ssyncset.done $0x0  }
0x30: {  	s12 =	rddreg [dreg:$0x5];
	[sflag:s19] =	ssyncadd.s32 $0xFFFFC180  }
0x31: {  	[spmem:s12] =	stream.linear.scatter [tilespmem:s20], [sflag:$0x5], $0x3E80, $0x38;
	[tilespmem:$0x1E280] =	vst v63  }
0x32: {  	_ =	swait.ge [sflag:s19], $0x3E80  }
0x33: {  	[sflag:s19] =	ssyncset.done $0x0  }
0x34: {  	s13 =	rddreg [dreg:$0x6];
	[sflag:s19] =	ssyncadd.s32 $0xFFFFC180  }
0x35: {  	[spmem:s13] =	stream.linear.scatter [tilespmem:s20], [sflag:$0x5], $0x3E80, $0x38;
	[tilespmem:$0x1E280] =	vst v63  }
0x36: {  	_ =	swait.ge [sflag:s19], $0x3E80  }
0x37: {  	[sflag:s19] =	ssyncset.done $0x0  }
0x38: {  	s14 =	rddreg [dreg:$0x7];
	[sflag:s19] =	ssyncadd.s32 $0xFFFFC180  }
0x39: {  	[spmem:s14] =	stream.linear.scatter [tilespmem:s20], [sflag:$0x5], $0x3E80, $0x38;
	[tilespmem:$0x1E280] =	vst v63  }
0x3a: {  	_ =	swait.ge [sflag:s19], $0x3E80  }
0x3b: {  	[sflag:s19] =	ssyncset.done $0x0  }
0x3c: {  	s15 =	rddreg [dreg:$0x8];
	[sflag:s19] =	ssyncadd.s32 $0xFFFFC180  }
0x3d: {  	[spmem:s15] =	stream.linear.scatter [tilespmem:s20], [sflag:$0x5], $0x3E80, $0x38;
	[tilespmem:$0x1E280] =	vst v63  }
0x3e: {  	_ =	swait.ge [sflag:s19], $0x3E80  }
0x3f: {  	[sflag:s19] =	ssyncset.done $0x0  }
0x40: {  	[sflag:s19] =	ssyncadd.s32 $0xFFFFC180  }
0x41: {  	[bflag:$0x0] =	sbarrier.arrive $0xFFFF  }
0x42: {  	s9 =	simm.s32 $0x0;
	s10 =	rddreg [dreg:$0x9]  }
0x43: {  	[tilespmem:s21], [sflag:$0x3] =	stream.linear.gather [hbm4b:s10+s9], $0x80, $0x38;
	[tilespmem:$0x1E280] =	vst v63  }
0x44: {  	s16 =	rddreg [dreg:$0xa]  }
0x45: {  	[tilespmem:s22], [sflag:$0x3] =	stream.linear.gather [hbm4b:s16+s9], $0x80, $0x38;
	[tilespmem:$0x1E280] =	vst v63  }
0x46: {  	s10 =	simm.s32 $0x0  }
0x47: {  	[tilespmem:s20], [sflag:$0x1] =	stream.indirect.gather [hbm4b:s1+s23], $0x80, s9, s23, $0xb8;
	[tilespmem:$0x1E280] =	vst v63  }
.LBB2_4:
0x48: {  	s11 =	sshll.u32 s10, $0x8  }
0x49: {  	s12 =	sand.u32 $0x3C00, s11;
	s11 =	sor.u32 $0x80, s11  }
0x4a: {  	s12 =	sadd.s32 s5, s12;
	s13 =	sand.u32 $0x380, s11  }
0x4b: {  	_ =	swait.ge [sflag:s26], $0x3E80;
	s12 =	sor.u32 s12, s13  }
0x4c: {  	[sflag:s26] =	ssyncset.done $0x0;
	s12 =	sshrl.u32 s12, $0x3  }
0x4d: {  	[sflag:s26] =	ssyncadd.s32 $0xFFFFC180;
	s15 =	sadd.s32 s6, s12  }
0x4e: {  	[tilespmem:s28], [sflag:$0x4] =	stream.linear.gather [hbm4b:s15+s9], $0x80, $0x38;
	[tilespmem:$0x1E280] =	vst v63  }
0x4f: {  	s12 =	sadd.s32 s7, s12  }
0x50: {  	[tilespmem:s29], [sflag:$0x4] =	stream.linear.gather [hbm4b:s12+s9], $0x80, $0x38;
	[tilespmem:$0x1E280] =	vst v63  }
0x51: {  	v2 =	vmov s9;
	s16 =	simm.s32 $0x2;
	s11 =	sand.u32 $0x3FFFFF80, s11  }
0x52: {  	v2 =	vand.u32 $0xFFFFFFFC, v2;
	v3 =	vmov s16;
	[tilespmem:s30], [sflag:$0x2] =	stream.indirect.gather [hbm4b:s1+s23], $0x80, s11, s23, $0xb8;
	[tilespmem:$0x1E280] =	vst v63  }
0x53: {  	v2 =	vbroadcast v2, $0x0;
	v3 =	vand.u32 $0xFFFFFFFE, v3;
	_ =	swait.ge [sflag:s31], $0x80  }
0x54: {  	v3 =	vbroadcast v3, $0x0;
	[sflag:s31] =	ssyncset.done $0x0  }
0x55: {  	[sflag:s31] =	ssyncadd.s32 $0xFFFFFF80  }
0x56: {  	_ =	swait.ge [sflag:s31], $0x80  }
0x57: {  	[sflag:s31] =	ssyncset.done $0x0  }
0x58: {  	[sflag:s31] =	ssyncadd.s32 $0xFFFFFF80  }
0x59: {  	v2 =	vld.idx.msk [tilespmem:v2+s22+$0x0], $0xffff  }
0x5a: {  	s13 =	simm.s32 $0x1;
	s12 =	simm.s32 $0x2900;
	v3 =	vld.idx.msk [tilespmem:v3+s22+$0x0], $0xffff  }
0x5b: {  	v4 =	vmov s13;
	v5 =	vld [tilespmem:s12+$0x70]  }
0x5c: {  	v4 =	vand.u32 $0xFFFFFFFD, v4;
	v6 =	vld [tilespmem:s12+$0xFFFFFF00]  }
0x5d: {  	v4 =	vbroadcast v4, $0x0;
	v7 =	vld [tilespmem:s12+$0xFFFFFF10]  }
0x5e: {  	v8 =	vld [tilespmem:s12+$0xFFFFFF20]  }
0x5f: {  	v9 =	vld [tilespmem:s12+$0xFFFFFF30]  }
0x60: {  	v10 =	vld [tilespmem:s12+$0xFFFFFF40]  }
0x61: {  	v11 =	vld [tilespmem:s12+$0xFFFFFF50]  }
0x62: {  	v12 =	vld [tilespmem:s12+$0xFFFFFF60];
	v6 =	vmul.f32 v6, v2  }
0x63: {  	v4 =	vld.idx.msk [tilespmem:v4+s22+$0x0], $0xffff;
	v5 =	vmul.f32 v5, v3  }
0x64: {  	v14 =	vld [tilespmem:s12+$0x40];
	[tilespmem:s12+$0xFFFFFF00] =	vst v6;
	v6 =	vmul.f32 v7, v2  }
0x65: {  	v7 =	vld [tilespmem:s12+$0xFFFFFF70];
	[tilespmem:s12+$0x70] =	vst v5;
	v5 =	vmul.f32 v8, v2  }
0x66: {  	v8 =	vld [tilespmem:s12+$0xFFFFFF80];
	[tilespmem:s12+$0xFFFFFF10] =	vst v6;
	v6 =	vmul.f32 v9, v2  }
0x67: {  	v9 =	vld [tilespmem:s12+$0xFFFFFF90];
	[tilespmem:s12+$0xFFFFFF20] =	vst v5;
	v5 =	vmul.f32 v10, v2  }
0x68: {  	v10 =	vld [tilespmem:s12+$0xFFFFFFA0];
	[tilespmem:s12+$0xFFFFFF30] =	vst v6;
	v6 =	vmul.f32 v11, v2  }
0x69: {  	v11 =	vld [tilespmem:s12+$0xFFFFFFB0];
	[tilespmem:s12+$0xFFFFFF40] =	vst v5;
	v5 =	vmul.f32 v12, v2  }
0x6a: {  	v12 =	vld [tilespmem:s12+$0xFFFFFFC0];
	v7 =	vmul.f32 v7, v2;
	[tilespmem:s12+$0xFFFFFF50] =	vst v6  }
0x6b: {  	v6 =	vmul.f32 v8, v4;
	v8 =	vld [tilespmem:s12+$0xFFFFFFD0];
	[tilespmem:s12+$0xFFFFFF60] =	vst v5  }
0x6c: {  	s14 =	simm.s32 $0x3;
	v5 =	vld [tilespmem:s12+$0xFFFFFFE0];
	v9 =	vmul.f32 v9, v4;
	[tilespmem:s12+$0xFFFFFF70] =	vst v7  }
0x6d: {  	v13 =	vmov s14;
	v7 =	vld [tilespmem:s12+$0xFFFFFFF0];
	[tilespmem:s12+$0xFFFFFF80] =	vst v6;
	v6 =	vmul.f32 v10, v4  }
0x6e: {  	v10 =	vld [tilespmem:s12+$0x0];
	[tilespmem:s12+$0xFFFFFF90] =	vst v9;
	v9 =	vmul.f32 v11, v4  }
0x6f: {  	v11 =	vld [tilespmem:s12+$0x10];
	[tilespmem:s12+$0xFFFFFFA0] =	vst v6;
	v6 =	vmul.f32 v12, v4  }
0x70: {  	[tilespmem:s12+$0xFFFFFFB0] =	vst v9;
	v8 =	vmul.f32 v8, v4;
	v9 =	vld [tilespmem:s12+$0x20]  }
0x71: {  	v12 =	vld [tilespmem:s12+$0x30];
	v5 =	vmul.f32 v5, v4;
	[tilespmem:s12+$0xFFFFFFC0] =	vst v6  }
0x72: {  	v2 =	vld.idx.msk [tilespmem:v13+s22+$0x0], $0xffff;
	v4 =	vmul.f32 v7, v4;
	[tilespmem:s12+$0xFFFFFFD0] =	vst v8  }
0x73: {  	[tilespmem:s12+$0xFFFFFFE0] =	vst v5;
	v6 =	vmul.f32 v10, v3;
	v5 =	vld [tilespmem:s12+$0x50]  }
0x74: {  	s15 =	simm.s32 $0x4;
	[tilespmem:s12+$0xFFFFFFF0] =	vst v4;
	v7 =	vmul.f32 v11, v3;
	v4 =	vld [tilespmem:s12+$0x60]  }
0x75: {  	s16 =	simm.s32 $0x7;
	v8 =	vmov s15;
	[tilespmem:s12+$0x0] =	vst v6;
	v10 =	vmul.f32 v9, v3;
	v9 =	vld [tilespmem:s12+$0x80]  }
0x76: {  	s14 =	simm.s32 $0x5;
	s13 =	simm.s32 $0x2900;
	v13 =	vand.u32 $0xFFFFFFFC, v8;
	v8 =	vld [tilespmem:s12+$0x90];
	v6 =	vmov s16;
	v11 =	vmul.f32 v12, v3;
	[tilespmem:s12+$0x10] =	vst v7  }
0x77: {  	s11 =	sshll.u32 s10, $0x1;
	s15 =	simm.s32 $0x6;
	v12 =	vmul.f32 v14, v3;
	v7 =	vbroadcast v13, $0x0;
	v13 =	vmov s14;
	s14 =	simm.s32 $0x8;
	[tilespmem:s12+$0x20] =	vst v10;
	v10 =	vld [tilespmem:s12+$0xA0]  }
.LBB2_5:
0x78: {  	p1 =	slt.u32 s14, $0x78;
	v13 =	vand.u32 $0xFFFFFFFD, v13;
	v14 =	vmov s15;
	[tilespmem:s12+$0x30] =	vst v11;
	v5 =	vmul.f32 v5, v3;
	v11 =	vld [tilespmem:s12+$0xB0]  }
0x79: {  	v13 =	vbroadcast v13, $0x0;
	v14 =	vand.u32 $0xFFFFFFFE, v14;
	[tilespmem:s12+$0x40] =	vst v12;
	v3 =	vmul.f32 v4, v3;
	v4 =	vld [tilespmem:s12+$0xC0]  }
0x7a: {  	v12 =	vbroadcast v14, $0x0;
	[tilespmem:s12+$0x50] =	vst v5;
	v5 =	vmul.f32 v9, v2;
	v9 =	vld [tilespmem:s12+$0xD0]  }
0x7b: {  	[tilespmem:s12+$0x60] =	vst v3;
	v3 =	vmul.f32 v8, v2;
	v8 =	vld [tilespmem:s12+$0xE0]  }
0x7c: {  	[tilespmem:s12+$0x80] =	vst v5;
	v5 =	vmul.f32 v10, v2;
	v10 =	vld [tilespmem:s12+$0xF0]  }
0x7d: {  	v6 =	vld.idx.msk [tilespmem:v6+s22+$0x0], $0xffff;
	[tilespmem:s12+$0x90] =	vst v3;
	v3 =	vmul.f32 v11, v2  }
0x7e: {  	v7 =	vld.idx.msk [tilespmem:v7+s22+$0x0], $0xffff;
	[tilespmem:s12+$0xA0] =	vst v5;
	v4 =	vmul.f32 v4, v2  }
0x7f: {  	v5 =	vld.idx.msk [tilespmem:v13+s22+$0x0], $0xffff;
	[tilespmem:s12+$0xB0] =	vst v3;
	v9 =	vmul.f32 v9, v2  }
0x80: {  	s12 =	sadd.s32 $0x200, s12;
	v3 =	vld.idx.msk [tilespmem:v12+s22+$0x0], $0xffff;
	[tilespmem:s13+$0xC0] =	vst v4;
	v4 =	vmul.f32 v8, v2  }
0x81: {  	v8 =	vld [tilespmem:s12+$0x70];
	[tilespmem:s13+$0xD0] =	vst v9;
	v10 =	vmul.f32 v10, v2  }
0x82: {  	v9 =	vld [tilespmem:s12+$0xFFFFFF00];
	[tilespmem:s13+$0xE0] =	vst v4  }
0x83: {  	v2 =	vmov v6;
	v4 =	vld [tilespmem:s12+$0xFFFFFF10];
	[tilespmem:s13+$0xF0] =	vst v10;
	s13 =	smov.u32 s12  }
0x84: {  	v6 =	vld [tilespmem:s12+$0xFFFFFF20]  }
0x85: {  	v10 =	vld [tilespmem:s12+$0xFFFFFF30]  }
0x86: {  	v11 =	vld [tilespmem:s12+$0xFFFFFF40];
	v8 =	vmul.f32 v8, v3  }
0x87: {  	v9 =	vmul.f32 v9, v7;
	v12 =	vld [tilespmem:s12+$0xFFFFFF50]  }
0x88: {  	v4 =	vmul.f32 v4, v7;
	v13 =	vld [tilespmem:s12+$0xFFFFFF60];
	[tilespmem:s12+$0x70] =	vst v8  }
0x89: {  	[tilespmem:s12+$0xFFFFFF00] =	vst v9;
	v6 =	vmul.f32 v6, v7;
	v8 =	vld [tilespmem:s12+$0xFFFFFF70]  }
0x8a: {  	[tilespmem:s12+$0xFFFFFF10] =	vst v4;
	v4 =	vmul.f32 v10, v7;
	v9 =	vld [tilespmem:s12+$0xFFFFFF80]  }
0x8b: {  	[tilespmem:s12+$0xFFFFFF20] =	vst v6;
	v6 =	vmul.f32 v11, v7;
	v10 =	vld [tilespmem:s12+$0xFFFFFF90]  }
0x8c: {  	[tilespmem:s12+$0xFFFFFF30] =	vst v4;
	v4 =	vmul.f32 v12, v7;
	v11 =	vld [tilespmem:s12+$0xFFFFFFA0]  }
0x8d: {  	[tilespmem:s12+$0xFFFFFF40] =	vst v6;
	v6 =	vmul.f32 v13, v7;
	v12 =	vld [tilespmem:s12+$0xFFFFFFB0]  }
0x8e: {  	[tilespmem:s12+$0xFFFFFF50] =	vst v4;
	v4 =	vmul.f32 v8, v7;
	v7 =	vld [tilespmem:s12+$0xFFFFFFC0]  }
0x8f: {  	[tilespmem:s12+$0xFFFFFF60] =	vst v6;
	v6 =	vmul.f32 v9, v5;
	v8 =	vld [tilespmem:s12+$0xFFFFFFD0]  }
0x90: {  	[tilespmem:s12+$0xFFFFFF70] =	vst v4;
	v4 =	vmul.f32 v10, v5;
	v9 =	vld [tilespmem:s12+$0xFFFFFFE0]  }
0x91: {  	[tilespmem:s12+$0xFFFFFF80] =	vst v6;
	v6 =	vmul.f32 v11, v5;
	v10 =	vld [tilespmem:s12+$0xFFFFFFF0]  }
0x92: {  	[tilespmem:s12+$0xFFFFFF90] =	vst v4;
	v4 =	vmul.f32 v12, v5;
	v11 =	vld [tilespmem:s12+$0x0]  }
0x93: {  	[tilespmem:s12+$0xFFFFFFA0] =	vst v6;
	v6 =	vmul.f32 v7, v5;
	v7 =	vld [tilespmem:s12+$0x10]  }
0x94: {  	[tilespmem:s12+$0xFFFFFFB0] =	vst v4;
	v4 =	vmul.f32 v8, v5;
	v8 =	vld [tilespmem:s12+$0x20]  }
0x95: {  	[tilespmem:s12+$0xFFFFFFC0] =	vst v6;
	v6 =	vmul.f32 v9, v5;
	v12 =	vld [tilespmem:s12+$0x30]  }
0x96: {  	[tilespmem:s12+$0xFFFFFFD0] =	vst v4;
	v4 =	vmul.f32 v10, v5;
	v10 =	vld [tilespmem:s12+$0x40]  }
.Ltmp1:
0x97: {  	[tilespmem:s12+$0xFFFFFFE0] =	vst v6;
	v6 =	vmul.f32 v11, v3;
	v5 =	vld [tilespmem:s12+$0x50];
	(pc) =	sbr.rel @p1 .LBB2_5-.Ltmp1, $4  }
0x98: {  	[tilespmem:s12+$0xFFFFFFF0] =	vst v4;
	v7 =	vmul.f32 v7, v3;
	v4 =	vld [tilespmem:s12+$0x60]  }
0x99: {  	s15 =	sadd.s32 $0x3, s14;
	v11 =	vmov s14;
	[tilespmem:s12+$0x0] =	vst v6;
	v14 =	vmul.f32 v8, v3;
	v9 =	vld [tilespmem:s12+$0x80]  }
0x9a: {  	s16 =	sadd.s32 $0x1, s14;
	v13 =	vand.u32 $0xFFFFFFFC, v11;
	v6 =	vmov s15;
	[tilespmem:s12+$0x10] =	vst v7;
	v11 =	vmul.f32 v12, v3;
	v8 =	vld [tilespmem:s12+$0x90]  }
0x9b: {  	s15 =	sadd.s32 $0x2, s14;
	s14 =	sadd.s32 $0x4, s14;
	v7 =	vbroadcast v13, $0x0;
	v13 =	vmov s16;
	[tilespmem:s12+$0x20] =	vst v14;
	v12 =	vmul.f32 v10, v3;
	v10 =	vld [tilespmem:s12+$0xA0]  }
0x9c: {  	v14 =	vld [tilespmem:s12+$0xB0]  }
0x9d: {  	v16 =	vld [tilespmem:s12+$0xC0]  }
0x9e: {  	v15 =	vmov s15;
	v17 =	vld [tilespmem:s12+$0xD0]  }
0x9f: {  	v18 =	vld [tilespmem:s12+$0xE0];
	[tilespmem:s12+$0x30] =	vst v11;
	v5 =	vmul.f32 v5, v3;
	v15 =	vand.u32 $0xFFFFFFFE, v15  }
0xa0: {  	v13 =	vand.u32 $0xFFFFFFFD, v13;
	v6 =	vld.idx.msk [tilespmem:v6+s22+$0x0], $0xffff;
	[tilespmem:s12+$0x40] =	vst v12;
	v3 =	vmul.f32 v4, v3;
	v15 =	vbroadcast v15, $0x0  }
0xa1: {  	s14 =	sadd.s32 $0x200, s12;
	v13 =	vbroadcast v13, $0x0;
	v4 =	vld.idx.msk [tilespmem:v7+s22+$0x0], $0xffff;
	v9 =	vmul.f32 v9, v2;
	[tilespmem:s12+$0x50] =	vst v5  }
0xa2: {  	v11 =	vld [tilespmem:s14+$0xFFFFFF00];
	v5 =	vmul.f32 v8, v2;
	[tilespmem:s12+$0x60] =	vst v3  }
0xa3: {  	[tilespmem:s12+$0x80] =	vst v9;
	v9 =	vld [tilespmem:s12+$0xF0];
	v3 =	vmul.f32 v10, v2  }
0xa4: {  	v12 =	vld [tilespmem:s14+$0xFFFFFF10];
	[tilespmem:s12+$0x90] =	vst v5;
	v5 =	vmul.f32 v14, v2  }
0xa5: {  	v10 =	vld [tilespmem:s14+$0x70];
	[tilespmem:s12+$0xA0] =	vst v3;
	v3 =	vmul.f32 v16, v2  }
0xa6: {  	[tilespmem:s12+$0xB0] =	vst v5;
	v5 =	vmul.f32 v17, v2;
	v8 =	vld.idx.msk [tilespmem:v15+s22+$0x0], $0xffff  }
0xa7: {  	v7 =	vld.idx.msk [tilespmem:v13+s22+$0x0], $0xffff;
	[tilespmem:s13+$0xC0] =	vst v3;
	v3 =	vmul.f32 v18, v2  }
0xa8: {  	v13 =	vld [tilespmem:s14+$0xFFFFFF20];
	[tilespmem:s13+$0xD0] =	vst v5;
	v2 =	vmul.f32 v9, v2  }
0xa9: {  	v5 =	vld [tilespmem:s14+$0xFFFFFF30];
	[tilespmem:s13+$0xE0] =	vst v3  }
0xaa: {  	v3 =	vld [tilespmem:s14+$0xFFFFFF40];
	[tilespmem:s13+$0xF0] =	vst v2;
	v2 =	vmul.f32 v11, v4  }
0xab: {  	v9 =	vmul.f32 v10, v8;
	v10 =	vld [tilespmem:s14+$0xFFFFFF50]  }
0xac: {  	v11 =	vmul.f32 v12, v4;
	v12 =	vld [tilespmem:s14+$0xFFFFFF60];
	[tilespmem:s14+$0xFFFFFF00] =	vst v2  }
0xad: {  	v2 =	vmul.f32 v13, v4;
	[tilespmem:s14+$0x70] =	vst v9;
	v9 =	vld [tilespmem:s14+$0xFFFFFF70]  }
0xae: {  	[tilespmem:s14+$0xFFFFFF10] =	vst v11;
	v11 =	vld [tilespmem:s14+$0xFFFFFF80];
	v5 =	vmul.f32 v5, v4  }
0xaf: {  	[tilespmem:s14+$0xFFFFFF20] =	vst v2;
	v2 =	vmul.f32 v3, v4;
	v3 =	vld [tilespmem:s14+$0xFFFFFF90]  }
0xb0: {  	[tilespmem:s14+$0xFFFFFF30] =	vst v5;
	v5 =	vmul.f32 v10, v4;
	v10 =	vld [tilespmem:s14+$0xFFFFFFA0]  }
0xb1: {  	[tilespmem:s14+$0xFFFFFF40] =	vst v2;
	v2 =	vmul.f32 v12, v4;
	v12 =	vld [tilespmem:s14+$0xFFFFFFB0]  }
0xb2: {  	[tilespmem:s14+$0xFFFFFF50] =	vst v5;
	v4 =	vmul.f32 v9, v4;
	v5 =	vld [tilespmem:s14+$0xFFFFFFC0]  }
0xb3: {  	[tilespmem:s14+$0xFFFFFF60] =	vst v2;
	v2 =	vmul.f32 v11, v7;
	v9 =	vld [tilespmem:s14+$0xFFFFFFD0]  }
0xb4: {  	v3 =	vmul.f32 v3, v7;
	[tilespmem:s14+$0xFFFFFF70] =	vst v4;
	v4 =	vld [tilespmem:s14+$0xFFFFFFE0]  }
0xb5: {  	[tilespmem:s14+$0xFFFFFF80] =	vst v2;
	v2 =	vmul.f32 v10, v7;
	v10 =	vld [tilespmem:s14+$0xFFFFFFF0]  }
0xb6: {  	v11 =	vld [tilespmem:s14+$0x0];
	[tilespmem:s14+$0xFFFFFF90] =	vst v3;
	v3 =	vmul.f32 v12, v7  }
0xb7: {  	[tilespmem:s14+$0xFFFFFFA0] =	vst v2;
	v2 =	vmul.f32 v5, v7;
	v5 =	vld [tilespmem:s14+$0x10]  }
0xb8: {  	[tilespmem:s14+$0xFFFFFFB0] =	vst v3;
	v3 =	vmul.f32 v9, v7;
	v9 =	vld [tilespmem:s14+$0x20]  }
0xb9: {  	[tilespmem:s14+$0xFFFFFFC0] =	vst v2;
	v2 =	vmul.f32 v4, v7;
	v4 =	vld [tilespmem:s14+$0x30]  }
0xba: {  	[tilespmem:s14+$0xFFFFFFD0] =	vst v3;
	v3 =	vmul.f32 v10, v7;
	v7 =	vld [tilespmem:s14+$0x40]  }
0xbb: {  	v10 =	vld [tilespmem:s14+$0x50];
	[tilespmem:s14+$0xFFFFFFE0] =	vst v2;
	v2 =	vmul.f32 v11, v8  }
0xbc: {  	[tilespmem:s14+$0xFFFFFFF0] =	vst v3;
	v3 =	vmul.f32 v5, v8;
	v5 =	vld [tilespmem:s14+$0x60]  }
0xbd: {  	[tilespmem:s14+$0x0] =	vst v2;
	v2 =	vmul.f32 v9, v8;
	v9 =	vld [tilespmem:s14+$0x80]  }
0xbe: {  	[tilespmem:s14+$0x10] =	vst v3;
	v3 =	vmul.f32 v4, v8;
	v4 =	vld [tilespmem:s14+$0x90]  }
0xbf: {  	[tilespmem:s14+$0x20] =	vst v2;
	v2 =	vmul.f32 v7, v8;
	v7 =	vld [tilespmem:s14+$0xA0]  }
0xc0: {  	[tilespmem:s14+$0x30] =	vst v3;
	v3 =	vmul.f32 v10, v8;
	v10 =	vld [tilespmem:s14+$0xB0]  }
0xc1: {  	[tilespmem:s14+$0x40] =	vst v2;
	v2 =	vmul.f32 v5, v8;
	v5 =	vld [tilespmem:s14+$0xC0]  }
0xc2: {  	v8 =	vld [tilespmem:s14+$0xD0];
	[tilespmem:s14+$0x50] =	vst v3;
	v3 =	vmul.f32 v9, v6  }
0xc3: {  	[tilespmem:s14+$0x60] =	vst v2;
	v2 =	vmul.f32 v4, v6;
	v4 =	vld [tilespmem:s14+$0xE0]  }
0xc4: {  	[tilespmem:s14+$0x80] =	vst v3;
	v3 =	vmul.f32 v7, v6;
	v7 =	vld [tilespmem:s14+$0xF0]  }
0xc5: {  	[tilespmem:s14+$0x90] =	vst v2;
	v2 =	vmul.f32 v10, v6  }
0xc6: {  	[tilespmem:s14+$0xA0] =	vst v3;
	v3 =	vmul.f32 v5, v6  }
0xc7: {  	[tilespmem:s14+$0xB0] =	vst v2;
	v2 =	vmul.f32 v8, v6  }
0xc8: {  	[tilespmem:s14+$0xC0] =	vst v3;
	v3 =	vmul.f32 v4, v6  }
0xc9: {  	[tilespmem:s14+$0xD0] =	vst v2;
	v2 =	vmul.f32 v7, v6  }
0xca: {  	[tilespmem:s14+$0xE0] =	vst v3  }
0xcb: {  	[tilespmem:s14+$0xF0] =	vst v2  }
0xcc: {  	v2 =	vld.idx.msk [tilespmem:v1+s22+$0x0], $0xffff  }
0xcd: {  	v3 =	vld [tilespmem:$0x6600]  }
0xce: {  	v4 =	vld [tilespmem:$0x6610]  }
0xcf: {  	v5 =	vld [tilespmem:$0x6620]  }
0xd0: {  	v6 =	vld [tilespmem:$0x6630]  }
0xd1: {  	v7 =	vld [tilespmem:$0x6640]  }
0xd2: {  	v8 =	vld [tilespmem:$0x6650];
	v3 =	vmul.f32 v3, v2  }
0xd3: {  	v9 =	vld [tilespmem:$0x6660];
	v4 =	vmul.f32 v4, v2  }
0xd4: {  	[tilespmem:$0x6600] =	vst v3;
	v3 =	vmul.f32 v5, v2;
	v5 =	vld [tilespmem:$0x6670]  }
0xd5: {  	[tilespmem:$0x6610] =	vst v4;
	v4 =	vmul.f32 v6, v2  }
0xd6: {  	[tilespmem:$0x6620] =	vst v3;
	v3 =	vmul.f32 v7, v2  }
0xd7: {  	[tilespmem:$0x6630] =	vst v4;
	v4 =	vmul.f32 v8, v2  }
0xd8: {  	[tilespmem:$0x6640] =	vst v3;
	v3 =	vmul.f32 v9, v2  }
0xd9: {  	[tilespmem:$0x6650] =	vst v4;
	v2 =	vmul.f32 v5, v2  }
0xda: {  	p1 =	seq.s32 s10, $0x27;
	[tilespmem:$0x6660] =	vst v3  }
0xdb: {  	s11 =	sshll.u32 @!p1 s11, $0x7;
	[tilespmem:$0x6670] =	vst v2  }
0xdc: {  	[spmem:s3] =	stream.indirect.scatter.add.f32 [tilespmem:s20], [sflag:$0x5], $0x80, s21, s23, $0xb8;
	[tilespmem:$0x1E280] =	vst v63  }
0xdd: {  	s11 =	sadd.s32 @!p1 $0x100, s11;
	_ =	swait.ge [sflag:s19], $0x3E80  }
0xde: {  	s12 =	sand.u32 @!p1 $0x7C00, s11;
	[sflag:s19] =	ssyncset.done $0x0  }
0xdf: {  	s12 =	sadd.s32 @!p1 s5, s12;
	s13 =	sand.u32 @!p1 $0x300, s11;
	[sflag:s19] =	ssyncadd.s32 $0xFFFFC180  }
0xe0: {  	s16 =	simm.s32 $0x0;
	s12 =	sor.u32 @!p1 s13, s12;
	_ =	swait.ge [sflag:s2], $0x3E80  }
0xe1: {  	s15 =	simm.s32 @!p1 $0xA800;
	s12 =	sshrl.u32 @!p1 s12, $0x3;
	[sflag:s2] =	ssyncset.done $0x0  }
0xe2: {  	s13 =	sadd.s32 @!p1 s6, s12;
	s14 =	simm.s32 @!p1 $0x0;
	[sflag:s2] =	ssyncadd.s32 $0xFFFFC180  }
0xe3: {  	[tilespmem:s15], [sflag:$0x3] =	stream.linear.gather @!p1 [hbm4b:s13+s14], $0x80, $0x38;
	[tilespmem:$0x1E280] =	vst v63  }
0xe4: {  	s11 =	sand.u32 @!p1 $0x3FFFFF80, s11;
	s12 =	sadd.s32 @!p1 s7, s12;
	s13 =	simm.s32 @!p1 $0xA900  }
0xe5: {  	[tilespmem:s13], [sflag:$0x3] =	stream.linear.gather @!p1 [hbm4b:s12+s14], $0x80, $0x38;
	[tilespmem:$0x1E280] =	vst v63  }
0xe6: {  	v2 =	vmov s16;
	s15 =	simm.s32 $0x2;
	s13 =	simm.s32 @!p1 $0x7D;
	s14 =	simm.s32 @!p1 $0x2800  }
0xe7: {  	v2 =	vand.u32 $0xFFFFFFFC, v2;
	v3 =	vmov s15;
	[tilespmem:s14], [sflag:$0x1] =	stream.indirect.gather @!p1 [hbm4b:s1+s13], $0x80, s11, s13, $0xb8;
	[tilespmem:$0x1E280] =	vst v63  }
0xe8: {  	v2 =	vbroadcast v2, $0x0;
	v3 =	vand.u32 $0xFFFFFFFE, v3;
	_ =	swait.ge [sflag:s4], $0x80  }
0xe9: {  	v3 =	vbroadcast v3, $0x0;
	[sflag:s4] =	ssyncset.done $0x0  }
0xea: {  	[sflag:s4] =	ssyncadd.s32 $0xFFFFFF80  }
0xeb: {  	_ =	swait.ge [sflag:s4], $0x80  }
0xec: {  	[sflag:s4] =	ssyncset.done $0x0  }
0xed: {  	[sflag:s4] =	ssyncadd.s32 $0xFFFFFF80  }
0xee: {  	v2 =	vld.idx.msk [tilespmem:v2+s29+$0x0], $0xffff  }
0xef: {  	s16 =	simm.s32 $0x1;
	s11 =	simm.s32 $0x6900;
	v3 =	vld.idx.msk [tilespmem:v3+s29+$0x0], $0xffff  }
0xf0: {  	v4 =	vmov s16;
	v5 =	vld [tilespmem:s11+$0x70]  }
0xf1: {  	v4 =	vand.u32 $0xFFFFFFFD, v4;
	v6 =	vld [tilespmem:s11+$0xFFFFFF00]  }
0xf2: {  	v4 =	vbroadcast v4, $0x0;
	v7 =	vld [tilespmem:s11+$0xFFFFFF10]  }
0xf3: {  	v8 =	vld [tilespmem:s11+$0xFFFFFF20]  }
0xf4: {  	v9 =	vld [tilespmem:s11+$0xFFFFFF30]  }
0xf5: {  	v10 =	vld [tilespmem:s11+$0xFFFFFF40]  }
0xf6: {  	v11 =	vld [tilespmem:s11+$0xFFFFFF50]  }
0xf7: {  	v12 =	vld [tilespmem:s11+$0xFFFFFF60];
	v6 =	vmul.f32 v6, v2  }
0xf8: {  	v4 =	vld.idx.msk [tilespmem:v4+s29+$0x0], $0xffff;
	v5 =	vmul.f32 v5, v3  }
0xf9: {  	v14 =	vld [tilespmem:s11+$0x40];
	[tilespmem:s11+$0xFFFFFF00] =	vst v6;
	v6 =	vmul.f32 v7, v2  }
0xfa: {  	v7 =	vld [tilespmem:s11+$0xFFFFFF70];
	[tilespmem:s11+$0x70] =	vst v5;
	v5 =	vmul.f32 v8, v2  }
0xfb: {  	v8 =	vld [tilespmem:s11+$0xFFFFFF80];
	[tilespmem:s11+$0xFFFFFF10] =	vst v6;
	v6 =	vmul.f32 v9, v2  }
0xfc: {  	v9 =	vld [tilespmem:s11+$0xFFFFFF90];
	[tilespmem:s11+$0xFFFFFF20] =	vst v5;
	v5 =	vmul.f32 v10, v2  }
0xfd: {  	v10 =	vld [tilespmem:s11+$0xFFFFFFA0];
	[tilespmem:s11+$0xFFFFFF30] =	vst v6;
	v6 =	vmul.f32 v11, v2  }
0xfe: {  	v11 =	vld [tilespmem:s11+$0xFFFFFFB0];
	[tilespmem:s11+$0xFFFFFF40] =	vst v5;
	v5 =	vmul.f32 v12, v2  }
0xff: {  	v12 =	vld [tilespmem:s11+$0xFFFFFFC0];
	v7 =	vmul.f32 v7, v2;
	[tilespmem:s11+$0xFFFFFF50] =	vst v6  }
0x100: {  	v6 =	vmul.f32 v8, v4;
	v8 =	vld [tilespmem:s11+$0xFFFFFFD0];
	[tilespmem:s11+$0xFFFFFF60] =	vst v5  }
0x101: {  	s13 =	simm.s32 $0x3;
	v5 =	vld [tilespmem:s11+$0xFFFFFFE0];
	v9 =	vmul.f32 v9, v4;
	[tilespmem:s11+$0xFFFFFF70] =	vst v7  }
0x102: {  	v13 =	vmov s13;
	v7 =	vld [tilespmem:s11+$0xFFFFFFF0];
	[tilespmem:s11+$0xFFFFFF80] =	vst v6;
	v6 =	vmul.f32 v10, v4  }
0x103: {  	v10 =	vld [tilespmem:s11+$0x0];
	[tilespmem:s11+$0xFFFFFF90] =	vst v9;
	v9 =	vmul.f32 v11, v4  }
0x104: {  	v11 =	vld [tilespmem:s11+$0x10];
	[tilespmem:s11+$0xFFFFFFA0] =	vst v6;
	v6 =	vmul.f32 v12, v4  }
0x105: {  	[tilespmem:s11+$0xFFFFFFB0] =	vst v9;
	v8 =	vmul.f32 v8, v4;
	v9 =	vld [tilespmem:s11+$0x20]  }
0x106: {  	v12 =	vld [tilespmem:s11+$0x30];
	v5 =	vmul.f32 v5, v4;
	[tilespmem:s11+$0xFFFFFFC0] =	vst v6  }
0x107: {  	v2 =	vld.idx.msk [tilespmem:v13+s29+$0x0], $0xffff;
	v4 =	vmul.f32 v7, v4;
	[tilespmem:s11+$0xFFFFFFD0] =	vst v8  }
0x108: {  	[tilespmem:s11+$0xFFFFFFE0] =	vst v5;
	v6 =	vmul.f32 v10, v3;
	v5 =	vld [tilespmem:s11+$0x50]  }
0x109: {  	s14 =	simm.s32 $0x4;
	[tilespmem:s11+$0xFFFFFFF0] =	vst v4;
	v7 =	vmul.f32 v11, v3;
	v4 =	vld [tilespmem:s11+$0x60]  }
0x10a: {  	s15 =	simm.s32 $0x7;
	v8 =	vmov s14;
	[tilespmem:s11+$0x0] =	vst v6;
	v10 =	vmul.f32 v9, v3;
	v9 =	vld [tilespmem:s11+$0x80]  }
0x10b: {  	s16 =	simm.s32 $0x5;
	v13 =	vand.u32 $0xFFFFFFFC, v8;
	v8 =	vld [tilespmem:s11+$0x90];
	v6 =	vmov s15;
	v11 =	vmul.f32 v12, v3;
	[tilespmem:s11+$0x10] =	vst v7  }
0x10c: {  	s12 =	simm.s32 $0x6900;
	s13 =	simm.s32 $0x8;
	s14 =	simm.s32 $0x6;
	v12 =	vmul.f32 v14, v3;
	v7 =	vbroadcast v13, $0x0;
	v13 =	vmov s16;
	[tilespmem:s11+$0x20] =	vst v10;
	v10 =	vld [tilespmem:s11+$0xA0]  }
.LBB2_7:
0x10d: {  	p1 =	slt.u32 s13, $0x78;
	v13 =	vand.u32 $0xFFFFFFFD, v13;
	v14 =	vmov s14;
	[tilespmem:s11+$0x30] =	vst v11;
	v5 =	vmul.f32 v5, v3;
	v11 =	vld [tilespmem:s11+$0xB0]  }
0x10e: {  	v13 =	vbroadcast v13, $0x0;
	v14 =	vand.u32 $0xFFFFFFFE, v14;
	[tilespmem:s11+$0x40] =	vst v12;
	v3 =	vmul.f32 v4, v3;
	v4 =	vld [tilespmem:s11+$0xC0]  }
0x10f: {  	v12 =	vbroadcast v14, $0x0;
	[tilespmem:s11+$0x50] =	vst v5;
	v5 =	vmul.f32 v9, v2;
	v9 =	vld [tilespmem:s11+$0xD0]  }
0x110: {  	[tilespmem:s11+$0x60] =	vst v3;
	v3 =	vmul.f32 v8, v2;
	v8 =	vld [tilespmem:s11+$0xE0]  }
0x111: {  	[tilespmem:s11+$0x80] =	vst v5;
	v5 =	vmul.f32 v10, v2;
	v10 =	vld [tilespmem:s11+$0xF0]  }
0x112: {  	v6 =	vld.idx.msk [tilespmem:v6+s29+$0x0], $0xffff;
	[tilespmem:s11+$0x90] =	vst v3;
	v3 =	vmul.f32 v11, v2  }
0x113: {  	v7 =	vld.idx.msk [tilespmem:v7+s29+$0x0], $0xffff;
	[tilespmem:s11+$0xA0] =	vst v5;
	v4 =	vmul.f32 v4, v2  }
0x114: {  	v5 =	vld.idx.msk [tilespmem:v13+s29+$0x0], $0xffff;
	[tilespmem:s11+$0xB0] =	vst v3;
	v9 =	vmul.f32 v9, v2  }
0x115: {  	s11 =	sadd.s32 $0x200, s11;
	v3 =	vld.idx.msk [tilespmem:v12+s29+$0x0], $0xffff;
	[tilespmem:s12+$0xC0] =	vst v4;
	v4 =	vmul.f32 v8, v2  }
0x116: {  	v8 =	vld [tilespmem:s11+$0x70];
	[tilespmem:s12+$0xD0] =	vst v9;
	v10 =	vmul.f32 v10, v2  }
0x117: {  	v9 =	vld [tilespmem:s11+$0xFFFFFF00];
	[tilespmem:s12+$0xE0] =	vst v4  }
0x118: {  	v2 =	vmov v6;
	v4 =	vld [tilespmem:s11+$0xFFFFFF10];
	[tilespmem:s12+$0xF0] =	vst v10;
	s12 =	smov.u32 s11  }
0x119: {  	v6 =	vld [tilespmem:s11+$0xFFFFFF20]  }
0x11a: {  	v10 =	vld [tilespmem:s11+$0xFFFFFF30]  }
0x11b: {  	v11 =	vld [tilespmem:s11+$0xFFFFFF40];
	v8 =	vmul.f32 v8, v3  }
0x11c: {  	v9 =	vmul.f32 v9, v7;
	v12 =	vld [tilespmem:s11+$0xFFFFFF50]  }
0x11d: {  	v4 =	vmul.f32 v4, v7;
	v13 =	vld [tilespmem:s11+$0xFFFFFF60];
	[tilespmem:s11+$0x70] =	vst v8  }
0x11e: {  	[tilespmem:s11+$0xFFFFFF00] =	vst v9;
	v6 =	vmul.f32 v6, v7;
	v8 =	vld [tilespmem:s11+$0xFFFFFF70]  }
0x11f: {  	[tilespmem:s11+$0xFFFFFF10] =	vst v4;
	v4 =	vmul.f32 v10, v7;
	v9 =	vld [tilespmem:s11+$0xFFFFFF80]  }
0x120: {  	[tilespmem:s11+$0xFFFFFF20] =	vst v6;
	v6 =	vmul.f32 v11, v7;
	v10 =	vld [tilespmem:s11+$0xFFFFFF90]  }
0x121: {  	[tilespmem:s11+$0xFFFFFF30] =	vst v4;
	v4 =	vmul.f32 v12, v7;
	v11 =	vld [tilespmem:s11+$0xFFFFFFA0]  }
0x122: {  	[tilespmem:s11+$0xFFFFFF40] =	vst v6;
	v6 =	vmul.f32 v13, v7;
	v12 =	vld [tilespmem:s11+$0xFFFFFFB0]  }
0x123: {  	[tilespmem:s11+$0xFFFFFF50] =	vst v4;
	v4 =	vmul.f32 v8, v7;
	v7 =	vld [tilespmem:s11+$0xFFFFFFC0]  }
0x124: {  	[tilespmem:s11+$0xFFFFFF60] =	vst v6;
	v6 =	vmul.f32 v9, v5;
	v8 =	vld [tilespmem:s11+$0xFFFFFFD0]  }
0x125: {  	[tilespmem:s11+$0xFFFFFF70] =	vst v4;
	v4 =	vmul.f32 v10, v5;
	v9 =	vld [tilespmem:s11+$0xFFFFFFE0]  }
0x126: {  	[tilespmem:s11+$0xFFFFFF80] =	vst v6;
	v6 =	vmul.f32 v11, v5;
	v10 =	vld [tilespmem:s11+$0xFFFFFFF0]  }
0x127: {  	[tilespmem:s11+$0xFFFFFF90] =	vst v4;
	v4 =	vmul.f32 v12, v5;
	v11 =	vld [tilespmem:s11+$0x0]  }
0x128: {  	[tilespmem:s11+$0xFFFFFFA0] =	vst v6;
	v6 =	vmul.f32 v7, v5;
	v7 =	vld [tilespmem:s11+$0x10]  }
0x129: {  	[tilespmem:s11+$0xFFFFFFB0] =	vst v4;
	v4 =	vmul.f32 v8, v5;
	v8 =	vld [tilespmem:s11+$0x20]  }
0x12a: {  	[tilespmem:s11+$0xFFFFFFC0] =	vst v6;
	v6 =	vmul.f32 v9, v5;
	v12 =	vld [tilespmem:s11+$0x30]  }
0x12b: {  	[tilespmem:s11+$0xFFFFFFD0] =	vst v4;
	v4 =	vmul.f32 v10, v5;
	v10 =	vld [tilespmem:s11+$0x40]  }
.Ltmp2:
0x12c: {  	[tilespmem:s11+$0xFFFFFFE0] =	vst v6;
	v6 =	vmul.f32 v11, v3;
	v5 =	vld [tilespmem:s11+$0x50];
	(pc) =	sbr.rel @p1 .LBB2_7-.Ltmp2, $4  }
0x12d: {  	[tilespmem:s11+$0xFFFFFFF0] =	vst v4;
	v7 =	vmul.f32 v7, v3;
	v4 =	vld [tilespmem:s11+$0x60]  }
0x12e: {  	s14 =	sadd.s32 $0x3, s13;
	v11 =	vmov s13;
	[tilespmem:s11+$0x0] =	vst v6;
	v14 =	vmul.f32 v8, v3;
	v9 =	vld [tilespmem:s11+$0x80]  }
0x12f: {  	s15 =	sadd.s32 $0x1, s13;
	v13 =	vand.u32 $0xFFFFFFFC, v11;
	v6 =	vmov s14;
	[tilespmem:s11+$0x10] =	vst v7;
	v11 =	vmul.f32 v12, v3;
	v8 =	vld [tilespmem:s11+$0x90]  }
0x130: {  	s14 =	sadd.s32 $0x2, s13;
	s13 =	sadd.s32 $0x4, s13;
	v7 =	vbroadcast v13, $0x0;
	v13 =	vmov s15;
	[tilespmem:s11+$0x20] =	vst v14;
	v12 =	vmul.f32 v10, v3;
	v10 =	vld [tilespmem:s11+$0xA0]  }
0x131: {  	v14 =	vld [tilespmem:s11+$0xB0]  }
0x132: {  	v16 =	vld [tilespmem:s11+$0xC0]  }
0x133: {  	v17 =	vld [tilespmem:s11+$0xD0]  }
0x134: {  	v18 =	vld [tilespmem:s11+$0xE0]  }
0x135: {  	v60 =	vld [tilespmem:s11+$0xF0];
	[tilespmem:s11+$0x30] =	vst v11;
	v5 =	vmul.f32 v5, v3  }
0x136: {  	v6 =	vld.idx.msk [tilespmem:v6+s29+$0x0], $0xffff;
	[tilespmem:s11+$0x40] =	vst v12;
	v3 =	vmul.f32 v4, v3  }
0x137: {  	s13 =	sadd.s32 $0x200, s11;
	v61 =	vld.idx.msk [tilespmem:v7+s29+$0x0], $0xffff;
	v9 =	vmul.f32 v9, v2;
	[tilespmem:s11+$0x50] =	vst v5  }
0x138: {  	v21 =	vld [tilespmem:s13+$0x70];
	v62 =	vmul.f32 v8, v2;
	[tilespmem:s11+$0x60] =	vst v3  }
0x139: {  	v22 =	vld [tilespmem:s13+$0xFFFFFF00];
	[tilespmem:s11+$0x80] =	vst v9;
	v3 =	vmul.f32 v10, v2  }
0x13a: {  	v15 =	vmov s14;
	v24 =	vld [tilespmem:s13+$0xFFFFFF10];
	[tilespmem:s11+$0x90] =	vst v62;
	v20 =	vmul.f32 v14, v2  }
0x13b: {  	v15 =	vand.u32 $0xFFFFFFFE, v15;
	v25 =	vld [tilespmem:s13+$0xFFFFFF20];
	[tilespmem:s11+$0xA0] =	vst v3;
	v3 =	vmul.f32 v16, v2  }
0x13c: {  	v13 =	vand.u32 $0xFFFFFFFD, v13;
	v26 =	vld [tilespmem:s13+$0xFFFFFF30];
	v15 =	vbroadcast v15, $0x0;
	v23 =	vmul.f32 v17, v2;
	[tilespmem:s11+$0xB0] =	vst v20  }
0x13d: {  	v13 =	vbroadcast v13, $0x0;
	v28 =	vld [tilespmem:s13+$0xFFFFFF50];
	[tilespmem:s12+$0xC0] =	vst v3;
	v3 =	vmul.f32 v18, v2  }
0x13e: {  	v30 =	vld [tilespmem:s13+$0xFFFFFF60];
	[tilespmem:s12+$0xD0] =	vst v23;
	v2 =	vmul.f32 v60, v2  }
0x13f: {  	v29 =	vmul.f32 v24, v61;
	[tilespmem:s12+$0xE0] =	vst v3;
	v3 =	vld [tilespmem:s13+$0xFFFFFF40]  }
0x140: {  	v31 =	vld [tilespmem:s13+$0xFFFFFF70];
	[tilespmem:s12+$0xF0] =	vst v2;
	v2 =	vmul.f32 v22, v61  }
0x141: {  	v32 =	vld [tilespmem:s13+$0xFFFFFF80];
	v5 =	vmul.f32 v26, v61;
	[tilespmem:s13+$0xFFFFFF10] =	vst v29  }
0x142: {  	v19 =	vld.idx.msk [tilespmem:v15+s29+$0x0], $0xffff;
	[tilespmem:s13+$0xFFFFFF00] =	vst v2;
	v2 =	vmul.f32 v25, v61  }
0x143: {  	v33 =	vmul.f32 v28, v61;
	v63 =	vld.idx.msk [tilespmem:v13+s29+$0x0], $0xffff;
	[tilespmem:s13+$0xFFFFFF30] =	vst v5  }
0x144: {  	[tilespmem:s13+$0xFFFFFF20] =	vst v2;
	v2 =	vmul.f32 v3, v61;
	v3 =	vld [tilespmem:s13+$0xFFFFFF90]  }
0x145: {  	v34 =	vld [tilespmem:s13+$0xFFFFFFA0];
	v4 =	vmul.f32 v31, v61;
	[tilespmem:s13+$0xFFFFFF50] =	vst v33  }
0x146: {  	v35 =	vld [tilespmem:s13+$0xFFFFFFB0];
	[tilespmem:s13+$0xFFFFFF40] =	vst v2;
	v2 =	vmul.f32 v30, v61  }
0x147: {  	v36 =	vld [tilespmem:s13+$0xFFFFFFC0];
	[tilespmem:s13+$0xFFFFFF70] =	vst v4;
	v27 =	vmul.f32 v21, v19  }
0x148: {  	v37 =	vld [tilespmem:s13+$0xFFFFFFD0];
	[tilespmem:s13+$0xFFFFFF60] =	vst v2;
	v2 =	vmul.f32 v32, v63  }
0x149: {  	v38 =	vld [tilespmem:s13+$0xFFFFFFE0];
	[tilespmem:s13+$0x70] =	vst v27;
	v3 =	vmul.f32 v3, v63  }
0x14a: {  	v39 =	vld [tilespmem:s13+$0xFFFFFFF0];
	[tilespmem:s13+$0xFFFFFF80] =	vst v2;
	v2 =	vmul.f32 v34, v63  }
0x14b: {  	v40 =	vld [tilespmem:s13+$0x0];
	[tilespmem:s13+$0xFFFFFF90] =	vst v3;
	v3 =	vmul.f32 v35, v63  }
0x14c: {  	v41 =	vld [tilespmem:s13+$0x10];
	[tilespmem:s13+$0xFFFFFFA0] =	vst v2;
	v2 =	vmul.f32 v36, v63  }
0x14d: {  	v42 =	vld [tilespmem:s13+$0x20];
	[tilespmem:s13+$0xFFFFFFB0] =	vst v3;
	v3 =	vmul.f32 v37, v63  }
0x14e: {  	v43 =	vld [tilespmem:s13+$0x30];
	[tilespmem:s13+$0xFFFFFFC0] =	vst v2;
	v2 =	vmul.f32 v38, v63  }
0x14f: {  	v44 =	vld [tilespmem:s13+$0x40];
	[tilespmem:s13+$0xFFFFFFD0] =	vst v3;
	v3 =	vmul.f32 v39, v63  }
0x150: {  	v45 =	vld [tilespmem:s13+$0x50];
	[tilespmem:s13+$0xFFFFFFE0] =	vst v2;
	v2 =	vmul.f32 v40, v19  }
0x151: {  	v46 =	vld [tilespmem:s13+$0x60];
	[tilespmem:s13+$0xFFFFFFF0] =	vst v3;
	v3 =	vmul.f32 v41, v19  }
0x152: {  	v47 =	vld [tilespmem:s13+$0x80];
	[tilespmem:s13+$0x0] =	vst v2;
	v2 =	vmul.f32 v42, v19  }
0x153: {  	v48 =	vld [tilespmem:s13+$0x90];
	[tilespmem:s13+$0x10] =	vst v3;
	v3 =	vmul.f32 v43, v19  }
0x154: {  	v49 =	vld [tilespmem:s13+$0xA0];
	[tilespmem:s13+$0x20] =	vst v2;
	v2 =	vmul.f32 v44, v19  }
0x155: {  	v50 =	vld [tilespmem:s13+$0xB0];
	[tilespmem:s13+$0x30] =	vst v3;
	v3 =	vmul.f32 v45, v19  }
0x156: {  	v51 =	vld [tilespmem:s13+$0xC0];
	[tilespmem:s13+$0x40] =	vst v2;
	v2 =	vmul.f32 v46, v19  }
0x157: {  	v52 =	vld [tilespmem:s13+$0xD0];
	[tilespmem:s13+$0x50] =	vst v3;
	v3 =	vmul.f32 v47, v6  }
0x158: {  	v53 =	vld [tilespmem:s13+$0xE0];
	[tilespmem:s13+$0x60] =	vst v2;
	v2 =	vmul.f32 v48, v6  }
0x159: {  	v54 =	vld [tilespmem:s13+$0xF0];
	[tilespmem:s13+$0x80] =	vst v3;
	v3 =	vmul.f32 v49, v6  }
0x15a: {  	[tilespmem:s13+$0x90] =	vst v2;
	v2 =	vmul.f32 v50, v6  }
0x15b: {  	[tilespmem:s13+$0xA0] =	vst v3;
	v3 =	vmul.f32 v51, v6  }
0x15c: {  	[tilespmem:s13+$0xB0] =	vst v2;
	v2 =	vmul.f32 v52, v6  }
0x15d: {  	[tilespmem:s13+$0xC0] =	vst v3;
	v3 =	vmul.f32 v53, v6  }
0x15e: {  	[tilespmem:s13+$0xD0] =	vst v2;
	v2 =	vmul.f32 v54, v6  }
0x15f: {  	[tilespmem:s13+$0xE0] =	vst v3  }
0x160: {  	[tilespmem:s13+$0xF0] =	vst v2  }
0x161: {  	v2 =	vld.idx.msk [tilespmem:v1+s29+$0x0], $0xffff  }
0x162: {  	v3 =	vld [tilespmem:$0xA600]  }
0x163: {  	v55 =	vld [tilespmem:$0xA610]  }
0x164: {  	v56 =	vld [tilespmem:$0xA620]  }
0x165: {  	v57 =	vld [tilespmem:$0xA630]  }
0x166: {  	v58 =	vld [tilespmem:$0xA640]  }
0x167: {  	v59 =	vld [tilespmem:$0xA650];
	v3 =	vmul.f32 v3, v2  }
0x168: {  	v60 =	vld [tilespmem:$0xA660];
	v4 =	vmul.f32 v55, v2  }
0x169: {  	v61 =	vld [tilespmem:$0xA670];
	[tilespmem:$0xA600] =	vst v3;
	v3 =	vmul.f32 v56, v2  }
0x16a: {  	v62 =	vmul.f32 v57, v2;
	[tilespmem:$0xA610] =	vst v4  }
0x16b: {  	[tilespmem:$0xA620] =	vst v3;
	v3 =	vmul.f32 v58, v2  }
0x16c: {  	v63 =	vmul.f32 v59, v2;
	[tilespmem:$0xA630] =	vst v62  }
0x16d: {  	[tilespmem:$0xA640] =	vst v3;
	v3 =	vmul.f32 v60, v2  }
0x16e: {  	s10 =	sadd.s32 $0x1, s10;
	[tilespmem:$0xA650] =	vst v63;
	v2 =	vmul.f32 v61, v2  }
0x16f: {  	p1 =	sne.s32 s10, $0x28;
	[tilespmem:$0xA660] =	vst v3  }
.Ltmp3:
0x170: {  	[tilespmem:$0xA670] =	vst v2;
	(pc) =	sbr.rel @p1 .LBB2_4-.Ltmp3, $4  }
0x171: {  	[spmem:s3] =	stream.indirect.scatter.add.f32 [tilespmem:s30], [sflag:$0x5], $0x80, s28, s23, $0xb8;
	[tilespmem:$0x1E280] =	vst v63  }
0x172: {  	_ =	swait.ge [sflag:s19], $0x3E80  }
0x173: {  	[sflag:s19] =	ssyncset.done $0x0  }
0x174: {  	[sflag:s19] =	ssyncadd.s32 $0xFFFFC180  }
0x175: {  	[bflag:$0x0] =	sbarrier.arrive $0xFFFF;
	s9 =	simm.s32 @p0 $0x1FC5  }
0x176: {  	[hbm:s17], [sflag:s9] =	dma.local @p0 [spmem:s24], $0x2800  }
0x177: {  	s9 =	simm.s32 @p0 $0x5  }
0x178: {  	s10 =	stileid.u32;
	s0 =	sadd.s32 $0x1, s0;
	_ =	swait.ge @p0 [sflag:s9], $0x2800  }
0x179: {  	s10 =	sshll.u32 @!p0 s10, $0x6;
	p1 =	sne.s32 s0, s18;
	[sflag:s9] =	ssyncset.done @p0 $0x0  }
0x17a: {  	[sflag:s9] =	ssyncadd.s32 @p0 $0xFFFFD800;
	s9 =	sor.u32 @!p0 $0x1C05, s10;
	s10 =	rddreg [dreg:$0xb]  }
0x17b: {  	[hbm:s10], [sflag:s9] =	dma.local @!p0 [spmem:s25], $0x2700  }
.Ltmp4:
0x17c: {  	_ = 	snop;
	(pc) =	sbr.rel @p1 .LBB2_1-.Ltmp4, $4  }
0x17d: {  	s9 =	simm.s32 @!p0 $0x5  }
0x17e: {  	_ =	swait.ge @!p0 [sflag:s9], $0x2700  }
0x17f: {  	[sflag:s9] =	ssyncset.done @!p0 $0x0  }
0x180: {  	[sflag:s9] =	ssyncadd.s32 @!p0 $0xFFFFD900  }
0x181: {  	_ =	sfence.sel $0x180000  }
0x182: {  	[bflag:$0x0] =	sbarrier.arrive $0xFFFF  }
0x183: {  	_ =	strace $0x9000004A  }
0x184: {  	s0 =	stileid.u32;
	[bflag:$0x2] =	sbarrier.arrive $0xFFFF  }
0x185: {  	p0 =	sne.s32 s0, $0x0;
	s0 =	rddreg [dreg:$0x3]  }
0x186: {  	s0 =	sadd.s32 @!p0 $0x100000, s0  }
0x187: {  	[sflag:s0] =	ssyncadd.tile.s32 @!p0 $0x1;
	_ =	shalt  }
.Lfunc_end2:
_tile_overlayer_lowered:
.L_overlay_start_2:
0x188: {  	(tag) =	ssettag $0x2  }
0x189: {  	s0 =	rddreg [dreg:$0x0];
	s2 =	stileid.u32  }
0x18a: {  	s1 =	rddreg [dreg:$0x1];
	p0 =	sne.s32 s2, $0x0  }
0x18b: {  	s3 =	rddreg [dreg:$0x2];
	[bflag:$0x3] =	sbarrier.arrive $0xFFFF;
	s2 =	simm.s32 @!p0 $0x1C05  }
0x18c: {  	[timem:s3], [sflag:s2] =	dma.local @!p0 [hbm:s0], s1  }
0x18d: {  	s0 =	simm.s32 @!p0 $0x5  }
0x18e: {  	_ =	swait.ge @!p0 [sflag:s0], s1  }
0x18f: {  	s1 =	ssub.s32 @!p0 $0x0, s1;
	[sflag:s0] =	ssyncset.done @!p0 $0x0  }
0x190: {  	[sflag:s0] =	ssyncadd.s32 @!p0 s1  }
0x191: {  	[bflag:$0x3] =	sbarrier.arrive $0xFFFF  }
0x192: {  	_ =	shalt  }

// kernel: kernel.15.cloned.1.call-start
scs
__scs_entry_jumppad:
0x0: {  	(pc) =	sbr.rel $0x88, $3  }
0x1: {  	(tag) =	ssettag $0x0;
	lr =	simm.s32 $0x1  }
0x2: {  	[smem:$0x3F9E] =	sst lr;
	_ =	strace $0xD0000000  }
0x3: {  	_ = 	snop  }
0x4: {  	_ = 	snop  }
0x5: {  	_ = 	snop  }
0x6: {  	_ = 	snop  }
0x7: {  	_ = 	snop  }
__scs_overlays_trampoline_lowered:
0x8: {  	[smem:$0x3FAD] =	sst s0  }
0x9: {  	[smem:$0x3FAE] =	sst s1  }
0xa: {  	[smem:$0x3FAF] =	sst s2  }
0xb: {  	[smem:$0x3FB0] =	sst s3  }
0xc: {  	[smem:$0x3FB1] =	sst s4  }
0xd: {  	[smem:$0x3FB2] =	sst s5  }
0xe: {  	[smem:$0x3FB3] =	sst s6  }
0xf: {  	[smem:$0x3FB4] =	sst s7  }
0x10: {  	[smem:$0x3FB5] =	sst s8  }
0x11: {  	[smem:$0x3FB6] =	sst s9;
	s0 =	simm.s32 @!p0 $0x0  }
0x12: {  	s1 =	sld [smem:$0x3F9C];
	s0 =	simm.s32 @p0 $0x1  }
0x13: {  	[smem:$0x3FB7] =	sst s0;
	s0 =	simm.s32 @!p1 $0x0  }
0x14: {  	s2 =	sld [smem:$0x3F9B];
	s0 =	simm.s32 @p1 $0x1  }
0x15: {  	[smem:$0x3FB8] =	sst s0;
	s0 =	simm.s32 @!p2 $0x0  }
0x16: {  	s3 =	sld [smem:$0x3FDB];
	s0 =	simm.s32 @p2 $0x1  }
0x17: {  	s4 =	simm.s32 $0x1BF5;
	[smem:$0x3FBA] =	sst s0  }
0x18: {  	s0 =	sld [smem:$0x3F9D];
	_ =	swait.ge [sflag:s4], $0x0  }
0x19: {  	s7 =	sld [smem:$0x3F9E]  }
0x1a: {  	s8 =	sadd.s32 $0xFFFFE003, lr  }
0x1b: {  	s9 =	sadd.s32 $0xFFFFFEF7, lr;
	s5 =	simm.s32 $0xFFFFFFFF;
	p2 =	slt.u32 s8, $0xFFFFF086  }
0x1c: {  	p1 =	slt.u32 s9, $0xF7A;
	s5 =	simm.s32 @!p2 $0x0  }
0x1d: {  	s5 =	simm.s32 @p1 $0x1;
	p0 =	seq.s32 s7, s2  }
0x1e: {  	s7 =	smul.u32 @!p0 $0xF7A, s2;
	p2 =	seq.s32 @!p0 s5, $0x0  }
0x1f: {  	s9 =	smul.u32 $0xF7A, s1;
	s8 =	simm.s32 @!p0 $0x1BF5;
	p2 =	por !p2, p0  }
0x20: {  	[sflag:s8] =	ssyncset.s32 @!p0 $0xFFFFF086;
	s6 =	sadd.s32 @!p0 s3, s7;
	s7 =	simm.s32 @!p0 $0x108  }
0x21: {  	s3 =	sadd.s32 s3, s9;
	s6 =	sadd.s32 @!p0 $0x88, s6;
	s7 =	simm.s32 @p2 $0x1082  }
0x22: {  	[simem:s7], [sflag:s8] =	dma.local @!p0 [hbm:s6], $0xF7A  }
0x23: {  	s9 =	sor.u32 $0xD0000000, s2;
	s6 =	simm.s32 $0x108;
	_ =	swait.ge @!p0 [sflag:s8], $0x0  }
0x24: {  	s3 =	sadd.s32 $0x88, s3;
	s6 =	simm.s32 @!p1 $0x1082;
	[sflag:s4] =	ssyncset.s32 $0xFFFFF086  }
0x25: {  	[simem:s6], [sflag:s4] =	dma.local [hbm:s3], $0xF7A  }
0x26: {  	[smem:$0x3F9E] =	sst s1;
	(tag) =	ssettag s2;
	_ =	strace s9  }
0x27: {  	s1 =	sld [smem:$0x3FAE]  }
0x28: {  	s2 =	sld [smem:$0x3FAF]  }
0x29: {  	s4 =	sld [smem:$0x3FB1]  }
0x2a: {  	p0 =	seq.s32 s5, $0x0;
	s5 =	sld [smem:$0x3FB2]  }
0x2b: {  	s6 =	sld [smem:$0x3FB3]  }
0x2c: {  	s7 =	sld [smem:$0x3FB4]  }
0x2d: {  	s3 =	simm.s32 $0x108;
	s8 =	sld [smem:$0x3FB5]  }
0x2e: {  	s3 =	simm.s32 @!p0 $0x1082;
	s9 =	sld [smem:$0x3FB6]  }
0x2f: {  	lr =	sadd.s32 s0, s3;
	s0 =	sld [smem:$0x3FAD]  }
0x30: {  	s3 =	sld [smem:$0x3FB0]  }
0x31: {  	[smem:$0x3FB9] =	sst s10  }
0x32: {  	s10 =	sld [smem:$0x3FB7];
	_ =	sdelay $0x3  }
0x33: {  	p0 =	seq.s32 s10, $0x1;
	s10 =	sld [smem:$0x3FB9];
	_ =	sdelay $0x3  }
0x34: {  	[smem:$0x3FB9] =	sst s10  }
0x35: {  	s10 =	sld [smem:$0x3FB8];
	_ =	sdelay $0x3  }
0x36: {  	p1 =	seq.s32 s10, $0x1;
	s10 =	sld [smem:$0x3FB9];
	_ =	sdelay $0x3  }
0x37: {  	[smem:$0x3FB9] =	sst s10  }
0x38: {  	s10 =	sld [smem:$0x3FBA]  }
0x39: {  	_ = 	snop;
	(pc) =	sbr.ind lr, $3  }
0x3a: {  	_ = 	snop  }
0x3b: {  	_ = 	snop  }
0x3c: {  	p2 =	seq.s32 s10, $0x1;
	s10 =	sld [smem:$0x3FB9]  }
0x3d: {  	_ =	shalt  }
0x3e: {  	_ =	shalt  }
0x3f: {  	_ =	shalt  }
0x40: {  	_ =	shalt  }
0x41: {  	_ =	shalt  }
0x42: {  	_ =	shalt  }
0x43: {  	_ =	shalt  }
0x44: {  	_ =	shalt  }
0x45: {  	_ =	shalt  }
0x46: {  	_ =	shalt  }
0x47: {  	_ =	shalt  }
0x48: {  	_ =	shalt  }
0x49: {  	_ =	shalt  }
0x4a: {  	_ =	shalt  }
0x4b: {  	_ =	shalt  }
0x4c: {  	_ =	shalt  }
0x4d: {  	_ =	shalt  }
0x4e: {  	_ =	shalt  }
0x4f: {  	_ =	shalt  }
0x50: {  	_ =	shalt  }
0x51: {  	_ =	shalt  }
0x52: {  	_ =	shalt  }
0x53: {  	_ =	shalt  }
0x54: {  	_ =	shalt  }
0x55: {  	_ =	shalt  }
0x56: {  	_ =	shalt  }
0x57: {  	_ =	shalt  }
0x58: {  	_ =	shalt  }
0x59: {  	_ =	shalt  }
0x5a: {  	_ =	shalt  }
0x5b: {  	_ =	shalt  }
0x5c: {  	_ =	shalt  }
0x5d: {  	_ =	shalt  }
0x5e: {  	_ =	shalt  }
0x5f: {  	_ =	shalt  }
0x60: {  	_ =	shalt  }
0x61: {  	_ =	shalt  }
0x62: {  	_ =	shalt  }
0x63: {  	_ =	shalt  }
0x64: {  	_ =	shalt  }
0x65: {  	_ =	shalt  }
0x66: {  	_ =	shalt  }
0x67: {  	_ =	shalt  }
0x68: {  	_ =	shalt  }
0x69: {  	_ =	shalt  }
0x6a: {  	_ =	shalt  }
0x6b: {  	_ =	shalt  }
0x6c: {  	_ =	shalt  }
0x6d: {  	_ =	shalt  }
0x6e: {  	_ =	shalt  }
0x6f: {  	_ =	shalt  }
0x70: {  	_ =	shalt  }
0x71: {  	_ =	shalt  }
0x72: {  	_ =	shalt  }
0x73: {  	_ =	shalt  }
0x74: {  	_ =	shalt  }
0x75: {  	_ =	shalt  }
0x76: {  	_ =	shalt  }
0x77: {  	_ =	shalt  }
0x78: {  	_ =	shalt  }
0x79: {  	_ =	shalt  }
0x7a: {  	_ =	shalt  }
0x7b: {  	_ =	shalt  }
0x7c: {  	_ =	shalt  }
0x7d: {  	_ =	shalt  }
0x7e: {  	_ =	shalt  }
0x7f: {  	_ =	shalt  }
0x80: {  	_ =	shalt  }
0x81: {  	_ =	shalt  }
0x82: {  	_ =	shalt  }
0x83: {  	_ =	shalt  }
0x84: {  	_ =	shalt  }
0x85: {  	_ =	shalt  }
0x86: {  	_ =	shalt  }
0x87: {  	_ =	shalt  }
.Lfunc_end0:
.L_simem_size_0:
called_computation.2_lowered:
.L_overlay_start_0:
0x88: {  	s2 =	sld [smem:$0x3FD9]  }
0x89: {  	s3 =	sld [smem:$0x3FFE];
	_ =	sdelay $0x1  }
0x8a: {  	s1 =	srdreg.scid  }
0x8b: {  	s0 =	sand.u32 $0x1, s1  }
0x8c: {  	s17 =	sshll.u32 s0, $0xA;
	s2 =	sadd.s32 s3, s2  }
0x8d: {  	s2 =	sadd.s32 s2, s17  }
0x8e: {  	[smem:$0x3FC5] =	sst s2  }
0x8f: {  	_ = 	snop  }
0x90: {  	s2 =	sld [smem:$0x3FD0];
	(tm) =	ssettm $0x1  }
0x91: {  	s18 =	sld [smem:$0x3FFB];
	_ =	sdelay $0x3  }
0x92: {  	_ =	strace s18  }
0x93: {  	s3 =	sld [smem:$0x3FFC];
	_ =	sdelay $0x3  }
0x94: {  	_ =	strace s3  }
0x95: {  	s3 =	sld [smem:$0x3FFD];
	_ =	sdelay $0x3  }
0x96: {  	_ =	strace s3  }
0x97: {  	_ =	strace $0x8FFFFFFF  }
0x98: {  	s19 =	sld [smem:$0x3FDB];
	_ =	sdelay $0x1  }
0x99: {  	s4 =	simm.s32 $_scs_section_size  }
0x9a: {  	s5 =	simm.s32 $_size__tile_overlayer_lowered;
	s6 =	simm.s32 $_tile_overlayer_lowered  }
0x9b: {  	s22 =	simm.s32 $0x1BFF;
	s21 =	sshll.u32 s6, $0x1;
	s3 =	sadd.s32 s4, s19  }
0x9c: {  	s7 =	simm.s32 $0x0;
	s20 =	sshll.u32 s5, $0x1;
	s5 =	sadd.s32 s21, s3  }
0x9d: {  	[timem:s7], [sflag:s22] =	dma.local [hbm:s5], s20  }
0x9e: {  	_ =	swait.ge [sflag:s22], s20  }
0x9f: {  	s4 =	ssub.s32 $0x0, s20;
	[sflag:s22] =	ssyncset.done $0x0  }
0xa0: {  	[sflag:s22] =	ssyncadd.s32 s4;
	_ =	sdelay $0x1  }
0xa1: {  	s23 =	simm.s32 $0x1B8B  }
0xa2: {  	_ =	swait.ge [sflag:s23], $0x1  }
0xa3: {  	[sflag:s23] =	ssyncset.done $0x0  }
0xa4: {  	s25 =	simm.s32 $0x1B8E;
	s24 =	sld [smem:$0x3FFE];
	[sflag:s23] =	ssyncadd.s32 $0xFFFFFFFF  }
0xa5: {  	s26 =	simm.s32 $execute0_lowered;
	[smem:$0x3FD2] =	sst s25  }
0xa6: {  	s5 =	sshll.u32 s26, $0x1;
	_ =	strace $0x8000004C;
	[dreg:$0x1] =	wrdreg $0xFFFFFFFF  }
0xa7: {  	s28 =	simm.s32 $_size_execute0_lowered;
	s3 =	sadd.s32 s3, s5;
	[dreg:$0x0] =	wrdreg $0x0  }
0xa8: {  	s5 =	sshll.u32 s28, $0x1;
	[dreg:$0x2] =	wrdreg s3  }
0xa9: {  	[dreg:$0x3] =	wrdreg s5  }
0xaa: {  	[dreg:$0x4] =	wrdreg $0xC0  }
0xab: {  	_ =	task [dreg:s7], $0x5FFFF  }
0xac: {  	[dreg:$0x1] =	wrdreg $0xFFFFFFFF  }
0xad: {  	[dreg:$0x0] =	wrdreg $0x60  }
0xae: {  	[dreg:$0x2] =	wrdreg s2  }
0xaf: {  	[dreg:$0x3] =	wrdreg s24  }
0xb0: {  	[dreg:$0x4] =	wrdreg $0xAA000  }
0xb1: {  	[dreg:$0x5] =	wrdreg $0x9  }
0xb2: {  	_ =	task.clear_ibuf [dreg:s7], $0x6FFFF;
	_ =	strace $0x9000004C  }
0xb3: {  	s29 =	simm.s32 $0x9;
	_ =	strace $0x8000004E  }
0xb4: {  	_ =	swait.ge [sflag:s29], $0x1  }
0xb5: {  	[sflag:s29] =	ssyncadd.s32 $0xFFFFFFFF  }
0xb6: {  	_ =	strace $0x9000004E  }
0xb7: {  	_ =	sfence  }
0xb8: {  	s30 =	sld [smem:$0x0];
	_ =	sdelay $0x2  }
0xb9: {  	s31 =	sshll.u32 s1, $0xD;
	s1 =	sshrl.u32 s1, $0x2  }
0xba: {  	s3 =	sand.u32 $0x4000, s31;
	s1 =	sadd.s32 s1, s30  }
0xbb: {  	s0 =	sor.u32 s3, s0;
	s1 =	sshll.u32 s1, $0x11  }
0xbc: {  	s0 =	sor.u32 s1, s0  }
0xbd: {  	s0 =	sadd.s32 $0x8F2B, s0  }
0xbe: {  	[sflag:s0] =	ssyncadd.remote.s32 $0x1  }
0xbf: {  	_ =	sfence.sel $0xFFFF  }
0xc0: {  	[dreg:$0x0] =	wrdreg $0xFFFFFFFF;
	(pc) =	sbr.abs _section_cstart, $3  }
0xc1: {  	[dreg:$0x1] =	wrdreg $0xFFFFFFFF  }
0xc2: {  	_ =	task.clear_ibuf [dreg:s7], $0x2FFFF;
	_ =	strace $0x9FFFFFFF  }
0xc3: {  	(tm) =	ssettm $0x7FFFFFFF  }
tec
execute0_lowered:
.L_overlay_start_1:
0x0: {  	(tag) =	ssettag $0x1  }
0x1: {  	s1 =	rddreg [dreg:$0x0];
	s0 =	srdreg.scid  }
0x2: {  	s12 =	stileid.u32;
	s2 =	rddreg [dreg:$0x1]  }
0x3: {  	s3 =	rddreg [dreg:$0x2];
	s6 =	simm.s32 $0x0;
	s28 =	simm.s32 $0xA880  }
0x4: {  	s29 =	simm.s32 $0xA980;
	s30 =	simm.s32 $0x6800;
	s31 =	simm.s32 $0x3  }
0x5: {  	s0 =	sand.u32 $0x1, s0;
	s4 =	sshll.u32 s12, $0x1;
	s8 =	smul.u32 $0x4E200, s12  }
0x6: {  	[smem:$0x7FF] =	sst s6;
	s6 =	sadd.s32 $0x1F400, s2;
	s21 =	smul.u32 $0x13800, s12  }
0x7: {  	s7 =	sadd.s32 $0x33400, s2;
	s24 =	smul.u32 $0x4E000, s12;
	p0 =	seq.s32 s12, $0xF  }
0x8: {  	s4 =	sor.u32 s0, s4;
	s10 =	ssub.s32 $0x2, s0;
	s0 =	smul.u32 $0x138800, s0  }
0x9: {  	_ =	strace $0x8000004D;
	s5 =	smul.u32 $0x2800, s4;
	s8 =	sshrl.u32 s8, $0x2  }
0xa: {  	s11 =	sshrl.u32 s10, $0x1;
	s26 =	sshrl.u32 s24, $0x2;
	s8 =	sadd.s32 s8, s3  }
0xb: {  	s10 =	ssub.s32 s10, s11;
	s25 =	sadd.s32 s21, s0;
	s18 =	sadd.s32 $0x3E80, s8  }
0xc: {  	s0 =	sshrl.u32 s0, $0x3;
	s19 =	sadd.s32 $0x7D00, s8;
	[dreg:$0x5] =	wrdreg s18  }
0xd: {  	s21 =	simm.s32 $0xA800;
	s20 =	sadd.s32 $0xBB80, s8;
	[dreg:$0x6] =	wrdreg s19  }
0xe: {  	s4 =	sshrl.u32 s5, $0x3;
	s22 =	sadd.s32 $0xFA00, s8;
	[dreg:$0x7] =	wrdreg s20  }
0xf: {  	s9 =	sadd.s32 s4, s2;
	s2 =	sadd.s32 $0x3D400, s2;
	[dreg:$0x8] =	wrdreg s22  }
0x10: {  	s23 =	sadd.s32 s6, s4;
	s4 =	sadd.s32 s7, s4;
	s18 =	smax.u32 s10, $0x1  }
0x11: {  	s19 =	simm.s32 $0x5;
	s20 =	simm.s32 $0x2800;
	[dreg:$0x9] =	wrdreg s23  }
0x12: {  	s22 =	simm.s32 $0xA900;
	s9 =	sadd.s32 $0x29400, s9;
	[dreg:$0xa] =	wrdreg s4  }
0x13: {  	s4 =	sshrl.u32 s25, $0x3;
	s0 =	sadd.s32 s2, s0;
	s23 =	simm.s32 $0x7D  }
0x14: {  	[dreg:$0x4] =	wrdreg s9;
	s2 =	sadd.s32 s2, s4;
	s17 =	sadd.s32 $0x24900, s0  }
0x15: {  	s0 =	sadd.s32 $0x124800, s3;
	s4 =	simm.s32 $0x4;
	[dreg:$0xb] =	wrdreg s2  }
0x16: {  	s2 =	sadd.s32 s26, s3;
	s24 =	sshrl.u32 @p0 s0, $0x3;
	s26 =	simm.s32 $0x1  }
0x17: {  	v0 =	vimm.f32 $0.0e+00;
	v1 =	vimm.s32 $0x7C;
	s0 =	simm.s32 $0x0;
	s25 =	sshrl.u32 @!p0 s2, $0x3;
	s2 =	simm.s32 $0x2  }
.LBB2_1:
0x18: {  	s9 =	simm.s32 $0x0;
	s10 =	rddreg [dreg:$0x4]  }
0x19: {  	[tilespmem:s9], [sflag:$0x5] =	stream.linear.gather [hbm4b:s10+s9], $0x2800, $0x38;
	[tilespmem:$0x1E280] =	vst v63  }
0x1a: {  	_ =	swait.ge [sflag:s19], $0x2800  }
0x1b: {  	[sflag:s19] =	ssyncset.done $0x0  }
0x1c: {  	s9 =	simm.s32 $0x0;
	s10 =	simm.s32 $0x200;
	[sflag:s19] =	ssyncadd.s32 $0xFFFFD800  }
.LBB2_2:
0x1d: {  	p1 =	sne.s32 s10, $0xF800;
	[tilespmem:s9+$0x2870] =	vst v0  }
0x1e: {  	[tilespmem:s9+$0x2800] =	vst v0  }
0x1f: {  	[tilespmem:s9+$0x2810] =	vst v0  }
.Ltmp0:
0x20: {  	[tilespmem:s9+$0x2820] =	vst v0;
	(pc) =	sbr.rel @p1 .LBB2_2-.Ltmp0, $4  }
0x21: {  	[tilespmem:s9+$0x2830] =	vst v0  }
0x22: {  	[tilespmem:s9+$0x2840] =	vst v0  }
0x23: {  	[tilespmem:s9+$0x2850] =	vst v0  }
0x24: {  	[tilespmem:s9+$0x2860] =	vst v0;
	s9 =	sshra.s32 s10, $0x2;
	s10 =	sadd.s32 $0x200, s10  }
0x25: {  	[tilespmem:s9+$0x2870] =	vst v0  }
0x26: {  	[tilespmem:s9+$0x2800] =	vst v0  }
0x27: {  	[tilespmem:s9+$0x2810] =	vst v0  }
0x28: {  	[tilespmem:s9+$0x2820] =	vst v0  }
0x29: {  	[tilespmem:s9+$0x2830] =	vst v0  }
0x2a: {  	[tilespmem:s9+$0x2840] =	vst v0  }
0x2b: {  	[tilespmem:s9+$0x2850] =	vst v0  }
0x2c: {  	[tilespmem:s9+$0x2860] =	vst v0  }
0x2d: {  	[spmem:s8] =	stream.linear.scatter [tilespmem:s20], [sflag:$0x5], $0x3E80, $0x38;
	[tilespmem:$0x1E280] =	vst v63  }
0x2e: {  	_ =	swait.ge [sflag:s19], $0x3E80  }
0x2f: {  	[sflag:s19] =	ssyncset.done $0x0  }
0x30: {  	s12 =	rddreg [dreg:$0x5];
	[sflag:s19] =	ssyncadd.s32 $0xFFFFC180  }
0x31: {  	[spmem:s12] =	stream.linear.scatter [tilespmem:s20], [sflag:$0x5], $0x3E80, $0x38;
	[tilespmem:$0x1E280] =	vst v63  }
0x32: {  	_ =	swait.ge [sflag:s19], $0x3E80  }
0x33: {  	[sflag:s19] =	ssyncset.done $0x0  }
0x34: {  	s13 =	rddreg [dreg:$0x6];
	[sflag:s19] =	ssyncadd.s32 $0xFFFFC180  }
0x35: {  	[spmem:s13] =	stream.linear.scatter [tilespmem:s20], [sflag:$0x5], $0x3E80, $0x38;
	[tilespmem:$0x1E280] =	vst v63  }
0x36: {  	_ =	swait.ge [sflag:s19], $0x3E80  }
0x37: {  	[sflag:s19] =	ssyncset.done $0x0  }
0x38: {  	s14 =	rddreg [dreg:$0x7];
	[sflag:s19] =	ssyncadd.s32 $0xFFFFC180  }
0x39: {  	[spmem:s14] =	stream.linear.scatter [tilespmem:s20], [sflag:$0x5], $0x3E80, $0x38;
	[tilespmem:$0x1E280] =	vst v63  }
0x3a: {  	_ =	swait.ge [sflag:s19], $0x3E80  }
0x3b: {  	[sflag:s19] =	ssyncset.done $0x0  }
0x3c: {  	s15 =	rddreg [dreg:$0x8];
	[sflag:s19] =	ssyncadd.s32 $0xFFFFC180  }
0x3d: {  	[spmem:s15] =	stream.linear.scatter [tilespmem:s20], [sflag:$0x5], $0x3E80, $0x38;
	[tilespmem:$0x1E280] =	vst v63  }
0x3e: {  	_ =	swait.ge [sflag:s19], $0x3E80  }
0x3f: {  	[sflag:s19] =	ssyncset.done $0x0  }
0x40: {  	[sflag:s19] =	ssyncadd.s32 $0xFFFFC180  }
0x41: {  	[bflag:$0x0] =	sbarrier.arrive $0xFFFF  }
0x42: {  	s9 =	simm.s32 $0x0;
	s10 =	rddreg [dreg:$0x9]  }
0x43: {  	[tilespmem:s21], [sflag:$0x3] =	stream.linear.gather [hbm4b:s10+s9], $0x80, $0x38;
	[tilespmem:$0x1E280] =	vst v63  }
0x44: {  	s16 =	rddreg [dreg:$0xa]  }
0x45: {  	[tilespmem:s22], [sflag:$0x3] =	stream.linear.gather [hbm4b:s16+s9], $0x80, $0x38;
	[tilespmem:$0x1E280] =	vst v63  }
0x46: {  	s10 =	simm.s32 $0x0  }
0x47: {  	[tilespmem:s20], [sflag:$0x1] =	stream.indirect.gather [hbm4b:s1+s23], $0x80, s9, s23, $0xb8;
	[tilespmem:$0x1E280] =	vst v63  }
.LBB2_4:
0x48: {  	s11 =	sshll.u32 s10, $0x8  }
0x49: {  	s12 =	sand.u32 $0x3C00, s11;
	s11 =	sor.u32 $0x80, s11  }
0x4a: {  	s12 =	sadd.s32 s5, s12;
	s13 =	sand.u32 $0x380, s11  }
0x4b: {  	_ =	swait.ge [sflag:s26], $0x3E80;
	s12 =	sor.u32 s12, s13  }
0x4c: {  	[sflag:s26] =	ssyncset.done $0x0;
	s12 =	sshrl.u32 s12, $0x3  }
0x4d: {  	[sflag:s26] =	ssyncadd.s32 $0xFFFFC180;
	s15 =	sadd.s32 s6, s12  }
0x4e: {  	[tilespmem:s28], [sflag:$0x4] =	stream.linear.gather [hbm4b:s15+s9], $0x80, $0x38;
	[tilespmem:$0x1E280] =	vst v63  }
0x4f: {  	s12 =	sadd.s32 s7, s12  }
0x50: {  	[tilespmem:s29], [sflag:$0x4] =	stream.linear.gather [hbm4b:s12+s9], $0x80, $0x38;
	[tilespmem:$0x1E280] =	vst v63  }
0x51: {  	v2 =	vmov s9;
	s16 =	simm.s32 $0x2;
	s11 =	sand.u32 $0x3FFFFF80, s11  }
0x52: {  	v2 =	vand.u32 $0xFFFFFFFC, v2;
	v3 =	vmov s16;
	[tilespmem:s30], [sflag:$0x2] =	stream.indirect.gather [hbm4b:s1+s23], $0x80, s11, s23, $0xb8;
	[tilespmem:$0x1E280] =	vst v63  }
0x53: {  	v2 =	vbroadcast v2, $0x0;
	v3 =	vand.u32 $0xFFFFFFFE, v3;
	_ =	swait.ge [sflag:s31], $0x80  }
0x54: {  	v3 =	vbroadcast v3, $0x0;
	[sflag:s31] =	ssyncset.done $0x0  }
0x55: {  	[sflag:s31] =	ssyncadd.s32 $0xFFFFFF80  }
0x56: {  	_ =	swait.ge [sflag:s31], $0x80  }
0x57: {  	[sflag:s31] =	ssyncset.done $0x0  }
0x58: {  	[sflag:s31] =	ssyncadd.s32 $0xFFFFFF80  }
0x59: {  	v2 =	vld.idx.msk [tilespmem:v2+s22+$0x0], $0xffff  }
0x5a: {  	s13 =	simm.s32 $0x1;
	s12 =	simm.s32 $0x2900;
	v3 =	vld.idx.msk [tilespmem:v3+s22+$0x0], $0xffff  }
0x5b: {  	v4 =	vmov s13;
	v5 =	vld [tilespmem:s12+$0x70]  }
0x5c: {  	v4 =	vand.u32 $0xFFFFFFFD, v4;
	v6 =	vld [tilespmem:s12+$0xFFFFFF00]  }
0x5d: {  	v4 =	vbroadcast v4, $0x0;
	v7 =	vld [tilespmem:s12+$0xFFFFFF10]  }
0x5e: {  	v8 =	vld [tilespmem:s12+$0xFFFFFF20]  }
0x5f: {  	v9 =	vld [tilespmem:s12+$0xFFFFFF30]  }
0x60: {  	v10 =	vld [tilespmem:s12+$0xFFFFFF40]  }
0x61: {  	v11 =	vld [tilespmem:s12+$0xFFFFFF50]  }
0x62: {  	v12 =	vld [tilespmem:s12+$0xFFFFFF60];
	v6 =	vmul.f32 v6, v2  }
0x63: {  	v4 =	vld.idx.msk [tilespmem:v4+s22+$0x0], $0xffff;
	v5 =	vmul.f32 v5, v3  }
0x64: {  	v14 =	vld [tilespmem:s12+$0x40];
	[tilespmem:s12+$0xFFFFFF00] =	vst v6;
	v6 =	vmul.f32 v7, v2  }
0x65: {  	v7 =	vld [tilespmem:s12+$0xFFFFFF70];
	[tilespmem:s12+$0x70] =	vst v5;
	v5 =	vmul.f32 v8, v2  }
0x66: {  	v8 =	vld [tilespmem:s12+$0xFFFFFF80];
	[tilespmem:s12+$0xFFFFFF10] =	vst v6;
	v6 =	vmul.f32 v9, v2  }
0x67: {  	v9 =	vld [tilespmem:s12+$0xFFFFFF90];
	[tilespmem:s12+$0xFFFFFF20] =	vst v5;
	v5 =	vmul.f32 v10, v2  }
0x68: {  	v10 =	vld [tilespmem:s12+$0xFFFFFFA0];
	[tilespmem:s12+$0xFFFFFF30] =	vst v6;
	v6 =	vmul.f32 v11, v2  }
0x69: {  	v11 =	vld [tilespmem:s12+$0xFFFFFFB0];
	[tilespmem:s12+$0xFFFFFF40] =	vst v5;
	v5 =	vmul.f32 v12, v2  }
0x6a: {  	v12 =	vld [tilespmem:s12+$0xFFFFFFC0];
	v7 =	vmul.f32 v7, v2;
	[tilespmem:s12+$0xFFFFFF50] =	vst v6  }
0x6b: {  	v6 =	vmul.f32 v8, v4;
	v8 =	vld [tilespmem:s12+$0xFFFFFFD0];
	[tilespmem:s12+$0xFFFFFF60] =	vst v5  }
0x6c: {  	s14 =	simm.s32 $0x3;
	v5 =	vld [tilespmem:s12+$0xFFFFFFE0];
	v9 =	vmul.f32 v9, v4;
	[tilespmem:s12+$0xFFFFFF70] =	vst v7  }
0x6d: {  	v13 =	vmov s14;
	v7 =	vld [tilespmem:s12+$0xFFFFFFF0];
	[tilespmem:s12+$0xFFFFFF80] =	vst v6;
	v6 =	vmul.f32 v10, v4  }
0x6e: {  	v10 =	vld [tilespmem:s12+$0x0];
	[tilespmem:s12+$0xFFFFFF90] =	vst v9;
	v9 =	vmul.f32 v11, v4  }
0x6f: {  	v11 =	vld [tilespmem:s12+$0x10];
	[tilespmem:s12+$0xFFFFFFA0] =	vst v6;
	v6 =	vmul.f32 v12, v4  }
0x70: {  	[tilespmem:s12+$0xFFFFFFB0] =	vst v9;
	v8 =	vmul.f32 v8, v4;
	v9 =	vld [tilespmem:s12+$0x20]  }
0x71: {  	v12 =	vld [tilespmem:s12+$0x30];
	v5 =	vmul.f32 v5, v4;
	[tilespmem:s12+$0xFFFFFFC0] =	vst v6  }
0x72: {  	v2 =	vld.idx.msk [tilespmem:v13+s22+$0x0], $0xffff;
	v4 =	vmul.f32 v7, v4;
	[tilespmem:s12+$0xFFFFFFD0] =	vst v8  }
0x73: {  	[tilespmem:s12+$0xFFFFFFE0] =	vst v5;
	v6 =	vmul.f32 v10, v3;
	v5 =	vld [tilespmem:s12+$0x50]  }
0x74: {  	s15 =	simm.s32 $0x4;
	[tilespmem:s12+$0xFFFFFFF0] =	vst v4;
	v7 =	vmul.f32 v11, v3;
	v4 =	vld [tilespmem:s12+$0x60]  }
0x75: {  	s16 =	simm.s32 $0x7;
	v8 =	vmov s15;
	[tilespmem:s12+$0x0] =	vst v6;
	v10 =	vmul.f32 v9, v3;
	v9 =	vld [tilespmem:s12+$0x80]  }
0x76: {  	s14 =	simm.s32 $0x5;
	s13 =	simm.s32 $0x2900;
	v13 =	vand.u32 $0xFFFFFFFC, v8;
	v8 =	vld [tilespmem:s12+$0x90];
	v6 =	vmov s16;
	v11 =	vmul.f32 v12, v3;
	[tilespmem:s12+$0x10] =	vst v7  }
0x77: {  	s11 =	sshll.u32 s10, $0x1;
	s15 =	simm.s32 $0x6;
	v12 =	vmul.f32 v14, v3;
	v7 =	vbroadcast v13, $0x0;
	v13 =	vmov s14;
	s14 =	simm.s32 $0x8;
	[tilespmem:s12+$0x20] =	vst v10;
	v10 =	vld [tilespmem:s12+$0xA0]  }
.LBB2_5:
0x78: {  	p1 =	slt.u32 s14, $0x78;
	v13 =	vand.u32 $0xFFFFFFFD, v13;
	v14 =	vmov s15;
	[tilespmem:s12+$0x30] =	vst v11;
	v5 =	vmul.f32 v5, v3;
	v11 =	vld [tilespmem:s12+$0xB0]  }
0x79: {  	v13 =	vbroadcast v13, $0x0;
	v14 =	vand.u32 $0xFFFFFFFE, v14;
	[tilespmem:s12+$0x40] =	vst v12;
	v3 =	vmul.f32 v4, v3;
	v4 =	vld [tilespmem:s12+$0xC0]  }
0x7a: {  	v12 =	vbroadcast v14, $0x0;
	[tilespmem:s12+$0x50] =	vst v5;
	v5 =	vmul.f32 v9, v2;
	v9 =	vld [tilespmem:s12+$0xD0]  }
0x7b: {  	[tilespmem:s12+$0x60] =	vst v3;
	v3 =	vmul.f32 v8, v2;
	v8 =	vld [tilespmem:s12+$0xE0]  }
0x7c: {  	[tilespmem:s12+$0x80] =	vst v5;
	v5 =	vmul.f32 v10, v2;
	v10 =	vld [tilespmem:s12+$0xF0]  }
0x7d: {  	v6 =	vld.idx.msk [tilespmem:v6+s22+$0x0], $0xffff;
	[tilespmem:s12+$0x90] =	vst v3;
	v3 =	vmul.f32 v11, v2  }
0x7e: {  	v7 =	vld.idx.msk [tilespmem:v7+s22+$0x0], $0xffff;
	[tilespmem:s12+$0xA0] =	vst v5;
	v4 =	vmul.f32 v4, v2  }
0x7f: {  	v5 =	vld.idx.msk [tilespmem:v13+s22+$0x0], $0xffff;
	[tilespmem:s12+$0xB0] =	vst v3;
	v9 =	vmul.f32 v9, v2  }
0x80: {  	s12 =	sadd.s32 $0x200, s12;
	v3 =	vld.idx.msk [tilespmem:v12+s22+$0x0], $0xffff;
	[tilespmem:s13+$0xC0] =	vst v4;
	v4 =	vmul.f32 v8, v2  }
0x81: {  	v8 =	vld [tilespmem:s12+$0x70];
	[tilespmem:s13+$0xD0] =	vst v9;
	v10 =	vmul.f32 v10, v2  }
0x82: {  	v9 =	vld [tilespmem:s12+$0xFFFFFF00];
	[tilespmem:s13+$0xE0] =	vst v4  }
0x83: {  	v2 =	vmov v6;
	v4 =	vld [tilespmem:s12+$0xFFFFFF10];
	[tilespmem:s13+$0xF0] =	vst v10;
	s13 =	smov.u32 s12  }
0x84: {  	v6 =	vld [tilespmem:s12+$0xFFFFFF20]  }
0x85: {  	v10 =	vld [tilespmem:s12+$0xFFFFFF30]  }
0x86: {  	v11 =	vld [tilespmem:s12+$0xFFFFFF40];
	v8 =	vmul.f32 v8, v3  }
0x87: {  	v9 =	vmul.f32 v9, v7;
	v12 =	vld [tilespmem:s12+$0xFFFFFF50]  }
0x88: {  	v4 =	vmul.f32 v4, v7;
	v13 =	vld [tilespmem:s12+$0xFFFFFF60];
	[tilespmem:s12+$0x70] =	vst v8  }
0x89: {  	[tilespmem:s12+$0xFFFFFF00] =	vst v9;
	v6 =	vmul.f32 v6, v7;
	v8 =	vld [tilespmem:s12+$0xFFFFFF70]  }
0x8a: {  	[tilespmem:s12+$0xFFFFFF10] =	vst v4;
	v4 =	vmul.f32 v10, v7;
	v9 =	vld [tilespmem:s12+$0xFFFFFF80]  }
0x8b: {  	[tilespmem:s12+$0xFFFFFF20] =	vst v6;
	v6 =	vmul.f32 v11, v7;
	v10 =	vld [tilespmem:s12+$0xFFFFFF90]  }
0x8c: {  	[tilespmem:s12+$0xFFFFFF30] =	vst v4;
	v4 =	vmul.f32 v12, v7;
	v11 =	vld [tilespmem:s12+$0xFFFFFFA0]  }
0x8d: {  	[tilespmem:s12+$0xFFFFFF40] =	vst v6;
	v6 =	vmul.f32 v13, v7;
	v12 =	vld [tilespmem:s12+$0xFFFFFFB0]  }
0x8e: {  	[tilespmem:s12+$0xFFFFFF50] =	vst v4;
	v4 =	vmul.f32 v8, v7;
	v7 =	vld [tilespmem:s12+$0xFFFFFFC0]  }
0x8f: {  	[tilespmem:s12+$0xFFFFFF60] =	vst v6;
	v6 =	vmul.f32 v9, v5;
	v8 =	vld [tilespmem:s12+$0xFFFFFFD0]  }
0x90: {  	[tilespmem:s12+$0xFFFFFF70] =	vst v4;
	v4 =	vmul.f32 v10, v5;
	v9 =	vld [tilespmem:s12+$0xFFFFFFE0]  }
0x91: {  	[tilespmem:s12+$0xFFFFFF80] =	vst v6;
	v6 =	vmul.f32 v11, v5;
	v10 =	vld [tilespmem:s12+$0xFFFFFFF0]  }
0x92: {  	[tilespmem:s12+$0xFFFFFF90] =	vst v4;
	v4 =	vmul.f32 v12, v5;
	v11 =	vld [tilespmem:s12+$0x0]  }
0x93: {  	[tilespmem:s12+$0xFFFFFFA0] =	vst v6;
	v6 =	vmul.f32 v7, v5;
	v7 =	vld [tilespmem:s12+$0x10]  }
0x94: {  	[tilespmem:s12+$0xFFFFFFB0] =	vst v4;
	v4 =	vmul.f32 v8, v5;
	v8 =	vld [tilespmem:s12+$0x20]  }
0x95: {  	[tilespmem:s12+$0xFFFFFFC0] =	vst v6;
	v6 =	vmul.f32 v9, v5;
	v12 =	vld [tilespmem:s12+$0x30]  }
0x96: {  	[tilespmem:s12+$0xFFFFFFD0] =	vst v4;
	v4 =	vmul.f32 v10, v5;
	v10 =	vld [tilespmem:s12+$0x40]  }
.Ltmp1:
0x97: {  	[tilespmem:s12+$0xFFFFFFE0] =	vst v6;
	v6 =	vmul.f32 v11, v3;
	v5 =	vld [tilespmem:s12+$0x50];
	(pc) =	sbr.rel @p1 .LBB2_5-.Ltmp1, $4  }
0x98: {  	[tilespmem:s12+$0xFFFFFFF0] =	vst v4;
	v7 =	vmul.f32 v7, v3;
	v4 =	vld [tilespmem:s12+$0x60]  }
0x99: {  	s15 =	sadd.s32 $0x3, s14;
	v11 =	vmov s14;
	[tilespmem:s12+$0x0] =	vst v6;
	v14 =	vmul.f32 v8, v3;
	v9 =	vld [tilespmem:s12+$0x80]  }
0x9a: {  	s16 =	sadd.s32 $0x1, s14;
	v13 =	vand.u32 $0xFFFFFFFC, v11;
	v6 =	vmov s15;
	[tilespmem:s12+$0x10] =	vst v7;
	v11 =	vmul.f32 v12, v3;
	v8 =	vld [tilespmem:s12+$0x90]  }
0x9b: {  	s15 =	sadd.s32 $0x2, s14;
	s14 =	sadd.s32 $0x4, s14;
	v7 =	vbroadcast v13, $0x0;
	v13 =	vmov s16;
	[tilespmem:s12+$0x20] =	vst v14;
	v12 =	vmul.f32 v10, v3;
	v10 =	vld [tilespmem:s12+$0xA0]  }
0x9c: {  	v14 =	vld [tilespmem:s12+$0xB0]  }
0x9d: {  	v16 =	vld [tilespmem:s12+$0xC0]  }
0x9e: {  	v15 =	vmov s15;
	v17 =	vld [tilespmem:s12+$0xD0]  }
0x9f: {  	v18 =	vld [tilespmem:s12+$0xE0];
	[tilespmem:s12+$0x30] =	vst v11;
	v5 =	vmul.f32 v5, v3;
	v15 =	vand.u32 $0xFFFFFFFE, v15  }
0xa0: {  	v13 =	vand.u32 $0xFFFFFFFD, v13;
	v6 =	vld.idx.msk [tilespmem:v6+s22+$0x0], $0xffff;
	[tilespmem:s12+$0x40] =	vst v12;
	v3 =	vmul.f32 v4, v3;
	v15 =	vbroadcast v15, $0x0  }
0xa1: {  	s14 =	sadd.s32 $0x200, s12;
	v13 =	vbroadcast v13, $0x0;
	v4 =	vld.idx.msk [tilespmem:v7+s22+$0x0], $0xffff;
	v9 =	vmul.f32 v9, v2;
	[tilespmem:s12+$0x50] =	vst v5  }
0xa2: {  	v11 =	vld [tilespmem:s14+$0xFFFFFF00];
	v5 =	vmul.f32 v8, v2;
	[tilespmem:s12+$0x60] =	vst v3  }
0xa3: {  	[tilespmem:s12+$0x80] =	vst v9;
	v9 =	vld [tilespmem:s12+$0xF0];
	v3 =	vmul.f32 v10, v2  }
0xa4: {  	v12 =	vld [tilespmem:s14+$0xFFFFFF10];
	[tilespmem:s12+$0x90] =	vst v5;
	v5 =	vmul.f32 v14, v2  }
0xa5: {  	v10 =	vld [tilespmem:s14+$0x70];
	[tilespmem:s12+$0xA0] =	vst v3;
	v3 =	vmul.f32 v16, v2  }
0xa6: {  	[tilespmem:s12+$0xB0] =	vst v5;
	v5 =	vmul.f32 v17, v2;
	v8 =	vld.idx.msk [tilespmem:v15+s22+$0x0], $0xffff  }
0xa7: {  	v7 =	vld.idx.msk [tilespmem:v13+s22+$0x0], $0xffff;
	[tilespmem:s13+$0xC0] =	vst v3;
	v3 =	vmul.f32 v18, v2  }
0xa8: {  	v13 =	vld [tilespmem:s14+$0xFFFFFF20];
	[tilespmem:s13+$0xD0] =	vst v5;
	v2 =	vmul.f32 v9, v2  }
0xa9: {  	v5 =	vld [tilespmem:s14+$0xFFFFFF30];
	[tilespmem:s13+$0xE0] =	vst v3  }
0xaa: {  	v3 =	vld [tilespmem:s14+$0xFFFFFF40];
	[tilespmem:s13+$0xF0] =	vst v2;
	v2 =	vmul.f32 v11, v4  }
0xab: {  	v9 =	vmul.f32 v10, v8;
	v10 =	vld [tilespmem:s14+$0xFFFFFF50]  }
0xac: {  	v11 =	vmul.f32 v12, v4;
	v12 =	vld [tilespmem:s14+$0xFFFFFF60];
	[tilespmem:s14+$0xFFFFFF00] =	vst v2  }
0xad: {  	v2 =	vmul.f32 v13, v4;
	[tilespmem:s14+$0x70] =	vst v9;
	v9 =	vld [tilespmem:s14+$0xFFFFFF70]  }
0xae: {  	[tilespmem:s14+$0xFFFFFF10] =	vst v11;
	v11 =	vld [tilespmem:s14+$0xFFFFFF80];
	v5 =	vmul.f32 v5, v4  }
0xaf: {  	[tilespmem:s14+$0xFFFFFF20] =	vst v2;
	v2 =	vmul.f32 v3, v4;
	v3 =	vld [tilespmem:s14+$0xFFFFFF90]  }
0xb0: {  	[tilespmem:s14+$0xFFFFFF30] =	vst v5;
	v5 =	vmul.f32 v10, v4;
	v10 =	vld [tilespmem:s14+$0xFFFFFFA0]  }
0xb1: {  	[tilespmem:s14+$0xFFFFFF40] =	vst v2;
	v2 =	vmul.f32 v12, v4;
	v12 =	vld [tilespmem:s14+$0xFFFFFFB0]  }
0xb2: {  	[tilespmem:s14+$0xFFFFFF50] =	vst v5;
	v4 =	vmul.f32 v9, v4;
	v5 =	vld [tilespmem:s14+$0xFFFFFFC0]  }
0xb3: {  	[tilespmem:s14+$0xFFFFFF60] =	vst v2;
	v2 =	vmul.f32 v11, v7;
	v9 =	vld [tilespmem:s14+$0xFFFFFFD0]  }
0xb4: {  	v3 =	vmul.f32 v3, v7;
	[tilespmem:s14+$0xFFFFFF70] =	vst v4;
	v4 =	vld [tilespmem:s14+$0xFFFFFFE0]  }
0xb5: {  	[tilespmem:s14+$0xFFFFFF80] =	vst v2;
	v2 =	vmul.f32 v10, v7;
	v10 =	vld [tilespmem:s14+$0xFFFFFFF0]  }
0xb6: {  	v11 =	vld [tilespmem:s14+$0x0];
	[tilespmem:s14+$0xFFFFFF90] =	vst v3;
	v3 =	vmul.f32 v12, v7  }
0xb7: {  	[tilespmem:s14+$0xFFFFFFA0] =	vst v2;
	v2 =	vmul.f32 v5, v7;
	v5 =	vld [tilespmem:s14+$0x10]  }
0xb8: {  	[tilespmem:s14+$0xFFFFFFB0] =	vst v3;
	v3 =	vmul.f32 v9, v7;
	v9 =	vld [tilespmem:s14+$0x20]  }
0xb9: {  	[tilespmem:s14+$0xFFFFFFC0] =	vst v2;
	v2 =	vmul.f32 v4, v7;
	v4 =	vld [tilespmem:s14+$0x30]  }
0xba: {  	[tilespmem:s14+$0xFFFFFFD0] =	vst v3;
	v3 =	vmul.f32 v10, v7;
	v7 =	vld [tilespmem:s14+$0x40]  }
0xbb: {  	v10 =	vld [tilespmem:s14+$0x50];
	[tilespmem:s14+$0xFFFFFFE0] =	vst v2;
	v2 =	vmul.f32 v11, v8  }
0xbc: {  	[tilespmem:s14+$0xFFFFFFF0] =	vst v3;
	v3 =	vmul.f32 v5, v8;
	v5 =	vld [tilespmem:s14+$0x60]  }
0xbd: {  	[tilespmem:s14+$0x0] =	vst v2;
	v2 =	vmul.f32 v9, v8;
	v9 =	vld [tilespmem:s14+$0x80]  }
0xbe: {  	[tilespmem:s14+$0x10] =	vst v3;
	v3 =	vmul.f32 v4, v8;
	v4 =	vld [tilespmem:s14+$0x90]  }
0xbf: {  	[tilespmem:s14+$0x20] =	vst v2;
	v2 =	vmul.f32 v7, v8;
	v7 =	vld [tilespmem:s14+$0xA0]  }
0xc0: {  	[tilespmem:s14+$0x30] =	vst v3;
	v3 =	vmul.f32 v10, v8;
	v10 =	vld [tilespmem:s14+$0xB0]  }
0xc1: {  	[tilespmem:s14+$0x40] =	vst v2;
	v2 =	vmul.f32 v5, v8;
	v5 =	vld [tilespmem:s14+$0xC0]  }
0xc2: {  	v8 =	vld [tilespmem:s14+$0xD0];
	[tilespmem:s14+$0x50] =	vst v3;
	v3 =	vmul.f32 v9, v6  }
0xc3: {  	[tilespmem:s14+$0x60] =	vst v2;
	v2 =	vmul.f32 v4, v6;
	v4 =	vld [tilespmem:s14+$0xE0]  }
0xc4: {  	[tilespmem:s14+$0x80] =	vst v3;
	v3 =	vmul.f32 v7, v6;
	v7 =	vld [tilespmem:s14+$0xF0]  }
0xc5: {  	[tilespmem:s14+$0x90] =	vst v2;
	v2 =	vmul.f32 v10, v6  }
0xc6: {  	[tilespmem:s14+$0xA0] =	vst v3;
	v3 =	vmul.f32 v5, v6  }
0xc7: {  	[tilespmem:s14+$0xB0] =	vst v2;
	v2 =	vmul.f32 v8, v6  }
0xc8: {  	[tilespmem:s14+$0xC0] =	vst v3;
	v3 =	vmul.f32 v4, v6  }
0xc9: {  	[tilespmem:s14+$0xD0] =	vst v2;
	v2 =	vmul.f32 v7, v6  }
0xca: {  	[tilespmem:s14+$0xE0] =	vst v3  }
0xcb: {  	[tilespmem:s14+$0xF0] =	vst v2  }
0xcc: {  	v2 =	vld.idx.msk [tilespmem:v1+s22+$0x0], $0xffff  }
0xcd: {  	v3 =	vld [tilespmem:$0x6600]  }
0xce: {  	v4 =	vld [tilespmem:$0x6610]  }
0xcf: {  	v5 =	vld [tilespmem:$0x6620]  }
0xd0: {  	v6 =	vld [tilespmem:$0x6630]  }
0xd1: {  	v7 =	vld [tilespmem:$0x6640]  }
0xd2: {  	v8 =	vld [tilespmem:$0x6650];
	v3 =	vmul.f32 v3, v2  }
0xd3: {  	v9 =	vld [tilespmem:$0x6660];
	v4 =	vmul.f32 v4, v2  }
0xd4: {  	[tilespmem:$0x6600] =	vst v3;
	v3 =	vmul.f32 v5, v2;
	v5 =	vld [tilespmem:$0x6670]  }
0xd5: {  	[tilespmem:$0x6610] =	vst v4;
	v4 =	vmul.f32 v6, v2  }
0xd6: {  	[tilespmem:$0x6620] =	vst v3;
	v3 =	vmul.f32 v7, v2  }
0xd7: {  	[tilespmem:$0x6630] =	vst v4;
	v4 =	vmul.f32 v8, v2  }
0xd8: {  	[tilespmem:$0x6640] =	vst v3;
	v3 =	vmul.f32 v9, v2  }
0xd9: {  	[tilespmem:$0x6650] =	vst v4;
	v2 =	vmul.f32 v5, v2  }
0xda: {  	p1 =	seq.s32 s10, $0x27;
	[tilespmem:$0x6660] =	vst v3  }
0xdb: {  	s11 =	sshll.u32 @!p1 s11, $0x7;
	[tilespmem:$0x6670] =	vst v2  }
0xdc: {  	[spmem:s3] =	stream.indirect.scatter.add.f32 [tilespmem:s20], [sflag:$0x5], $0x80, s21, s23, $0xb8;
	[tilespmem:$0x1E280] =	vst v63  }
0xdd: {  	s11 =	sadd.s32 @!p1 $0x100, s11;
	_ =	swait.ge [sflag:s19], $0x3E80  }
0xde: {  	s12 =	sand.u32 @!p1 $0x7C00, s11;
	[sflag:s19] =	ssyncset.done $0x0  }
0xdf: {  	s12 =	sadd.s32 @!p1 s5, s12;
	s13 =	sand.u32 @!p1 $0x300, s11;
	[sflag:s19] =	ssyncadd.s32 $0xFFFFC180  }
0xe0: {  	s16 =	simm.s32 $0x0;
	s12 =	sor.u32 @!p1 s13, s12;
	_ =	swait.ge [sflag:s2], $0x3E80  }
0xe1: {  	s15 =	simm.s32 @!p1 $0xA800;
	s12 =	sshrl.u32 @!p1 s12, $0x3;
	[sflag:s2] =	ssyncset.done $0x0  }
0xe2: {  	s13 =	sadd.s32 @!p1 s6, s12;
	s14 =	simm.s32 @!p1 $0x0;
	[sflag:s2] =	ssyncadd.s32 $0xFFFFC180  }
0xe3: {  	[tilespmem:s15], [sflag:$0x3] =	stream.linear.gather @!p1 [hbm4b:s13+s14], $0x80, $0x38;
	[tilespmem:$0x1E280] =	vst v63  }
0xe4: {  	s11 =	sand.u32 @!p1 $0x3FFFFF80, s11;
	s12 =	sadd.s32 @!p1 s7, s12;
	s13 =	simm.s32 @!p1 $0xA900  }
0xe5: {  	[tilespmem:s13], [sflag:$0x3] =	stream.linear.gather @!p1 [hbm4b:s12+s14], $0x80, $0x38;
	[tilespmem:$0x1E280] =	vst v63  }
0xe6: {  	v2 =	vmov s16;
	s15 =	simm.s32 $0x2;
	s13 =	simm.s32 @!p1 $0x7D;
	s14 =	simm.s32 @!p1 $0x2800  }
0xe7: {  	v2 =	vand.u32 $0xFFFFFFFC, v2;
	v3 =	vmov s15;
	[tilespmem:s14], [sflag:$0x1] =	stream.indirect.gather @!p1 [hbm4b:s1+s13], $0x80, s11, s13, $0xb8;
	[tilespmem:$0x1E280] =	vst v63  }
0xe8: {  	v2 =	vbroadcast v2, $0x0;
	v3 =	vand.u32 $0xFFFFFFFE, v3;
	_ =	swait.ge [sflag:s4], $0x80  }
0xe9: {  	v3 =	vbroadcast v3, $0x0;
	[sflag:s4] =	ssyncset.done $0x0  }
0xea: {  	[sflag:s4] =	ssyncadd.s32 $0xFFFFFF80  }
0xeb: {  	_ =	swait.ge [sflag:s4], $0x80  }
0xec: {  	[sflag:s4] =	ssyncset.done $0x0  }
0xed: {  	[sflag:s4] =	ssyncadd.s32 $0xFFFFFF80  }
0xee: {  	v2 =	vld.idx.msk [tilespmem:v2+s29+$0x0], $0xffff  }
0xef: {  	s16 =	simm.s32 $0x1;
	s11 =	simm.s32 $0x6900;
	v3 =	vld.idx.msk [tilespmem:v3+s29+$0x0], $0xffff  }
0xf0: {  	v4 =	vmov s16;
	v5 =	vld [tilespmem:s11+$0x70]  }
0xf1: {  	v4 =	vand.u32 $0xFFFFFFFD, v4;
	v6 =	vld [tilespmem:s11+$0xFFFFFF00]  }
0xf2: {  	v4 =	vbroadcast v4, $0x0;
	v7 =	vld [tilespmem:s11+$0xFFFFFF10]  }
0xf3: {  	v8 =	vld [tilespmem:s11+$0xFFFFFF20]  }
0xf4: {  	v9 =	vld [tilespmem:s11+$0xFFFFFF30]  }
0xf5: {  	v10 =	vld [tilespmem:s11+$0xFFFFFF40]  }
0xf6: {  	v11 =	vld [tilespmem:s11+$0xFFFFFF50]  }
0xf7: {  	v12 =	vld [tilespmem:s11+$0xFFFFFF60];
	v6 =	vmul.f32 v6, v2  }
0xf8: {  	v4 =	vld.idx.msk [tilespmem:v4+s29+$0x0], $0xffff;
	v5 =	vmul.f32 v5, v3  }
0xf9: {  	v14 =	vld [tilespmem:s11+$0x40];
	[tilespmem:s11+$0xFFFFFF00] =	vst v6;
	v6 =	vmul.f32 v7, v2  }
0xfa: {  	v7 =	vld [tilespmem:s11+$0xFFFFFF70];
	[tilespmem:s11+$0x70] =	vst v5;
	v5 =	vmul.f32 v8, v2  }
0xfb: {  	v8 =	vld [tilespmem:s11+$0xFFFFFF80];
	[tilespmem:s11+$0xFFFFFF10] =	vst v6;
	v6 =	vmul.f32 v9, v2  }
0xfc: {  	v9 =	vld [tilespmem:s11+$0xFFFFFF90];
	[tilespmem:s11+$0xFFFFFF20] =	vst v5;
	v5 =	vmul.f32 v10, v2  }
0xfd: {  	v10 =	vld [tilespmem:s11+$0xFFFFFFA0];
	[tilespmem:s11+$0xFFFFFF30] =	vst v6;
	v6 =	vmul.f32 v11, v2  }
0xfe: {  	v11 =	vld [tilespmem:s11+$0xFFFFFFB0];
	[tilespmem:s11+$0xFFFFFF40] =	vst v5;
	v5 =	vmul.f32 v12, v2  }
0xff: {  	v12 =	vld [tilespmem:s11+$0xFFFFFFC0];
	v7 =	vmul.f32 v7, v2;
	[tilespmem:s11+$0xFFFFFF50] =	vst v6  }
0x100: {  	v6 =	vmul.f32 v8, v4;
	v8 =	vld [tilespmem:s11+$0xFFFFFFD0];
	[tilespmem:s11+$0xFFFFFF60] =	vst v5  }
0x101: {  	s13 =	simm.s32 $0x3;
	v5 =	vld [tilespmem:s11+$0xFFFFFFE0];
	v9 =	vmul.f32 v9, v4;
	[tilespmem:s11+$0xFFFFFF70] =	vst v7  }
0x102: {  	v13 =	vmov s13;
	v7 =	vld [tilespmem:s11+$0xFFFFFFF0];
	[tilespmem:s11+$0xFFFFFF80] =	vst v6;
	v6 =	vmul.f32 v10, v4  }
0x103: {  	v10 =	vld [tilespmem:s11+$0x0];
	[tilespmem:s11+$0xFFFFFF90] =	vst v9;
	v9 =	vmul.f32 v11, v4  }
0x104: {  	v11 =	vld [tilespmem:s11+$0x10];
	[tilespmem:s11+$0xFFFFFFA0] =	vst v6;
	v6 =	vmul.f32 v12, v4  }
0x105: {  	[tilespmem:s11+$0xFFFFFFB0] =	vst v9;
	v8 =	vmul.f32 v8, v4;
	v9 =	vld [tilespmem:s11+$0x20]  }
0x106: {  	v12 =	vld [tilespmem:s11+$0x30];
	v5 =	vmul.f32 v5, v4;
	[tilespmem:s11+$0xFFFFFFC0] =	vst v6  }
0x107: {  	v2 =	vld.idx.msk [tilespmem:v13+s29+$0x0], $0xffff;
	v4 =	vmul.f32 v7, v4;
	[tilespmem:s11+$0xFFFFFFD0] =	vst v8  }
0x108: {  	[tilespmem:s11+$0xFFFFFFE0] =	vst v5;
	v6 =	vmul.f32 v10, v3;
	v5 =	vld [tilespmem:s11+$0x50]  }
0x109: {  	s14 =	simm.s32 $0x4;
	[tilespmem:s11+$0xFFFFFFF0] =	vst v4;
	v7 =	vmul.f32 v11, v3;
	v4 =	vld [tilespmem:s11+$0x60]  }
0x10a: {  	s15 =	simm.s32 $0x7;
	v8 =	vmov s14;
	[tilespmem:s11+$0x0] =	vst v6;
	v10 =	vmul.f32 v9, v3;
	v9 =	vld [tilespmem:s11+$0x80]  }
0x10b: {  	s16 =	simm.s32 $0x5;
	v13 =	vand.u32 $0xFFFFFFFC, v8;
	v8 =	vld [tilespmem:s11+$0x90];
	v6 =	vmov s15;
	v11 =	vmul.f32 v12, v3;
	[tilespmem:s11+$0x10] =	vst v7  }
0x10c: {  	s12 =	simm.s32 $0x6900;
	s13 =	simm.s32 $0x8;
	s14 =	simm.s32 $0x6;
	v12 =	vmul.f32 v14, v3;
	v7 =	vbroadcast v13, $0x0;
	v13 =	vmov s16;
	[tilespmem:s11+$0x20] =	vst v10;
	v10 =	vld [tilespmem:s11+$0xA0]  }
.LBB2_7:
0x10d: {  	p1 =	slt.u32 s13, $0x78;
	v13 =	vand.u32 $0xFFFFFFFD, v13;
	v14 =	vmov s14;
	[tilespmem:s11+$0x30] =	vst v11;
	v5 =	vmul.f32 v5, v3;
	v11 =	vld [tilespmem:s11+$0xB0]  }
0x10e: {  	v13 =	vbroadcast v13, $0x0;
	v14 =	vand.u32 $0xFFFFFFFE, v14;
	[tilespmem:s11+$0x40] =	vst v12;
	v3 =	vmul.f32 v4, v3;
	v4 =	vld [tilespmem:s11+$0xC0]  }
0x10f: {  	v12 =	vbroadcast v14, $0x0;
	[tilespmem:s11+$0x50] =	vst v5;
	v5 =	vmul.f32 v9, v2;
	v9 =	vld [tilespmem:s11+$0xD0]  }
0x110: {  	[tilespmem:s11+$0x60] =	vst v3;
	v3 =	vmul.f32 v8, v2;
	v8 =	vld [tilespmem:s11+$0xE0]  }
0x111: {  	[tilespmem:s11+$0x80] =	vst v5;
	v5 =	vmul.f32 v10, v2;
	v10 =	vld [tilespmem:s11+$0xF0]  }
0x112: {  	v6 =	vld.idx.msk [tilespmem:v6+s29+$0x0], $0xffff;
	[tilespmem:s11+$0x90] =	vst v3;
	v3 =	vmul.f32 v11, v2  }
0x113: {  	v7 =	vld.idx.msk [tilespmem:v7+s29+$0x0], $0xffff;
	[tilespmem:s11+$0xA0] =	vst v5;
	v4 =	vmul.f32 v4, v2  }
0x114: {  	v5 =	vld.idx.msk [tilespmem:v13+s29+$0x0], $0xffff;
	[tilespmem:s11+$0xB0] =	vst v3;
	v9 =	vmul.f32 v9, v2  }
0x115: {  	s11 =	sadd.s32 $0x200, s11;
	v3 =	vld.idx.msk [tilespmem:v12+s29+$0x0], $0xffff;
	[tilespmem:s12+$0xC0] =	vst v4;
	v4 =	vmul.f32 v8, v2  }
0x116: {  	v8 =	vld [tilespmem:s11+$0x70];
	[tilespmem:s12+$0xD0] =	vst v9;
	v10 =	vmul.f32 v10, v2  }
0x117: {  	v9 =	vld [tilespmem:s11+$0xFFFFFF00];
	[tilespmem:s12+$0xE0] =	vst v4  }
0x118: {  	v2 =	vmov v6;
	v4 =	vld [tilespmem:s11+$0xFFFFFF10];
	[tilespmem:s12+$0xF0] =	vst v10;
	s12 =	smov.u32 s11  }
0x119: {  	v6 =	vld [tilespmem:s11+$0xFFFFFF20]  }
0x11a: {  	v10 =	vld [tilespmem:s11+$0xFFFFFF30]  }
0x11b: {  	v11 =	vld [tilespmem:s11+$0xFFFFFF40];
	v8 =	vmul.f32 v8, v3  }
0x11c: {  	v9 =	vmul.f32 v9, v7;
	v12 =	vld [tilespmem:s11+$0xFFFFFF50]  }
0x11d: {  	v4 =	vmul.f32 v4, v7;
	v13 =	vld [tilespmem:s11+$0xFFFFFF60];
	[tilespmem:s11+$0x70] =	vst v8  }
0x11e: {  	[tilespmem:s11+$0xFFFFFF00] =	vst v9;
	v6 =	vmul.f32 v6, v7;
	v8 =	vld [tilespmem:s11+$0xFFFFFF70]  }
0x11f: {  	[tilespmem:s11+$0xFFFFFF10] =	vst v4;
	v4 =	vmul.f32 v10, v7;
	v9 =	vld [tilespmem:s11+$0xFFFFFF80]  }
0x120: {  	[tilespmem:s11+$0xFFFFFF20] =	vst v6;
	v6 =	vmul.f32 v11, v7;
	v10 =	vld [tilespmem:s11+$0xFFFFFF90]  }
0x121: {  	[tilespmem:s11+$0xFFFFFF30] =	vst v4;
	v4 =	vmul.f32 v12, v7;
	v11 =	vld [tilespmem:s11+$0xFFFFFFA0]  }
0x122: {  	[tilespmem:s11+$0xFFFFFF40] =	vst v6;
	v6 =	vmul.f32 v13, v7;
	v12 =	vld [tilespmem:s11+$0xFFFFFFB0]  }
0x123: {  	[tilespmem:s11+$0xFFFFFF50] =	vst v4;
	v4 =	vmul.f32 v8, v7;
	v7 =	vld [tilespmem:s11+$0xFFFFFFC0]  }
0x124: {  	[tilespmem:s11+$0xFFFFFF60] =	vst v6;
	v6 =	vmul.f32 v9, v5;
	v8 =	vld [tilespmem:s11+$0xFFFFFFD0]  }
0x125: {  	[tilespmem:s11+$0xFFFFFF70] =	vst v4;
	v4 =	vmul.f32 v10, v5;
	v9 =	vld [tilespmem:s11+$0xFFFFFFE0]  }
0x126: {  	[tilespmem:s11+$0xFFFFFF80] =	vst v6;
	v6 =	vmul.f32 v11, v5;
	v10 =	vld [tilespmem:s11+$0xFFFFFFF0]  }
0x127: {  	[tilespmem:s11+$0xFFFFFF90] =	vst v4;
	v4 =	vmul.f32 v12, v5;
	v11 =	vld [tilespmem:s11+$0x0]  }
0x128: {  	[tilespmem:s11+$0xFFFFFFA0] =	vst v6;
	v6 =	vmul.f32 v7, v5;
	v7 =	vld [tilespmem:s11+$0x10]  }
0x129: {  	[tilespmem:s11+$0xFFFFFFB0] =	vst v4;
	v4 =	vmul.f32 v8, v5;
	v8 =	vld [tilespmem:s11+$0x20]  }
0x12a: {  	[tilespmem:s11+$0xFFFFFFC0] =	vst v6;
	v6 =	vmul.f32 v9, v5;
	v12 =	vld [tilespmem:s11+$0x30]  }
0x12b: {  	[tilespmem:s11+$0xFFFFFFD0] =	vst v4;
	v4 =	vmul.f32 v10, v5;
	v10 =	vld [tilespmem:s11+$0x40]  }
.Ltmp2:
0x12c: {  	[tilespmem:s11+$0xFFFFFFE0] =	vst v6;
	v6 =	vmul.f32 v11, v3;
	v5 =	vld [tilespmem:s11+$0x50];
	(pc) =	sbr.rel @p1 .LBB2_7-.Ltmp2, $4  }
0x12d: {  	[tilespmem:s11+$0xFFFFFFF0] =	vst v4;
	v7 =	vmul.f32 v7, v3;
	v4 =	vld [tilespmem:s11+$0x60]  }
0x12e: {  	s14 =	sadd.s32 $0x3, s13;
	v11 =	vmov s13;
	[tilespmem:s11+$0x0] =	vst v6;
	v14 =	vmul.f32 v8, v3;
	v9 =	vld [tilespmem:s11+$0x80]  }
0x12f: {  	s15 =	sadd.s32 $0x1, s13;
	v13 =	vand.u32 $0xFFFFFFFC, v11;
	v6 =	vmov s14;
	[tilespmem:s11+$0x10] =	vst v7;
	v11 =	vmul.f32 v12, v3;
	v8 =	vld [tilespmem:s11+$0x90]  }
0x130: {  	s14 =	sadd.s32 $0x2, s13;
	s13 =	sadd.s32 $0x4, s13;
	v7 =	vbroadcast v13, $0x0;
	v13 =	vmov s15;
	[tilespmem:s11+$0x20] =	vst v14;
	v12 =	vmul.f32 v10, v3;
	v10 =	vld [tilespmem:s11+$0xA0]  }
0x131: {  	v14 =	vld [tilespmem:s11+$0xB0]  }
0x132: {  	v16 =	vld [tilespmem:s11+$0xC0]  }
0x133: {  	v17 =	vld [tilespmem:s11+$0xD0]  }
0x134: {  	v18 =	vld [tilespmem:s11+$0xE0]  }
0x135: {  	v60 =	vld [tilespmem:s11+$0xF0];
	[tilespmem:s11+$0x30] =	vst v11;
	v5 =	vmul.f32 v5, v3  }
0x136: {  	v6 =	vld.idx.msk [tilespmem:v6+s29+$0x0], $0xffff;
	[tilespmem:s11+$0x40] =	vst v12;
	v3 =	vmul.f32 v4, v3  }
0x137: {  	s13 =	sadd.s32 $0x200, s11;
	v61 =	vld.idx.msk [tilespmem:v7+s29+$0x0], $0xffff;
	v9 =	vmul.f32 v9, v2;
	[tilespmem:s11+$0x50] =	vst v5  }
0x138: {  	v21 =	vld [tilespmem:s13+$0x70];
	v62 =	vmul.f32 v8, v2;
	[tilespmem:s11+$0x60] =	vst v3  }
0x139: {  	v22 =	vld [tilespmem:s13+$0xFFFFFF00];
	[tilespmem:s11+$0x80] =	vst v9;
	v3 =	vmul.f32 v10, v2  }
0x13a: {  	v15 =	vmov s14;
	v24 =	vld [tilespmem:s13+$0xFFFFFF10];
	[tilespmem:s11+$0x90] =	vst v62;
	v20 =	vmul.f32 v14, v2  }
0x13b: {  	v15 =	vand.u32 $0xFFFFFFFE, v15;
	v25 =	vld [tilespmem:s13+$0xFFFFFF20];
	[tilespmem:s11+$0xA0] =	vst v3;
	v3 =	vmul.f32 v16, v2  }
0x13c: {  	v13 =	vand.u32 $0xFFFFFFFD, v13;
	v26 =	vld [tilespmem:s13+$0xFFFFFF30];
	v15 =	vbroadcast v15, $0x0;
	v23 =	vmul.f32 v17, v2;
	[tilespmem:s11+$0xB0] =	vst v20  }
0x13d: {  	v13 =	vbroadcast v13, $0x0;
	v28 =	vld [tilespmem:s13+$0xFFFFFF50];
	[tilespmem:s12+$0xC0] =	vst v3;
	v3 =	vmul.f32 v18, v2  }
0x13e: {  	v30 =	vld [tilespmem:s13+$0xFFFFFF60];
	[tilespmem:s12+$0xD0] =	vst v23;
	v2 =	vmul.f32 v60, v2  }
0x13f: {  	v29 =	vmul.f32 v24, v61;
	[tilespmem:s12+$0xE0] =	vst v3;
	v3 =	vld [tilespmem:s13+$0xFFFFFF40]  }
0x140: {  	v31 =	vld [tilespmem:s13+$0xFFFFFF70];
	[tilespmem:s12+$0xF0] =	vst v2;
	v2 =	vmul.f32 v22, v61  }
0x141: {  	v32 =	vld [tilespmem:s13+$0xFFFFFF80];
	v5 =	vmul.f32 v26, v61;
	[tilespmem:s13+$0xFFFFFF10] =	vst v29  }
0x142: {  	v19 =	vld.idx.msk [tilespmem:v15+s29+$0x0], $0xffff;
	[tilespmem:s13+$0xFFFFFF00] =	vst v2;
	v2 =	vmul.f32 v25, v61  }
0x143: {  	v33 =	vmul.f32 v28, v61;
	v63 =	vld.idx.msk [tilespmem:v13+s29+$0x0], $0xffff;
	[tilespmem:s13+$0xFFFFFF30] =	vst v5  }
0x144: {  	[tilespmem:s13+$0xFFFFFF20] =	vst v2;
	v2 =	vmul.f32 v3, v61;
	v3 =	vld [tilespmem:s13+$0xFFFFFF90]  }
0x145: {  	v34 =	vld [tilespmem:s13+$0xFFFFFFA0];
	v4 =	vmul.f32 v31, v61;
	[tilespmem:s13+$0xFFFFFF50] =	vst v33  }
0x146: {  	v35 =	vld [tilespmem:s13+$0xFFFFFFB0];
	[tilespmem:s13+$0xFFFFFF40] =	vst v2;
	v2 =	vmul.f32 v30, v61  }
0x147: {  	v36 =	vld [tilespmem:s13+$0xFFFFFFC0];
	[tilespmem:s13+$0xFFFFFF70] =	vst v4;
	v27 =	vmul.f32 v21, v19  }
0x148: {  	v37 =	vld [tilespmem:s13+$0xFFFFFFD0];
	[tilespmem:s13+$0xFFFFFF60] =	vst v2;
	v2 =	vmul.f32 v32, v63  }
0x149: {  	v38 =	vld [tilespmem:s13+$0xFFFFFFE0];
	[tilespmem:s13+$0x70] =	vst v27;
	v3 =	vmul.f32 v3, v63  }
0x14a: {  	v39 =	vld [tilespmem:s13+$0xFFFFFFF0];
	[tilespmem:s13+$0xFFFFFF80] =	vst v2;
	v2 =	vmul.f32 v34, v63  }
0x14b: {  	v40 =	vld [tilespmem:s13+$0x0];
	[tilespmem:s13+$0xFFFFFF90] =	vst v3;
	v3 =	vmul.f32 v35, v63  }
0x14c: {  	v41 =	vld [tilespmem:s13+$0x10];
	[tilespmem:s13+$0xFFFFFFA0] =	vst v2;
	v2 =	vmul.f32 v36, v63  }
0x14d: {  	v42 =	vld [tilespmem:s13+$0x20];
	[tilespmem:s13+$0xFFFFFFB0] =	vst v3;
	v3 =	vmul.f32 v37, v63  }
0x14e: {  	v43 =	vld [tilespmem:s13+$0x30];
	[tilespmem:s13+$0xFFFFFFC0] =	vst v2;
	v2 =	vmul.f32 v38, v63  }
0x14f: {  	v44 =	vld [tilespmem:s13+$0x40];
	[tilespmem:s13+$0xFFFFFFD0] =	vst v3;
	v3 =	vmul.f32 v39, v63  }
0x150: {  	v45 =	vld [tilespmem:s13+$0x50];
	[tilespmem:s13+$0xFFFFFFE0] =	vst v2;
	v2 =	vmul.f32 v40, v19  }
0x151: {  	v46 =	vld [tilespmem:s13+$0x60];
	[tilespmem:s13+$0xFFFFFFF0] =	vst v3;
	v3 =	vmul.f32 v41, v19  }
0x152: {  	v47 =	vld [tilespmem:s13+$0x80];
	[tilespmem:s13+$0x0] =	vst v2;
	v2 =	vmul.f32 v42, v19  }
0x153: {  	v48 =	vld [tilespmem:s13+$0x90];
	[tilespmem:s13+$0x10] =	vst v3;
	v3 =	vmul.f32 v43, v19  }
0x154: {  	v49 =	vld [tilespmem:s13+$0xA0];
	[tilespmem:s13+$0x20] =	vst v2;
	v2 =	vmul.f32 v44, v19  }
0x155: {  	v50 =	vld [tilespmem:s13+$0xB0];
	[tilespmem:s13+$0x30] =	vst v3;
	v3 =	vmul.f32 v45, v19  }
0x156: {  	v51 =	vld [tilespmem:s13+$0xC0];
	[tilespmem:s13+$0x40] =	vst v2;
	v2 =	vmul.f32 v46, v19  }
0x157: {  	v52 =	vld [tilespmem:s13+$0xD0];
	[tilespmem:s13+$0x50] =	vst v3;
	v3 =	vmul.f32 v47, v6  }
0x158: {  	v53 =	vld [tilespmem:s13+$0xE0];
	[tilespmem:s13+$0x60] =	vst v2;
	v2 =	vmul.f32 v48, v6  }
0x159: {  	v54 =	vld [tilespmem:s13+$0xF0];
	[tilespmem:s13+$0x80] =	vst v3;
	v3 =	vmul.f32 v49, v6  }
0x15a: {  	[tilespmem:s13+$0x90] =	vst v2;
	v2 =	vmul.f32 v50, v6  }
0x15b: {  	[tilespmem:s13+$0xA0] =	vst v3;
	v3 =	vmul.f32 v51, v6  }
0x15c: {  	[tilespmem:s13+$0xB0] =	vst v2;
	v2 =	vmul.f32 v52, v6  }
0x15d: {  	[tilespmem:s13+$0xC0] =	vst v3;
	v3 =	vmul.f32 v53, v6  }
0x15e: {  	[tilespmem:s13+$0xD0] =	vst v2;
	v2 =	vmul.f32 v54, v6  }
0x15f: {  	[tilespmem:s13+$0xE0] =	vst v3  }
0x160: {  	[tilespmem:s13+$0xF0] =	vst v2  }
0x161: {  	v2 =	vld.idx.msk [tilespmem:v1+s29+$0x0], $0xffff  }
0x162: {  	v3 =	vld [tilespmem:$0xA600]  }
0x163: {  	v55 =	vld [tilespmem:$0xA610]  }
0x164: {  	v56 =	vld [tilespmem:$0xA620]  }
0x165: {  	v57 =	vld [tilespmem:$0xA630]  }
0x166: {  	v58 =	vld [tilespmem:$0xA640]  }
0x167: {  	v59 =	vld [tilespmem:$0xA650];
	v3 =	vmul.f32 v3, v2  }
0x168: {  	v60 =	vld [tilespmem:$0xA660];
	v4 =	vmul.f32 v55, v2  }
0x169: {  	v61 =	vld [tilespmem:$0xA670];
	[tilespmem:$0xA600] =	vst v3;
	v3 =	vmul.f32 v56, v2  }
0x16a: {  	v62 =	vmul.f32 v57, v2;
	[tilespmem:$0xA610] =	vst v4  }
0x16b: {  	[tilespmem:$0xA620] =	vst v3;
	v3 =	vmul.f32 v58, v2  }
0x16c: {  	v63 =	vmul.f32 v59, v2;
	[tilespmem:$0xA630] =	vst v62  }
0x16d: {  	[tilespmem:$0xA640] =	vst v3;
	v3 =	vmul.f32 v60, v2  }
0x16e: {  	s10 =	sadd.s32 $0x1, s10;
	[tilespmem:$0xA650] =	vst v63;
	v2 =	vmul.f32 v61, v2  }
0x16f: {  	p1 =	sne.s32 s10, $0x28;
	[tilespmem:$0xA660] =	vst v3  }
.Ltmp3:
0x170: {  	[tilespmem:$0xA670] =	vst v2;
	(pc) =	sbr.rel @p1 .LBB2_4-.Ltmp3, $4  }
0x171: {  	[spmem:s3] =	stream.indirect.scatter.add.f32 [tilespmem:s30], [sflag:$0x5], $0x80, s28, s23, $0xb8;
	[tilespmem:$0x1E280] =	vst v63  }
0x172: {  	_ =	swait.ge [sflag:s19], $0x3E80  }
0x173: {  	[sflag:s19] =	ssyncset.done $0x0  }
0x174: {  	[sflag:s19] =	ssyncadd.s32 $0xFFFFC180  }
0x175: {  	[bflag:$0x0] =	sbarrier.arrive $0xFFFF;
	s9 =	simm.s32 @p0 $0x1FC5  }
0x176: {  	[hbm:s17], [sflag:s9] =	dma.local @p0 [spmem:s24], $0x2800  }
0x177: {  	s9 =	simm.s32 @p0 $0x5  }
0x178: {  	s10 =	stileid.u32;
	s0 =	sadd.s32 $0x1, s0;
	_ =	swait.ge @p0 [sflag:s9], $0x2800  }
0x179: {  	s10 =	sshll.u32 @!p0 s10, $0x6;
	p1 =	sne.s32 s0, s18;
	[sflag:s9] =	ssyncset.done @p0 $0x0  }
0x17a: {  	[sflag:s9] =	ssyncadd.s32 @p0 $0xFFFFD800;
	s9 =	sor.u32 @!p0 $0x1C05, s10;
	s10 =	rddreg [dreg:$0xb]  }
0x17b: {  	[hbm:s10], [sflag:s9] =	dma.local @!p0 [spmem:s25], $0x2700  }
.Ltmp4:
0x17c: {  	_ = 	snop;
	(pc) =	sbr.rel @p1 .LBB2_1-.Ltmp4, $4  }
0x17d: {  	s9 =	simm.s32 @!p0 $0x5  }
0x17e: {  	_ =	swait.ge @!p0 [sflag:s9], $0x2700  }
0x17f: {  	[sflag:s9] =	ssyncset.done @!p0 $0x0  }
0x180: {  	[sflag:s9] =	ssyncadd.s32 @!p0 $0xFFFFD900  }
0x181: {  	_ =	sfence.sel $0x180000  }
0x182: {  	[bflag:$0x0] =	sbarrier.arrive $0xFFFF  }
0x183: {  	_ =	strace $0x9000004D  }
0x184: {  	s0 =	stileid.u32;
	[bflag:$0x2] =	sbarrier.arrive $0xFFFF  }
0x185: {  	p0 =	sne.s32 s0, $0x0;
	s0 =	rddreg [dreg:$0x3]  }
0x186: {  	s0 =	sadd.s32 @!p0 $0x100000, s0  }
0x187: {  	[sflag:s0] =	ssyncadd.tile.s32 @!p0 $0x1;
	_ =	shalt  }
.Lfunc_end2:
_tile_overlayer_lowered:
.L_overlay_start_2:
0x188: {  	(tag) =	ssettag $0x2  }
0x189: {  	s0 =	rddreg [dreg:$0x0];
	s2 =	stileid.u32  }
0x18a: {  	s1 =	rddreg [dreg:$0x1];
	p0 =	sne.s32 s2, $0x0  }
0x18b: {  	s3 =	rddreg [dreg:$0x2];
	[bflag:$0x3] =	sbarrier.arrive $0xFFFF;
	s2 =	simm.s32 @!p0 $0x1C05  }
0x18c: {  	[timem:s3], [sflag:s2] =	dma.local @!p0 [hbm:s0], s1  }
0x18d: {  	s0 =	simm.s32 @!p0 $0x5  }
0x18e: {  	_ =	swait.ge @!p0 [sflag:s0], s1  }
0x18f: {  	s1 =	ssub.s32 @!p0 $0x0, s1;
	[sflag:s0] =	ssyncset.done @!p0 $0x0  }
0x190: {  	[sflag:s0] =	ssyncadd.s32 @!p0 s1  }
0x191: {  	[bflag:$0x3] =	sbarrier.arrive $0xFFFF  }
0x192: {  	_ =	shalt  }

// kernel: kernel.18.cloned.1.call-start
scs
__scs_entry_jumppad:
0x0: {  	(pc) =	sbr.rel $0x88, $3  }
0x1: {  	(tag) =	ssettag $0x0;
	lr =	simm.s32 $0x1  }
0x2: {  	[smem:$0x3F9E] =	sst lr;
	_ =	strace $0xD0000000  }
0x3: {  	_ = 	snop  }
0x4: {  	_ = 	snop  }
0x5: {  	_ = 	snop  }
0x6: {  	_ = 	snop  }
0x7: {  	_ = 	snop  }
__scs_overlays_trampoline_lowered:
0x8: {  	[smem:$0x3FAD] =	sst s0  }
0x9: {  	[smem:$0x3FAE] =	sst s1  }
0xa: {  	[smem:$0x3FAF] =	sst s2  }
0xb: {  	[smem:$0x3FB0] =	sst s3  }
0xc: {  	[smem:$0x3FB1] =	sst s4  }
0xd: {  	[smem:$0x3FB2] =	sst s5  }
0xe: {  	[smem:$0x3FB3] =	sst s6  }
0xf: {  	[smem:$0x3FB4] =	sst s7  }
0x10: {  	[smem:$0x3FB5] =	sst s8  }
0x11: {  	[smem:$0x3FB6] =	sst s9;
	s0 =	simm.s32 @!p0 $0x0  }
0x12: {  	s1 =	sld [smem:$0x3F9C];
	s0 =	simm.s32 @p0 $0x1  }
0x13: {  	[smem:$0x3FB7] =	sst s0;
	s0 =	simm.s32 @!p1 $0x0  }
0x14: {  	s2 =	sld [smem:$0x3F9B];
	s0 =	simm.s32 @p1 $0x1  }
0x15: {  	[smem:$0x3FB8] =	sst s0;
	s0 =	simm.s32 @!p2 $0x0  }
0x16: {  	s3 =	sld [smem:$0x3FDB];
	s0 =	simm.s32 @p2 $0x1  }
0x17: {  	s4 =	simm.s32 $0x1BF5;
	[smem:$0x3FBA] =	sst s0  }
0x18: {  	s0 =	sld [smem:$0x3F9D];
	_ =	swait.ge [sflag:s4], $0x0  }
0x19: {  	s7 =	sld [smem:$0x3F9E]  }
0x1a: {  	s8 =	sadd.s32 $0xFFFFE003, lr  }
0x1b: {  	s9 =	sadd.s32 $0xFFFFFEF7, lr;
	s5 =	simm.s32 $0xFFFFFFFF;
	p2 =	slt.u32 s8, $0xFFFFF086  }
0x1c: {  	p1 =	slt.u32 s9, $0xF7A;
	s5 =	simm.s32 @!p2 $0x0  }
0x1d: {  	s5 =	simm.s32 @p1 $0x1;
	p0 =	seq.s32 s7, s2  }
0x1e: {  	s7 =	smul.u32 @!p0 $0xF7A, s2;
	p2 =	seq.s32 @!p0 s5, $0x0  }
0x1f: {  	s9 =	smul.u32 $0xF7A, s1;
	s8 =	simm.s32 @!p0 $0x1BF5;
	p2 =	por !p2, p0  }
0x20: {  	[sflag:s8] =	ssyncset.s32 @!p0 $0xFFFFF086;
	s6 =	sadd.s32 @!p0 s3, s7;
	s7 =	simm.s32 @!p0 $0x108  }
0x21: {  	s3 =	sadd.s32 s3, s9;
	s6 =	sadd.s32 @!p0 $0x88, s6;
	s7 =	simm.s32 @p2 $0x1082  }
0x22: {  	[simem:s7], [sflag:s8] =	dma.local @!p0 [hbm:s6], $0xF7A  }
0x23: {  	s9 =	sor.u32 $0xD0000000, s2;
	s6 =	simm.s32 $0x108;
	_ =	swait.ge @!p0 [sflag:s8], $0x0  }
0x24: {  	s3 =	sadd.s32 $0x88, s3;
	s6 =	simm.s32 @!p1 $0x1082;
	[sflag:s4] =	ssyncset.s32 $0xFFFFF086  }
0x25: {  	[simem:s6], [sflag:s4] =	dma.local [hbm:s3], $0xF7A  }
0x26: {  	[smem:$0x3F9E] =	sst s1;
	(tag) =	ssettag s2;
	_ =	strace s9  }
0x27: {  	s1 =	sld [smem:$0x3FAE]  }
0x28: {  	s2 =	sld [smem:$0x3FAF]  }
0x29: {  	s4 =	sld [smem:$0x3FB1]  }
0x2a: {  	p0 =	seq.s32 s5, $0x0;
	s5 =	sld [smem:$0x3FB2]  }
0x2b: {  	s6 =	sld [smem:$0x3FB3]  }
0x2c: {  	s7 =	sld [smem:$0x3FB4]  }
0x2d: {  	s3 =	simm.s32 $0x108;
	s8 =	sld [smem:$0x3FB5]  }
0x2e: {  	s3 =	simm.s32 @!p0 $0x1082;
	s9 =	sld [smem:$0x3FB6]  }
0x2f: {  	lr =	sadd.s32 s0, s3;
	s0 =	sld [smem:$0x3FAD]  }
0x30: {  	s3 =	sld [smem:$0x3FB0]  }
0x31: {  	[smem:$0x3FB9] =	sst s10  }
0x32: {  	s10 =	sld [smem:$0x3FB7];
	_ =	sdelay $0x3  }
0x33: {  	p0 =	seq.s32 s10, $0x1;
	s10 =	sld [smem:$0x3FB9];
	_ =	sdelay $0x3  }
0x34: {  	[smem:$0x3FB9] =	sst s10  }
0x35: {  	s10 =	sld [smem:$0x3FB8];
	_ =	sdelay $0x3  }
0x36: {  	p1 =	seq.s32 s10, $0x1;
	s10 =	sld [smem:$0x3FB9];
	_ =	sdelay $0x3  }
0x37: {  	[smem:$0x3FB9] =	sst s10  }
0x38: {  	s10 =	sld [smem:$0x3FBA]  }
0x39: {  	_ = 	snop;
	(pc) =	sbr.ind lr, $3  }
0x3a: {  	_ = 	snop  }
0x3b: {  	_ = 	snop  }
0x3c: {  	p2 =	seq.s32 s10, $0x1;
	s10 =	sld [smem:$0x3FB9]  }
0x3d: {  	_ =	shalt  }
0x3e: {  	_ =	shalt  }
0x3f: {  	_ =	shalt  }
0x40: {  	_ =	shalt  }
0x41: {  	_ =	shalt  }
0x42: {  	_ =	shalt  }
0x43: {  	_ =	shalt  }
0x44: {  	_ =	shalt  }
0x45: {  	_ =	shalt  }
0x46: {  	_ =	shalt  }
0x47: {  	_ =	shalt  }
0x48: {  	_ =	shalt  }
0x49: {  	_ =	shalt  }
0x4a: {  	_ =	shalt  }
0x4b: {  	_ =	shalt  }
0x4c: {  	_ =	shalt  }
0x4d: {  	_ =	shalt  }
0x4e: {  	_ =	shalt  }
0x4f: {  	_ =	shalt  }
0x50: {  	_ =	shalt  }
0x51: {  	_ =	shalt  }
0x52: {  	_ =	shalt  }
0x53: {  	_ =	shalt  }
0x54: {  	_ =	shalt  }
0x55: {  	_ =	shalt  }
0x56: {  	_ =	shalt  }
0x57: {  	_ =	shalt  }
0x58: {  	_ =	shalt  }
0x59: {  	_ =	shalt  }
0x5a: {  	_ =	shalt  }
0x5b: {  	_ =	shalt  }
0x5c: {  	_ =	shalt  }
0x5d: {  	_ =	shalt  }
0x5e: {  	_ =	shalt  }
0x5f: {  	_ =	shalt  }
0x60: {  	_ =	shalt  }
0x61: {  	_ =	shalt  }
0x62: {  	_ =	shalt  }
0x63: {  	_ =	shalt  }
0x64: {  	_ =	shalt  }
0x65: {  	_ =	shalt  }
0x66: {  	_ =	shalt  }
0x67: {  	_ =	shalt  }
0x68: {  	_ =	shalt  }
0x69: {  	_ =	shalt  }
0x6a: {  	_ =	shalt  }
0x6b: {  	_ =	shalt  }
0x6c: {  	_ =	shalt  }
0x6d: {  	_ =	shalt  }
0x6e: {  	_ =	shalt  }
0x6f: {  	_ =	shalt  }
0x70: {  	_ =	shalt  }
0x71: {  	_ =	shalt  }
0x72: {  	_ =	shalt  }
0x73: {  	_ =	shalt  }
0x74: {  	_ =	shalt  }
0x75: {  	_ =	shalt  }
0x76: {  	_ =	shalt  }
0x77: {  	_ =	shalt  }
0x78: {  	_ =	shalt  }
0x79: {  	_ =	shalt  }
0x7a: {  	_ =	shalt  }
0x7b: {  	_ =	shalt  }
0x7c: {  	_ =	shalt  }
0x7d: {  	_ =	shalt  }
0x7e: {  	_ =	shalt  }
0x7f: {  	_ =	shalt  }
0x80: {  	_ =	shalt  }
0x81: {  	_ =	shalt  }
0x82: {  	_ =	shalt  }
0x83: {  	_ =	shalt  }
0x84: {  	_ =	shalt  }
0x85: {  	_ =	shalt  }
0x86: {  	_ =	shalt  }
0x87: {  	_ =	shalt  }
.Lfunc_end0:
.L_simem_size_0:
called_computation.3_lowered:
.L_overlay_start_0:
0x88: {  	s2 =	sld [smem:$0x3FD9]  }
0x89: {  	s3 =	sld [smem:$0x3FFE];
	_ =	sdelay $0x1  }
0x8a: {  	s1 =	srdreg.scid  }
0x8b: {  	s0 =	sand.u32 $0x1, s1  }
0x8c: {  	s17 =	sshll.u32 s0, $0xA;
	s2 =	sadd.s32 s3, s2  }
0x8d: {  	s2 =	sadd.s32 s2, s17  }
0x8e: {  	[smem:$0x3FC5] =	sst s2  }
0x8f: {  	_ = 	snop  }
0x90: {  	s2 =	sld [smem:$0x3FD0];
	(tm) =	ssettm $0x1  }
0x91: {  	s18 =	sld [smem:$0x3FFB];
	_ =	sdelay $0x3  }
0x92: {  	_ =	strace s18  }
0x93: {  	s3 =	sld [smem:$0x3FFC];
	_ =	sdelay $0x3  }
0x94: {  	_ =	strace s3  }
0x95: {  	s3 =	sld [smem:$0x3FFD];
	_ =	sdelay $0x3  }
0x96: {  	_ =	strace s3  }
0x97: {  	_ =	strace $0x8FFFFFFF  }
0x98: {  	s19 =	sld [smem:$0x3FDB];
	_ =	sdelay $0x1  }
0x99: {  	s4 =	simm.s32 $_scs_section_size  }
0x9a: {  	s5 =	simm.s32 $_size__tile_overlayer_lowered;
	s6 =	simm.s32 $_tile_overlayer_lowered  }
0x9b: {  	s22 =	simm.s32 $0x1BFF;
	s21 =	sshll.u32 s6, $0x1;
	s3 =	sadd.s32 s4, s19  }
0x9c: {  	s7 =	simm.s32 $0x0;
	s20 =	sshll.u32 s5, $0x1;
	s5 =	sadd.s32 s21, s3  }
0x9d: {  	[timem:s7], [sflag:s22] =	dma.local [hbm:s5], s20  }
0x9e: {  	_ =	swait.ge [sflag:s22], s20  }
0x9f: {  	s4 =	ssub.s32 $0x0, s20;
	[sflag:s22] =	ssyncset.done $0x0  }
0xa0: {  	[sflag:s22] =	ssyncadd.s32 s4;
	_ =	sdelay $0x1  }
0xa1: {  	s23 =	simm.s32 $0x1B8B  }
0xa2: {  	_ =	swait.ge [sflag:s23], $0x1  }
0xa3: {  	[sflag:s23] =	ssyncset.done $0x0  }
0xa4: {  	s25 =	simm.s32 $0x1B8E;
	s24 =	sld [smem:$0x3FFE];
	[sflag:s23] =	ssyncadd.s32 $0xFFFFFFFF  }
0xa5: {  	s26 =	simm.s32 $execute0_lowered;
	[smem:$0x3FD2] =	sst s25  }
0xa6: {  	s5 =	sshll.u32 s26, $0x1;
	_ =	strace $0x8000004F;
	[dreg:$0x1] =	wrdreg $0xFFFFFFFF  }
0xa7: {  	s28 =	simm.s32 $_size_execute0_lowered;
	s3 =	sadd.s32 s3, s5;
	[dreg:$0x0] =	wrdreg $0x0  }
0xa8: {  	s5 =	sshll.u32 s28, $0x1;
	[dreg:$0x2] =	wrdreg s3  }
0xa9: {  	[dreg:$0x3] =	wrdreg s5  }
0xaa: {  	[dreg:$0x4] =	wrdreg $0xC0  }
0xab: {  	_ =	task [dreg:s7], $0x5FFFF  }
0xac: {  	[dreg:$0x1] =	wrdreg $0xFFFFFFFF  }
0xad: {  	[dreg:$0x0] =	wrdreg $0x60  }
0xae: {  	[dreg:$0x2] =	wrdreg s2  }
0xaf: {  	[dreg:$0x3] =	wrdreg s24  }
0xb0: {  	[dreg:$0x4] =	wrdreg $0xAA000  }
0xb1: {  	[dreg:$0x5] =	wrdreg $0x9  }
0xb2: {  	_ =	task.clear_ibuf [dreg:s7], $0x6FFFF;
	_ =	strace $0x9000004F  }
0xb3: {  	s29 =	simm.s32 $0x9;
	_ =	strace $0x80000051  }
0xb4: {  	_ =	swait.ge [sflag:s29], $0x1  }
0xb5: {  	[sflag:s29] =	ssyncadd.s32 $0xFFFFFFFF  }
0xb6: {  	_ =	strace $0x90000051  }
0xb7: {  	_ =	sfence  }
0xb8: {  	s30 =	sld [smem:$0x0];
	_ =	sdelay $0x2  }
0xb9: {  	s31 =	sshll.u32 s1, $0xD;
	s1 =	sshrl.u32 s1, $0x2  }
0xba: {  	s3 =	sand.u32 $0x4000, s31;
	s1 =	sadd.s32 s1, s30  }
0xbb: {  	s0 =	sor.u32 s3, s0;
	s1 =	sshll.u32 s1, $0x11  }
0xbc: {  	s0 =	sor.u32 s1, s0  }
0xbd: {  	s0 =	sadd.s32 $0x8F2B, s0  }
0xbe: {  	[sflag:s0] =	ssyncadd.remote.s32 $0x1  }
0xbf: {  	_ =	sfence.sel $0xFFFF  }
0xc0: {  	[dreg:$0x0] =	wrdreg $0xFFFFFFFF;
	(pc) =	sbr.abs _section_cstart, $3  }
0xc1: {  	[dreg:$0x1] =	wrdreg $0xFFFFFFFF  }
0xc2: {  	_ =	task.clear_ibuf [dreg:s7], $0x2FFFF;
	_ =	strace $0x9FFFFFFF  }
0xc3: {  	(tm) =	ssettm $0x7FFFFFFF  }
tec
execute0_lowered:
.L_overlay_start_1:
0x0: {  	(tag) =	ssettag $0x1  }
0x1: {  	s1 =	rddreg [dreg:$0x0];
	s0 =	srdreg.scid  }
0x2: {  	s12 =	stileid.u32;
	s2 =	rddreg [dreg:$0x1]  }
0x3: {  	s3 =	rddreg [dreg:$0x2];
	s6 =	simm.s32 $0x0;
	s28 =	simm.s32 $0xA880  }
0x4: {  	s29 =	simm.s32 $0xA980;
	s30 =	simm.s32 $0x6800;
	s31 =	simm.s32 $0x3  }
0x5: {  	s0 =	sand.u32 $0x1, s0;
	s4 =	sshll.u32 s12, $0x1;
	s8 =	smul.u32 $0x4E200, s12  }
0x6: {  	[smem:$0x7FF] =	sst s6;
	s6 =	sadd.s32 $0x1F400, s2;
	s21 =	smul.u32 $0x13800, s12  }
0x7: {  	s7 =	sadd.s32 $0x33400, s2;
	s24 =	smul.u32 $0x4E000, s12;
	p0 =	seq.s32 s12, $0xF  }
0x8: {  	s4 =	sor.u32 s0, s4;
	s10 =	ssub.s32 $0x2, s0;
	s0 =	smul.u32 $0x138800, s0  }
0x9: {  	_ =	strace $0x80000050;
	s5 =	smul.u32 $0x2800, s4;
	s8 =	sshrl.u32 s8, $0x2  }
0xa: {  	s11 =	sshrl.u32 s10, $0x1;
	s26 =	sshrl.u32 s24, $0x2;
	s8 =	sadd.s32 s8, s3  }
0xb: {  	s10 =	ssub.s32 s10, s11;
	s25 =	sadd.s32 s21, s0;
	s18 =	sadd.s32 $0x3E80, s8  }
0xc: {  	s0 =	sshrl.u32 s0, $0x3;
	s19 =	sadd.s32 $0x7D00, s8;
	[dreg:$0x5] =	wrdreg s18  }
0xd: {  	s21 =	simm.s32 $0xA800;
	s20 =	sadd.s32 $0xBB80, s8;
	[dreg:$0x6] =	wrdreg s19  }
0xe: {  	s4 =	sshrl.u32 s5, $0x3;
	s22 =	sadd.s32 $0xFA00, s8;
	[dreg:$0x7] =	wrdreg s20  }
0xf: {  	s9 =	sadd.s32 s4, s2;
	s2 =	sadd.s32 $0x3D400, s2;
	[dreg:$0x8] =	wrdreg s22  }
0x10: {  	s23 =	sadd.s32 s6, s4;
	s4 =	sadd.s32 s7, s4;
	s18 =	smax.u32 s10, $0x1  }
0x11: {  	s19 =	simm.s32 $0x5;
	s20 =	simm.s32 $0x2800;
	[dreg:$0x9] =	wrdreg s23  }
0x12: {  	s22 =	simm.s32 $0xA900;
	s9 =	sadd.s32 $0x29400, s9;
	[dreg:$0xa] =	wrdreg s4  }
0x13: {  	s4 =	sshrl.u32 s25, $0x3;
	s0 =	sadd.s32 s2, s0;
	s23 =	simm.s32 $0x7D  }
0x14: {  	[dreg:$0x4] =	wrdreg s9;
	s2 =	sadd.s32 s2, s4;
	s17 =	sadd.s32 $0x24900, s0  }
0x15: {  	s0 =	sadd.s32 $0x124800, s3;
	s4 =	simm.s32 $0x4;
	[dreg:$0xb] =	wrdreg s2  }
0x16: {  	s2 =	sadd.s32 s26, s3;
	s24 =	sshrl.u32 @p0 s0, $0x3;
	s26 =	simm.s32 $0x1  }
0x17: {  	v0 =	vimm.f32 $0.0e+00;
	v1 =	vimm.s32 $0x7C;
	s0 =	simm.s32 $0x0;
	s25 =	sshrl.u32 @!p0 s2, $0x3;
	s2 =	simm.s32 $0x2  }
.LBB2_1:
0x18: {  	s9 =	simm.s32 $0x0;
	s10 =	rddreg [dreg:$0x4]  }
0x19: {  	[tilespmem:s9], [sflag:$0x5] =	stream.linear.gather [hbm4b:s10+s9], $0x2800, $0x38;
	[tilespmem:$0x1E280] =	vst v63  }
0x1a: {  	_ =	swait.ge [sflag:s19], $0x2800  }
0x1b: {  	[sflag:s19] =	ssyncset.done $0x0  }
0x1c: {  	s9 =	simm.s32 $0x0;
	s10 =	simm.s32 $0x200;
	[sflag:s19] =	ssyncadd.s32 $0xFFFFD800  }
.LBB2_2:
0x1d: {  	p1 =	sne.s32 s10, $0xF800;
	[tilespmem:s9+$0x2870] =	vst v0  }
0x1e: {  	[tilespmem:s9+$0x2800] =	vst v0  }
0x1f: {  	[tilespmem:s9+$0x2810] =	vst v0  }
.Ltmp0:
0x20: {  	[tilespmem:s9+$0x2820] =	vst v0;
	(pc) =	sbr.rel @p1 .LBB2_2-.Ltmp0, $4  }
0x21: {  	[tilespmem:s9+$0x2830] =	vst v0  }
0x22: {  	[tilespmem:s9+$0x2840] =	vst v0  }
0x23: {  	[tilespmem:s9+$0x2850] =	vst v0  }
0x24: {  	[tilespmem:s9+$0x2860] =	vst v0;
	s9 =	sshra.s32 s10, $0x2;
	s10 =	sadd.s32 $0x200, s10  }
0x25: {  	[tilespmem:s9+$0x2870] =	vst v0  }
0x26: {  	[tilespmem:s9+$0x2800] =	vst v0  }
0x27: {  	[tilespmem:s9+$0x2810] =	vst v0  }
0x28: {  	[tilespmem:s9+$0x2820] =	vst v0  }
0x29: {  	[tilespmem:s9+$0x2830] =	vst v0  }
0x2a: {  	[tilespmem:s9+$0x2840] =	vst v0  }
0x2b: {  	[tilespmem:s9+$0x2850] =	vst v0  }
0x2c: {  	[tilespmem:s9+$0x2860] =	vst v0  }
0x2d: {  	[spmem:s8] =	stream.linear.scatter [tilespmem:s20], [sflag:$0x5], $0x3E80, $0x38;
	[tilespmem:$0x1E280] =	vst v63  }
0x2e: {  	_ =	swait.ge [sflag:s19], $0x3E80  }
0x2f: {  	[sflag:s19] =	ssyncset.done $0x0  }
0x30: {  	s12 =	rddreg [dreg:$0x5];
	[sflag:s19] =	ssyncadd.s32 $0xFFFFC180  }
0x31: {  	[spmem:s12] =	stream.linear.scatter [tilespmem:s20], [sflag:$0x5], $0x3E80, $0x38;
	[tilespmem:$0x1E280] =	vst v63  }
0x32: {  	_ =	swait.ge [sflag:s19], $0x3E80  }
0x33: {  	[sflag:s19] =	ssyncset.done $0x0  }
0x34: {  	s13 =	rddreg [dreg:$0x6];
	[sflag:s19] =	ssyncadd.s32 $0xFFFFC180  }
0x35: {  	[spmem:s13] =	stream.linear.scatter [tilespmem:s20], [sflag:$0x5], $0x3E80, $0x38;
	[tilespmem:$0x1E280] =	vst v63  }
0x36: {  	_ =	swait.ge [sflag:s19], $0x3E80  }
0x37: {  	[sflag:s19] =	ssyncset.done $0x0  }
0x38: {  	s14 =	rddreg [dreg:$0x7];
	[sflag:s19] =	ssyncadd.s32 $0xFFFFC180  }
0x39: {  	[spmem:s14] =	stream.linear.scatter [tilespmem:s20], [sflag:$0x5], $0x3E80, $0x38;
	[tilespmem:$0x1E280] =	vst v63  }
0x3a: {  	_ =	swait.ge [sflag:s19], $0x3E80  }
0x3b: {  	[sflag:s19] =	ssyncset.done $0x0  }
0x3c: {  	s15 =	rddreg [dreg:$0x8];
	[sflag:s19] =	ssyncadd.s32 $0xFFFFC180  }
0x3d: {  	[spmem:s15] =	stream.linear.scatter [tilespmem:s20], [sflag:$0x5], $0x3E80, $0x38;
	[tilespmem:$0x1E280] =	vst v63  }
0x3e: {  	_ =	swait.ge [sflag:s19], $0x3E80  }
0x3f: {  	[sflag:s19] =	ssyncset.done $0x0  }
0x40: {  	[sflag:s19] =	ssyncadd.s32 $0xFFFFC180  }
0x41: {  	[bflag:$0x0] =	sbarrier.arrive $0xFFFF  }
0x42: {  	s9 =	simm.s32 $0x0;
	s10 =	rddreg [dreg:$0x9]  }
0x43: {  	[tilespmem:s21], [sflag:$0x3] =	stream.linear.gather [hbm4b:s10+s9], $0x80, $0x38;
	[tilespmem:$0x1E280] =	vst v63  }
0x44: {  	s16 =	rddreg [dreg:$0xa]  }
0x45: {  	[tilespmem:s22], [sflag:$0x3] =	stream.linear.gather [hbm4b:s16+s9], $0x80, $0x38;
	[tilespmem:$0x1E280] =	vst v63  }
0x46: {  	s10 =	simm.s32 $0x0  }
0x47: {  	[tilespmem:s20], [sflag:$0x1] =	stream.indirect.gather [hbm4b:s1+s23], $0x80, s9, s23, $0xb8;
	[tilespmem:$0x1E280] =	vst v63  }
.LBB2_4:
0x48: {  	s11 =	sshll.u32 s10, $0x8  }
0x49: {  	s12 =	sand.u32 $0x3C00, s11;
	s11 =	sor.u32 $0x80, s11  }
0x4a: {  	s12 =	sadd.s32 s5, s12;
	s13 =	sand.u32 $0x380, s11  }
0x4b: {  	_ =	swait.ge [sflag:s26], $0x3E80;
	s12 =	sor.u32 s12, s13  }
0x4c: {  	[sflag:s26] =	ssyncset.done $0x0;
	s12 =	sshrl.u32 s12, $0x3  }
0x4d: {  	[sflag:s26] =	ssyncadd.s32 $0xFFFFC180;
	s15 =	sadd.s32 s6, s12  }
0x4e: {  	[tilespmem:s28], [sflag:$0x4] =	stream.linear.gather [hbm4b:s15+s9], $0x80, $0x38;
	[tilespmem:$0x1E280] =	vst v63  }
0x4f: {  	s12 =	sadd.s32 s7, s12  }
0x50: {  	[tilespmem:s29], [sflag:$0x4] =	stream.linear.gather [hbm4b:s12+s9], $0x80, $0x38;
	[tilespmem:$0x1E280] =	vst v63  }
0x51: {  	v2 =	vmov s9;
	s16 =	simm.s32 $0x2;
	s11 =	sand.u32 $0x3FFFFF80, s11  }
0x52: {  	v2 =	vand.u32 $0xFFFFFFFC, v2;
	v3 =	vmov s16;
	[tilespmem:s30], [sflag:$0x2] =	stream.indirect.gather [hbm4b:s1+s23], $0x80, s11, s23, $0xb8;
	[tilespmem:$0x1E280] =	vst v63  }
0x53: {  	v2 =	vbroadcast v2, $0x0;
	v3 =	vand.u32 $0xFFFFFFFE, v3;
	_ =	swait.ge [sflag:s31], $0x80  }
0x54: {  	v3 =	vbroadcast v3, $0x0;
	[sflag:s31] =	ssyncset.done $0x0  }
0x55: {  	[sflag:s31] =	ssyncadd.s32 $0xFFFFFF80  }
0x56: {  	_ =	swait.ge [sflag:s31], $0x80  }
0x57: {  	[sflag:s31] =	ssyncset.done $0x0  }
0x58: {  	[sflag:s31] =	ssyncadd.s32 $0xFFFFFF80  }
0x59: {  	v2 =	vld.idx.msk [tilespmem:v2+s22+$0x0], $0xffff  }
0x5a: {  	s13 =	simm.s32 $0x1;
	s12 =	simm.s32 $0x2900;
	v3 =	vld.idx.msk [tilespmem:v3+s22+$0x0], $0xffff  }
0x5b: {  	v4 =	vmov s13;
	v5 =	vld [tilespmem:s12+$0x70]  }
0x5c: {  	v4 =	vand.u32 $0xFFFFFFFD, v4;
	v6 =	vld [tilespmem:s12+$0xFFFFFF00]  }
0x5d: {  	v4 =	vbroadcast v4, $0x0;
	v7 =	vld [tilespmem:s12+$0xFFFFFF10]  }
0x5e: {  	v8 =	vld [tilespmem:s12+$0xFFFFFF20]  }
0x5f: {  	v9 =	vld [tilespmem:s12+$0xFFFFFF30]  }
0x60: {  	v10 =	vld [tilespmem:s12+$0xFFFFFF40]  }
0x61: {  	v11 =	vld [tilespmem:s12+$0xFFFFFF50]  }
0x62: {  	v12 =	vld [tilespmem:s12+$0xFFFFFF60];
	v6 =	vmul.f32 v6, v2  }
0x63: {  	v4 =	vld.idx.msk [tilespmem:v4+s22+$0x0], $0xffff;
	v5 =	vmul.f32 v5, v3  }
0x64: {  	v14 =	vld [tilespmem:s12+$0x40];
	[tilespmem:s12+$0xFFFFFF00] =	vst v6;
	v6 =	vmul.f32 v7, v2  }
0x65: {  	v7 =	vld [tilespmem:s12+$0xFFFFFF70];
	[tilespmem:s12+$0x70] =	vst v5;
	v5 =	vmul.f32 v8, v2  }
0x66: {  	v8 =	vld [tilespmem:s12+$0xFFFFFF80];
	[tilespmem:s12+$0xFFFFFF10] =	vst v6;
	v6 =	vmul.f32 v9, v2  }
0x67: {  	v9 =	vld [tilespmem:s12+$0xFFFFFF90];
	[tilespmem:s12+$0xFFFFFF20] =	vst v5;
	v5 =	vmul.f32 v10, v2  }
0x68: {  	v10 =	vld [tilespmem:s12+$0xFFFFFFA0];
	[tilespmem:s12+$0xFFFFFF30] =	vst v6;
	v6 =	vmul.f32 v11, v2  }
0x69: {  	v11 =	vld [tilespmem:s12+$0xFFFFFFB0];
	[tilespmem:s12+$0xFFFFFF40] =	vst v5;
	v5 =	vmul.f32 v12, v2  }
0x6a: {  	v12 =	vld [tilespmem:s12+$0xFFFFFFC0];
	v7 =	vmul.f32 v7, v2;
	[tilespmem:s12+$0xFFFFFF50] =	vst v6  }
0x6b: {  	v6 =	vmul.f32 v8, v4;
	v8 =	vld [tilespmem:s12+$0xFFFFFFD0];
	[tilespmem:s12+$0xFFFFFF60] =	vst v5  }
0x6c: {  	s14 =	simm.s32 $0x3;
	v5 =	vld [tilespmem:s12+$0xFFFFFFE0];
	v9 =	vmul.f32 v9, v4;
	[tilespmem:s12+$0xFFFFFF70] =	vst v7  }
0x6d: {  	v13 =	vmov s14;
	v7 =	vld [tilespmem:s12+$0xFFFFFFF0];
	[tilespmem:s12+$0xFFFFFF80] =	vst v6;
	v6 =	vmul.f32 v10, v4  }
0x6e: {  	v10 =	vld [tilespmem:s12+$0x0];
	[tilespmem:s12+$0xFFFFFF90] =	vst v9;
	v9 =	vmul.f32 v11, v4  }
0x6f: {  	v11 =	vld [tilespmem:s12+$0x10];
	[tilespmem:s12+$0xFFFFFFA0] =	vst v6;
	v6 =	vmul.f32 v12, v4  }
0x70: {  	[tilespmem:s12+$0xFFFFFFB0] =	vst v9;
	v8 =	vmul.f32 v8, v4;
	v9 =	vld [tilespmem:s12+$0x20]  }
0x71: {  	v12 =	vld [tilespmem:s12+$0x30];
	v5 =	vmul.f32 v5, v4;
	[tilespmem:s12+$0xFFFFFFC0] =	vst v6  }
0x72: {  	v2 =	vld.idx.msk [tilespmem:v13+s22+$0x0], $0xffff;
	v4 =	vmul.f32 v7, v4;
	[tilespmem:s12+$0xFFFFFFD0] =	vst v8  }
0x73: {  	[tilespmem:s12+$0xFFFFFFE0] =	vst v5;
	v6 =	vmul.f32 v10, v3;
	v5 =	vld [tilespmem:s12+$0x50]  }
0x74: {  	s15 =	simm.s32 $0x4;
	[tilespmem:s12+$0xFFFFFFF0] =	vst v4;
	v7 =	vmul.f32 v11, v3;
	v4 =	vld [tilespmem:s12+$0x60]  }
0x75: {  	s16 =	simm.s32 $0x7;
	v8 =	vmov s15;
	[tilespmem:s12+$0x0] =	vst v6;
	v10 =	vmul.f32 v9, v3;
	v9 =	vld [tilespmem:s12+$0x80]  }
0x76: {  	s14 =	simm.s32 $0x5;
	s13 =	simm.s32 $0x2900;
	v13 =	vand.u32 $0xFFFFFFFC, v8;
	v8 =	vld [tilespmem:s12+$0x90];
	v6 =	vmov s16;
	v11 =	vmul.f32 v12, v3;
	[tilespmem:s12+$0x10] =	vst v7  }
0x77: {  	s11 =	sshll.u32 s10, $0x1;
	s15 =	simm.s32 $0x6;
	v12 =	vmul.f32 v14, v3;
	v7 =	vbroadcast v13, $0x0;
	v13 =	vmov s14;
	s14 =	simm.s32 $0x8;
	[tilespmem:s12+$0x20] =	vst v10;
	v10 =	vld [tilespmem:s12+$0xA0]  }
.LBB2_5:
0x78: {  	p1 =	slt.u32 s14, $0x78;
	v13 =	vand.u32 $0xFFFFFFFD, v13;
	v14 =	vmov s15;
	[tilespmem:s12+$0x30] =	vst v11;
	v5 =	vmul.f32 v5, v3;
	v11 =	vld [tilespmem:s12+$0xB0]  }
0x79: {  	v13 =	vbroadcast v13, $0x0;
	v14 =	vand.u32 $0xFFFFFFFE, v14;
	[tilespmem:s12+$0x40] =	vst v12;
	v3 =	vmul.f32 v4, v3;
	v4 =	vld [tilespmem:s12+$0xC0]  }
0x7a: {  	v12 =	vbroadcast v14, $0x0;
	[tilespmem:s12+$0x50] =	vst v5;
	v5 =	vmul.f32 v9, v2;
	v9 =	vld [tilespmem:s12+$0xD0]  }
0x7b: {  	[tilespmem:s12+$0x60] =	vst v3;
	v3 =	vmul.f32 v8, v2;
	v8 =	vld [tilespmem:s12+$0xE0]  }
0x7c: {  	[tilespmem:s12+$0x80] =	vst v5;
	v5 =	vmul.f32 v10, v2;
	v10 =	vld [tilespmem:s12+$0xF0]  }
0x7d: {  	v6 =	vld.idx.msk [tilespmem:v6+s22+$0x0], $0xffff;
	[tilespmem:s12+$0x90] =	vst v3;
	v3 =	vmul.f32 v11, v2  }
0x7e: {  	v7 =	vld.idx.msk [tilespmem:v7+s22+$0x0], $0xffff;
	[tilespmem:s12+$0xA0] =	vst v5;
	v4 =	vmul.f32 v4, v2  }
0x7f: {  	v5 =	vld.idx.msk [tilespmem:v13+s22+$0x0], $0xffff;
	[tilespmem:s12+$0xB0] =	vst v3;
	v9 =	vmul.f32 v9, v2  }
0x80: {  	s12 =	sadd.s32 $0x200, s12;
	v3 =	vld.idx.msk [tilespmem:v12+s22+$0x0], $0xffff;
	[tilespmem:s13+$0xC0] =	vst v4;
	v4 =	vmul.f32 v8, v2  }
0x81: {  	v8 =	vld [tilespmem:s12+$0x70];
	[tilespmem:s13+$0xD0] =	vst v9;
	v10 =	vmul.f32 v10, v2  }
0x82: {  	v9 =	vld [tilespmem:s12+$0xFFFFFF00];
	[tilespmem:s13+$0xE0] =	vst v4  }
0x83: {  	v2 =	vmov v6;
	v4 =	vld [tilespmem:s12+$0xFFFFFF10];
	[tilespmem:s13+$0xF0] =	vst v10;
	s13 =	smov.u32 s12  }
0x84: {  	v6 =	vld [tilespmem:s12+$0xFFFFFF20]  }
0x85: {  	v10 =	vld [tilespmem:s12+$0xFFFFFF30]  }
0x86: {  	v11 =	vld [tilespmem:s12+$0xFFFFFF40];
	v8 =	vmul.f32 v8, v3  }
0x87: {  	v9 =	vmul.f32 v9, v7;
	v12 =	vld [tilespmem:s12+$0xFFFFFF50]  }
0x88: {  	v4 =	vmul.f32 v4, v7;
	v13 =	vld [tilespmem:s12+$0xFFFFFF60];
	[tilespmem:s12+$0x70] =	vst v8  }
0x89: {  	[tilespmem:s12+$0xFFFFFF00] =	vst v9;
	v6 =	vmul.f32 v6, v7;
	v8 =	vld [tilespmem:s12+$0xFFFFFF70]  }
0x8a: {  	[tilespmem:s12+$0xFFFFFF10] =	vst v4;
	v4 =	vmul.f32 v10, v7;
	v9 =	vld [tilespmem:s12+$0xFFFFFF80]  }
0x8b: {  	[tilespmem:s12+$0xFFFFFF20] =	vst v6;
	v6 =	vmul.f32 v11, v7;
	v10 =	vld [tilespmem:s12+$0xFFFFFF90]  }
0x8c: {  	[tilespmem:s12+$0xFFFFFF30] =	vst v4;
	v4 =	vmul.f32 v12, v7;
	v11 =	vld [tilespmem:s12+$0xFFFFFFA0]  }
0x8d: {  	[tilespmem:s12+$0xFFFFFF40] =	vst v6;
	v6 =	vmul.f32 v13, v7;
	v12 =	vld [tilespmem:s12+$0xFFFFFFB0]  }
0x8e: {  	[tilespmem:s12+$0xFFFFFF50] =	vst v4;
	v4 =	vmul.f32 v8, v7;
	v7 =	vld [tilespmem:s12+$0xFFFFFFC0]  }
0x8f: {  	[tilespmem:s12+$0xFFFFFF60] =	vst v6;
	v6 =	vmul.f32 v9, v5;
	v8 =	vld [tilespmem:s12+$0xFFFFFFD0]  }
0x90: {  	[tilespmem:s12+$0xFFFFFF70] =	vst v4;
	v4 =	vmul.f32 v10, v5;
	v9 =	vld [tilespmem:s12+$0xFFFFFFE0]  }
0x91: {  	[tilespmem:s12+$0xFFFFFF80] =	vst v6;
	v6 =	vmul.f32 v11, v5;
	v10 =	vld [tilespmem:s12+$0xFFFFFFF0]  }
0x92: {  	[tilespmem:s12+$0xFFFFFF90] =	vst v4;
	v4 =	vmul.f32 v12, v5;
	v11 =	vld [tilespmem:s12+$0x0]  }
0x93: {  	[tilespmem:s12+$0xFFFFFFA0] =	vst v6;
	v6 =	vmul.f32 v7, v5;
	v7 =	vld [tilespmem:s12+$0x10]  }
0x94: {  	[tilespmem:s12+$0xFFFFFFB0] =	vst v4;
	v4 =	vmul.f32 v8, v5;
	v8 =	vld [tilespmem:s12+$0x20]  }
0x95: {  	[tilespmem:s12+$0xFFFFFFC0] =	vst v6;
	v6 =	vmul.f32 v9, v5;
	v12 =	vld [tilespmem:s12+$0x30]  }
0x96: {  	[tilespmem:s12+$0xFFFFFFD0] =	vst v4;
	v4 =	vmul.f32 v10, v5;
	v10 =	vld [tilespmem:s12+$0x40]  }
.Ltmp1:
0x97: {  	[tilespmem:s12+$0xFFFFFFE0] =	vst v6;
	v6 =	vmul.f32 v11, v3;
	v5 =	vld [tilespmem:s12+$0x50];
	(pc) =	sbr.rel @p1 .LBB2_5-.Ltmp1, $4  }
0x98: {  	[tilespmem:s12+$0xFFFFFFF0] =	vst v4;
	v7 =	vmul.f32 v7, v3;
	v4 =	vld [tilespmem:s12+$0x60]  }
0x99: {  	s15 =	sadd.s32 $0x3, s14;
	v11 =	vmov s14;
	[tilespmem:s12+$0x0] =	vst v6;
	v14 =	vmul.f32 v8, v3;
	v9 =	vld [tilespmem:s12+$0x80]  }
0x9a: {  	s16 =	sadd.s32 $0x1, s14;
	v13 =	vand.u32 $0xFFFFFFFC, v11;
	v6 =	vmov s15;
	[tilespmem:s12+$0x10] =	vst v7;
	v11 =	vmul.f32 v12, v3;
	v8 =	vld [tilespmem:s12+$0x90]  }
0x9b: {  	s15 =	sadd.s32 $0x2, s14;
	s14 =	sadd.s32 $0x4, s14;
	v7 =	vbroadcast v13, $0x0;
	v13 =	vmov s16;
	[tilespmem:s12+$0x20] =	vst v14;
	v12 =	vmul.f32 v10, v3;
	v10 =	vld [tilespmem:s12+$0xA0]  }
0x9c: {  	v14 =	vld [tilespmem:s12+$0xB0]  }
0x9d: {  	v16 =	vld [tilespmem:s12+$0xC0]  }
0x9e: {  	v15 =	vmov s15;
	v17 =	vld [tilespmem:s12+$0xD0]  }
0x9f: {  	v18 =	vld [tilespmem:s12+$0xE0];
	[tilespmem:s12+$0x30] =	vst v11;
	v5 =	vmul.f32 v5, v3;
	v15 =	vand.u32 $0xFFFFFFFE, v15  }
0xa0: {  	v13 =	vand.u32 $0xFFFFFFFD, v13;
	v6 =	vld.idx.msk [tilespmem:v6+s22+$0x0], $0xffff;
	[tilespmem:s12+$0x40] =	vst v12;
	v3 =	vmul.f32 v4, v3;
	v15 =	vbroadcast v15, $0x0  }
0xa1: {  	s14 =	sadd.s32 $0x200, s12;
	v13 =	vbroadcast v13, $0x0;
	v4 =	vld.idx.msk [tilespmem:v7+s22+$0x0], $0xffff;
	v9 =	vmul.f32 v9, v2;
	[tilespmem:s12+$0x50] =	vst v5  }
0xa2: {  	v11 =	vld [tilespmem:s14+$0xFFFFFF00];
	v5 =	vmul.f32 v8, v2;
	[tilespmem:s12+$0x60] =	vst v3  }
0xa3: {  	[tilespmem:s12+$0x80] =	vst v9;
	v9 =	vld [tilespmem:s12+$0xF0];
	v3 =	vmul.f32 v10, v2  }
0xa4: {  	v12 =	vld [tilespmem:s14+$0xFFFFFF10];
	[tilespmem:s12+$0x90] =	vst v5;
	v5 =	vmul.f32 v14, v2  }
0xa5: {  	v10 =	vld [tilespmem:s14+$0x70];
	[tilespmem:s12+$0xA0] =	vst v3;
	v3 =	vmul.f32 v16, v2  }
0xa6: {  	[tilespmem:s12+$0xB0] =	vst v5;
	v5 =	vmul.f32 v17, v2;
	v8 =	vld.idx.msk [tilespmem:v15+s22+$0x0], $0xffff  }
0xa7: {  	v7 =	vld.idx.msk [tilespmem:v13+s22+$0x0], $0xffff;
	[tilespmem:s13+$0xC0] =	vst v3;
	v3 =	vmul.f32 v18, v2  }
0xa8: {  	v13 =	vld [tilespmem:s14+$0xFFFFFF20];
	[tilespmem:s13+$0xD0] =	vst v5;
	v2 =	vmul.f32 v9, v2  }
0xa9: {  	v5 =	vld [tilespmem:s14+$0xFFFFFF30];
	[tilespmem:s13+$0xE0] =	vst v3  }
0xaa: {  	v3 =	vld [tilespmem:s14+$0xFFFFFF40];
	[tilespmem:s13+$0xF0] =	vst v2;
	v2 =	vmul.f32 v11, v4  }
0xab: {  	v9 =	vmul.f32 v10, v8;
	v10 =	vld [tilespmem:s14+$0xFFFFFF50]  }
0xac: {  	v11 =	vmul.f32 v12, v4;
	v12 =	vld [tilespmem:s14+$0xFFFFFF60];
	[tilespmem:s14+$0xFFFFFF00] =	vst v2  }
0xad: {  	v2 =	vmul.f32 v13, v4;
	[tilespmem:s14+$0x70] =	vst v9;
	v9 =	vld [tilespmem:s14+$0xFFFFFF70]  }
0xae: {  	[tilespmem:s14+$0xFFFFFF10] =	vst v11;
	v11 =	vld [tilespmem:s14+$0xFFFFFF80];
	v5 =	vmul.f32 v5, v4  }
0xaf: {  	[tilespmem:s14+$0xFFFFFF20] =	vst v2;
	v2 =	vmul.f32 v3, v4;
	v3 =	vld [tilespmem:s14+$0xFFFFFF90]  }
0xb0: {  	[tilespmem:s14+$0xFFFFFF30] =	vst v5;
	v5 =	vmul.f32 v10, v4;
	v10 =	vld [tilespmem:s14+$0xFFFFFFA0]  }
0xb1: {  	[tilespmem:s14+$0xFFFFFF40] =	vst v2;
	v2 =	vmul.f32 v12, v4;
	v12 =	vld [tilespmem:s14+$0xFFFFFFB0]  }
0xb2: {  	[tilespmem:s14+$0xFFFFFF50] =	vst v5;
	v4 =	vmul.f32 v9, v4;
	v5 =	vld [tilespmem:s14+$0xFFFFFFC0]  }
0xb3: {  	[tilespmem:s14+$0xFFFFFF60] =	vst v2;
	v2 =	vmul.f32 v11, v7;
	v9 =	vld [tilespmem:s14+$0xFFFFFFD0]  }
0xb4: {  	v3 =	vmul.f32 v3, v7;
	[tilespmem:s14+$0xFFFFFF70] =	vst v4;
	v4 =	vld [tilespmem:s14+$0xFFFFFFE0]  }
0xb5: {  	[tilespmem:s14+$0xFFFFFF80] =	vst v2;
	v2 =	vmul.f32 v10, v7;
	v10 =	vld [tilespmem:s14+$0xFFFFFFF0]  }
0xb6: {  	v11 =	vld [tilespmem:s14+$0x0];
	[tilespmem:s14+$0xFFFFFF90] =	vst v3;
	v3 =	vmul.f32 v12, v7  }
0xb7: {  	[tilespmem:s14+$0xFFFFFFA0] =	vst v2;
	v2 =	vmul.f32 v5, v7;
	v5 =	vld [tilespmem:s14+$0x10]  }
0xb8: {  	[tilespmem:s14+$0xFFFFFFB0] =	vst v3;
	v3 =	vmul.f32 v9, v7;
	v9 =	vld [tilespmem:s14+$0x20]  }
0xb9: {  	[tilespmem:s14+$0xFFFFFFC0] =	vst v2;
	v2 =	vmul.f32 v4, v7;
	v4 =	vld [tilespmem:s14+$0x30]  }
0xba: {  	[tilespmem:s14+$0xFFFFFFD0] =	vst v3;
	v3 =	vmul.f32 v10, v7;
	v7 =	vld [tilespmem:s14+$0x40]  }
0xbb: {  	v10 =	vld [tilespmem:s14+$0x50];
	[tilespmem:s14+$0xFFFFFFE0] =	vst v2;
	v2 =	vmul.f32 v11, v8  }
0xbc: {  	[tilespmem:s14+$0xFFFFFFF0] =	vst v3;
	v3 =	vmul.f32 v5, v8;
	v5 =	vld [tilespmem:s14+$0x60]  }
0xbd: {  	[tilespmem:s14+$0x0] =	vst v2;
	v2 =	vmul.f32 v9, v8;
	v9 =	vld [tilespmem:s14+$0x80]  }
0xbe: {  	[tilespmem:s14+$0x10] =	vst v3;
	v3 =	vmul.f32 v4, v8;
	v4 =	vld [tilespmem:s14+$0x90]  }
0xbf: {  	[tilespmem:s14+$0x20] =	vst v2;
	v2 =	vmul.f32 v7, v8;
	v7 =	vld [tilespmem:s14+$0xA0]  }
0xc0: {  	[tilespmem:s14+$0x30] =	vst v3;
	v3 =	vmul.f32 v10, v8;
	v10 =	vld [tilespmem:s14+$0xB0]  }
0xc1: {  	[tilespmem:s14+$0x40] =	vst v2;
	v2 =	vmul.f32 v5, v8;
	v5 =	vld [tilespmem:s14+$0xC0]  }
0xc2: {  	v8 =	vld [tilespmem:s14+$0xD0];
	[tilespmem:s14+$0x50] =	vst v3;
	v3 =	vmul.f32 v9, v6  }
0xc3: {  	[tilespmem:s14+$0x60] =	vst v2;
	v2 =	vmul.f32 v4, v6;
	v4 =	vld [tilespmem:s14+$0xE0]  }
0xc4: {  	[tilespmem:s14+$0x80] =	vst v3;
	v3 =	vmul.f32 v7, v6;
	v7 =	vld [tilespmem:s14+$0xF0]  }
0xc5: {  	[tilespmem:s14+$0x90] =	vst v2;
	v2 =	vmul.f32 v10, v6  }
0xc6: {  	[tilespmem:s14+$0xA0] =	vst v3;
	v3 =	vmul.f32 v5, v6  }
0xc7: {  	[tilespmem:s14+$0xB0] =	vst v2;
	v2 =	vmul.f32 v8, v6  }
0xc8: {  	[tilespmem:s14+$0xC0] =	vst v3;
	v3 =	vmul.f32 v4, v6  }
0xc9: {  	[tilespmem:s14+$0xD0] =	vst v2;
	v2 =	vmul.f32 v7, v6  }
0xca: {  	[tilespmem:s14+$0xE0] =	vst v3  }
0xcb: {  	[tilespmem:s14+$0xF0] =	vst v2  }
0xcc: {  	v2 =	vld.idx.msk [tilespmem:v1+s22+$0x0], $0xffff  }
0xcd: {  	v3 =	vld [tilespmem:$0x6600]  }
0xce: {  	v4 =	vld [tilespmem:$0x6610]  }
0xcf: {  	v5 =	vld [tilespmem:$0x6620]  }
0xd0: {  	v6 =	vld [tilespmem:$0x6630]  }
0xd1: {  	v7 =	vld [tilespmem:$0x6640]  }
0xd2: {  	v8 =	vld [tilespmem:$0x6650];
	v3 =	vmul.f32 v3, v2  }
0xd3: {  	v9 =	vld [tilespmem:$0x6660];
	v4 =	vmul.f32 v4, v2  }
0xd4: {  	[tilespmem:$0x6600] =	vst v3;
	v3 =	vmul.f32 v5, v2;
	v5 =	vld [tilespmem:$0x6670]  }
0xd5: {  	[tilespmem:$0x6610] =	vst v4;
	v4 =	vmul.f32 v6, v2  }
0xd6: {  	[tilespmem:$0x6620] =	vst v3;
	v3 =	vmul.f32 v7, v2  }
0xd7: {  	[tilespmem:$0x6630] =	vst v4;
	v4 =	vmul.f32 v8, v2  }
0xd8: {  	[tilespmem:$0x6640] =	vst v3;
	v3 =	vmul.f32 v9, v2  }
0xd9: {  	[tilespmem:$0x6650] =	vst v4;
	v2 =	vmul.f32 v5, v2  }
0xda: {  	p1 =	seq.s32 s10, $0x27;
	[tilespmem:$0x6660] =	vst v3  }
0xdb: {  	s11 =	sshll.u32 @!p1 s11, $0x7;
	[tilespmem:$0x6670] =	vst v2  }
0xdc: {  	[spmem:s3] =	stream.indirect.scatter.add.f32 [tilespmem:s20], [sflag:$0x5], $0x80, s21, s23, $0xb8;
	[tilespmem:$0x1E280] =	vst v63  }
0xdd: {  	s11 =	sadd.s32 @!p1 $0x100, s11;
	_ =	swait.ge [sflag:s19], $0x3E80  }
0xde: {  	s12 =	sand.u32 @!p1 $0x7C00, s11;
	[sflag:s19] =	ssyncset.done $0x0  }
0xdf: {  	s12 =	sadd.s32 @!p1 s5, s12;
	s13 =	sand.u32 @!p1 $0x300, s11;
	[sflag:s19] =	ssyncadd.s32 $0xFFFFC180  }
0xe0: {  	s16 =	simm.s32 $0x0;
	s12 =	sor.u32 @!p1 s13, s12;
	_ =	swait.ge [sflag:s2], $0x3E80  }
0xe1: {  	s15 =	simm.s32 @!p1 $0xA800;
	s12 =	sshrl.u32 @!p1 s12, $0x3;
	[sflag:s2] =	ssyncset.done $0x0  }
0xe2: {  	s13 =	sadd.s32 @!p1 s6, s12;
	s14 =	simm.s32 @!p1 $0x0;
	[sflag:s2] =	ssyncadd.s32 $0xFFFFC180  }
0xe3: {  	[tilespmem:s15], [sflag:$0x3] =	stream.linear.gather @!p1 [hbm4b:s13+s14], $0x80, $0x38;
	[tilespmem:$0x1E280] =	vst v63  }
0xe4: {  	s11 =	sand.u32 @!p1 $0x3FFFFF80, s11;
	s12 =	sadd.s32 @!p1 s7, s12;
	s13 =	simm.s32 @!p1 $0xA900  }
0xe5: {  	[tilespmem:s13], [sflag:$0x3] =	stream.linear.gather @!p1 [hbm4b:s12+s14], $0x80, $0x38;
	[tilespmem:$0x1E280] =	vst v63  }
0xe6: {  	v2 =	vmov s16;
	s15 =	simm.s32 $0x2;
	s13 =	simm.s32 @!p1 $0x7D;
	s14 =	simm.s32 @!p1 $0x2800  }
0xe7: {  	v2 =	vand.u32 $0xFFFFFFFC, v2;
	v3 =	vmov s15;
	[tilespmem:s14], [sflag:$0x1] =	stream.indirect.gather @!p1 [hbm4b:s1+s13], $0x80, s11, s13, $0xb8;
	[tilespmem:$0x1E280] =	vst v63  }
0xe8: {  	v2 =	vbroadcast v2, $0x0;
	v3 =	vand.u32 $0xFFFFFFFE, v3;
	_ =	swait.ge [sflag:s4], $0x80  }
0xe9: {  	v3 =	vbroadcast v3, $0x0;
	[sflag:s4] =	ssyncset.done $0x0  }
0xea: {  	[sflag:s4] =	ssyncadd.s32 $0xFFFFFF80  }
0xeb: {  	_ =	swait.ge [sflag:s4], $0x80  }
0xec: {  	[sflag:s4] =	ssyncset.done $0x0  }
0xed: {  	[sflag:s4] =	ssyncadd.s32 $0xFFFFFF80  }
0xee: {  	v2 =	vld.idx.msk [tilespmem:v2+s29+$0x0], $0xffff  }
0xef: {  	s16 =	simm.s32 $0x1;
	s11 =	simm.s32 $0x6900;
	v3 =	vld.idx.msk [tilespmem:v3+s29+$0x0], $0xffff  }
0xf0: {  	v4 =	vmov s16;
	v5 =	vld [tilespmem:s11+$0x70]  }
0xf1: {  	v4 =	vand.u32 $0xFFFFFFFD, v4;
	v6 =	vld [tilespmem:s11+$0xFFFFFF00]  }
0xf2: {  	v4 =	vbroadcast v4, $0x0;
	v7 =	vld [tilespmem:s11+$0xFFFFFF10]  }
0xf3: {  	v8 =	vld [tilespmem:s11+$0xFFFFFF20]  }
0xf4: {  	v9 =	vld [tilespmem:s11+$0xFFFFFF30]  }
0xf5: {  	v10 =	vld [tilespmem:s11+$0xFFFFFF40]  }
0xf6: {  	v11 =	vld [tilespmem:s11+$0xFFFFFF50]  }
0xf7: {  	v12 =	vld [tilespmem:s11+$0xFFFFFF60];
	v6 =	vmul.f32 v6, v2  }
0xf8: {  	v4 =	vld.idx.msk [tilespmem:v4+s29+$0x0], $0xffff;
	v5 =	vmul.f32 v5, v3  }
0xf9: {  	v14 =	vld [tilespmem:s11+$0x40];
	[tilespmem:s11+$0xFFFFFF00] =	vst v6;
	v6 =	vmul.f32 v7, v2  }
0xfa: {  	v7 =	vld [tilespmem:s11+$0xFFFFFF70];
	[tilespmem:s11+$0x70] =	vst v5;
	v5 =	vmul.f32 v8, v2  }
0xfb: {  	v8 =	vld [tilespmem:s11+$0xFFFFFF80];
	[tilespmem:s11+$0xFFFFFF10] =	vst v6;
	v6 =	vmul.f32 v9, v2  }
0xfc: {  	v9 =	vld [tilespmem:s11+$0xFFFFFF90];
	[tilespmem:s11+$0xFFFFFF20] =	vst v5;
	v5 =	vmul.f32 v10, v2  }
0xfd: {  	v10 =	vld [tilespmem:s11+$0xFFFFFFA0];
	[tilespmem:s11+$0xFFFFFF30] =	vst v6;
	v6 =	vmul.f32 v11, v2  }
0xfe: {  	v11 =	vld [tilespmem:s11+$0xFFFFFFB0];
	[tilespmem:s11+$0xFFFFFF40] =	vst v5;
	v5 =	vmul.f32 v12, v2  }
0xff: {  	v12 =	vld [tilespmem:s11+$0xFFFFFFC0];
	v7 =	vmul.f32 v7, v2;
	[tilespmem:s11+$0xFFFFFF50] =	vst v6  }
0x100: {  	v6 =	vmul.f32 v8, v4;
	v8 =	vld [tilespmem:s11+$0xFFFFFFD0];
	[tilespmem:s11+$0xFFFFFF60] =	vst v5  }
0x101: {  	s13 =	simm.s32 $0x3;
	v5 =	vld [tilespmem:s11+$0xFFFFFFE0];
	v9 =	vmul.f32 v9, v4;
	[tilespmem:s11+$0xFFFFFF70] =	vst v7  }
0x102: {  	v13 =	vmov s13;
	v7 =	vld [tilespmem:s11+$0xFFFFFFF0];
	[tilespmem:s11+$0xFFFFFF80] =	vst v6;
	v6 =	vmul.f32 v10, v4  }
0x103: {  	v10 =	vld [tilespmem:s11+$0x0];
	[tilespmem:s11+$0xFFFFFF90] =	vst v9;
	v9 =	vmul.f32 v11, v4  }
0x104: {  	v11 =	vld [tilespmem:s11+$0x10];
	[tilespmem:s11+$0xFFFFFFA0] =	vst v6;
	v6 =	vmul.f32 v12, v4  }
0x105: {  	[tilespmem:s11+$0xFFFFFFB0] =	vst v9;
	v8 =	vmul.f32 v8, v4;
	v9 =	vld [tilespmem:s11+$0x20]  }
0x106: {  	v12 =	vld [tilespmem:s11+$0x30];
	v5 =	vmul.f32 v5, v4;
	[tilespmem:s11+$0xFFFFFFC0] =	vst v6  }
0x107: {  	v2 =	vld.idx.msk [tilespmem:v13+s29+$0x0], $0xffff;
	v4 =	vmul.f32 v7, v4;
	[tilespmem:s11+$0xFFFFFFD0] =	vst v8  }
0x108: {  	[tilespmem:s11+$0xFFFFFFE0] =	vst v5;
	v6 =	vmul.f32 v10, v3;
	v5 =	vld [tilespmem:s11+$0x50]  }
0x109: {  	s14 =	simm.s32 $0x4;
	[tilespmem:s11+$0xFFFFFFF0] =	vst v4;
	v7 =	vmul.f32 v11, v3;
	v4 =	vld [tilespmem:s11+$0x60]  }
0x10a: {  	s15 =	simm.s32 $0x7;
	v8 =	vmov s14;
	[tilespmem:s11+$0x0] =	vst v6;
	v10 =	vmul.f32 v9, v3;
	v9 =	vld [tilespmem:s11+$0x80]  }
0x10b: {  	s16 =	simm.s32 $0x5;
	v13 =	vand.u32 $0xFFFFFFFC, v8;
	v8 =	vld [tilespmem:s11+$0x90];
	v6 =	vmov s15;
	v11 =	vmul.f32 v12, v3;
	[tilespmem:s11+$0x10] =	vst v7  }
0x10c: {  	s12 =	simm.s32 $0x6900;
	s13 =	simm.s32 $0x8;
	s14 =	simm.s32 $0x6;
	v12 =	vmul.f32 v14, v3;
	v7 =	vbroadcast v13, $0x0;
	v13 =	vmov s16;
	[tilespmem:s11+$0x20] =	vst v10;
	v10 =	vld [tilespmem:s11+$0xA0]  }
.LBB2_7:
0x10d: {  	p1 =	slt.u32 s13, $0x78;
	v13 =	vand.u32 $0xFFFFFFFD, v13;
	v14 =	vmov s14;
	[tilespmem:s11+$0x30] =	vst v11;
	v5 =	vmul.f32 v5, v3;
	v11 =	vld [tilespmem:s11+$0xB0]  }
0x10e: {  	v13 =	vbroadcast v13, $0x0;
	v14 =	vand.u32 $0xFFFFFFFE, v14;
	[tilespmem:s11+$0x40] =	vst v12;
	v3 =	vmul.f32 v4, v3;
	v4 =	vld [tilespmem:s11+$0xC0]  }
0x10f: {  	v12 =	vbroadcast v14, $0x0;
	[tilespmem:s11+$0x50] =	vst v5;
	v5 =	vmul.f32 v9, v2;
	v9 =	vld [tilespmem:s11+$0xD0]  }
0x110: {  	[tilespmem:s11+$0x60] =	vst v3;
	v3 =	vmul.f32 v8, v2;
	v8 =	vld [tilespmem:s11+$0xE0]  }
0x111: {  	[tilespmem:s11+$0x80] =	vst v5;
	v5 =	vmul.f32 v10, v2;
	v10 =	vld [tilespmem:s11+$0xF0]  }
0x112: {  	v6 =	vld.idx.msk [tilespmem:v6+s29+$0x0], $0xffff;
	[tilespmem:s11+$0x90] =	vst v3;
	v3 =	vmul.f32 v11, v2  }
0x113: {  	v7 =	vld.idx.msk [tilespmem:v7+s29+$0x0], $0xffff;
	[tilespmem:s11+$0xA0] =	vst v5;
	v4 =	vmul.f32 v4, v2  }
0x114: {  	v5 =	vld.idx.msk [tilespmem:v13+s29+$0x0], $0xffff;
	[tilespmem:s11+$0xB0] =	vst v3;
	v9 =	vmul.f32 v9, v2  }
0x115: {  	s11 =	sadd.s32 $0x200, s11;
	v3 =	vld.idx.msk [tilespmem:v12+s29+$0x0], $0xffff;
	[tilespmem:s12+$0xC0] =	vst v4;
	v4 =	vmul.f32 v8, v2  }
0x116: {  	v8 =	vld [tilespmem:s11+$0x70];
	[tilespmem:s12+$0xD0] =	vst v9;
	v10 =	vmul.f32 v10, v2  }
0x117: {  	v9 =	vld [tilespmem:s11+$0xFFFFFF00];
	[tilespmem:s12+$0xE0] =	vst v4  }
0x118: {  	v2 =	vmov v6;
	v4 =	vld [tilespmem:s11+$0xFFFFFF10];
	[tilespmem:s12+$0xF0] =	vst v10;
	s12 =	smov.u32 s11  }
0x119: {  	v6 =	vld [tilespmem:s11+$0xFFFFFF20]  }
0x11a: {  	v10 =	vld [tilespmem:s11+$0xFFFFFF30]  }
0x11b: {  	v11 =	vld [tilespmem:s11+$0xFFFFFF40];
	v8 =	vmul.f32 v8, v3  }
0x11c: {  	v9 =	vmul.f32 v9, v7;
	v12 =	vld [tilespmem:s11+$0xFFFFFF50]  }
0x11d: {  	v4 =	vmul.f32 v4, v7;
	v13 =	vld [tilespmem:s11+$0xFFFFFF60];
	[tilespmem:s11+$0x70] =	vst v8  }
0x11e: {  	[tilespmem:s11+$0xFFFFFF00] =	vst v9;
	v6 =	vmul.f32 v6, v7;
	v8 =	vld [tilespmem:s11+$0xFFFFFF70]  }
0x11f: {  	[tilespmem:s11+$0xFFFFFF10] =	vst v4;
	v4 =	vmul.f32 v10, v7;
	v9 =	vld [tilespmem:s11+$0xFFFFFF80]  }
0x120: {  	[tilespmem:s11+$0xFFFFFF20] =	vst v6;
	v6 =	vmul.f32 v11, v7;
	v10 =	vld [tilespmem:s11+$0xFFFFFF90]  }
0x121: {  	[tilespmem:s11+$0xFFFFFF30] =	vst v4;
	v4 =	vmul.f32 v12, v7;
	v11 =	vld [tilespmem:s11+$0xFFFFFFA0]  }
0x122: {  	[tilespmem:s11+$0xFFFFFF40] =	vst v6;
	v6 =	vmul.f32 v13, v7;
	v12 =	vld [tilespmem:s11+$0xFFFFFFB0]  }
0x123: {  	[tilespmem:s11+$0xFFFFFF50] =	vst v4;
	v4 =	vmul.f32 v8, v7;
	v7 =	vld [tilespmem:s11+$0xFFFFFFC0]  }
0x124: {  	[tilespmem:s11+$0xFFFFFF60] =	vst v6;
	v6 =	vmul.f32 v9, v5;
	v8 =	vld [tilespmem:s11+$0xFFFFFFD0]  }
0x125: {  	[tilespmem:s11+$0xFFFFFF70] =	vst v4;
	v4 =	vmul.f32 v10, v5;
	v9 =	vld [tilespmem:s11+$0xFFFFFFE0]  }
0x126: {  	[tilespmem:s11+$0xFFFFFF80] =	vst v6;
	v6 =	vmul.f32 v11, v5;
	v10 =	vld [tilespmem:s11+$0xFFFFFFF0]  }
0x127: {  	[tilespmem:s11+$0xFFFFFF90] =	vst v4;
	v4 =	vmul.f32 v12, v5;
	v11 =	vld [tilespmem:s11+$0x0]  }
0x128: {  	[tilespmem:s11+$0xFFFFFFA0] =	vst v6;
	v6 =	vmul.f32 v7, v5;
	v7 =	vld [tilespmem:s11+$0x10]  }
0x129: {  	[tilespmem:s11+$0xFFFFFFB0] =	vst v4;
	v4 =	vmul.f32 v8, v5;
	v8 =	vld [tilespmem:s11+$0x20]  }
0x12a: {  	[tilespmem:s11+$0xFFFFFFC0] =	vst v6;
	v6 =	vmul.f32 v9, v5;
	v12 =	vld [tilespmem:s11+$0x30]  }
0x12b: {  	[tilespmem:s11+$0xFFFFFFD0] =	vst v4;
	v4 =	vmul.f32 v10, v5;
	v10 =	vld [tilespmem:s11+$0x40]  }
.Ltmp2:
0x12c: {  	[tilespmem:s11+$0xFFFFFFE0] =	vst v6;
	v6 =	vmul.f32 v11, v3;
	v5 =	vld [tilespmem:s11+$0x50];
	(pc) =	sbr.rel @p1 .LBB2_7-.Ltmp2, $4  }
0x12d: {  	[tilespmem:s11+$0xFFFFFFF0] =	vst v4;
	v7 =	vmul.f32 v7, v3;
	v4 =	vld [tilespmem:s11+$0x60]  }
0x12e: {  	s14 =	sadd.s32 $0x3, s13;
	v11 =	vmov s13;
	[tilespmem:s11+$0x0] =	vst v6;
	v14 =	vmul.f32 v8, v3;
	v9 =	vld [tilespmem:s11+$0x80]  }
0x12f: {  	s15 =	sadd.s32 $0x1, s13;
	v13 =	vand.u32 $0xFFFFFFFC, v11;
	v6 =	vmov s14;
	[tilespmem:s11+$0x10] =	vst v7;
	v11 =	vmul.f32 v12, v3;
	v8 =	vld [tilespmem:s11+$0x90]  }
0x130: {  	s14 =	sadd.s32 $0x2, s13;
	s13 =	sadd.s32 $0x4, s13;
	v7 =	vbroadcast v13, $0x0;
	v13 =	vmov s15;
	[tilespmem:s11+$0x20] =	vst v14;
	v12 =	vmul.f32 v10, v3;
	v10 =	vld [tilespmem:s11+$0xA0]  }
0x131: {  	v14 =	vld [tilespmem:s11+$0xB0]  }
0x132: {  	v16 =	vld [tilespmem:s11+$0xC0]  }
0x133: {  	v17 =	vld [tilespmem:s11+$0xD0]  }
0x134: {  	v18 =	vld [tilespmem:s11+$0xE0]  }
0x135: {  	v60 =	vld [tilespmem:s11+$0xF0];
	[tilespmem:s11+$0x30] =	vst v11;
	v5 =	vmul.f32 v5, v3  }
0x136: {  	v6 =	vld.idx.msk [tilespmem:v6+s29+$0x0], $0xffff;
	[tilespmem:s11+$0x40] =	vst v12;
	v3 =	vmul.f32 v4, v3  }
0x137: {  	s13 =	sadd.s32 $0x200, s11;
	v61 =	vld.idx.msk [tilespmem:v7+s29+$0x0], $0xffff;
	v9 =	vmul.f32 v9, v2;
	[tilespmem:s11+$0x50] =	vst v5  }
0x138: {  	v21 =	vld [tilespmem:s13+$0x70];
	v62 =	vmul.f32 v8, v2;
	[tilespmem:s11+$0x60] =	vst v3  }
0x139: {  	v22 =	vld [tilespmem:s13+$0xFFFFFF00];
	[tilespmem:s11+$0x80] =	vst v9;
	v3 =	vmul.f32 v10, v2  }
0x13a: {  	v15 =	vmov s14;
	v24 =	vld [tilespmem:s13+$0xFFFFFF10];
	[tilespmem:s11+$0x90] =	vst v62;
	v20 =	vmul.f32 v14, v2  }
0x13b: {  	v15 =	vand.u32 $0xFFFFFFFE, v15;
	v25 =	vld [tilespmem:s13+$0xFFFFFF20];
	[tilespmem:s11+$0xA0] =	vst v3;
	v3 =	vmul.f32 v16, v2  }
0x13c: {  	v13 =	vand.u32 $0xFFFFFFFD, v13;
	v26 =	vld [tilespmem:s13+$0xFFFFFF30];
	v15 =	vbroadcast v15, $0x0;
	v23 =	vmul.f32 v17, v2;
	[tilespmem:s11+$0xB0] =	vst v20  }
0x13d: {  	v13 =	vbroadcast v13, $0x0;
	v28 =	vld [tilespmem:s13+$0xFFFFFF50];
	[tilespmem:s12+$0xC0] =	vst v3;
	v3 =	vmul.f32 v18, v2  }
0x13e: {  	v30 =	vld [tilespmem:s13+$0xFFFFFF60];
	[tilespmem:s12+$0xD0] =	vst v23;
	v2 =	vmul.f32 v60, v2  }
0x13f: {  	v29 =	vmul.f32 v24, v61;
	[tilespmem:s12+$0xE0] =	vst v3;
	v3 =	vld [tilespmem:s13+$0xFFFFFF40]  }
0x140: {  	v31 =	vld [tilespmem:s13+$0xFFFFFF70];
	[tilespmem:s12+$0xF0] =	vst v2;
	v2 =	vmul.f32 v22, v61  }
0x141: {  	v32 =	vld [tilespmem:s13+$0xFFFFFF80];
	v5 =	vmul.f32 v26, v61;
	[tilespmem:s13+$0xFFFFFF10] =	vst v29  }
0x142: {  	v19 =	vld.idx.msk [tilespmem:v15+s29+$0x0], $0xffff;
	[tilespmem:s13+$0xFFFFFF00] =	vst v2;
	v2 =	vmul.f32 v25, v61  }
0x143: {  	v33 =	vmul.f32 v28, v61;
	v63 =	vld.idx.msk [tilespmem:v13+s29+$0x0], $0xffff;
	[tilespmem:s13+$0xFFFFFF30] =	vst v5  }
0x144: {  	[tilespmem:s13+$0xFFFFFF20] =	vst v2;
	v2 =	vmul.f32 v3, v61;
	v3 =	vld [tilespmem:s13+$0xFFFFFF90]  }
0x145: {  	v34 =	vld [tilespmem:s13+$0xFFFFFFA0];
	v4 =	vmul.f32 v31, v61;
	[tilespmem:s13+$0xFFFFFF50] =	vst v33  }
0x146: {  	v35 =	vld [tilespmem:s13+$0xFFFFFFB0];
	[tilespmem:s13+$0xFFFFFF40] =	vst v2;
	v2 =	vmul.f32 v30, v61  }
0x147: {  	v36 =	vld [tilespmem:s13+$0xFFFFFFC0];
	[tilespmem:s13+$0xFFFFFF70] =	vst v4;
	v27 =	vmul.f32 v21, v19  }
0x148: {  	v37 =	vld [tilespmem:s13+$0xFFFFFFD0];
	[tilespmem:s13+$0xFFFFFF60] =	vst v2;
	v2 =	vmul.f32 v32, v63  }
0x149: {  	v38 =	vld [tilespmem:s13+$0xFFFFFFE0];
	[tilespmem:s13+$0x70] =	vst v27;
	v3 =	vmul.f32 v3, v63  }
0x14a: {  	v39 =	vld [tilespmem:s13+$0xFFFFFFF0];
	[tilespmem:s13+$0xFFFFFF80] =	vst v2;
	v2 =	vmul.f32 v34, v63  }
0x14b: {  	v40 =	vld [tilespmem:s13+$0x0];
	[tilespmem:s13+$0xFFFFFF90] =	vst v3;
	v3 =	vmul.f32 v35, v63  }
0x14c: {  	v41 =	vld [tilespmem:s13+$0x10];
	[tilespmem:s13+$0xFFFFFFA0] =	vst v2;
	v2 =	vmul.f32 v36, v63  }
0x14d: {  	v42 =	vld [tilespmem:s13+$0x20];
	[tilespmem:s13+$0xFFFFFFB0] =	vst v3;
	v3 =	vmul.f32 v37, v63  }
0x14e: {  	v43 =	vld [tilespmem:s13+$0x30];
	[tilespmem:s13+$0xFFFFFFC0] =	vst v2;
	v2 =	vmul.f32 v38, v63  }
0x14f: {  	v44 =	vld [tilespmem:s13+$0x40];
	[tilespmem:s13+$0xFFFFFFD0] =	vst v3;
	v3 =	vmul.f32 v39, v63  }
0x150: {  	v45 =	vld [tilespmem:s13+$0x50];
	[tilespmem:s13+$0xFFFFFFE0] =	vst v2;
	v2 =	vmul.f32 v40, v19  }
0x151: {  	v46 =	vld [tilespmem:s13+$0x60];
	[tilespmem:s13+$0xFFFFFFF0] =	vst v3;
	v3 =	vmul.f32 v41, v19  }
0x152: {  	v47 =	vld [tilespmem:s13+$0x80];
	[tilespmem:s13+$0x0] =	vst v2;
	v2 =	vmul.f32 v42, v19  }
0x153: {  	v48 =	vld [tilespmem:s13+$0x90];
	[tilespmem:s13+$0x10] =	vst v3;
	v3 =	vmul.f32 v43, v19  }
0x154: {  	v49 =	vld [tilespmem:s13+$0xA0];
	[tilespmem:s13+$0x20] =	vst v2;
	v2 =	vmul.f32 v44, v19  }
0x155: {  	v50 =	vld [tilespmem:s13+$0xB0];
	[tilespmem:s13+$0x30] =	vst v3;
	v3 =	vmul.f32 v45, v19  }
0x156: {  	v51 =	vld [tilespmem:s13+$0xC0];
	[tilespmem:s13+$0x40] =	vst v2;
	v2 =	vmul.f32 v46, v19  }
0x157: {  	v52 =	vld [tilespmem:s13+$0xD0];
	[tilespmem:s13+$0x50] =	vst v3;
	v3 =	vmul.f32 v47, v6  }
0x158: {  	v53 =	vld [tilespmem:s13+$0xE0];
	[tilespmem:s13+$0x60] =	vst v2;
	v2 =	vmul.f32 v48, v6  }
0x159: {  	v54 =	vld [tilespmem:s13+$0xF0];
	[tilespmem:s13+$0x80] =	vst v3;
	v3 =	vmul.f32 v49, v6  }
0x15a: {  	[tilespmem:s13+$0x90] =	vst v2;
	v2 =	vmul.f32 v50, v6  }
0x15b: {  	[tilespmem:s13+$0xA0] =	vst v3;
	v3 =	vmul.f32 v51, v6  }
0x15c: {  	[tilespmem:s13+$0xB0] =	vst v2;
	v2 =	vmul.f32 v52, v6  }
0x15d: {  	[tilespmem:s13+$0xC0] =	vst v3;
	v3 =	vmul.f32 v53, v6  }
0x15e: {  	[tilespmem:s13+$0xD0] =	vst v2;
	v2 =	vmul.f32 v54, v6  }
0x15f: {  	[tilespmem:s13+$0xE0] =	vst v3  }
0x160: {  	[tilespmem:s13+$0xF0] =	vst v2  }
0x161: {  	v2 =	vld.idx.msk [tilespmem:v1+s29+$0x0], $0xffff  }
0x162: {  	v3 =	vld [tilespmem:$0xA600]  }
0x163: {  	v55 =	vld [tilespmem:$0xA610]  }
0x164: {  	v56 =	vld [tilespmem:$0xA620]  }
0x165: {  	v57 =	vld [tilespmem:$0xA630]  }
0x166: {  	v58 =	vld [tilespmem:$0xA640]  }
0x167: {  	v59 =	vld [tilespmem:$0xA650];
	v3 =	vmul.f32 v3, v2  }
0x168: {  	v60 =	vld [tilespmem:$0xA660];
	v4 =	vmul.f32 v55, v2  }
0x169: {  	v61 =	vld [tilespmem:$0xA670];
	[tilespmem:$0xA600] =	vst v3;
	v3 =	vmul.f32 v56, v2  }
0x16a: {  	v62 =	vmul.f32 v57, v2;
	[tilespmem:$0xA610] =	vst v4  }
0x16b: {  	[tilespmem:$0xA620] =	vst v3;
	v3 =	vmul.f32 v58, v2  }
0x16c: {  	v63 =	vmul.f32 v59, v2;
	[tilespmem:$0xA630] =	vst v62  }
0x16d: {  	[tilespmem:$0xA640] =	vst v3;
	v3 =	vmul.f32 v60, v2  }
0x16e: {  	s10 =	sadd.s32 $0x1, s10;
	[tilespmem:$0xA650] =	vst v63;
	v2 =	vmul.f32 v61, v2  }
0x16f: {  	p1 =	sne.s32 s10, $0x28;
	[tilespmem:$0xA660] =	vst v3  }
.Ltmp3:
0x170: {  	[tilespmem:$0xA670] =	vst v2;
	(pc) =	sbr.rel @p1 .LBB2_4-.Ltmp3, $4  }
0x171: {  	[spmem:s3] =	stream.indirect.scatter.add.f32 [tilespmem:s30], [sflag:$0x5], $0x80, s28, s23, $0xb8;
	[tilespmem:$0x1E280] =	vst v63  }
0x172: {  	_ =	swait.ge [sflag:s19], $0x3E80  }
0x173: {  	[sflag:s19] =	ssyncset.done $0x0  }
0x174: {  	[sflag:s19] =	ssyncadd.s32 $0xFFFFC180  }
0x175: {  	[bflag:$0x0] =	sbarrier.arrive $0xFFFF;
	s9 =	simm.s32 @p0 $0x1FC5  }
0x176: {  	[hbm:s17], [sflag:s9] =	dma.local @p0 [spmem:s24], $0x2800  }
0x177: {  	s9 =	simm.s32 @p0 $0x5  }
0x178: {  	s10 =	stileid.u32;
	s0 =	sadd.s32 $0x1, s0;
	_ =	swait.ge @p0 [sflag:s9], $0x2800  }
0x179: {  	s10 =	sshll.u32 @!p0 s10, $0x6;
	p1 =	sne.s32 s0, s18;
	[sflag:s9] =	ssyncset.done @p0 $0x0  }
0x17a: {  	[sflag:s9] =	ssyncadd.s32 @p0 $0xFFFFD800;
	s9 =	sor.u32 @!p0 $0x1C05, s10;
	s10 =	rddreg [dreg:$0xb]  }
0x17b: {  	[hbm:s10], [sflag:s9] =	dma.local @!p0 [spmem:s25], $0x2700  }
.Ltmp4:
0x17c: {  	_ = 	snop;
	(pc) =	sbr.rel @p1 .LBB2_1-.Ltmp4, $4  }
0x17d: {  	s9 =	simm.s32 @!p0 $0x5  }
0x17e: {  	_ =	swait.ge @!p0 [sflag:s9], $0x2700  }
0x17f: {  	[sflag:s9] =	ssyncset.done @!p0 $0x0  }
0x180: {  	[sflag:s9] =	ssyncadd.s32 @!p0 $0xFFFFD900  }
0x181: {  	_ =	sfence.sel $0x180000  }
0x182: {  	[bflag:$0x0] =	sbarrier.arrive $0xFFFF  }
0x183: {  	_ =	strace $0x90000050  }
0x184: {  	s0 =	stileid.u32;
	[bflag:$0x2] =	sbarrier.arrive $0xFFFF  }
0x185: {  	p0 =	sne.s32 s0, $0x0;
	s0 =	rddreg [dreg:$0x3]  }
0x186: {  	s0 =	sadd.s32 @!p0 $0x100000, s0  }
0x187: {  	[sflag:s0] =	ssyncadd.tile.s32 @!p0 $0x1;
	_ =	shalt  }
.Lfunc_end2:
_tile_overlayer_lowered:
.L_overlay_start_2:
0x188: {  	(tag) =	ssettag $0x2  }
0x189: {  	s0 =	rddreg [dreg:$0x0];
	s2 =	stileid.u32  }
0x18a: {  	s1 =	rddreg [dreg:$0x1];
	p0 =	sne.s32 s2, $0x0  }
0x18b: {  	s3 =	rddreg [dreg:$0x2];
	[bflag:$0x3] =	sbarrier.arrive $0xFFFF;
	s2 =	simm.s32 @!p0 $0x1C05  }
0x18c: {  	[timem:s3], [sflag:s2] =	dma.local @!p0 [hbm:s0], s1  }
0x18d: {  	s0 =	simm.s32 @!p0 $0x5  }
0x18e: {  	_ =	swait.ge @!p0 [sflag:s0], s1  }
0x18f: {  	s1 =	ssub.s32 @!p0 $0x0, s1;
	[sflag:s0] =	ssyncset.done @!p0 $0x0  }
0x190: {  	[sflag:s0] =	ssyncadd.s32 @!p0 s1  }
0x191: {  	[bflag:$0x3] =	sbarrier.arrive $0xFFFF  }
0x192: {  	_ =	shalt  }

// kernel: kernel.9.cloned.1.call-start
scs
__scs_entry_jumppad:
0x0: {  	(pc) =	sbr.rel $0x88, $3  }
0x1: {  	(tag) =	ssettag $0x0;
	lr =	simm.s32 $0x1  }
0x2: {  	[smem:$0x3F9E] =	sst lr;
	_ =	strace $0xD0000000  }
0x3: {  	_ = 	snop  }
0x4: {  	_ = 	snop  }
0x5: {  	_ = 	snop  }
0x6: {  	_ = 	snop  }
0x7: {  	_ = 	snop  }
__scs_overlays_trampoline_lowered:
0x8: {  	[smem:$0x3FAD] =	sst s0  }
0x9: {  	[smem:$0x3FAE] =	sst s1  }
0xa: {  	[smem:$0x3FAF] =	sst s2  }
0xb: {  	[smem:$0x3FB0] =	sst s3  }
0xc: {  	[smem:$0x3FB1] =	sst s4  }
0xd: {  	[smem:$0x3FB2] =	sst s5  }
0xe: {  	[smem:$0x3FB3] =	sst s6  }
0xf: {  	[smem:$0x3FB4] =	sst s7  }
0x10: {  	[smem:$0x3FB5] =	sst s8  }
0x11: {  	[smem:$0x3FB6] =	sst s9;
	s0 =	simm.s32 @!p0 $0x0  }
0x12: {  	s1 =	sld [smem:$0x3F9C];
	s0 =	simm.s32 @p0 $0x1  }
0x13: {  	[smem:$0x3FB7] =	sst s0;
	s0 =	simm.s32 @!p1 $0x0  }
0x14: {  	s2 =	sld [smem:$0x3F9B];
	s0 =	simm.s32 @p1 $0x1  }
0x15: {  	[smem:$0x3FB8] =	sst s0;
	s0 =	simm.s32 @!p2 $0x0  }
0x16: {  	s3 =	sld [smem:$0x3FDB];
	s0 =	simm.s32 @p2 $0x1  }
0x17: {  	s4 =	simm.s32 $0x1BF5;
	[smem:$0x3FBA] =	sst s0  }
0x18: {  	s0 =	sld [smem:$0x3F9D];
	_ =	swait.ge [sflag:s4], $0x0  }
0x19: {  	s7 =	sld [smem:$0x3F9E]  }
0x1a: {  	s8 =	sadd.s32 $0xFFFFE003, lr  }
0x1b: {  	s9 =	sadd.s32 $0xFFFFFEF7, lr;
	s5 =	simm.s32 $0xFFFFFFFF;
	p2 =	slt.u32 s8, $0xFFFFF086  }
0x1c: {  	p1 =	slt.u32 s9, $0xF7A;
	s5 =	simm.s32 @!p2 $0x0  }
0x1d: {  	s5 =	simm.s32 @p1 $0x1;
	p0 =	seq.s32 s7, s2  }
0x1e: {  	s7 =	smul.u32 @!p0 $0xF7A, s2;
	p2 =	seq.s32 @!p0 s5, $0x0  }
0x1f: {  	s9 =	smul.u32 $0xF7A, s1;
	s8 =	simm.s32 @!p0 $0x1BF5;
	p2 =	por !p2, p0  }
0x20: {  	[sflag:s8] =	ssyncset.s32 @!p0 $0xFFFFF086;
	s6 =	sadd.s32 @!p0 s3, s7;
	s7 =	simm.s32 @!p0 $0x108  }
0x21: {  	s3 =	sadd.s32 s3, s9;
	s6 =	sadd.s32 @!p0 $0x88, s6;
	s7 =	simm.s32 @p2 $0x1082  }
0x22: {  	[simem:s7], [sflag:s8] =	dma.local @!p0 [hbm:s6], $0xF7A  }
0x23: {  	s9 =	sor.u32 $0xD0000000, s2;
	s6 =	simm.s32 $0x108;
	_ =	swait.ge @!p0 [sflag:s8], $0x0  }
0x24: {  	s3 =	sadd.s32 $0x88, s3;
	s6 =	simm.s32 @!p1 $0x1082;
	[sflag:s4] =	ssyncset.s32 $0xFFFFF086  }
0x25: {  	[simem:s6], [sflag:s4] =	dma.local [hbm:s3], $0xF7A  }
0x26: {  	[smem:$0x3F9E] =	sst s1;
	(tag) =	ssettag s2;
	_ =	strace s9  }
0x27: {  	s1 =	sld [smem:$0x3FAE]  }
0x28: {  	s2 =	sld [smem:$0x3FAF]  }
0x29: {  	s4 =	sld [smem:$0x3FB1]  }
0x2a: {  	p0 =	seq.s32 s5, $0x0;
	s5 =	sld [smem:$0x3FB2]  }
0x2b: {  	s6 =	sld [smem:$0x3FB3]  }
0x2c: {  	s7 =	sld [smem:$0x3FB4]  }
0x2d: {  	s3 =	simm.s32 $0x108;
	s8 =	sld [smem:$0x3FB5]  }
0x2e: {  	s3 =	simm.s32 @!p0 $0x1082;
	s9 =	sld [smem:$0x3FB6]  }
0x2f: {  	lr =	sadd.s32 s0, s3;
	s0 =	sld [smem:$0x3FAD]  }
0x30: {  	s3 =	sld [smem:$0x3FB0]  }
0x31: {  	[smem:$0x3FB9] =	sst s10  }
0x32: {  	s10 =	sld [smem:$0x3FB7];
	_ =	sdelay $0x3  }
0x33: {  	p0 =	seq.s32 s10, $0x1;
	s10 =	sld [smem:$0x3FB9];
	_ =	sdelay $0x3  }
0x34: {  	[smem:$0x3FB9] =	sst s10  }
0x35: {  	s10 =	sld [smem:$0x3FB8];
	_ =	sdelay $0x3  }
0x36: {  	p1 =	seq.s32 s10, $0x1;
	s10 =	sld [smem:$0x3FB9];
	_ =	sdelay $0x3  }
0x37: {  	[smem:$0x3FB9] =	sst s10  }
0x38: {  	s10 =	sld [smem:$0x3FBA]  }
0x39: {  	_ = 	snop;
	(pc) =	sbr.ind lr, $3  }
0x3a: {  	_ = 	snop  }
0x3b: {  	_ = 	snop  }
0x3c: {  	p2 =	seq.s32 s10, $0x1;
	s10 =	sld [smem:$0x3FB9]  }
0x3d: {  	_ =	shalt  }
0x3e: {  	_ =	shalt  }
0x3f: {  	_ =	shalt  }
0x40: {  	_ =	shalt  }
0x41: {  	_ =	shalt  }
0x42: {  	_ =	shalt  }
0x43: {  	_ =	shalt  }
0x44: {  	_ =	shalt  }
0x45: {  	_ =	shalt  }
0x46: {  	_ =	shalt  }
0x47: {  	_ =	shalt  }
0x48: {  	_ =	shalt  }
0x49: {  	_ =	shalt  }
0x4a: {  	_ =	shalt  }
0x4b: {  	_ =	shalt  }
0x4c: {  	_ =	shalt  }
0x4d: {  	_ =	shalt  }
0x4e: {  	_ =	shalt  }
0x4f: {  	_ =	shalt  }
0x50: {  	_ =	shalt  }
0x51: {  	_ =	shalt  }
0x52: {  	_ =	shalt  }
0x53: {  	_ =	shalt  }
0x54: {  	_ =	shalt  }
0x55: {  	_ =	shalt  }
0x56: {  	_ =	shalt  }
0x57: {  	_ =	shalt  }
0x58: {  	_ =	shalt  }
0x59: {  	_ =	shalt  }
0x5a: {  	_ =	shalt  }
0x5b: {  	_ =	shalt  }
0x5c: {  	_ =	shalt  }
0x5d: {  	_ =	shalt  }
0x5e: {  	_ =	shalt  }
0x5f: {  	_ =	shalt  }
0x60: {  	_ =	shalt  }
0x61: {  	_ =	shalt  }
0x62: {  	_ =	shalt  }
0x63: {  	_ =	shalt  }
0x64: {  	_ =	shalt  }
0x65: {  	_ =	shalt  }
0x66: {  	_ =	shalt  }
0x67: {  	_ =	shalt  }
0x68: {  	_ =	shalt  }
0x69: {  	_ =	shalt  }
0x6a: {  	_ =	shalt  }
0x6b: {  	_ =	shalt  }
0x6c: {  	_ =	shalt  }
0x6d: {  	_ =	shalt  }
0x6e: {  	_ =	shalt  }
0x6f: {  	_ =	shalt  }
0x70: {  	_ =	shalt  }
0x71: {  	_ =	shalt  }
0x72: {  	_ =	shalt  }
0x73: {  	_ =	shalt  }
0x74: {  	_ =	shalt  }
0x75: {  	_ =	shalt  }
0x76: {  	_ =	shalt  }
0x77: {  	_ =	shalt  }
0x78: {  	_ =	shalt  }
0x79: {  	_ =	shalt  }
0x7a: {  	_ =	shalt  }
0x7b: {  	_ =	shalt  }
0x7c: {  	_ =	shalt  }
0x7d: {  	_ =	shalt  }
0x7e: {  	_ =	shalt  }
0x7f: {  	_ =	shalt  }
0x80: {  	_ =	shalt  }
0x81: {  	_ =	shalt  }
0x82: {  	_ =	shalt  }
0x83: {  	_ =	shalt  }
0x84: {  	_ =	shalt  }
0x85: {  	_ =	shalt  }
0x86: {  	_ =	shalt  }
0x87: {  	_ =	shalt  }
.Lfunc_end0:
.L_simem_size_0:
called_computation_lowered:
.L_overlay_start_0:
0x88: {  	s2 =	sld [smem:$0x3FD9]  }
0x89: {  	s3 =	sld [smem:$0x3FFE];
	_ =	sdelay $0x1  }
0x8a: {  	s1 =	srdreg.scid  }
0x8b: {  	s0 =	sand.u32 $0x1, s1  }
0x8c: {  	s17 =	sshll.u32 s0, $0xA;
	s2 =	sadd.s32 s3, s2  }
0x8d: {  	s2 =	sadd.s32 s2, s17  }
0x8e: {  	[smem:$0x3FC5] =	sst s2  }
0x8f: {  	_ = 	snop  }
0x90: {  	s2 =	sld [smem:$0x3FD0];
	(tm) =	ssettm $0x1  }
0x91: {  	s18 =	sld [smem:$0x3FFB];
	_ =	sdelay $0x3  }
0x92: {  	_ =	strace s18  }
0x93: {  	s3 =	sld [smem:$0x3FFC];
	_ =	sdelay $0x3  }
0x94: {  	_ =	strace s3  }
0x95: {  	s3 =	sld [smem:$0x3FFD];
	_ =	sdelay $0x3  }
0x96: {  	_ =	strace s3  }
0x97: {  	_ =	strace $0x8FFFFFFF  }
0x98: {  	s19 =	sld [smem:$0x3FDB];
	_ =	sdelay $0x1  }
0x99: {  	s4 =	simm.s32 $_scs_section_size  }
0x9a: {  	s5 =	simm.s32 $_size__tile_overlayer_lowered;
	s6 =	simm.s32 $_tile_overlayer_lowered  }
0x9b: {  	s22 =	simm.s32 $0x1BFF;
	s21 =	sshll.u32 s6, $0x1;
	s3 =	sadd.s32 s4, s19  }
0x9c: {  	s7 =	simm.s32 $0x0;
	s20 =	sshll.u32 s5, $0x1;
	s5 =	sadd.s32 s21, s3  }
0x9d: {  	[timem:s7], [sflag:s22] =	dma.local [hbm:s5], s20  }
0x9e: {  	_ =	swait.ge [sflag:s22], s20  }
0x9f: {  	s4 =	ssub.s32 $0x0, s20;
	[sflag:s22] =	ssyncset.done $0x0  }
0xa0: {  	[sflag:s22] =	ssyncadd.s32 s4;
	_ =	sdelay $0x1  }
0xa1: {  	s23 =	simm.s32 $0x1B8B  }
0xa2: {  	_ =	swait.ge [sflag:s23], $0x1  }
0xa3: {  	[sflag:s23] =	ssyncset.done $0x0  }
0xa4: {  	s25 =	simm.s32 $0x1B8E;
	s24 =	sld [smem:$0x3FFE];
	[sflag:s23] =	ssyncadd.s32 $0xFFFFFFFF  }
0xa5: {  	s26 =	simm.s32 $execute0_lowered;
	[smem:$0x3FD2] =	sst s25  }
0xa6: {  	s5 =	sshll.u32 s26, $0x1;
	_ =	strace $0x80000046;
	[dreg:$0x1] =	wrdreg $0xFFFFFFFF  }
0xa7: {  	s28 =	simm.s32 $_size_execute0_lowered;
	s3 =	sadd.s32 s3, s5;
	[dreg:$0x0] =	wrdreg $0x0  }
0xa8: {  	s5 =	sshll.u32 s28, $0x1;
	[dreg:$0x2] =	wrdreg s3  }
0xa9: {  	[dreg:$0x3] =	wrdreg s5  }
0xaa: {  	[dreg:$0x4] =	wrdreg $0xC0  }
0xab: {  	_ =	task [dreg:s7], $0x5FFFF  }
0xac: {  	[dreg:$0x1] =	wrdreg $0xFFFFFFFF  }
0xad: {  	[dreg:$0x0] =	wrdreg $0x60  }
0xae: {  	[dreg:$0x2] =	wrdreg s2  }
0xaf: {  	[dreg:$0x3] =	wrdreg s24  }
0xb0: {  	[dreg:$0x4] =	wrdreg $0x9  }
0xb1: {  	_ =	task.clear_ibuf [dreg:s7], $0x5FFFF;
	_ =	strace $0x90000046  }
0xb2: {  	s29 =	simm.s32 $0x9;
	_ =	strace $0x80000048  }
0xb3: {  	_ =	swait.ge [sflag:s29], $0x1  }
0xb4: {  	[sflag:s29] =	ssyncadd.s32 $0xFFFFFFFF  }
0xb5: {  	_ =	strace $0x90000048  }
0xb6: {  	_ =	sfence  }
0xb7: {  	s30 =	sld [smem:$0x0];
	_ =	sdelay $0x2  }
0xb8: {  	s31 =	sshll.u32 s1, $0xD;
	s1 =	sshrl.u32 s1, $0x2  }
0xb9: {  	s3 =	sand.u32 $0x4000, s31;
	s1 =	sadd.s32 s1, s30  }
0xba: {  	s0 =	sor.u32 s3, s0;
	s1 =	sshll.u32 s1, $0x11  }
0xbb: {  	s0 =	sor.u32 s1, s0  }
0xbc: {  	s0 =	sadd.s32 $0x8F2B, s0  }
0xbd: {  	[sflag:s0] =	ssyncadd.remote.s32 $0x1  }
0xbe: {  	_ =	sfence.sel $0xFFFF  }
0xbf: {  	[dreg:$0x0] =	wrdreg $0xFFFFFFFF;
	(pc) =	sbr.abs _section_cstart, $3  }
0xc0: {  	[dreg:$0x1] =	wrdreg $0xFFFFFFFF  }
0xc1: {  	_ =	task.clear_ibuf [dreg:s7], $0x2FFFF;
	_ =	strace $0x9FFFFFFF  }
0xc2: {  	(tm) =	ssettm $0x7FFFFFFF  }
0xc3: {  	_ =	shalt  }
tec
execute0_lowered:
.L_overlay_start_1:
0x0: {  	(tag) =	ssettag $0x1  }
0x1: {  	s3 =	rddreg [dreg:$0x0]  }
0x2: {  	s4 =	rddreg [dreg:$0x1];
	s1 =	srdreg.scid  }
0x3: {  	s0 =	stileid.u32;
	s9 =	simm.s32 $0x400;
	s10 =	simm.s32 $0x1  }
0x4: {  	s11 =	simm.s32 $0x2780;
	s12 =	simm.s32 $0x7680;
	s13 =	simm.s32 $0x4F00  }
0x5: {  	s5 =	sand.u32 $0x1, s1;
	s30 =	sshrl.u32 s0, $0x2;
	s2 =	sshll.u32 s0, $0x8  }
0x6: {  	s6 =	smul.u32 $0x13C00, s30;
	s7 =	sshll.u32 s5, $0x7;
	s2 =	sand.u32 $0x300, s2  }
0x7: {  	s14 =	simm.s32 $0x0;
	s1 =	rddreg [dreg:$0x2];
	s7 =	sor.u32 s7, s2  }
0x8: {  	s5 =	ssub.s32 $0x2, s5;
	s2 =	simm.s32 $0x0;
	s6 =	sor.u32 s6, s7  }
0x9: {  	s31 =	sshrl.u32 s5, $0x1;
	[smem:$0x7FF] =	sst s2;
	s6 =	sshrl.u32 s6, $0x3  }
0xa: {  	s7 =	ssub.s32 s5, s31;
	_ =	strace $0x80000047;
	s8 =	sadd.s32 s6, s4  }
0xb: {  	s7 =	smax.u32 s7, $0x1;
	s3 =	sadd.s32 s3, s6;
	s4 =	sadd.s32 $0x1A00, s8  }
0xc: {  	v0 =	vimm.f32 $0.0e+00;
	s5 =	sadd.s32 $0xB800, s8;
	s6 =	sadd.s32 $0x15600, s8;
	s8 =	simm.s32 $0x80  }
.LBB2_1:
0xd: {  	[tilespmem:s2], [sflag:$0x1] =	stream.strided.gather [hbm4b:s3+s8], $0x2780, s9, s8, $0x38;
	[tilespmem:$0x9E00] =	vst v63  }
0xe: {  	_ =	swait.ge [sflag:s10], $0x2780  }
0xf: {  	[sflag:s10] =	ssyncset.done $0x0  }
0x10: {  	[sflag:s10] =	ssyncadd.s32 $0xFFFFD880  }
0x11: {  	[tilespmem:s11], [sflag:$0x1] =	stream.strided.gather [hbm4b:s4+s8], $0x2780, s9, s8, $0x38;
	[tilespmem:$0x9E00] =	vst v63  }
0x12: {  	_ =	swait.ge [sflag:s10], $0x2780  }
0x13: {  	[sflag:s10] =	ssyncset.done $0x0  }
0x14: {  	s15 =	simm.s32 $0x0;
	[sflag:s10] =	ssyncadd.s32 $0xFFFFD880  }
.LBB2_2:
0x15: {  	p0 =	sne.s32 s15, $0x9C00  }
.Ltmp0:
0x16: {  	_ = 	snop;
	(pc) =	sbr.rel @p0 .LBB2_2-.Ltmp0, $3  }
0x17: {  	_ =	sdelay $0x1  }
0x18: {  	s16 =	sshra.s32 s15, $0x2  }
0x19: {  	s15 =	sadd.s32 $0x40, s15;
	[tilespmem:s16+$0x7680] =	vst v0  }
0x1a: {  	s15 =	simm.s32 $0x0  }
0x1b: {  	s16 =	simm.s32 $0x40;
	v1 =	vld [tilespmem:s15+$0x0]  }
.LBB2_4:
0x1c: {  	p0 =	sne.s32 s16, $0x9C00;
	_ =	sdelay $0x3  }
0x1d: {  	v1 =	vmul.f32 $1.442695020e+00, v1;
	_ =	sdelay $0x1  }
0x1e: {  	(erf) = vpow2.f32 v1;
	_ =	sdelay $0x2  }
0x1f: {  	v1 =	vld [tilespmem:s15+$0x2780];
	_ =	sdelay $0x4  }
.Ltmp1:
0x20: {  	(pc) =	sbr.rel @p0 .LBB2_4-.Ltmp1, $4  }
0x21: {  	v2 =	vpop (erf)  }
0x22: {  	[tilespmem:s15+$0x4F00] =	vst v2  }
0x23: {  	s15 =	sshra.s32 s16, $0x2;
	[tilespmem:v1+s12+$0x0] =	vst.idx.add.f32.msk $0xffff, v2  }
0x24: {  	s16 =	sadd.s32 $0x40, s16;
	v1 =	vld [tilespmem:s15+$0x0]  }
0x25: {  	_ =	sdelay $0x3  }
0x26: {  	v1 =	vmul.f32 $1.442695020e+00, v1;
	_ =	sdelay $0x1  }
0x27: {  	(erf) = vpow2.f32 v1;
	_ =	sdelay $0x2  }
0x28: {  	v1 =	vld [tilespmem:s15+$0x2780];
	_ =	sdelay $0x5  }
0x29: {  	v2 =	vpop (erf)  }
0x2a: {  	[tilespmem:s15+$0x4F00] =	vst v2  }
0x2b: {  	[tilespmem:v1+s12+$0x0] =	vst.idx.add.f32.msk $0xffff, v2  }
0x2c: {  	[hbm4b:s5+s8] =	stream.strided.scatter [tilespmem:s13], [sflag:$0x1], $0x2780, s9, s8, $0x38;
	[tilespmem:$0x9E00] =	vst v63  }
0x2d: {  	s14 =	sadd.s32 $0x1, s14;
	_ =	swait.ge [sflag:s10], $0x2780  }
0x2e: {  	p0 =	sne.s32 s14, s7;
	[sflag:s10] =	ssyncset.done $0x0  }
.Ltmp2:
0x2f: {  	[sflag:s10] =	ssyncadd.s32 $0xFFFFD880;
	(pc) =	sbr.rel @p0 .LBB2_1-.Ltmp2, $4  }
0x30: {  	[hbm4b:s6+s8] =	stream.strided.scatter [tilespmem:s12], [sflag:$0x1], $0x2780, s9, s8, $0x38;
	[tilespmem:$0x9E00] =	vst v63  }
0x31: {  	_ =	swait.ge [sflag:s10], $0x2780  }
0x32: {  	[sflag:s10] =	ssyncset.done $0x0  }
0x33: {  	[sflag:s10] =	ssyncadd.s32 $0xFFFFD880  }
0x34: {  	_ =	sfence.sel $0x180000  }
0x35: {  	[bflag:$0x0] =	sbarrier.arrive $0xFFFF  }
0x36: {  	p0 =	sne.s32 s0, $0x0;
	_ =	strace $0x90000047  }
0x37: {  	s0 =	sadd.s32 @!p0 $0x100000, s1;
	[bflag:$0x2] =	sbarrier.arrive $0xFFFF  }
0x38: {  	[sflag:s0] =	ssyncadd.tile.s32 @!p0 $0x1;
	_ =	shalt  }
.Lfunc_end2:
_tile_overlayer_lowered:
.L_overlay_start_2:
0x39: {  	(tag) =	ssettag $0x2  }
0x3a: {  	s0 =	rddreg [dreg:$0x0];
	s2 =	stileid.u32  }
0x3b: {  	s1 =	rddreg [dreg:$0x1];
	p0 =	sne.s32 s2, $0x0  }
0x3c: {  	s3 =	rddreg [dreg:$0x2];
	[bflag:$0x3] =	sbarrier.arrive $0xFFFF;
	s2 =	simm.s32 @!p0 $0x1C01  }
0x3d: {  	[timem:s3], [sflag:s2] =	dma.local @!p0 [hbm:s0], s1  }
0x3e: {  	s0 =	simm.s32 @!p0 $0x1  }
0x3f: {  	_ =	swait.ge @!p0 [sflag:s0], s1  }
0x40: {  	s1 =	ssub.s32 @!p0 $0x0, s1;
	[sflag:s0] =	ssyncset.done @!p0 $0x0  }
0x41: {  	[sflag:s0] =	ssyncadd.s32 @!p0 s1  }
0x42: {  	[bflag:$0x3] =	sbarrier.arrive $0xFFFF  }
0x43: {  	_ =	shalt  }

</sc_bundles>
